<compile_context>
chip_gen: v7x
topology: tpu7x:2x2x1
jax: 0.10.2.dev20260603
libtpu: 0.0.44.dev20260713+nightly
codegen_flags: <defaults>
</compile_context>

<pallas_src>
import functools

import jax
import jax.numpy as jnp
from jax import lax
from jax.experimental import pallas as pl
from jax.experimental.pallas import tpu as pltpu
from jax.experimental.pallas import tpu_sc as plsc

NC = 2
NS = 16
L = 16
NW = NC * NS

ALPHA = 0.5
K_HOPS = 2

_MESH = plsc.VectorSubcoreMesh(core_axis_name="c", subcore_axis_name="s")

_CHUNK = 40
_NBUF = 6
_HDT = jnp.float32


def _make_counts_kernel(n, e):
    epw = e // NW

    @functools.partial(
        pl.kernel,
        out_type=jax.ShapeDtypeStruct((NW, 2, n), jnp.float32),
        mesh=_MESH,
        scratch_types=[
            pltpu.VMEM((epw,), jnp.int32),
            pltpu.VMEM((epw,), jnp.int32),
            pltpu.VMEM((n,), jnp.float32),
            pltpu.VMEM((n,), jnp.float32),
        ],
        compiler_params=pltpu.CompilerParams(needs_layout_passes=False,
                                             skip_device_barrier=True),
    )
    def counts_kernel(ei_hbm, out_hbm, src_v, dst_v, cs_v, cd_v):
        c = lax.axis_index("c")
        s = lax.axis_index("s")
        wid = s * NC + c
        base = wid * epw
        pltpu.sync_copy(ei_hbm.at[pl.ds(base, epw)], src_v)
        pltpu.sync_copy(ei_hbm.at[pl.ds(e + base, epw)], dst_v)

        zeros = jnp.zeros((L,), jnp.float32)

        @pl.loop(0, n // L)
        def _zero(i):
            cs_v[pl.ds(i * L, L)] = zeros
            cd_v[pl.ds(i * L, L)] = zeros

        ones = jnp.ones((L,), jnp.float32)

        @pl.loop(0, epw // L, unroll=8)
        def _count(i):
            si = src_v[pl.ds(i * L, L)]
            di = dst_v[pl.ds(i * L, L)]
            plsc.addupdate_scatter(cs_v, [si], ones)
            plsc.addupdate_scatter(cd_v, [di], ones)

        pltpu.sync_copy(cs_v, out_hbm.at[wid, 0])
        pltpu.sync_copy(cd_v, out_hbm.at[wid, 1])

    return counts_kernel


def _make_hop_kernel(n, e, d):
    epw = e // NW
    chunk = _CHUNK
    nchunk = epw // chunk
    nbuf = _NBUF
    zr = 8
    rpt = -(-n // (NS * zr)) * zr
    rpt_last = n - (NS - 1) * rpt
    assert rpt_last > 0 and rpt_last % zr == 0

    @functools.partial(
        pl.kernel,
        out_type=jax.ShapeDtypeStruct((NC, n, d), _HDT),
        mesh=_MESH,
        scratch_types=[
            pltpu.VMEM_SHARED((n, d), _HDT),
            pltpu.VMEM((epw,), jnp.int32),
            pltpu.VMEM((epw,), jnp.int32),
            pltpu.VMEM((nbuf, chunk, d), _HDT),
            pltpu.SemaphoreType.DMA((nbuf,)),
            pltpu.SemaphoreType.DMA((nbuf,)),
        ],
        compiler_params=pltpu.CompilerParams(skip_device_barrier=True),
    )
    def hop_kernel(h_hbm, ei_hbm, out_hbm, acc_sh, src_v, dst_v,
                   rows_v, gsem, ssem):
        c = lax.axis_index("c")
        s = lax.axis_index("s")
        wid = s * NC + c
        last = s == NS - 1
        base_r = s * rpt

        zeros = jnp.zeros((L,), _HDT)

        @pl.loop(0, zr)
        def _zrow(i):
            @pl.loop(0, d // L)
            def _zcol(j):
                rows_v[0, i, pl.ds(j * L, L)] = zeros

        base = wid * epw
        pltpu.async_copy(ei_hbm.at[pl.ds(base, epw)], src_v, gsem.at[0])
        pltpu.async_copy(ei_hbm.at[pl.ds(e + base, epw)], dst_v, gsem.at[1])

        nblk = jnp.where(last, rpt_last // zr, rpt // zr)

        @pl.loop(0, nblk)
        def _zcopy(k):
            pltpu.make_async_copy(rows_v.at[0, pl.ds(0, zr)],
                                  acc_sh.at[pl.ds(base_r + k * zr, zr)],
                                  ssem.at[0]).start()

        @pl.loop(0, nblk)
        def _zdrain(k):
            pltpu.make_async_copy(rows_v.at[0, pl.ds(0, zr)],
                                  acc_sh.at[pl.ds(base_r, zr)],
                                  ssem.at[0]).wait()

        pltpu.make_async_copy(ei_hbm.at[pl.ds(base, epw)], src_v,
                              gsem.at[0]).wait()
        pltpu.make_async_copy(ei_hbm.at[pl.ds(e + base, epw)], dst_v,
                              gsem.at[1]).wait()
        plsc.subcore_barrier()

        def gather_desc(j, b):
            return pltpu.make_async_copy(
                h_hbm.at[src_v.at[pl.ds(j * chunk, chunk)]], rows_v.at[b],
                gsem.at[b])

        def scatter_desc(j, b):
            return pltpu.make_async_copy(
                rows_v.at[b], acc_sh.at[dst_v.at[pl.ds(j * chunk, chunk)]],
                ssem.at[b])

        for b in range(nbuf):
            gather_desc(b, b).start()

        full_iters = nchunk // nbuf

        @pl.loop(0, full_iters)
        def _edge(k):
            jbase = k * nbuf
            for b in range(nbuf):
                j = jbase + b
                gather_desc(j, b).wait()
                pltpu.async_copy(
                    rows_v.at[b],
                    acc_sh.at[dst_v.at[pl.ds(j * chunk, chunk)]],
                    ssem.at[b], add=True)
            for b in range(nbuf):
                j = jbase + b
                scatter_desc(j, b).wait()

                @pl.when(j + nbuf < nchunk)
                def _refill():
                    gather_desc(j + nbuf, b).start()

        for t in range(nchunk % nbuf):
            j = full_iters * nbuf + t
            b = j % nbuf
            gather_desc(j, b).wait()
            pltpu.async_copy(rows_v.at[b],
                             acc_sh.at[dst_v.at[pl.ds(j * chunk, chunk)]],
                             ssem.at[b], add=True)
            scatter_desc(j, b).wait()

        plsc.subcore_barrier()

        @pl.when(jnp.logical_not(last))
        def _dump():
            pltpu.sync_copy(acc_sh.at[pl.ds(base_r, rpt)],
                            out_hbm.at[c, pl.ds(base_r, rpt)])

        @pl.when(last)
        def _dump_last():
            pltpu.sync_copy(acc_sh.at[pl.ds((NS - 1) * rpt, rpt_last)],
                            out_hbm.at[c, pl.ds((NS - 1) * rpt, rpt_last)])

    return hop_kernel


def _tc_norm_scale(cnt_ref, feat_ref, nt_ref, h0_ref):
    deg = jnp.maximum(jnp.sum(cnt_ref[...], axis=0), 1.0)
    norms = lax.rsqrt(deg)
    nt = norms.T
    nt_ref[...] = nt
    h0_ref[...] = (feat_ref[...] * nt[:, 0:1]).astype(h0_ref.dtype)


def _tc_blend_scale(p_ref, feat_ref, nt_ref, out_ref):
    agg = (p_ref[0].astype(jnp.float32) + p_ref[1].astype(jnp.float32))
    h = (1.0 - ALPHA) * (agg * nt_ref[:, 1:2]) + ALPHA * feat_ref[...]
    out_ref[...] = (h * nt_ref[:, 0:1]).astype(out_ref.dtype)


def _tc_final(p_ref, feat_ref, nt_ref, w1_ref, b1_ref, w2_ref, b2_ref,
              out_ref):
    agg = (p_ref[0].astype(jnp.float32) + p_ref[1].astype(jnp.float32))
    h = (1.0 - ALPHA) * (agg * nt_ref[:, 1:2]) + ALPHA * feat_ref[...]
    h = jnp.dot(h, w1_ref[...], preferred_element_type=jnp.float32)
    h = jax.nn.relu(h + b1_ref[...])
    h = jnp.dot(h, w2_ref[...], preferred_element_type=jnp.float32)
    out_ref[...] = jax.nn.sigmoid(h + b2_ref[...])


def kernel(features, edge_index, W1, b1, W2, b2):
    n, d_in = features.shape
    e = edge_index.shape[1]
    d_out = W2.shape[1]

    ei_flat = edge_index.reshape(2 * e)
    counts_part = _make_counts_kernel(n, e)(ei_flat)

    norms_t, h_scaled = pl.pallas_call(
        _tc_norm_scale,
        out_shape=[
            jax.ShapeDtypeStruct((n, 2), jnp.float32),
            jax.ShapeDtypeStruct((n, d_in), _HDT),
        ],
    )(counts_part, features)

    hop = _make_hop_kernel(n, e, d_in)
    b1r = b1.reshape(1, -1)
    b2r = b2.reshape(1, -1)

    for _ in range(K_HOPS - 1):
        partials = hop(h_scaled, ei_flat)
        h_scaled = pl.pallas_call(
            _tc_blend_scale,
            grid=(n // 2000,),
            in_specs=[
                pl.BlockSpec((2, 2000, d_in), lambda i: (0, i, 0)),
                pl.BlockSpec((2000, d_in), lambda i: (i, 0)),
                pl.BlockSpec((2000, 2), lambda i: (i, 0)),
            ],
            out_specs=pl.BlockSpec((2000, d_in), lambda i: (i, 0)),
            out_shape=jax.ShapeDtypeStruct((n, d_in), _HDT),
        )(partials, features, norms_t)

    partials = hop(h_scaled, ei_flat)
    out = pl.pallas_call(
        _tc_final,
        grid=(n // 2000,),
        in_specs=[
            pl.BlockSpec((2, 2000, d_in), lambda i: (0, i, 0)),
            pl.BlockSpec((2000, d_in), lambda i: (i, 0)),
            pl.BlockSpec((2000, 2), lambda i: (i, 0)),
            pl.BlockSpec((d_in, d_in), lambda i: (0, 0)),
            pl.BlockSpec((1, d_in), lambda i: (0, 0)),
            pl.BlockSpec((d_in, d_out), lambda i: (0, 0)),
            pl.BlockSpec((1, d_out), lambda i: (0, 0)),
        ],
        out_specs=pl.BlockSpec((2000, d_out), lambda i: (i, 0)),
        out_shape=jax.ShapeDtypeStruct((n, d_out), jnp.float32),
    )(partials, features, norms_t, W1, b1r, W2, b2r)
    return out

# --- scband reference (transcript-rebuilt; emitter-appended) ---
"""Pipeline reference for scband-appnp-21474836480043 (READ-ONLY COPY).

The authoritative reference and input builder live on the scoring server;
editing this copy changes nothing except your own understanding.
"""

import jax, jax.numpy as jnp
import numpy as np

N_NODES = 10000
N_EDGES = 320000
D_IN = 128
D_HID = 128
D_OUT = 64
K_HOPS = 2
ALPHA = 0.5


def setup_inputs(seed: int = 0) -> dict:
    key = jax.random.key(seed)
    k1, k2, k3, k4, k5, k6 = jax.random.split(key, 6)
    features = jax.random.normal(k1, (N_NODES, D_IN), dtype=jnp.float32)
    edge_index = jax.random.randint(k2, (2, N_EDGES), 0, N_NODES, dtype=jnp.int32)
    W1 = jax.random.normal(k3, (D_IN, D_HID), dtype=jnp.float32) * 0.05
    b1 = jnp.zeros((D_HID,), dtype=jnp.float32)
    W2 = jax.random.normal(k4, (D_HID, D_OUT), dtype=jnp.float32) * 0.05
    b2 = jnp.zeros((D_OUT,), dtype=jnp.float32)
    return {"features": features, "edge_index": edge_index, "W1": W1, "b1": b1, "W2": W2, "b2": b2}


def reference(features, edge_index, W1, b1, W2, b2):
    src = edge_index[0]
    dst = edge_index[1]
    n = features.shape[0]
    out_deg = jnp.clip(jnp.bincount(src, length=n), 1).astype(features.dtype)
    in_deg = jnp.clip(jnp.bincount(dst, length=n), 1).astype(features.dtype)
    norm_src = out_deg ** -0.5
    norm_dst = in_deg ** -0.5

    # APPNPConv(k=2, alpha=0.5): personalized pagerank propagation
    feat0 = features
    h = features
    for _ in range(K_HOPS):
        h = h * norm_src[:, None]
        msg = jnp.take(h, src, axis=0)
        agg = jax.ops.segment_sum(msg, dst, num_segments=n)
        h = agg * norm_dst[:, None]
        h = (1.0 - ALPHA) * h + ALPHA * feat0

    h = h @ W1 + b1
    h = jax.nn.relu(h)
    h = h @ W2 + b2
    return jax.nn.sigmoid(h)

if __name__ == "__main__":
    import jax
    _d = setup_inputs()
    print(jax.jit(kernel)(*tuple(_d.values())))

</pallas_src>

<mosaic_0001>
#map = affine_map<(d0, d1) -> (0)>
#map1 = affine_map<(d0, d1) -> (0, 0, 0)>
module attributes {stable_mosaic.version = 14 : i64} {
  func.func @counts_kernel(%arg0: i32, %arg1: i32, %arg2: memref<640000xi32, #tpu.memory_space<hbm>>, %arg3: memref<32x2x10000xf32, #tpu.memory_space<hbm>>, %arg4: memref<10000xi32, #tpu.memory_space<vmem>>, %arg5: memref<10000xi32, #tpu.memory_space<vmem>>, %arg6: memref<10000xf32, #tpu.memory_space<vmem>>, %arg7: memref<10000xf32, #tpu.memory_space<vmem>>) attributes {dimension_semantics = [#tpu.dimension_semantics<core_parallel>, #tpu.dimension_semantics<subcore_parallel>], iteration_bounds = array<i64: 2, 16>, scalar_prefetch = 0 : i64, scratch_operands = 4 : i64, tpu.core_type = #tpu.core_type<sc_vector_subcore>, window_params = [{transform_indices = #map}, {transform_indices = #map1}]} {
    %mul3A = arith.constant 2 : i32
    %mul3A_0 = arith.muli %arg1, %mul3A : i32
    %add3A = arith.addi %mul3A_0, %arg0 : i32
    %mul3A_1 = arith.constant 10000 : i32
    %mul3A_2 = arith.muli %add3A, %mul3A_1 : i32
    "tpu.region"() ({
      %run_scoped3A_31 = tpu.sem_alloc : memref<!tpu.dma_semaphore, #tpu.memory_space<semaphore_mem>>
      %dma_start3A = tpu.memref_slice %arg2[%mul3A_2] : memref<640000xi32, #tpu.memory_space<hbm>> -> memref<10000xi32, #tpu.memory_space<hbm>>
      %dma_start3A_32 = tpu.memref_slice %arg2[%mul3A_2] : memref<640000xi32, #tpu.memory_space<hbm>> -> memref<10000xi32, #tpu.memory_space<hbm>>
      tpu.enqueue_dma source(%dma_start3A_32 : memref<10000xi32, #tpu.memory_space<hbm>>) target(%arg4 : memref<10000xi32, #tpu.memory_space<vmem>>) target_semaphore(%run_scoped3A_31 : memref<!tpu.dma_semaphore, #tpu.memory_space<semaphore_mem>>)
      %dma_wait3A = tpu.memref_slice %arg2[%mul3A_2] : memref<640000xi32, #tpu.memory_space<hbm>> -> memref<10000xi32, #tpu.memory_space<hbm>>
      %dma_wait3A_33 = tpu.memref_slice %arg2[%mul3A_2] : memref<640000xi32, #tpu.memory_space<hbm>> -> memref<10000xi32, #tpu.memory_space<hbm>>
      tpu.wait_dma2 semaphore(%run_scoped3A_31 : memref<!tpu.dma_semaphore, #tpu.memory_space<semaphore_mem>>) src(%dma_wait3A_33 : memref<10000xi32, #tpu.memory_space<hbm>>) dst(%arg4 : memref<10000xi32, #tpu.memory_space<vmem>>)
      tpu.yield
    }) : () -> ()
    %add3A_3 = arith.constant 320000 : i32
    %add3A_4 = arith.addi %add3A_3, %mul3A_2 : i32
    "tpu.region"() ({
      %run_scoped3A_31 = tpu.sem_alloc : memref<!tpu.dma_semaphore, #tpu.memory_space<semaphore_mem>>
      %dma_start3A = tpu.memref_slice %arg2[%add3A_4] : memref<640000xi32, #tpu.memory_space<hbm>> -> memref<10000xi32, #tpu.memory_space<hbm>>
      %dma_start3A_32 = tpu.memref_slice %arg2[%add3A_4] : memref<640000xi32, #tpu.memory_space<hbm>> -> memref<10000xi32, #tpu.memory_space<hbm>>
      tpu.enqueue_dma source(%dma_start3A_32 : memref<10000xi32, #tpu.memory_space<hbm>>) target(%arg5 : memref<10000xi32, #tpu.memory_space<vmem>>) target_semaphore(%run_scoped3A_31 : memref<!tpu.dma_semaphore, #tpu.memory_space<semaphore_mem>>)
      %dma_wait3A = tpu.memref_slice %arg2[%add3A_4] : memref<640000xi32, #tpu.memory_space<hbm>> -> memref<10000xi32, #tpu.memory_space<hbm>>
      %dma_wait3A_33 = tpu.memref_slice %arg2[%add3A_4] : memref<640000xi32, #tpu.memory_space<hbm>> -> memref<10000xi32, #tpu.memory_space<hbm>>
      tpu.wait_dma2 semaphore(%run_scoped3A_31 : memref<!tpu.dma_semaphore, #tpu.memory_space<semaphore_mem>>) src(%dma_wait3A_33 : memref<10000xi32, #tpu.memory_space<hbm>>) dst(%arg5 : memref<10000xi32, #tpu.memory_space<vmem>>)
      tpu.yield
    }) : () -> ()
    %broadcast_in_dim3A = arith.constant 0.000000e+00 : f32
    %broadcast_in_dim3A_5 = vector.broadcast %broadcast_in_dim3A : f32 to vector<16xf32>
    %scan3A = arith.constant 0 : i32
    %scan3A_6 = arith.constant 625 : i32
    %scan3A_7 = arith.addi %scan3A, %scan3A_6 : i32
    %scan3A_8 = arith.constant 1 : i32
    scf.for %scan3A_31 = %scan3A to %scan3A_7 step %scan3A_8  : i32 {
      %mul3A_32 = arith.constant 1 : i32
      %mul3A_33 = arith.muli %scan3A_31, %mul3A_32 : i32
      %add3A_34 = arith.constant 0 : i32
      %add3A_35 = arith.addi %add3A_34, %mul3A_33 : i32
      %mul3A_36 = arith.constant 16 : i32
      %mul3A_37 = arith.muli %add3A_35, %mul3A_36 : i32
      %swap3A = arith.index_cast %mul3A_37 : i32 to index
      %swap3A_38 = tpu.vector_load %arg6[%swap3A] {strides = array<i32>} : memref<10000xf32, #tpu.memory_space<vmem>>, vector<16xf32>,
      tpu.vector_store %arg6[%swap3A], %broadcast_in_dim3A_5 {strides = array<i32>} : memref<10000xf32, #tpu.memory_space<vmem>>, vector<16xf32>,
      %mul3A_39 = arith.constant 16 : i32
      %mul3A_40 = arith.muli %add3A_35, %mul3A_39 : i32
      %swap3A_41 = arith.index_cast %mul3A_40 : i32 to index
      %swap3A_42 = tpu.vector_load %arg7[%swap3A_41] {strides = array<i32>} : memref<10000xf32, #tpu.memory_space<vmem>>, vector<16xf32>,
      tpu.vector_store %arg7[%swap3A_41], %broadcast_in_dim3A_5 {strides = array<i32>} : memref<10000xf32, #tpu.memory_space<vmem>>, vector<16xf32>,
    }
    %scan3A_9 = arith.constant 625 : i32
    %broadcast_in_dim3A_10 = arith.constant 1.000000e+00 : f32
    %broadcast_in_dim3A_11 = vector.broadcast %broadcast_in_dim3A_10 : f32 to vector<16xf32>
    %scan3A_12 = arith.constant 0 : i32
    %scan3A_13 = arith.constant 624 : i32
    %scan3A_14 = arith.addi %scan3A_12, %scan3A_13 : i32
    %scan3A_15 = arith.constant 8 : i32
    scf.for %scan3A_31 = %scan3A_12 to %scan3A_14 step %scan3A_15  : i32 {
      %mul3A_32 = arith.constant 1 : i32
      %mul3A_33 = arith.muli %scan3A_31, %mul3A_32 : i32
      %add3A_34 = arith.constant 0 : i32
      %add3A_35 = arith.addi %add3A_34, %mul3A_33 : i32
      %mul3A_36 = arith.constant 16 : i32
      %mul3A_37 = arith.muli %add3A_35, %mul3A_36 : i32
      %get3A_38 = arith.index_cast %mul3A_37 : i32 to index
      %get3A_39 = tpu.vector_load %arg4[%get3A_38] {strides = array<i32>} : memref<10000xi32, #tpu.memory_space<vmem>>, vector<16xi32>,
      %mul3A_40 = arith.constant 16 : i32
      %mul3A_41 = arith.muli %add3A_35, %mul3A_40 : i32
      %get3A_42 = arith.index_cast %mul3A_41 : i32 to index
      %get3A_43 = tpu.vector_load %arg5[%get3A_42] {strides = array<i32>} : memref<10000xi32, #tpu.memory_space<vmem>>, vector<16xi32>,
      tpu.vector_store_idx %arg6[%get3A_39], %broadcast_in_dim3A_11 {add = true} : memref<10000xf32, #tpu.memory_space<vmem>>[vector<16xi32>], vector<16xf32>,
      tpu.vector_store_idx %arg7[%get3A_43], %broadcast_in_dim3A_11 {add = true} : memref<10000xf32, #tpu.memory_space<vmem>>[vector<16xi32>], vector<16xf32>,
      %scan3A_44 = arith.constant 1 : i32
      %scan3A_45 = arith.addi %scan3A_31, %scan3A_44 : i32
      %mul3A_46 = arith.constant 1 : i32
      %mul3A_47 = arith.muli %scan3A_45, %mul3A_46 : i32
      %add3A_48 = arith.constant 0 : i32
      %add3A_49 = arith.addi %add3A_48, %mul3A_47 : i32
      %mul3A_50 = arith.constant 16 : i32
      %mul3A_51 = arith.muli %add3A_49, %mul3A_50 : i32
      %get3A_52 = arith.index_cast %mul3A_51 : i32 to index
      %get3A_53 = tpu.vector_load %arg4[%get3A_52] {strides = array<i32>} : memref<10000xi32, #tpu.memory_space<vmem>>, vector<16xi32>,
      %mul3A_54 = arith.constant 16 : i32
      %mul3A_55 = arith.muli %add3A_49, %mul3A_54 : i32
      %get3A_56 = arith.index_cast %mul3A_55 : i32 to index
      %get3A_57 = tpu.vector_load %arg5[%get3A_56] {strides = array<i32>} : memref<10000xi32, #tpu.memory_space<vmem>>, vector<16xi32>,
      tpu.vector_store_idx %arg6[%get3A_53], %broadcast_in_dim3A_11 {add = true} : memref<10000xf32, #tpu.memory_space<vmem>>[vector<16xi32>], vector<16xf32>,
      tpu.vector_store_idx %arg7[%get3A_57], %broadcast_in_dim3A_11 {add = true} : memref<10000xf32, #tpu.memory_space<vmem>>[vector<16xi32>], vector<16xf32>,
      %scan3A_58 = arith.constant 2 : i32
      %scan3A_59 = arith.addi %scan3A_31, %scan3A_58 : i32
      %mul3A_60 = arith.constant 1 : i32
      %mul3A_61 = arith.muli %scan3A_59, %mul3A_60 : i32
      %add3A_62 = arith.constant 0 : i32
      %add3A_63 = arith.addi %add3A_62, %mul3A_61 : i32
      %mul3A_64 = arith.constant 16 : i32
      %mul3A_65 = arith.muli %add3A_63, %mul3A_64 : i32
      %get3A_66 = arith.index_cast %mul3A_65 : i32 to index
      %get3A_67 = tpu.vector_load %arg4[%get3A_66] {strides = array<i32>} : memref<10000xi32, #tpu.memory_space<vmem>>, vector<16xi32>,
      %mul3A_68 = arith.constant 16 : i32
      %mul3A_69 = arith.muli %add3A_63, %mul3A_68 : i32
      %get3A_70 = arith.index_cast %mul3A_69 : i32 to index
      %get3A_71 = tpu.vector_load %arg5[%get3A_70] {strides = array<i32>} : memref<10000xi32, #tpu.memory_space<vmem>>, vector<16xi32>,
      tpu.vector_store_idx %arg6[%get3A_67], %broadcast_in_dim3A_11 {add = true} : memref<10000xf32, #tpu.memory_space<vmem>>[vector<16xi32>], vector<16xf32>,
      tpu.vector_store_idx %arg7[%get3A_71], %broadcast_in_dim3A_11 {add = true} : memref<10000xf32, #tpu.memory_space<vmem>>[vector<16xi32>], vector<16xf32>,
      %scan3A_72 = arith.constant 3 : i32
      %scan3A_73 = arith.addi %scan3A_31, %scan3A_72 : i32
      %mul3A_74 = arith.constant 1 : i32
      %mul3A_75 = arith.muli %scan3A_73, %mul3A_74 : i32
      %add3A_76 = arith.constant 0 : i32
      %add3A_77 = arith.addi %add3A_76, %mul3A_75 : i32
      %mul3A_78 = arith.constant 16 : i32
      %mul3A_79 = arith.muli %add3A_77, %mul3A_78 : i32
      %get3A_80 = arith.index_cast %mul3A_79 : i32 to index
      %get3A_81 = tpu.vector_load %arg4[%get3A_80] {strides = array<i32>} : memref<10000xi32, #tpu.memory_space<vmem>>, vector<16xi32>,
      %mul3A_82 = arith.constant 16 : i32
      %mul3A_83 = arith.muli %add3A_77, %mul3A_82 : i32
      %get3A_84 = arith.index_cast %mul3A_83 : i32 to index
      %get3A_85 = tpu.vector_load %arg5[%get3A_84] {strides = array<i32>} : memref<10000xi32, #tpu.memory_space<vmem>>, vector<16xi32>,
      tpu.vector_store_idx %arg6[%get3A_81], %broadcast_in_dim3A_11 {add = true} : memref<10000xf32, #tpu.memory_space<vmem>>[vector<16xi32>], vector<16xf32>,
      tpu.vector_store_idx %arg7[%get3A_85], %broadcast_in_dim3A_11 {add = true} : memref<10000xf32, #tpu.memory_space<vmem>>[vector<16xi32>], vector<16xf32>,
      %scan3A_86 = arith.constant 4 : i32
      %scan3A_87 = arith.addi %scan3A_31, %scan3A_86 : i32
      %mul3A_88 = arith.constant 1 : i32
      %mul3A_89 = arith.muli %scan3A_87, %mul3A_88 : i32
      %add3A_90 = arith.constant 0 : i32
      %add3A_91 = arith.addi %add3A_90, %mul3A_89 : i32
      %mul3A_92 = arith.constant 16 : i32
      %mul3A_93 = arith.muli %add3A_91, %mul3A_92 : i32
      %get3A_94 = arith.index_cast %mul3A_93 : i32 to index
      %get3A_95 = tpu.vector_load %arg4[%get3A_94] {strides = array<i32>} : memref<10000xi32, #tpu.memory_space<vmem>>, vector<16xi32>,
      %mul3A_96 = arith.constant 16 : i32
      %mul3A_97 = arith.muli %add3A_91, %mul3A_96 : i32
      %get3A_98 = arith.index_cast %mul3A_97 : i32 to index
      %get3A_99 = tpu.vector_load %arg5[%get3A_98] {strides = array<i32>} : memref<10000xi32, #tpu.memory_space<vmem>>, vector<16xi32>,
      tpu.vector_store_idx %arg6[%get3A_95], %broadcast_in_dim3A_11 {add = true} : memref<10000xf32, #tpu.memory_space<vmem>>[vector<16xi32>], vector<16xf32>,
      tpu.vector_store_idx %arg7[%get3A_99], %broadcast_in_dim3A_11 {add = true} : memref<10000xf32, #tpu.memory_space<vmem>>[vector<16xi32>], vector<16xf32>,
      %scan3A_100 = arith.constant 5 : i32
      %scan3A_101 = arith.addi %scan3A_31, %scan3A_100 : i32
      %mul3A_102 = arith.constant 1 : i32
      %mul3A_103 = arith.muli %scan3A_101, %mul3A_102 : i32
      %add3A_104 = arith.constant 0 : i32
      %add3A_105 = arith.addi %add3A_104, %mul3A_103 : i32
      %mul3A_106 = arith.constant 16 : i32
      %mul3A_107 = arith.muli %add3A_105, %mul3A_106 : i32
      %get3A_108 = arith.index_cast %mul3A_107 : i32 to index
      %get3A_109 = tpu.vector_load %arg4[%get3A_108] {strides = array<i32>} : memref<10000xi32, #tpu.memory_space<vmem>>, vector<16xi32>,
      %mul3A_110 = arith.constant 16 : i32
      %mul3A_111 = arith.muli %add3A_105, %mul3A_110 : i32
      %get3A_112 = arith.index_cast %mul3A_111 : i32 to index
      %get3A_113 = tpu.vector_load %arg5[%get3A_112] {strides = array<i32>} : memref<10000xi32, #tpu.memory_space<vmem>>, vector<16xi32>,
      tpu.vector_store_idx %arg6[%get3A_109], %broadcast_in_dim3A_11 {add = true} : memref<10000xf32, #tpu.memory_space<vmem>>[vector<16xi32>], vector<16xf32>,
      tpu.vector_store_idx %arg7[%get3A_113], %broadcast_in_dim3A_11 {add = true} : memref<10000xf32, #tpu.memory_space<vmem>>[vector<16xi32>], vector<16xf32>,
      %scan3A_114 = arith.constant 6 : i32
      %scan3A_115 = arith.addi %scan3A_31, %scan3A_114 : i32
      %mul3A_116 = arith.constant 1 : i32
      %mul3A_117 = arith.muli %scan3A_115, %mul3A_116 : i32
      %add3A_118 = arith.constant 0 : i32
      %add3A_119 = arith.addi %add3A_118, %mul3A_117 : i32
      %mul3A_120 = arith.constant 16 : i32
      %mul3A_121 = arith.muli %add3A_119, %mul3A_120 : i32
      %get3A_122 = arith.index_cast %mul3A_121 : i32 to index
      %get3A_123 = tpu.vector_load %arg4[%get3A_122] {strides = array<i32>} : memref<10000xi32, #tpu.memory_space<vmem>>, vector<16xi32>,
      %mul3A_124 = arith.constant 16 : i32
      %mul3A_125 = arith.muli %add3A_119, %mul3A_124 : i32
      %get3A_126 = arith.index_cast %mul3A_125 : i32 to index
      %get3A_127 = tpu.vector_load %arg5[%get3A_126] {strides = array<i32>} : memref<10000xi32, #tpu.memory_space<vmem>>, vector<16xi32>,
      tpu.vector_store_idx %arg6[%get3A_123], %broadcast_in_dim3A_11 {add = true} : memref<10000xf32, #tpu.memory_space<vmem>>[vector<16xi32>], vector<16xf32>,
      tpu.vector_store_idx %arg7[%get3A_127], %broadcast_in_dim3A_11 {add = true} : memref<10000xf32, #tpu.memory_space<vmem>>[vector<16xi32>], vector<16xf32>,
      %scan3A_128 = arith.constant 7 : i32
      %scan3A_129 = arith.addi %scan3A_31, %scan3A_128 : i32
      %mul3A_130 = arith.constant 1 : i32
      %mul3A_131 = arith.muli %scan3A_129, %mul3A_130 : i32
      %add3A_132 = arith.constant 0 : i32
      %add3A_133 = arith.addi %add3A_132, %mul3A_131 : i32
      %mul3A_134 = arith.constant 16 : i32
      %mul3A_135 = arith.muli %add3A_133, %mul3A_134 : i32
      %get3A_136 = arith.index_cast %mul3A_135 : i32 to index
      %get3A_137 = tpu.vector_load %arg4[%get3A_136] {strides = array<i32>} : memref<10000xi32, #tpu.memory_space<vmem>>, vector<16xi32>,
      %mul3A_138 = arith.constant 16 : i32
      %mul3A_139 = arith.muli %add3A_133, %mul3A_138 : i32
      %get3A_140 = arith.index_cast %mul3A_139 : i32 to index
      %get3A_141 = tpu.vector_load %arg5[%get3A_140] {strides = array<i32>} : memref<10000xi32, #tpu.memory_space<vmem>>, vector<16xi32>,
      tpu.vector_store_idx %arg6[%get3A_137], %broadcast_in_dim3A_11 {add = true} : memref<10000xf32, #tpu.memory_space<vmem>>[vector<16xi32>], vector<16xf32>,
      tpu.vector_store_idx %arg7[%get3A_141], %broadcast_in_dim3A_11 {add = true} : memref<10000xf32, #tpu.memory_space<vmem>>[vector<16xi32>], vector<16xf32>,
    }
    %scan3A_16 = arith.constant 624 : i32
    %scan3A_17 = arith.addi %scan3A_12, %scan3A_16 : i32
    %mul3A_18 = arith.constant 1 : i32
    %mul3A_19 = arith.muli %scan3A_17, %mul3A_18 : i32
    %add3A_20 = arith.constant 0 : i32
    %add3A_21 = arith.addi %add3A_20, %mul3A_19 : i32
    %mul3A_22 = arith.constant 16 : i32
    %mul3A_23 = arith.muli %add3A_21, %mul3A_22 : i32
    %get3A = arith.index_cast %mul3A_23 : i32 to index
    %get3A_24 = tpu.vector_load %arg4[%get3A] {strides = array<i32>} : memref<10000xi32, #tpu.memory_space<vmem>>, vector<16xi32>,
    %mul3A_25 = arith.constant 16 : i32
    %mul3A_26 = arith.muli %add3A_21, %mul3A_25 : i32
    %get3A_27 = arith.index_cast %mul3A_26 : i32 to index
    %get3A_28 = tpu.vector_load %arg5[%get3A_27] {strides = array<i32>} : memref<10000xi32, #tpu.memory_space<vmem>>, vector<16xi32>,
    tpu.vector_store_idx %arg6[%get3A_24], %broadcast_in_dim3A_11 {add = true} : memref<10000xf32, #tpu.memory_space<vmem>>[vector<16xi32>], vector<16xf32>,
    tpu.vector_store_idx %arg7[%get3A_28], %broadcast_in_dim3A_11 {add = true} : memref<10000xf32, #tpu.memory_space<vmem>>[vector<16xi32>], vector<16xf32>,
    %scan3A_29 = arith.constant 625 : i32
    %run_scoped3A = arith.constant 0 : i32
    "tpu.region"() ({
      %run_scoped3A_31 = tpu.sem_alloc : memref<!tpu.dma_semaphore, #tpu.memory_space<semaphore_mem>>
      %dma_start3A = arith.constant 0 : i32
      %dma_start3A_32 = tpu.memref_slice %arg3[%add3A, %run_scoped3A, %dma_start3A] : memref<32x2x10000xf32, #tpu.memory_space<hbm>> -> memref<1x1x10000xf32, #tpu.memory_space<hbm>>
      %dma_start3A_33 = tpu.memref_squeeze %dma_start3A_32 : memref<1x1x10000xf32, #tpu.memory_space<hbm>> -> memref<10000xf32, #tpu.memory_space<hbm>>
      %dma_start3A_34 = arith.constant 0 : i32
      %dma_start3A_35 = tpu.memref_slice %arg3[%add3A, %run_scoped3A, %dma_start3A_34] : memref<32x2x10000xf32, #tpu.memory_space<hbm>> -> memref<1x1x10000xf32, #tpu.memory_space<hbm>>
      %dma_start3A_36 = tpu.memref_squeeze %dma_start3A_35 : memref<1x1x10000xf32, #tpu.memory_space<hbm>> -> memref<10000xf32, #tpu.memory_space<hbm>>
      tpu.enqueue_dma source(%arg6 : memref<10000xf32, #tpu.memory_space<vmem>>) target(%dma_start3A_36 : memref<10000xf32, #tpu.memory_space<hbm>>) target_semaphore(%run_scoped3A_31 : memref<!tpu.dma_semaphore, #tpu.memory_space<semaphore_mem>>)
      %dma_wait3A = arith.constant 0 : i32
      %dma_wait3A_37 = tpu.memref_slice %arg3[%add3A, %run_scoped3A, %dma_wait3A] : memref<32x2x10000xf32, #tpu.memory_space<hbm>> -> memref<1x1x10000xf32, #tpu.memory_space<hbm>>
      %dma_wait3A_38 = tpu.memref_squeeze %dma_wait3A_37 : memref<1x1x10000xf32, #tpu.memory_space<hbm>> -> memref<10000xf32, #tpu.memory_space<hbm>>
      %dma_wait3A_39 = arith.constant 0 : i32
      %dma_wait3A_40 = tpu.memref_slice %arg3[%add3A, %run_scoped3A, %dma_wait3A_39] : memref<32x2x10000xf32, #tpu.memory_space<hbm>> -> memref<1x1x10000xf32, #tpu.memory_space<hbm>>
      %dma_wait3A_41 = tpu.memref_squeeze %dma_wait3A_40 : memref<1x1x10000xf32, #tpu.memory_space<hbm>> -> memref<10000xf32, #tpu.memory_space<hbm>>
      tpu.wait_dma2 semaphore(%run_scoped3A_31 : memref<!tpu.dma_semaphore, #tpu.memory_space<semaphore_mem>>) src(%arg6 : memref<10000xf32, #tpu.memory_space<vmem>>) dst(%dma_wait3A_41 : memref<10000xf32, #tpu.memory_space<hbm>>)
      tpu.yield
    }) : () -> ()
    %run_scoped3A_30 = arith.constant 1 : i32
    "tpu.region"() ({
      %run_scoped3A_31 = tpu.sem_alloc : memref<!tpu.dma_semaphore, #tpu.memory_space<semaphore_mem>>
      %dma_start3A = arith.constant 0 : i32
      %dma_start3A_32 = tpu.memref_slice %arg3[%add3A, %run_scoped3A_30, %dma_start3A] : memref<32x2x10000xf32, #tpu.memory_space<hbm>> -> memref<1x1x10000xf32, #tpu.memory_space<hbm>>
      %dma_start3A_33 = tpu.memref_squeeze %dma_start3A_32 : memref<1x1x10000xf32, #tpu.memory_space<hbm>> -> memref<10000xf32, #tpu.memory_space<hbm>>
      %dma_start3A_34 = arith.constant 0 : i32
      %dma_start3A_35 = tpu.memref_slice %arg3[%add3A, %run_scoped3A_30, %dma_start3A_34] : memref<32x2x10000xf32, #tpu.memory_space<hbm>> -> memref<1x1x10000xf32, #tpu.memory_space<hbm>>
      %dma_start3A_36 = tpu.memref_squeeze %dma_start3A_35 : memref<1x1x10000xf32, #tpu.memory_space<hbm>> -> memref<10000xf32, #tpu.memory_space<hbm>>
      tpu.enqueue_dma source(%arg7 : memref<10000xf32, #tpu.memory_space<vmem>>) target(%dma_start3A_36 : memref<10000xf32, #tpu.memory_space<hbm>>) target_semaphore(%run_scoped3A_31 : memref<!tpu.dma_semaphore, #tpu.memory_space<semaphore_mem>>)
      %dma_wait3A = arith.constant 0 : i32
      %dma_wait3A_37 = tpu.memref_slice %arg3[%add3A, %run_scoped3A_30, %dma_wait3A] : memref<32x2x10000xf32, #tpu.memory_space<hbm>> -> memref<1x1x10000xf32, #tpu.memory_space<hbm>>
      %dma_wait3A_38 = tpu.memref_squeeze %dma_wait3A_37 : memref<1x1x10000xf32, #tpu.memory_space<hbm>> -> memref<10000xf32, #tpu.memory_space<hbm>>
      %dma_wait3A_39 = arith.constant 0 : i32
      %dma_wait3A_40 = tpu.memref_slice %arg3[%add3A, %run_scoped3A_30, %dma_wait3A_39] : memref<32x2x10000xf32, #tpu.memory_space<hbm>> -> memref<1x1x10000xf32, #tpu.memory_space<hbm>>
      %dma_wait3A_41 = tpu.memref_squeeze %dma_wait3A_40 : memref<1x1x10000xf32, #tpu.memory_space<hbm>> -> memref<10000xf32, #tpu.memory_space<hbm>>
      tpu.wait_dma2 semaphore(%run_scoped3A_31 : memref<!tpu.dma_semaphore, #tpu.memory_space<semaphore_mem>>) src(%arg7 : memref<10000xf32, #tpu.memory_space<vmem>>) dst(%dma_wait3A_41 : memref<10000xf32, #tpu.memory_space<hbm>>)
      tpu.yield
    }) : () -> ()
    return
  }
}

#map = affine_map<(d0, d1) -> (0, 0)>
#map1 = affine_map<(d0, d1) -> (0)>
#map2 = affine_map<(d0, d1) -> (0, 0, 0)>
module attributes {stable_mosaic.version = 14 : i64} {
  func.func @hop_kernel(%arg0: i32, %arg1: i32, %arg2: memref<10000x128xf32, #tpu.memory_space<hbm>>, %arg3: memref<640000xi32, #tpu.memory_space<hbm>>, %arg4: memref<2x10000x128xf32, #tpu.memory_space<hbm>>, %arg5: memref<10000x128xf32, #tpu.memory_space<vmem_shared>>, %arg6: memref<10000xi32, #tpu.memory_space<vmem>>, %arg7: memref<10000xi32, #tpu.memory_space<vmem>>, %arg8: memref<6x40x128xf32, #tpu.memory_space<vmem>>, %arg9: memref<6x!tpu.dma_semaphore, #tpu.memory_space<semaphore_mem>>, %arg10: memref<6x!tpu.dma_semaphore, #tpu.memory_space<semaphore_mem>>) attributes {dimension_semantics = [#tpu.dimension_semantics<core_parallel>, #tpu.dimension_semantics<subcore_parallel>], iteration_bounds = array<i64: 2, 16>, scalar_prefetch = 0 : i64, scratch_operands = 6 : i64, tpu.core_type = #tpu.core_type<sc_vector_subcore>, window_params = [{transform_indices = #map}, {transform_indices = #map1}, {transform_indices = #map2}]} {
    %mul3A = arith.constant 2 : i32
    %mul3A_0 = arith.muli %arg1, %mul3A : i32
    %add3A = arith.addi %mul3A_0, %arg0 : i32
    %eq3A = arith.constant 15 : i32
    %eq3A_1 = arith.cmpi eq, %arg1, %eq3A : i32
    %mul3A_2 = arith.constant 632 : i32
    %mul3A_3 = arith.muli %arg1, %mul3A_2 : i32
    %broadcast_in_dim3A = arith.constant 0.000000e+00 : f32
    %broadcast_in_dim3A_4 = vector.broadcast %broadcast_in_dim3A : f32 to vector<16xf32>
    %scan3A = arith.constant 0 : i32
    %scan3A_5 = arith.constant 8 : i32
    %scan3A_6 = arith.addi %scan3A, %scan3A_5 : i32
    %scan3A_7 = arith.constant 1 : i32
    scf.for %scan3A_314 = %scan3A to %scan3A_6 step %scan3A_7  : i32 {
      %mul3A_315 = arith.constant 1 : i32
      %mul3A_316 = arith.muli %scan3A_314, %mul3A_315 : i32
      %add3A_317 = arith.constant 0 : i32
      %add3A_318 = arith.addi %add3A_317, %mul3A_316 : i32
      %scan3A_319 = arith.constant 0 : i32
      %scan3A_320 = arith.constant 8 : i32
      %scan3A_321 = arith.addi %scan3A_319, %scan3A_320 : i32
      %scan3A_322 = arith.constant 1 : i32
      scf.for %scan3A_324 = %scan3A_319 to %scan3A_321 step %scan3A_322  : i32 {
        %mul3A_325 = arith.constant 1 : i32
        %mul3A_326 = arith.muli %scan3A_324, %mul3A_325 : i32
        %add3A_327 = arith.constant 0 : i32
        %add3A_328 = arith.addi %add3A_327, %mul3A_326 : i32
        %mul3A_329 = arith.constant 16 : i32
        %mul3A_330 = arith.muli %add3A_328, %mul3A_329 : i32
        %swap3A = arith.constant 0 : i32
        %swap3A_331 = arith.index_cast %swap3A : i32 to index
        %swap3A_332 = arith.index_cast %add3A_318 : i32 to index
        %swap3A_333 = arith.index_cast %mul3A_330 : i32 to index
        %swap3A_334 = tpu.vector_load %arg8[%swap3A_331, %swap3A_332, %swap3A_333] {strides = array<i32>} : memref<6x40x128xf32, #tpu.memory_space<vmem>>, vector<1x1x16xf32>,
        %swap3A_335 = vector.shape_cast %swap3A_334 : vector<1x1x16xf32> to vector<16xf32>
        %swap3A_336 = vector.shape_cast %broadcast_in_dim3A_4 : vector<16xf32> to vector<1x1x16xf32>
        tpu.vector_store %arg8[%swap3A_331, %swap3A_332, %swap3A_333], %swap3A_336 {strides = array<i32>} : memref<6x40x128xf32, #tpu.memory_space<vmem>>, vector<1x1x16xf32>,
      }
      %scan3A_323 = arith.constant 8 : i32
    }
    %scan3A_8 = arith.constant 8 : i32
    %mul3A_9 = arith.constant 10000 : i32
    %mul3A_10 = arith.muli %add3A, %mul3A_9 : i32
    %dma_start3A = arith.constant 0 : i32
    %dma_start3A_11 = tpu.memref_slice %arg3[%mul3A_10] : memref<640000xi32, #tpu.memory_space<hbm>> -> memref<10000xi32, #tpu.memory_space<hbm>>
    %dma_start3A_12 = tpu.memref_slice %arg9[%dma_start3A] : memref<6x!tpu.dma_semaphore, #tpu.memory_space<semaphore_mem>> -> memref<1x!tpu.dma_semaphore, #tpu.memory_space<semaphore_mem>>
    %dma_start3A_13 = tpu.memref_squeeze %dma_start3A_12 : memref<1x!tpu.dma_semaphore, #tpu.memory_space<semaphore_mem>> -> memref<!tpu.dma_semaphore, #tpu.memory_space<semaphore_mem>>
    %dma_start3A_14 = tpu.memref_slice %arg3[%mul3A_10] : memref<640000xi32, #tpu.memory_space<hbm>> -> memref<10000xi32, #tpu.memory_space<hbm>>
    tpu.enqueue_dma source(%dma_start3A_14 : memref<10000xi32, #tpu.memory_space<hbm>>) target(%arg6 : memref<10000xi32, #tpu.memory_space<vmem>>) target_semaphore(%dma_start3A_13 : memref<!tpu.dma_semaphore, #tpu.memory_space<semaphore_mem>>)
    %add3A_15 = arith.constant 320000 : i32
    %add3A_16 = arith.addi %add3A_15, %mul3A_10 : i32
    %dma_start3A_17 = arith.constant 1 : i32
    %dma_start3A_18 = tpu.memref_slice %arg3[%add3A_16] : memref<640000xi32, #tpu.memory_space<hbm>> -> memref<10000xi32, #tpu.memory_space<hbm>>
    %dma_start3A_19 = tpu.memref_slice %arg9[%dma_start3A_17] : memref<6x!tpu.dma_semaphore, #tpu.memory_space<semaphore_mem>> -> memref<1x!tpu.dma_semaphore, #tpu.memory_space<semaphore_mem>>
    %dma_start3A_20 = tpu.memref_squeeze %dma_start3A_19 : memref<1x!tpu.dma_semaphore, #tpu.memory_space<semaphore_mem>> -> memref<!tpu.dma_semaphore, #tpu.memory_space<semaphore_mem>>
    %dma_start3A_21 = tpu.memref_slice %arg3[%add3A_16] : memref<640000xi32, #tpu.memory_space<hbm>> -> memref<10000xi32, #tpu.memory_space<hbm>>
    tpu.enqueue_dma source(%dma_start3A_21 : memref<10000xi32, #tpu.memory_space<hbm>>) target(%arg7 : memref<10000xi32, #tpu.memory_space<vmem>>) target_semaphore(%dma_start3A_20 : memref<!tpu.dma_semaphore, #tpu.memory_space<semaphore_mem>>)
    %jit3A = arith.constant 65 : i32
    %jit3A_22 = arith.constant 79 : i32
    %select_n3A = arith.select %eq3A_1, %jit3A, %jit3A_22 : i32
    %sub3A = arith.constant 0 : i32
    %sub3A_23 = arith.subi %select_n3A, %sub3A : i32
    %sub3A_24 = arith.constant 1 : i32
    %sub3A_25 = arith.constant 1 : i32
    %sub3A_26 = arith.subi %sub3A_24, %sub3A_25 : i32
    %add3A_27 = arith.addi %sub3A_23, %sub3A_26 : i32
    %div3A = arith.constant 1 : i32
    %div3A_28 = arith.divsi %add3A_27, %div3A : i32
    %while3A = arith.constant 1 : i32
    %while3A_29 = arith.constant 0 : i32
    %while3A_30 = arith.constant 0 : i32
    %while3A_31 = arith.subi %div3A_28, %while3A_30 : i32
    %while3A_32 = arith.addi %while3A_30, %while3A_31 : i32
    %while3A_33 = arith.constant 1 : i32
    %while3A_34 = arith.divsi %while3A_31, %while3A_33 : i32
    %while3A_35 = arith.muli %while3A_34, %while3A_33 : i32
    %while3A_36 = arith.addi %while3A_30, %while3A_35 : i32
    %while3A_37 = arith.constant 1 : i32
    scf.for %while3A_314 = %while3A_30 to %while3A_36 step %while3A_37  : i32 {
      %mul3A_315 = arith.muli %while3A_314, %while3A : i32
      %add3A_316 = arith.addi %while3A_29, %mul3A_315 : i32
      %mul3A_317 = arith.constant 8 : i32
      %mul3A_318 = arith.muli %add3A_316, %mul3A_317 : i32
      %add3A_319 = arith.addi %mul3A_3, %mul3A_318 : i32
      %dma_start3A_320 = arith.constant 0 : i32
      %dma_start3A_321 = arith.constant 0 : i32
      %dma_start3A_322 = arith.constant 0 : i32
      %dma_start3A_323 = arith.constant 0 : i32
      %dma_start3A_324 = tpu.memref_slice %arg8[%dma_start3A_320, %dma_start3A_322, %dma_start3A_323] : memref<6x40x128xf32, #tpu.memory_space<vmem>> -> memref<1x8x128xf32, #tpu.memory_space<vmem>>
      %dma_start3A_325 = tpu.memref_squeeze %dma_start3A_324 : memref<1x8x128xf32, #tpu.memory_space<vmem>> -> memref<8x128xf32, #tpu.memory_space<vmem>>
      %dma_start3A_326 = arith.constant 0 : i32
      %dma_start3A_327 = tpu.memref_slice %arg5[%add3A_319, %dma_start3A_326] : memref<10000x128xf32, #tpu.memory_space<vmem_shared>> -> memref<8x128xf32, #tpu.memory_space<vmem_shared>>
      %dma_start3A_328 = tpu.memref_slice %arg10[%dma_start3A_321] : memref<6x!tpu.dma_semaphore, #tpu.memory_space<semaphore_mem>> -> memref<1x!tpu.dma_semaphore, #tpu.memory_space<semaphore_mem>>
      %dma_start3A_329 = tpu.memref_squeeze %dma_start3A_328 : memref<1x!tpu.dma_semaphore, #tpu.memory_space<semaphore_mem>> -> memref<!tpu.dma_semaphore, #tpu.memory_space<semaphore_mem>>
      %dma_start3A_330 = arith.constant 0 : i32
      %dma_start3A_331 = tpu.memref_slice %arg5[%add3A_319, %dma_start3A_330] : memref<10000x128xf32, #tpu.memory_space<vmem_shared>> -> memref<8x128xf32, #tpu.memory_space<vmem_shared>>
      %dma_start3A_332 = arith.constant 0 : i32
      %dma_start3A_333 = arith.constant 0 : i32
      %dma_start3A_334 = tpu.memref_slice %arg8[%dma_start3A_320, %dma_start3A_332, %dma_start3A_333] : memref<6x40x128xf32, #tpu.memory_space<vmem>> -> memref<1x8x128xf32, #tpu.memory_space<vmem>>
      %dma_start3A_335 = tpu.memref_squeeze %dma_start3A_334 : memref<1x8x128xf32, #tpu.memory_space<vmem>> -> memref<8x128xf32, #tpu.memory_space<vmem>>
      tpu.enqueue_dma source(%dma_start3A_335 : memref<8x128xf32, #tpu.memory_space<vmem>>) target(%dma_start3A_331 : memref<8x128xf32, #tpu.memory_space<vmem_shared>>) target_semaphore(%dma_start3A_329 : memref<!tpu.dma_semaphore, #tpu.memory_space<semaphore_mem>>)
    }
    %while3A_38 = arith.constant 1 : i32
    scf.for %while3A_314 = %while3A_36 to %while3A_32 step %while3A_38  : i32 {
      %mul3A_315 = arith.muli %while3A_314, %while3A : i32
      %add3A_316 = arith.addi %while3A_29, %mul3A_315 : i32
      %mul3A_317 = arith.constant 8 : i32
      %mul3A_318 = arith.muli %add3A_316, %mul3A_317 : i32
      %add3A_319 = arith.addi %mul3A_3, %mul3A_318 : i32
      %dma_start3A_320 = arith.constant 0 : i32
      %dma_start3A_321 = arith.constant 0 : i32
      %dma_start3A_322 = arith.constant 0 : i32
      %dma_start3A_323 = arith.constant 0 : i32
      %dma_start3A_324 = tpu.memref_slice %arg8[%dma_start3A_320, %dma_start3A_322, %dma_start3A_323] : memref<6x40x128xf32, #tpu.memory_space<vmem>> -> memref<1x8x128xf32, #tpu.memory_space<vmem>>
      %dma_start3A_325 = tpu.memref_squeeze %dma_start3A_324 : memref<1x8x128xf32, #tpu.memory_space<vmem>> -> memref<8x128xf32, #tpu.memory_space<vmem>>
      %dma_start3A_326 = arith.constant 0 : i32
      %dma_start3A_327 = tpu.memref_slice %arg5[%add3A_319, %dma_start3A_326] : memref<10000x128xf32, #tpu.memory_space<vmem_shared>> -> memref<8x128xf32, #tpu.memory_space<vmem_shared>>
      %dma_start3A_328 = tpu.memref_slice %arg10[%dma_start3A_321] : memref<6x!tpu.dma_semaphore, #tpu.memory_space<semaphore_mem>> -> memref<1x!tpu.dma_semaphore, #tpu.memory_space<semaphore_mem>>
      %dma_start3A_329 = tpu.memref_squeeze %dma_start3A_328 : memref<1x!tpu.dma_semaphore, #tpu.memory_space<semaphore_mem>> -> memref<!tpu.dma_semaphore, #tpu.memory_space<semaphore_mem>>
      %dma_start3A_330 = arith.constant 0 : i32
      %dma_start3A_331 = tpu.memref_slice %arg5[%add3A_319, %dma_start3A_330] : memref<10000x128xf32, #tpu.memory_space<vmem_shared>> -> memref<8x128xf32, #tpu.memory_space<vmem_shared>>
      %dma_start3A_332 = arith.constant 0 : i32
      %dma_start3A_333 = arith.constant 0 : i32
      %dma_start3A_334 = tpu.memref_slice %arg8[%dma_start3A_320, %dma_start3A_332, %dma_start3A_333] : memref<6x40x128xf32, #tpu.memory_space<vmem>> -> memref<1x8x128xf32, #tpu.memory_space<vmem>>
      %dma_start3A_335 = tpu.memref_squeeze %dma_start3A_334 : memref<1x8x128xf32, #tpu.memory_space<vmem>> -> memref<8x128xf32, #tpu.memory_space<vmem>>
      tpu.enqueue_dma source(%dma_start3A_335 : memref<8x128xf32, #tpu.memory_space<vmem>>) target(%dma_start3A_331 : memref<8x128xf32, #tpu.memory_space<vmem_shared>>) target_semaphore(%dma_start3A_329 : memref<!tpu.dma_semaphore, #tpu.memory_space<semaphore_mem>>)
    }
    %sub3A_39 = arith.constant 0 : i32
    %sub3A_40 = arith.subi %select_n3A, %sub3A_39 : i32
    %sub3A_41 = arith.constant 1 : i32
    %sub3A_42 = arith.constant 1 : i32
    %sub3A_43 = arith.subi %sub3A_41, %sub3A_42 : i32
    %add3A_44 = arith.addi %sub3A_40, %sub3A_43 : i32
    %div3A_45 = arith.constant 1 : i32
    %div3A_46 = arith.divsi %add3A_44, %div3A_45 : i32
    %while3A_47 = arith.constant 1 : i32
    %while3A_48 = arith.constant 0 : i32
    %while3A_49 = arith.constant 0 : i32
    %while3A_50 = arith.subi %div3A_46, %while3A_49 : i32
    %while3A_51 = arith.addi %while3A_49, %while3A_50 : i32
    %while3A_52 = arith.constant 1 : i32
    %while3A_53 = arith.divsi %while3A_50, %while3A_52 : i32
    %while3A_54 = arith.muli %while3A_53, %while3A_52 : i32
    %while3A_55 = arith.addi %while3A_49, %while3A_54 : i32
    %while3A_56 = arith.constant 1 : i32
    scf.for %while3A_314 = %while3A_49 to %while3A_55 step %while3A_56  : i32 {
      %mul3A_315 = arith.muli %while3A_314, %while3A_47 : i32
      %add3A_316 = arith.addi %while3A_48, %mul3A_315 : i32
      %dma_wait3A_317 = arith.constant 0 : i32
      %dma_wait3A_318 = arith.constant 0 : i32
      %dma_wait3A_319 = arith.constant 0 : i32
      %dma_wait3A_320 = arith.constant 0 : i32
      %dma_wait3A_321 = tpu.memref_slice %arg8[%dma_wait3A_317, %dma_wait3A_319, %dma_wait3A_320] : memref<6x40x128xf32, #tpu.memory_space<vmem>> -> memref<1x8x128xf32, #tpu.memory_space<vmem>>
      %dma_wait3A_322 = tpu.memref_squeeze %dma_wait3A_321 : memref<1x8x128xf32, #tpu.memory_space<vmem>> -> memref<8x128xf32, #tpu.memory_space<vmem>>
      %dma_wait3A_323 = arith.constant 0 : i32
      %dma_wait3A_324 = tpu.memref_slice %arg5[%mul3A_3, %dma_wait3A_323] : memref<10000x128xf32, #tpu.memory_space<vmem_shared>> -> memref<8x128xf32, #tpu.memory_space<vmem_shared>>
      %dma_wait3A_325 = tpu.memref_slice %arg10[%dma_wait3A_318] : memref<6x!tpu.dma_semaphore, #tpu.memory_space<semaphore_mem>> -> memref<1x!tpu.dma_semaphore, #tpu.memory_space<semaphore_mem>>
      %dma_wait3A_326 = tpu.memref_squeeze %dma_wait3A_325 : memref<1x!tpu.dma_semaphore, #tpu.memory_space<semaphore_mem>> -> memref<!tpu.dma_semaphore, #tpu.memory_space<semaphore_mem>>
      %dma_wait3A_327 = arith.constant 0 : i32
      %dma_wait3A_328 = tpu.memref_slice %arg5[%mul3A_3, %dma_wait3A_327] : memref<10000x128xf32, #tpu.memory_space<vmem_shared>> -> memref<8x128xf32, #tpu.memory_space<vmem_shared>>
      %dma_wait3A_329 = arith.constant 0 : i32
      %dma_wait3A_330 = arith.constant 0 : i32
      %dma_wait3A_331 = tpu.memref_slice %arg8[%dma_wait3A_317, %dma_wait3A_329, %dma_wait3A_330] : memref<6x40x128xf32, #tpu.memory_space<vmem>> -> memref<1x8x128xf32, #tpu.memory_space<vmem>>
      %dma_wait3A_332 = tpu.memref_squeeze %dma_wait3A_331 : memref<1x8x128xf32, #tpu.memory_space<vmem>> -> memref<8x128xf32, #tpu.memory_space<vmem>>
      tpu.wait_dma2 semaphore(%dma_wait3A_326 : memref<!tpu.dma_semaphore, #tpu.memory_space<semaphore_mem>>) src(%dma_wait3A_332 : memref<8x128xf32, #tpu.memory_space<vmem>>) dst(%dma_wait3A_328 : memref<8x128xf32, #tpu.memory_space<vmem_shared>>)
    }
    %while3A_57 = arith.constant 1 : i32
    scf.for %while3A_314 = %while3A_55 to %while3A_51 step %while3A_57  : i32 {
      %mul3A_315 = arith.muli %while3A_314, %while3A_47 : i32
      %add3A_316 = arith.addi %while3A_48, %mul3A_315 : i32
      %dma_wait3A_317 = arith.constant 0 : i32
      %dma_wait3A_318 = arith.constant 0 : i32
      %dma_wait3A_319 = arith.constant 0 : i32
      %dma_wait3A_320 = arith.constant 0 : i32
      %dma_wait3A_321 = tpu.memref_slice %arg8[%dma_wait3A_317, %dma_wait3A_319, %dma_wait3A_320] : memref<6x40x128xf32, #tpu.memory_space<vmem>> -> memref<1x8x128xf32, #tpu.memory_space<vmem>>
      %dma_wait3A_322 = tpu.memref_squeeze %dma_wait3A_321 : memref<1x8x128xf32, #tpu.memory_space<vmem>> -> memref<8x128xf32, #tpu.memory_space<vmem>>
      %dma_wait3A_323 = arith.constant 0 : i32
      %dma_wait3A_324 = tpu.memref_slice %arg5[%mul3A_3, %dma_wait3A_323] : memref<10000x128xf32, #tpu.memory_space<vmem_shared>> -> memref<8x128xf32, #tpu.memory_space<vmem_shared>>
      %dma_wait3A_325 = tpu.memref_slice %arg10[%dma_wait3A_318] : memref<6x!tpu.dma_semaphore, #tpu.memory_space<semaphore_mem>> -> memref<1x!tpu.dma_semaphore, #tpu.memory_space<semaphore_mem>>
      %dma_wait3A_326 = tpu.memref_squeeze %dma_wait3A_325 : memref<1x!tpu.dma_semaphore, #tpu.memory_space<semaphore_mem>> -> memref<!tpu.dma_semaphore, #tpu.memory_space<semaphore_mem>>
      %dma_wait3A_327 = arith.constant 0 : i32
      %dma_wait3A_328 = tpu.memref_slice %arg5[%mul3A_3, %dma_wait3A_327] : memref<10000x128xf32, #tpu.memory_space<vmem_shared>> -> memref<8x128xf32, #tpu.memory_space<vmem_shared>>
      %dma_wait3A_329 = arith.constant 0 : i32
      %dma_wait3A_330 = arith.constant 0 : i32
      %dma_wait3A_331 = tpu.memref_slice %arg8[%dma_wait3A_317, %dma_wait3A_329, %dma_wait3A_330] : memref<6x40x128xf32, #tpu.memory_space<vmem>> -> memref<1x8x128xf32, #tpu.memory_space<vmem>>
      %dma_wait3A_332 = tpu.memref_squeeze %dma_wait3A_331 : memref<1x8x128xf32, #tpu.memory_space<vmem>> -> memref<8x128xf32, #tpu.memory_space<vmem>>
      tpu.wait_dma2 semaphore(%dma_wait3A_326 : memref<!tpu.dma_semaphore, #tpu.memory_space<semaphore_mem>>) src(%dma_wait3A_332 : memref<8x128xf32, #tpu.memory_space<vmem>>) dst(%dma_wait3A_328 : memref<8x128xf32, #tpu.memory_space<vmem_shared>>)
    }
    %dma_wait3A = arith.constant 0 : i32
    %dma_wait3A_58 = tpu.memref_slice %arg3[%mul3A_10] : memref<640000xi32, #tpu.memory_space<hbm>> -> memref<10000xi32, #tpu.memory_space<hbm>>
    %dma_wait3A_59 = tpu.memref_slice %arg9[%dma_wait3A] : memref<6x!tpu.dma_semaphore, #tpu.memory_space<semaphore_mem>> -> memref<1x!tpu.dma_semaphore, #tpu.memory_space<semaphore_mem>>
    %dma_wait3A_60 = tpu.memref_squeeze %dma_wait3A_59 : memref<1x!tpu.dma_semaphore, #tpu.memory_space<semaphore_mem>> -> memref<!tpu.dma_semaphore, #tpu.memory_space<semaphore_mem>>
    %dma_wait3A_61 = tpu.memref_slice %arg3[%mul3A_10] : memref<640000xi32, #tpu.memory_space<hbm>> -> memref<10000xi32, #tpu.memory_space<hbm>>
    tpu.wait_dma2 semaphore(%dma_wait3A_60 : memref<!tpu.dma_semaphore, #tpu.memory_space<semaphore_mem>>) src(%dma_wait3A_61 : memref<10000xi32, #tpu.memory_space<hbm>>) dst(%arg6 : memref<10000xi32, #tpu.memory_space<vmem>>)
    %add3A_62 = arith.constant 320000 : i32
    %add3A_63 = arith.addi %add3A_62, %mul3A_10 : i32
    %dma_wait3A_64 = arith.constant 1 : i32
    %dma_wait3A_65 = tpu.memref_slice %arg3[%add3A_63] : memref<640000xi32, #tpu.memory_space<hbm>> -> memref<10000xi32, #tpu.memory_space<hbm>>
    %dma_wait3A_66 = tpu.memref_slice %arg9[%dma_wait3A_64] : memref<6x!tpu.dma_semaphore, #tpu.memory_space<semaphore_mem>> -> memref<1x!tpu.dma_semaphore, #tpu.memory_space<semaphore_mem>>
    %dma_wait3A_67 = tpu.memref_squeeze %dma_wait3A_66 : memref<1x!tpu.dma_semaphore, #tpu.memory_space<semaphore_mem>> -> memref<!tpu.dma_semaphore, #tpu.memory_space<semaphore_mem>>
    %dma_wait3A_68 = tpu.memref_slice %arg3[%add3A_63] : memref<640000xi32, #tpu.memory_space<hbm>> -> memref<10000xi32, #tpu.memory_space<hbm>>
    tpu.wait_dma2 semaphore(%dma_wait3A_67 : memref<!tpu.dma_semaphore, #tpu.memory_space<semaphore_mem>>) src(%dma_wait3A_68 : memref<10000xi32, #tpu.memory_space<hbm>>) dst(%arg7 : memref<10000xi32, #tpu.memory_space<vmem>>)
    %barrier3A = arith.constant 0 : index
    tpu.barrier barrier_id(%barrier3A)
    %dma_start3A_69 = arith.constant 0 : i32
    %dma_start3A_70 = arith.constant 0 : i32
    %dma_start3A_71 = arith.constant 0 : i32
    %dma_start3A_72 = arith.constant 0 : i32
    %dma_start3A_73 = tpu.memref_slice %arg8[%dma_start3A_69, %dma_start3A_71, %dma_start3A_72] : memref<6x40x128xf32, #tpu.memory_space<vmem>> -> memref<1x40x128xf32, #tpu.memory_space<vmem>>
    %dma_start3A_74 = tpu.memref_squeeze %dma_start3A_73 : memref<1x40x128xf32, #tpu.memory_space<vmem>> -> memref<40x128xf32, #tpu.memory_space<vmem>>
    %dma_start3A_75 = arith.constant 0 : i32
    %dma_start3A_76 = tpu.memref_slice %arg6[%dma_start3A_75] : memref<10000xi32, #tpu.memory_space<vmem>> -> memref<40xi32, #tpu.memory_space<vmem>>
    %dma_start3A_77 = arith.constant 0 : i32
    %dma_start3A_78 = arith.constant 0 : i32
    %dma_start3A_79 = tpu.memref_slice %arg2[%dma_start3A_77, %dma_start3A_78] : memref<10000x128xf32, #tpu.memory_space<hbm>> -> memref<10000x128xf32, #tpu.memory_space<hbm>>
    %dma_start3A_80 = tpu.memref_slice %arg9[%dma_start3A_70] : memref<6x!tpu.dma_semaphore, #tpu.memory_space<semaphore_mem>> -> memref<1x!tpu.dma_semaphore, #tpu.memory_space<semaphore_mem>>
    %dma_start3A_81 = tpu.memref_squeeze %dma_start3A_80 : memref<1x!tpu.dma_semaphore, #tpu.memory_space<semaphore_mem>> -> memref<!tpu.dma_semaphore, #tpu.memory_space<semaphore_mem>>
    tpu.enqueue_indirect_dma source(%dma_start3A_79 : memref<10000x128xf32, #tpu.memory_space<hbm>>) target(%dma_start3A_74 : memref<40x128xf32, #tpu.memory_space<vmem>>) offsets(%dma_start3A_76 : memref<40xi32, #tpu.memory_space<vmem>>) semaphore(%dma_start3A_81 : memref<!tpu.dma_semaphore, #tpu.memory_space<semaphore_mem>>)
    %dma_start3A_82 = arith.constant 1 : i32
    %dma_start3A_83 = arith.constant 1 : i32
    %dma_start3A_84 = arith.constant 0 : i32
    %dma_start3A_85 = arith.constant 0 : i32
    %dma_start3A_86 = tpu.memref_slice %arg8[%dma_start3A_82, %dma_start3A_84, %dma_start3A_85] : memref<6x40x128xf32, #tpu.memory_space<vmem>> -> memref<1x40x128xf32, #tpu.memory_space<vmem>>
    %dma_start3A_87 = tpu.memref_squeeze %dma_start3A_86 : memref<1x40x128xf32, #tpu.memory_space<vmem>> -> memref<40x128xf32, #tpu.memory_space<vmem>>
    %dma_start3A_88 = arith.constant 40 : i32
    %dma_start3A_89 = tpu.memref_slice %arg6[%dma_start3A_88] : memref<10000xi32, #tpu.memory_space<vmem>> -> memref<40xi32, #tpu.memory_space<vmem>>
    %dma_start3A_90 = arith.constant 0 : i32
    %dma_start3A_91 = arith.constant 0 : i32
    %dma_start3A_92 = tpu.memref_slice %arg2[%dma_start3A_90, %dma_start3A_91] : memref<10000x128xf32, #tpu.memory_space<hbm>> -> memref<10000x128xf32, #tpu.memory_space<hbm>>
    %dma_start3A_93 = tpu.memref_slice %arg9[%dma_start3A_83] : memref<6x!tpu.dma_semaphore, #tpu.memory_space<semaphore_mem>> -> memref<1x!tpu.dma_semaphore, #tpu.memory_space<semaphore_mem>>
    %dma_start3A_94 = tpu.memref_squeeze %dma_start3A_93 : memref<1x!tpu.dma_semaphore, #tpu.memory_space<semaphore_mem>> -> memref<!tpu.dma_semaphore, #tpu.memory_space<semaphore_mem>>
    tpu.enqueue_indirect_dma source(%dma_start3A_92 : memref<10000x128xf32, #tpu.memory_space<hbm>>) target(%dma_start3A_87 : memref<40x128xf32, #tpu.memory_space<vmem>>) offsets(%dma_start3A_89 : memref<40xi32, #tpu.memory_space<vmem>>) semaphore(%dma_start3A_94 : memref<!tpu.dma_semaphore, #tpu.memory_space<semaphore_mem>>)
    %dma_start3A_95 = arith.constant 2 : i32
    %dma_start3A_96 = arith.constant 2 : i32
    %dma_start3A_97 = arith.constant 0 : i32
    %dma_start3A_98 = arith.constant 0 : i32
    %dma_start3A_99 = tpu.memref_slice %arg8[%dma_start3A_95, %dma_start3A_97, %dma_start3A_98] : memref<6x40x128xf32, #tpu.memory_space<vmem>> -> memref<1x40x128xf32, #tpu.memory_space<vmem>>
    %dma_start3A_100 = tpu.memref_squeeze %dma_start3A_99 : memref<1x40x128xf32, #tpu.memory_space<vmem>> -> memref<40x128xf32, #tpu.memory_space<vmem>>
    %dma_start3A_101 = arith.constant 80 : i32
    %dma_start3A_102 = tpu.memref_slice %arg6[%dma_start3A_101] : memref<10000xi32, #tpu.memory_space<vmem>> -> memref<40xi32, #tpu.memory_space<vmem>>
    %dma_start3A_103 = arith.constant 0 : i32
    %dma_start3A_104 = arith.constant 0 : i32
    %dma_start3A_105 = tpu.memref_slice %arg2[%dma_start3A_103, %dma_start3A_104] : memref<10000x128xf32, #tpu.memory_space<hbm>> -> memref<10000x128xf32, #tpu.memory_space<hbm>>
    %dma_start3A_106 = tpu.memref_slice %arg9[%dma_start3A_96] : memref<6x!tpu.dma_semaphore, #tpu.memory_space<semaphore_mem>> -> memref<1x!tpu.dma_semaphore, #tpu.memory_space<semaphore_mem>>
    %dma_start3A_107 = tpu.memref_squeeze %dma_start3A_106 : memref<1x!tpu.dma_semaphore, #tpu.memory_space<semaphore_mem>> -> memref<!tpu.dma_semaphore, #tpu.memory_space<semaphore_mem>>
    tpu.enqueue_indirect_dma source(%dma_start3A_105 : memref<10000x128xf32, #tpu.memory_space<hbm>>) target(%dma_start3A_100 : memref<40x128xf32, #tpu.memory_space<vmem>>) offsets(%dma_start3A_102 : memref<40xi32, #tpu.memory_space<vmem>>) semaphore(%dma_start3A_107 : memref<!tpu.dma_semaphore, #tpu.memory_space<semaphore_mem>>)
    %dma_start3A_108 = arith.constant 3 : i32
    %dma_start3A_109 = arith.constant 3 : i32
    %dma_start3A_110 = arith.constant 0 : i32
    %dma_start3A_111 = arith.constant 0 : i32
    %dma_start3A_112 = tpu.memref_slice %arg8[%dma_start3A_108, %dma_start3A_110, %dma_start3A_111] : memref<6x40x128xf32, #tpu.memory_space<vmem>> -> memref<1x40x128xf32, #tpu.memory_space<vmem>>
    %dma_start3A_113 = tpu.memref_squeeze %dma_start3A_112 : memref<1x40x128xf32, #tpu.memory_space<vmem>> -> memref<40x128xf32, #tpu.memory_space<vmem>>
    %dma_start3A_114 = arith.constant 120 : i32
    %dma_start3A_115 = tpu.memref_slice %arg6[%dma_start3A_114] : memref<10000xi32, #tpu.memory_space<vmem>> -> memref<40xi32, #tpu.memory_space<vmem>>
    %dma_start3A_116 = arith.constant 0 : i32
    %dma_start3A_117 = arith.constant 0 : i32
    %dma_start3A_118 = tpu.memref_slice %arg2[%dma_start3A_116, %dma_start3A_117] : memref<10000x128xf32, #tpu.memory_space<hbm>> -> memref<10000x128xf32, #tpu.memory_space<hbm>>
    %dma_start3A_119 = tpu.memref_slice %arg9[%dma_start3A_109] : memref<6x!tpu.dma_semaphore, #tpu.memory_space<semaphore_mem>> -> memref<1x!tpu.dma_semaphore, #tpu.memory_space<semaphore_mem>>
    %dma_start3A_120 = tpu.memref_squeeze %dma_start3A_119 : memref<1x!tpu.dma_semaphore, #tpu.memory_space<semaphore_mem>> -> memref<!tpu.dma_semaphore, #tpu.memory_space<semaphore_mem>>
    tpu.enqueue_indirect_dma source(%dma_start3A_118 : memref<10000x128xf32, #tpu.memory_space<hbm>>) target(%dma_start3A_113 : memref<40x128xf32, #tpu.memory_space<vmem>>) offsets(%dma_start3A_115 : memref<40xi32, #tpu.memory_space<vmem>>) semaphore(%dma_start3A_120 : memref<!tpu.dma_semaphore, #tpu.memory_space<semaphore_mem>>)
    %dma_start3A_121 = arith.constant 4 : i32
    %dma_start3A_122 = arith.constant 4 : i32
    %dma_start3A_123 = arith.constant 0 : i32
    %dma_start3A_124 = arith.constant 0 : i32
    %dma_start3A_125 = tpu.memref_slice %arg8[%dma_start3A_121, %dma_start3A_123, %dma_start3A_124] : memref<6x40x128xf32, #tpu.memory_space<vmem>> -> memref<1x40x128xf32, #tpu.memory_space<vmem>>
    %dma_start3A_126 = tpu.memref_squeeze %dma_start3A_125 : memref<1x40x128xf32, #tpu.memory_space<vmem>> -> memref<40x128xf32, #tpu.memory_space<vmem>>
    %dma_start3A_127 = arith.constant 160 : i32
    %dma_start3A_128 = tpu.memref_slice %arg6[%dma_start3A_127] : memref<10000xi32, #tpu.memory_space<vmem>> -> memref<40xi32, #tpu.memory_space<vmem>>
    %dma_start3A_129 = arith.constant 0 : i32
    %dma_start3A_130 = arith.constant 0 : i32
    %dma_start3A_131 = tpu.memref_slice %arg2[%dma_start3A_129, %dma_start3A_130] : memref<10000x128xf32, #tpu.memory_space<hbm>> -> memref<10000x128xf32, #tpu.memory_space<hbm>>
    %dma_start3A_132 = tpu.memref_slice %arg9[%dma_start3A_122] : memref<6x!tpu.dma_semaphore, #tpu.memory_space<semaphore_mem>> -> memref<1x!tpu.dma_semaphore, #tpu.memory_space<semaphore_mem>>
    %dma_start3A_133 = tpu.memref_squeeze %dma_start3A_132 : memref<1x!tpu.dma_semaphore, #tpu.memory_space<semaphore_mem>> -> memref<!tpu.dma_semaphore, #tpu.memory_space<semaphore_mem>>
    tpu.enqueue_indirect_dma source(%dma_start3A_131 : memref<10000x128xf32, #tpu.memory_space<hbm>>) target(%dma_start3A_126 : memref<40x128xf32, #tpu.memory_space<vmem>>) offsets(%dma_start3A_128 : memref<40xi32, #tpu.memory_space<vmem>>) semaphore(%dma_start3A_133 : memref<!tpu.dma_semaphore, #tpu.memory_space<semaphore_mem>>)
    %dma_start3A_134 = arith.constant 5 : i32
    %dma_start3A_135 = arith.constant 5 : i32
    %dma_start3A_136 = arith.constant 0 : i32
    %dma_start3A_137 = arith.constant 0 : i32
    %dma_start3A_138 = tpu.memref_slice %arg8[%dma_start3A_134, %dma_start3A_136, %dma_start3A_137] : memref<6x40x128xf32, #tpu.memory_space<vmem>> -> memref<1x40x128xf32, #tpu.memory_space<vmem>>
    %dma_start3A_139 = tpu.memref_squeeze %dma_start3A_138 : memref<1x40x128xf32, #tpu.memory_space<vmem>> -> memref<40x128xf32, #tpu.memory_space<vmem>>
    %dma_start3A_140 = arith.constant 200 : i32
    %dma_start3A_141 = tpu.memref_slice %arg6[%dma_start3A_140] : memref<10000xi32, #tpu.memory_space<vmem>> -> memref<40xi32, #tpu.memory_space<vmem>>
    %dma_start3A_142 = arith.constant 0 : i32
    %dma_start3A_143 = arith.constant 0 : i32
    %dma_start3A_144 = tpu.memref_slice %arg2[%dma_start3A_142, %dma_start3A_143] : memref<10000x128xf32, #tpu.memory_space<hbm>> -> memref<10000x128xf32, #tpu.memory_space<hbm>>
    %dma_start3A_145 = tpu.memref_slice %arg9[%dma_start3A_135] : memref<6x!tpu.dma_semaphore, #tpu.memory_space<semaphore_mem>> -> memref<1x!tpu.dma_semaphore, #tpu.memory_space<semaphore_mem>>
    %dma_start3A_146 = tpu.memref_squeeze %dma_start3A_145 : memref<1x!tpu.dma_semaphore, #tpu.memory_space<semaphore_mem>> -> memref<!tpu.dma_semaphore, #tpu.memory_space<semaphore_mem>>
    tpu.enqueue_indirect_dma source(%dma_start3A_144 : memref<10000x128xf32, #tpu.memory_space<hbm>>) target(%dma_start3A_139 : memref<40x128xf32, #tpu.memory_space<vmem>>) offsets(%dma_start3A_141 : memref<40xi32, #tpu.memory_space<vmem>>) semaphore(%dma_start3A_146 : memref<!tpu.dma_semaphore, #tpu.memory_space<semaphore_mem>>)
    %scan3A_147 = arith.constant 0 : i32
    %scan3A_148 = arith.constant 41 : i32
    %scan3A_149 = arith.addi %scan3A_147, %scan3A_148 : i32
    %scan3A_150 = arith.constant 1 : i32
    scf.for %scan3A_314 = %scan3A_147 to %scan3A_149 step %scan3A_150  : i32 {
      %mul3A_315 = arith.constant 1 : i32
      %mul3A_316 = arith.muli %scan3A_314, %mul3A_315 : i32
      %add3A_317 = arith.constant 0 : i32
      %add3A_318 = arith.addi %add3A_317, %mul3A_316 : i32
      %mul3A_319 = arith.constant 6 : i32
      %mul3A_320 = arith.muli %add3A_318, %mul3A_319 : i32
      %add3A_321 = arith.constant 0 : i32
      %add3A_322 = arith.addi %mul3A_320, %add3A_321 : i32
      %mul3A_323 = arith.constant 40 : i32
      %mul3A_324 = arith.muli %add3A_322, %mul3A_323 : i32
      %dma_wait3A_325 = arith.constant 0 : i32
      %dma_wait3A_326 = arith.constant 0 : i32
      %dma_wait3A_327 = arith.constant 0 : i32
      %dma_wait3A_328 = arith.constant 0 : i32
      %dma_wait3A_329 = tpu.memref_slice %arg8[%dma_wait3A_325, %dma_wait3A_327, %dma_wait3A_328] : memref<6x40x128xf32, #tpu.memory_space<vmem>> -> memref<1x40x128xf32, #tpu.memory_space<vmem>>
      %dma_wait3A_330 = tpu.memref_squeeze %dma_wait3A_329 : memref<1x40x128xf32, #tpu.memory_space<vmem>> -> memref<40x128xf32, #tpu.memory_space<vmem>>
      %dma_wait3A_331 = tpu.memref_slice %arg6[%mul3A_324] : memref<10000xi32, #tpu.memory_space<vmem>> -> memref<40xi32, #tpu.memory_space<vmem>>
      %dma_wait3A_332 = arith.constant 0 : i32
      %dma_wait3A_333 = arith.constant 0 : i32
      %dma_wait3A_334 = tpu.memref_slice %arg2[%dma_wait3A_332, %dma_wait3A_333] : memref<10000x128xf32, #tpu.memory_space<hbm>> -> memref<10000x128xf32, #tpu.memory_space<hbm>>
      %dma_wait3A_335 = tpu.memref_slice %arg9[%dma_wait3A_326] : memref<6x!tpu.dma_semaphore, #tpu.memory_space<semaphore_mem>> -> memref<1x!tpu.dma_semaphore, #tpu.memory_space<semaphore_mem>>
      %dma_wait3A_336 = tpu.memref_squeeze %dma_wait3A_335 : memref<1x!tpu.dma_semaphore, #tpu.memory_space<semaphore_mem>> -> memref<!tpu.dma_semaphore, #tpu.memory_space<semaphore_mem>>
      tpu.wait_indirect_dma semaphore(%dma_wait3A_336 : memref<!tpu.dma_semaphore, #tpu.memory_space<semaphore_mem>>) src(%dma_wait3A_334 : memref<10000x128xf32, #tpu.memory_space<hbm>>) dst(%dma_wait3A_330 : memref<40x128xf32, #tpu.memory_space<vmem>>)
      %mul3A_337 = arith.constant 40 : i32
      %mul3A_338 = arith.muli %add3A_322, %mul3A_337 : i32
      %dma_start3A_339 = arith.constant 0 : i32
      %dma_start3A_340 = arith.constant 0 : i32
      %dma_start3A_341 = arith.constant 0 : i32
      %dma_start3A_342 = arith.constant 0 : i32
      %dma_start3A_343 = tpu.memref_slice %arg8[%dma_start3A_339, %dma_start3A_341, %dma_start3A_342] : memref<6x40x128xf32, #tpu.memory_space<vmem>> -> memref<1x40x128xf32, #tpu.memory_space<vmem>>
      %dma_start3A_344 = tpu.memref_squeeze %dma_start3A_343 : memref<1x40x128xf32, #tpu.memory_space<vmem>> -> memref<40x128xf32, #tpu.memory_space<vmem>>
      %dma_start3A_345 = tpu.memref_slice %arg7[%mul3A_338] : memref<10000xi32, #tpu.memory_space<vmem>> -> memref<40xi32, #tpu.memory_space<vmem>>
      %dma_start3A_346 = arith.constant 0 : i32
      %dma_start3A_347 = arith.constant 0 : i32
      %dma_start3A_348 = tpu.memref_slice %arg5[%dma_start3A_346, %dma_start3A_347] : memref<10000x128xf32, #tpu.memory_space<vmem_shared>> -> memref<10000x128xf32, #tpu.memory_space<vmem_shared>>
      %dma_start3A_349 = tpu.memref_slice %arg10[%dma_start3A_340] : memref<6x!tpu.dma_semaphore, #tpu.memory_space<semaphore_mem>> -> memref<1x!tpu.dma_semaphore, #tpu.memory_space<semaphore_mem>>
      %dma_start3A_350 = tpu.memref_squeeze %dma_start3A_349 : memref<1x!tpu.dma_semaphore, #tpu.memory_space<semaphore_mem>> -> memref<!tpu.dma_semaphore, #tpu.memory_space<semaphore_mem>>
      tpu.enqueue_indirect_dma source(%dma_start3A_344 : memref<40x128xf32, #tpu.memory_space<vmem>>) target(%dma_start3A_348 : memref<10000x128xf32, #tpu.memory_space<vmem_shared>>) offsets(%dma_start3A_345 : memref<40xi32, #tpu.memory_space<vmem>>) semaphore(%dma_start3A_350 : memref<!tpu.dma_semaphore, #tpu.memory_space<semaphore_mem>>) {add = true}
      %add3A_351 = arith.constant 1 : i32
      %add3A_352 = arith.addi %mul3A_320, %add3A_351 : i32
      %mul3A_353 = arith.constant 40 : i32
      %mul3A_354 = arith.muli %add3A_352, %mul3A_353 : i32
      %dma_wait3A_355 = arith.constant 1 : i32
      %dma_wait3A_356 = arith.constant 1 : i32
      %dma_wait3A_357 = arith.constant 0 : i32
      %dma_wait3A_358 = arith.constant 0 : i32
      %dma_wait3A_359 = tpu.memref_slice %arg8[%dma_wait3A_355, %dma_wait3A_357, %dma_wait3A_358] : memref<6x40x128xf32, #tpu.memory_space<vmem>> -> memref<1x40x128xf32, #tpu.memory_space<vmem>>
      %dma_wait3A_360 = tpu.memref_squeeze %dma_wait3A_359 : memref<1x40x128xf32, #tpu.memory_space<vmem>> -> memref<40x128xf32, #tpu.memory_space<vmem>>
      %dma_wait3A_361 = tpu.memref_slice %arg6[%mul3A_354] : memref<10000xi32, #tpu.memory_space<vmem>> -> memref<40xi32, #tpu.memory_space<vmem>>
      %dma_wait3A_362 = arith.constant 0 : i32
      %dma_wait3A_363 = arith.constant 0 : i32
      %dma_wait3A_364 = tpu.memref_slice %arg2[%dma_wait3A_362, %dma_wait3A_363] : memref<10000x128xf32, #tpu.memory_space<hbm>> -> memref<10000x128xf32, #tpu.memory_space<hbm>>
      %dma_wait3A_365 = tpu.memref_slice %arg9[%dma_wait3A_356] : memref<6x!tpu.dma_semaphore, #tpu.memory_space<semaphore_mem>> -> memref<1x!tpu.dma_semaphore, #tpu.memory_space<semaphore_mem>>
      %dma_wait3A_366 = tpu.memref_squeeze %dma_wait3A_365 : memref<1x!tpu.dma_semaphore, #tpu.memory_space<semaphore_mem>> -> memref<!tpu.dma_semaphore, #tpu.memory_space<semaphore_mem>>
      tpu.wait_indirect_dma semaphore(%dma_wait3A_366 : memref<!tpu.dma_semaphore, #tpu.memory_space<semaphore_mem>>) src(%dma_wait3A_364 : memref<10000x128xf32, #tpu.memory_space<hbm>>) dst(%dma_wait3A_360 : memref<40x128xf32, #tpu.memory_space<vmem>>)
      %mul3A_367 = arith.constant 40 : i32
      %mul3A_368 = arith.muli %add3A_352, %mul3A_367 : i32
      %dma_start3A_369 = arith.constant 1 : i32
      %dma_start3A_370 = arith.constant 1 : i32
      %dma_start3A_371 = arith.constant 0 : i32
      %dma_start3A_372 = arith.constant 0 : i32
      %dma_start3A_373 = tpu.memref_slice %arg8[%dma_start3A_369, %dma_start3A_371, %dma_start3A_372] : memref<6x40x128xf32, #tpu.memory_space<vmem>> -> memref<1x40x128xf32, #tpu.memory_space<vmem>>
      %dma_start3A_374 = tpu.memref_squeeze %dma_start3A_373 : memref<1x40x128xf32, #tpu.memory_space<vmem>> -> memref<40x128xf32, #tpu.memory_space<vmem>>
      %dma_start3A_375 = tpu.memref_slice %arg7[%mul3A_368] : memref<10000xi32, #tpu.memory_space<vmem>> -> memref<40xi32, #tpu.memory_space<vmem>>
      %dma_start3A_376 = arith.constant 0 : i32
      %dma_start3A_377 = arith.constant 0 : i32
      %dma_start3A_378 = tpu.memref_slice %arg5[%dma_start3A_376, %dma_start3A_377] : memref<10000x128xf32, #tpu.memory_space<vmem_shared>> -> memref<10000x128xf32, #tpu.memory_space<vmem_shared>>
      %dma_start3A_379 = tpu.memref_slice %arg10[%dma_start3A_370] : memref<6x!tpu.dma_semaphore, #tpu.memory_space<semaphore_mem>> -> memref<1x!tpu.dma_semaphore, #tpu.memory_space<semaphore_mem>>
      %dma_start3A_380 = tpu.memref_squeeze %dma_start3A_379 : memref<1x!tpu.dma_semaphore, #tpu.memory_space<semaphore_mem>> -> memref<!tpu.dma_semaphore, #tpu.memory_space<semaphore_mem>>
      tpu.enqueue_indirect_dma source(%dma_start3A_374 : memref<40x128xf32, #tpu.memory_space<vmem>>) target(%dma_start3A_378 : memref<10000x128xf32, #tpu.memory_space<vmem_shared>>) offsets(%dma_start3A_375 : memref<40xi32, #tpu.memory_space<vmem>>) semaphore(%dma_start3A_380 : memref<!tpu.dma_semaphore, #tpu.memory_space<semaphore_mem>>) {add = true}
      %add3A_381 = arith.constant 2 : i32
      %add3A_382 = arith.addi %mul3A_320, %add3A_381 : i32
      %mul3A_383 = arith.constant 40 : i32
      %mul3A_384 = arith.muli %add3A_382, %mul3A_383 : i32
      %dma_wait3A_385 = arith.constant 2 : i32
      %dma_wait3A_386 = arith.constant 2 : i32
      %dma_wait3A_387 = arith.constant 0 : i32
      %dma_wait3A_388 = arith.constant 0 : i32
      %dma_wait3A_389 = tpu.memref_slice %arg8[%dma_wait3A_385, %dma_wait3A_387, %dma_wait3A_388] : memref<6x40x128xf32, #tpu.memory_space<vmem>> -> memref<1x40x128xf32, #tpu.memory_space<vmem>>
      %dma_wait3A_390 = tpu.memref_squeeze %dma_wait3A_389 : memref<1x40x128xf32, #tpu.memory_space<vmem>> -> memref<40x128xf32, #tpu.memory_space<vmem>>
      %dma_wait3A_391 = tpu.memref_slice %arg6[%mul3A_384] : memref<10000xi32, #tpu.memory_space<vmem>> -> memref<40xi32, #tpu.memory_space<vmem>>
      %dma_wait3A_392 = arith.constant 0 : i32
      %dma_wait3A_393 = arith.constant 0 : i32
      %dma_wait3A_394 = tpu.memref_slice %arg2[%dma_wait3A_392, %dma_wait3A_393] : memref<10000x128xf32, #tpu.memory_space<hbm>> -> memref<10000x128xf32, #tpu.memory_space<hbm>>
      %dma_wait3A_395 = tpu.memref_slice %arg9[%dma_wait3A_386] : memref<6x!tpu.dma_semaphore, #tpu.memory_space<semaphore_mem>> -> memref<1x!tpu.dma_semaphore, #tpu.memory_space<semaphore_mem>>
      %dma_wait3A_396 = tpu.memref_squeeze %dma_wait3A_395 : memref<1x!tpu.dma_semaphore, #tpu.memory_space<semaphore_mem>> -> memref<!tpu.dma_semaphore, #tpu.memory_space<semaphore_mem>>
      tpu.wait_indirect_dma semaphore(%dma_wait3A_396 : memref<!tpu.dma_semaphore, #tpu.memory_space<semaphore_mem>>) src(%dma_wait3A_394 : memref<10000x128xf32, #tpu.memory_space<hbm>>) dst(%dma_wait3A_390 : memref<40x128xf32, #tpu.memory_space<vmem>>)
      %mul3A_397 = arith.constant 40 : i32
      %mul3A_398 = arith.muli %add3A_382, %mul3A_397 : i32
      %dma_start3A_399 = arith.constant 2 : i32
      %dma_start3A_400 = arith.constant 2 : i32
      %dma_start3A_401 = arith.constant 0 : i32
      %dma_start3A_402 = arith.constant 0 : i32
      %dma_start3A_403 = tpu.memref_slice %arg8[%dma_start3A_399, %dma_start3A_401, %dma_start3A_402] : memref<6x40x128xf32, #tpu.memory_space<vmem>> -> memref<1x40x128xf32, #tpu.memory_space<vmem>>
      %dma_start3A_404 = tpu.memref_squeeze %dma_start3A_403 : memref<1x40x128xf32, #tpu.memory_space<vmem>> -> memref<40x128xf32, #tpu.memory_space<vmem>>
      %dma_start3A_405 = tpu.memref_slice %arg7[%mul3A_398] : memref<10000xi32, #tpu.memory_space<vmem>> -> memref<40xi32, #tpu.memory_space<vmem>>
      %dma_start3A_406 = arith.constant 0 : i32
      %dma_start3A_407 = arith.constant 0 : i32
      %dma_start3A_408 = tpu.memref_slice %arg5[%dma_start3A_406, %dma_start3A_407] : memref<10000x128xf32, #tpu.memory_space<vmem_shared>> -> memref<10000x128xf32, #tpu.memory_space<vmem_shared>>
      %dma_start3A_409 = tpu.memref_slice %arg10[%dma_start3A_400] : memref<6x!tpu.dma_semaphore, #tpu.memory_space<semaphore_mem>> -> memref<1x!tpu.dma_semaphore, #tpu.memory_space<semaphore_mem>>
      %dma_start3A_410 = tpu.memref_squeeze %dma_start3A_409 : memref<1x!tpu.dma_semaphore, #tpu.memory_space<semaphore_mem>> -> memref<!tpu.dma_semaphore, #tpu.memory_space<semaphore_mem>>
      tpu.enqueue_indirect_dma source(%dma_start3A_404 : memref<40x128xf32, #tpu.memory_space<vmem>>) target(%dma_start3A_408 : memref<10000x128xf32, #tpu.memory_space<vmem_shared>>) offsets(%dma_start3A_405 : memref<40xi32, #tpu.memory_space<vmem>>) semaphore(%dma_start3A_410 : memref<!tpu.dma_semaphore, #tpu.memory_space<semaphore_mem>>) {add = true}
      %add3A_411 = arith.constant 3 : i32
      %add3A_412 = arith.addi %mul3A_320, %add3A_411 : i32
      %mul3A_413 = arith.constant 40 : i32
      %mul3A_414 = arith.muli %add3A_412, %mul3A_413 : i32
      %dma_wait3A_415 = arith.constant 3 : i32
      %dma_wait3A_416 = arith.constant 3 : i32
      %dma_wait3A_417 = arith.constant 0 : i32
      %dma_wait3A_418 = arith.constant 0 : i32
      %dma_wait3A_419 = tpu.memref_slice %arg8[%dma_wait3A_415, %dma_wait3A_417, %dma_wait3A_418] : memref<6x40x128xf32, #tpu.memory_space<vmem>> -> memref<1x40x128xf32, #tpu.memory_space<vmem>>
      %dma_wait3A_420 = tpu.memref_squeeze %dma_wait3A_419 : memref<1x40x128xf32, #tpu.memory_space<vmem>> -> memref<40x128xf32, #tpu.memory_space<vmem>>
      %dma_wait3A_421 = tpu.memref_slice %arg6[%mul3A_414] : memref<10000xi32, #tpu.memory_space<vmem>> -> memref<40xi32, #tpu.memory_space<vmem>>
      %dma_wait3A_422 = arith.constant 0 : i32
      %dma_wait3A_423 = arith.constant 0 : i32
      %dma_wait3A_424 = tpu.memref_slice %arg2[%dma_wait3A_422, %dma_wait3A_423] : memref<10000x128xf32, #tpu.memory_space<hbm>> -> memref<10000x128xf32, #tpu.memory_space<hbm>>
      %dma_wait3A_425 = tpu.memref_slice %arg9[%dma_wait3A_416] : memref<6x!tpu.dma_semaphore, #tpu.memory_space<semaphore_mem>> -> memref<1x!tpu.dma_semaphore, #tpu.memory_space<semaphore_mem>>
      %dma_wait3A_426 = tpu.memref_squeeze %dma_wait3A_425 : memref<1x!tpu.dma_semaphore, #tpu.memory_space<semaphore_mem>> -> memref<!tpu.dma_semaphore, #tpu.memory_space<semaphore_mem>>
      tpu.wait_indirect_dma semaphore(%dma_wait3A_426 : memref<!tpu.dma_semaphore, #tpu.memory_space<semaphore_mem>>) src(%dma_wait3A_424 : memref<10000x128xf32, #tpu.memory_space<hbm>>) dst(%dma_wait3A_420 : memref<40x128xf32, #tpu.memory_space<vmem>>)
      %mul3A_427 = arith.constant 40 : i32
      %mul3A_428 = arith.muli %add3A_412, %mul3A_427 : i32
      %dma_start3A_429 = arith.constant 3 : i32
      %dma_start3A_430 = arith.constant 3 : i32
      %dma_start3A_431 = arith.constant 0 : i32
      %dma_start3A_432 = arith.constant 0 : i32
      %dma_start3A_433 = tpu.memref_slice %arg8[%dma_start3A_429, %dma_start3A_431, %dma_start3A_432] : memref<6x40x128xf32, #tpu.memory_space<vmem>> -> memref<1x40x128xf32, #tpu.memory_space<vmem>>
      %dma_start3A_434 = tpu.memref_squeeze %dma_start3A_433 : memref<1x40x128xf32, #tpu.memory_space<vmem>> -> memref<40x128xf32, #tpu.memory_space<vmem>>
      %dma_start3A_435 = tpu.memref_slice %arg7[%mul3A_428] : memref<10000xi32, #tpu.memory_space<vmem>> -> memref<40xi32, #tpu.memory_space<vmem>>
      %dma_start3A_436 = arith.constant 0 : i32
      %dma_start3A_437 = arith.constant 0 : i32
      %dma_start3A_438 = tpu.memref_slice %arg5[%dma_start3A_436, %dma_start3A_437] : memref<10000x128xf32, #tpu.memory_space<vmem_shared>> -> memref<10000x128xf32, #tpu.memory_space<vmem_shared>>
      %dma_start3A_439 = tpu.memref_slice %arg10[%dma_start3A_430] : memref<6x!tpu.dma_semaphore, #tpu.memory_space<semaphore_mem>> -> memref<1x!tpu.dma_semaphore, #tpu.memory_space<semaphore_mem>>
      %dma_start3A_440 = tpu.memref_squeeze %dma_start3A_439 : memref<1x!tpu.dma_semaphore, #tpu.memory_space<semaphore_mem>> -> memref<!tpu.dma_semaphore, #tpu.memory_space<semaphore_mem>>
      tpu.enqueue_indirect_dma source(%dma_start3A_434 : memref<40x128xf32, #tpu.memory_space<vmem>>) target(%dma_start3A_438 : memref<10000x128xf32, #tpu.memory_space<vmem_shared>>) offsets(%dma_start3A_435 : memref<40xi32, #tpu.memory_space<vmem>>) semaphore(%dma_start3A_440 : memref<!tpu.dma_semaphore, #tpu.memory_space<semaphore_mem>>) {add = true}
      %add3A_441 = arith.constant 4 : i32
      %add3A_442 = arith.addi %mul3A_320, %add3A_441 : i32
      %mul3A_443 = arith.constant 40 : i32
      %mul3A_444 = arith.muli %add3A_442, %mul3A_443 : i32
      %dma_wait3A_445 = arith.constant 4 : i32
      %dma_wait3A_446 = arith.constant 4 : i32
      %dma_wait3A_447 = arith.constant 0 : i32
      %dma_wait3A_448 = arith.constant 0 : i32
      %dma_wait3A_449 = tpu.memref_slice %arg8[%dma_wait3A_445, %dma_wait3A_447, %dma_wait3A_448] : memref<6x40x128xf32, #tpu.memory_space<vmem>> -> memref<1x40x128xf32, #tpu.memory_space<vmem>>
      %dma_wait3A_450 = tpu.memref_squeeze %dma_wait3A_449 : memref<1x40x128xf32, #tpu.memory_space<vmem>> -> memref<40x128xf32, #tpu.memory_space<vmem>>
      %dma_wait3A_451 = tpu.memref_slice %arg6[%mul3A_444] : memref<10000xi32, #tpu.memory_space<vmem>> -> memref<40xi32, #tpu.memory_space<vmem>>
      %dma_wait3A_452 = arith.constant 0 : i32
      %dma_wait3A_453 = arith.constant 0 : i32
      %dma_wait3A_454 = tpu.memref_slice %arg2[%dma_wait3A_452, %dma_wait3A_453] : memref<10000x128xf32, #tpu.memory_space<hbm>> -> memref<10000x128xf32, #tpu.memory_space<hbm>>
      %dma_wait3A_455 = tpu.memref_slice %arg9[%dma_wait3A_446] : memref<6x!tpu.dma_semaphore, #tpu.memory_space<semaphore_mem>> -> memref<1x!tpu.dma_semaphore, #tpu.memory_space<semaphore_mem>>
      %dma_wait3A_456 = tpu.memref_squeeze %dma_wait3A_455 : memref<1x!tpu.dma_semaphore, #tpu.memory_space<semaphore_mem>> -> memref<!tpu.dma_semaphore, #tpu.memory_space<semaphore_mem>>
      tpu.wait_indirect_dma semaphore(%dma_wait3A_456 : memref<!tpu.dma_semaphore, #tpu.memory_space<semaphore_mem>>) src(%dma_wait3A_454 : memref<10000x128xf32, #tpu.memory_space<hbm>>) dst(%dma_wait3A_450 : memref<40x128xf32, #tpu.memory_space<vmem>>)
      %mul3A_457 = arith.constant 40 : i32
      %mul3A_458 = arith.muli %add3A_442, %mul3A_457 : i32
      %dma_start3A_459 = arith.constant 4 : i32
      %dma_start3A_460 = arith.constant 4 : i32
      %dma_start3A_461 = arith.constant 0 : i32
      %dma_start3A_462 = arith.constant 0 : i32
      %dma_start3A_463 = tpu.memref_slice %arg8[%dma_start3A_459, %dma_start3A_461, %dma_start3A_462] : memref<6x40x128xf32, #tpu.memory_space<vmem>> -> memref<1x40x128xf32, #tpu.memory_space<vmem>>
      %dma_start3A_464 = tpu.memref_squeeze %dma_start3A_463 : memref<1x40x128xf32, #tpu.memory_space<vmem>> -> memref<40x128xf32, #tpu.memory_space<vmem>>
      %dma_start3A_465 = tpu.memref_slice %arg7[%mul3A_458] : memref<10000xi32, #tpu.memory_space<vmem>> -> memref<40xi32, #tpu.memory_space<vmem>>
      %dma_start3A_466 = arith.constant 0 : i32
      %dma_start3A_467 = arith.constant 0 : i32
      %dma_start3A_468 = tpu.memref_slice %arg5[%dma_start3A_466, %dma_start3A_467] : memref<10000x128xf32, #tpu.memory_space<vmem_shared>> -> memref<10000x128xf32, #tpu.memory_space<vmem_shared>>
      %dma_start3A_469 = tpu.memref_slice %arg10[%dma_start3A_460] : memref<6x!tpu.dma_semaphore, #tpu.memory_space<semaphore_mem>> -> memref<1x!tpu.dma_semaphore, #tpu.memory_space<semaphore_mem>>
      %dma_start3A_470 = tpu.memref_squeeze %dma_start3A_469 : memref<1x!tpu.dma_semaphore, #tpu.memory_space<semaphore_mem>> -> memref<!tpu.dma_semaphore, #tpu.memory_space<semaphore_mem>>
      tpu.enqueue_indirect_dma source(%dma_start3A_464 : memref<40x128xf32, #tpu.memory_space<vmem>>) target(%dma_start3A_468 : memref<10000x128xf32, #tpu.memory_space<vmem_shared>>) offsets(%dma_start3A_465 : memref<40xi32, #tpu.memory_space<vmem>>) semaphore(%dma_start3A_470 : memref<!tpu.dma_semaphore, #tpu.memory_space<semaphore_mem>>) {add = true}
      %add3A_471 = arith.constant 5 : i32
      %add3A_472 = arith.addi %mul3A_320, %add3A_471 : i32
      %mul3A_473 = arith.constant 40 : i32
      %mul3A_474 = arith.muli %add3A_472, %mul3A_473 : i32
      %dma_wait3A_475 = arith.constant 5 : i32
      %dma_wait3A_476 = arith.constant 5 : i32
      %dma_wait3A_477 = arith.constant 0 : i32
      %dma_wait3A_478 = arith.constant 0 : i32
      %dma_wait3A_479 = tpu.memref_slice %arg8[%dma_wait3A_475, %dma_wait3A_477, %dma_wait3A_478] : memref<6x40x128xf32, #tpu.memory_space<vmem>> -> memref<1x40x128xf32, #tpu.memory_space<vmem>>
      %dma_wait3A_480 = tpu.memref_squeeze %dma_wait3A_479 : memref<1x40x128xf32, #tpu.memory_space<vmem>> -> memref<40x128xf32, #tpu.memory_space<vmem>>
      %dma_wait3A_481 = tpu.memref_slice %arg6[%mul3A_474] : memref<10000xi32, #tpu.memory_space<vmem>> -> memref<40xi32, #tpu.memory_space<vmem>>
      %dma_wait3A_482 = arith.constant 0 : i32
      %dma_wait3A_483 = arith.constant 0 : i32
      %dma_wait3A_484 = tpu.memref_slice %arg2[%dma_wait3A_482, %dma_wait3A_483] : memref<10000x128xf32, #tpu.memory_space<hbm>> -> memref<10000x128xf32, #tpu.memory_space<hbm>>
      %dma_wait3A_485 = tpu.memref_slice %arg9[%dma_wait3A_476] : memref<6x!tpu.dma_semaphore, #tpu.memory_space<semaphore_mem>> -> memref<1x!tpu.dma_semaphore, #tpu.memory_space<semaphore_mem>>
      %dma_wait3A_486 = tpu.memref_squeeze %dma_wait3A_485 : memref<1x!tpu.dma_semaphore, #tpu.memory_space<semaphore_mem>> -> memref<!tpu.dma_semaphore, #tpu.memory_space<semaphore_mem>>
      tpu.wait_indirect_dma semaphore(%dma_wait3A_486 : memref<!tpu.dma_semaphore, #tpu.memory_space<semaphore_mem>>) src(%dma_wait3A_484 : memref<10000x128xf32, #tpu.memory_space<hbm>>) dst(%dma_wait3A_480 : memref<40x128xf32, #tpu.memory_space<vmem>>)
      %mul3A_487 = arith.constant 40 : i32
      %mul3A_488 = arith.muli %add3A_472, %mul3A_487 : i32
      %dma_start3A_489 = arith.constant 5 : i32
      %dma_start3A_490 = arith.constant 5 : i32
      %dma_start3A_491 = arith.constant 0 : i32
      %dma_start3A_492 = arith.constant 0 : i32
      %dma_start3A_493 = tpu.memref_slice %arg8[%dma_start3A_489, %dma_start3A_491, %dma_start3A_492] : memref<6x40x128xf32, #tpu.memory_space<vmem>> -> memref<1x40x128xf32, #tpu.memory_space<vmem>>
      %dma_start3A_494 = tpu.memref_squeeze %dma_start3A_493 : memref<1x40x128xf32, #tpu.memory_space<vmem>> -> memref<40x128xf32, #tpu.memory_space<vmem>>
      %dma_start3A_495 = tpu.memref_slice %arg7[%mul3A_488] : memref<10000xi32, #tpu.memory_space<vmem>> -> memref<40xi32, #tpu.memory_space<vmem>>
      %dma_start3A_496 = arith.constant 0 : i32
      %dma_start3A_497 = arith.constant 0 : i32
      %dma_start3A_498 = tpu.memref_slice %arg5[%dma_start3A_496, %dma_start3A_497] : memref<10000x128xf32, #tpu.memory_space<vmem_shared>> -> memref<10000x128xf32, #tpu.memory_space<vmem_shared>>
      %dma_start3A_499 = tpu.memref_slice %arg10[%dma_start3A_490] : memref<6x!tpu.dma_semaphore, #tpu.memory_space<semaphore_mem>> -> memref<1x!tpu.dma_semaphore, #tpu.memory_space<semaphore_mem>>
      %dma_start3A_500 = tpu.memref_squeeze %dma_start3A_499 : memref<1x!tpu.dma_semaphore, #tpu.memory_space<semaphore_mem>> -> memref<!tpu.dma_semaphore, #tpu.memory_space<semaphore_mem>>
      tpu.enqueue_indirect_dma source(%dma_start3A_494 : memref<40x128xf32, #tpu.memory_space<vmem>>) target(%dma_start3A_498 : memref<10000x128xf32, #tpu.memory_space<vmem_shared>>) offsets(%dma_start3A_495 : memref<40xi32, #tpu.memory_space<vmem>>) semaphore(%dma_start3A_500 : memref<!tpu.dma_semaphore, #tpu.memory_space<semaphore_mem>>) {add = true}
      %add3A_501 = arith.constant 0 : i32
      %add3A_502 = arith.addi %mul3A_320, %add3A_501 : i32
      %mul3A_503 = arith.constant 40 : i32
      %mul3A_504 = arith.muli %add3A_502, %mul3A_503 : i32
      %dma_wait3A_505 = arith.constant 0 : i32
      %dma_wait3A_506 = arith.constant 0 : i32
      %dma_wait3A_507 = arith.constant 0 : i32
      %dma_wait3A_508 = arith.constant 0 : i32
      %dma_wait3A_509 = tpu.memref_slice %arg8[%dma_wait3A_505, %dma_wait3A_507, %dma_wait3A_508] : memref<6x40x128xf32, #tpu.memory_space<vmem>> -> memref<1x40x128xf32, #tpu.memory_space<vmem>>
      %dma_wait3A_510 = tpu.memref_squeeze %dma_wait3A_509 : memref<1x40x128xf32, #tpu.memory_space<vmem>> -> memref<40x128xf32, #tpu.memory_space<vmem>>
      %dma_wait3A_511 = tpu.memref_slice %arg7[%mul3A_504] : memref<10000xi32, #tpu.memory_space<vmem>> -> memref<40xi32, #tpu.memory_space<vmem>>
      %dma_wait3A_512 = arith.constant 0 : i32
      %dma_wait3A_513 = arith.constant 0 : i32
      %dma_wait3A_514 = tpu.memref_slice %arg5[%dma_wait3A_512, %dma_wait3A_513] : memref<10000x128xf32, #tpu.memory_space<vmem_shared>> -> memref<10000x128xf32, #tpu.memory_space<vmem_shared>>
      %dma_wait3A_515 = tpu.memref_slice %arg10[%dma_wait3A_506] : memref<6x!tpu.dma_semaphore, #tpu.memory_space<semaphore_mem>> -> memref<1x!tpu.dma_semaphore, #tpu.memory_space<semaphore_mem>>
      %dma_wait3A_516 = tpu.memref_squeeze %dma_wait3A_515 : memref<1x!tpu.dma_semaphore, #tpu.memory_space<semaphore_mem>> -> memref<!tpu.dma_semaphore, #tpu.memory_space<semaphore_mem>>
      tpu.wait_indirect_dma semaphore(%dma_wait3A_516 : memref<!tpu.dma_semaphore, #tpu.memory_space<semaphore_mem>>) src(%dma_wait3A_510 : memref<40x128xf32, #tpu.memory_space<vmem>>) dst(%dma_wait3A_514 : memref<10000x128xf32, #tpu.memory_space<vmem_shared>>)
      %add3A_517 = arith.constant 6 : i32
      %add3A_518 = arith.addi %add3A_502, %add3A_517 : i32
      %lt3A = arith.constant 250 : i32
      %lt3A_519 = arith.cmpi slt, %add3A_518, %lt3A : i32
      %convert_element_type3A_520 = arith.extui %lt3A_519 : i1 to i32
      %cond3A_521 = arith.constant 0 : i32
      %cond3A_522 = arith.cmpi ne, %convert_element_type3A_520, %cond3A_521 : i32
      scf.if %cond3A_522 {
        %add3A_638 = arith.constant 6 : i32
        %add3A_639 = arith.addi %add3A_502, %add3A_638 : i32
        %mul3A_640 = arith.constant 40 : i32
        %mul3A_641 = arith.muli %add3A_639, %mul3A_640 : i32
        %dma_start3A_642 = arith.constant 0 : i32
        %dma_start3A_643 = arith.constant 0 : i32
        %dma_start3A_644 = arith.constant 0 : i32
        %dma_start3A_645 = arith.constant 0 : i32
        %dma_start3A_646 = tpu.memref_slice %arg8[%dma_start3A_642, %dma_start3A_644, %dma_start3A_645] : memref<6x40x128xf32, #tpu.memory_space<vmem>> -> memref<1x40x128xf32, #tpu.memory_space<vmem>>
        %dma_start3A_647 = tpu.memref_squeeze %dma_start3A_646 : memref<1x40x128xf32, #tpu.memory_space<vmem>> -> memref<40x128xf32, #tpu.memory_space<vmem>>
        %dma_start3A_648 = tpu.memref_slice %arg6[%mul3A_641] : memref<10000xi32, #tpu.memory_space<vmem>> -> memref<40xi32, #tpu.memory_space<vmem>>
        %dma_start3A_649 = arith.constant 0 : i32
        %dma_start3A_650 = arith.constant 0 : i32
        %dma_start3A_651 = tpu.memref_slice %arg2[%dma_start3A_649, %dma_start3A_650] : memref<10000x128xf32, #tpu.memory_space<hbm>> -> memref<10000x128xf32, #tpu.memory_space<hbm>>
        %dma_start3A_652 = tpu.memref_slice %arg9[%dma_start3A_643] : memref<6x!tpu.dma_semaphore, #tpu.memory_space<semaphore_mem>> -> memref<1x!tpu.dma_semaphore, #tpu.memory_space<semaphore_mem>>
        %dma_start3A_653 = tpu.memref_squeeze %dma_start3A_652 : memref<1x!tpu.dma_semaphore, #tpu.memory_space<semaphore_mem>> -> memref<!tpu.dma_semaphore, #tpu.memory_space<semaphore_mem>>
        tpu.enqueue_indirect_dma source(%dma_start3A_651 : memref<10000x128xf32, #tpu.memory_space<hbm>>) target(%dma_start3A_647 : memref<40x128xf32, #tpu.memory_space<vmem>>) offsets(%dma_start3A_648 : memref<40xi32, #tpu.memory_space<vmem>>) semaphore(%dma_start3A_653 : memref<!tpu.dma_semaphore, #tpu.memory_space<semaphore_mem>>)
      } else {
      }
      %add3A_523 = arith.constant 1 : i32
      %add3A_524 = arith.addi %mul3A_320, %add3A_523 : i32
      %mul3A_525 = arith.constant 40 : i32
      %mul3A_526 = arith.muli %add3A_524, %mul3A_525 : i32
      %dma_wait3A_527 = arith.constant 1 : i32
      %dma_wait3A_528 = arith.constant 1 : i32
      %dma_wait3A_529 = arith.constant 0 : i32
      %dma_wait3A_530 = arith.constant 0 : i32
      %dma_wait3A_531 = tpu.memref_slice %arg8[%dma_wait3A_527, %dma_wait3A_529, %dma_wait3A_530] : memref<6x40x128xf32, #tpu.memory_space<vmem>> -> memref<1x40x128xf32, #tpu.memory_space<vmem>>
      %dma_wait3A_532 = tpu.memref_squeeze %dma_wait3A_531 : memref<1x40x128xf32, #tpu.memory_space<vmem>> -> memref<40x128xf32, #tpu.memory_space<vmem>>
      %dma_wait3A_533 = tpu.memref_slice %arg7[%mul3A_526] : memref<10000xi32, #tpu.memory_space<vmem>> -> memref<40xi32, #tpu.memory_space<vmem>>
      %dma_wait3A_534 = arith.constant 0 : i32
      %dma_wait3A_535 = arith.constant 0 : i32
      %dma_wait3A_536 = tpu.memref_slice %arg5[%dma_wait3A_534, %dma_wait3A_535] : memref<10000x128xf32, #tpu.memory_space<vmem_shared>> -> memref<10000x128xf32, #tpu.memory_space<vmem_shared>>
      %dma_wait3A_537 = tpu.memref_slice %arg10[%dma_wait3A_528] : memref<6x!tpu.dma_semaphore, #tpu.memory_space<semaphore_mem>> -> memref<1x!tpu.dma_semaphore, #tpu.memory_space<semaphore_mem>>
      %dma_wait3A_538 = tpu.memref_squeeze %dma_wait3A_537 : memref<1x!tpu.dma_semaphore, #tpu.memory_space<semaphore_mem>> -> memref<!tpu.dma_semaphore, #tpu.memory_space<semaphore_mem>>
      tpu.wait_indirect_dma semaphore(%dma_wait3A_538 : memref<!tpu.dma_semaphore, #tpu.memory_space<semaphore_mem>>) src(%dma_wait3A_532 : memref<40x128xf32, #tpu.memory_space<vmem>>) dst(%dma_wait3A_536 : memref<10000x128xf32, #tpu.memory_space<vmem_shared>>)
      %add3A_539 = arith.constant 6 : i32
      %add3A_540 = arith.addi %add3A_524, %add3A_539 : i32
      %lt3A_541 = arith.constant 250 : i32
      %lt3A_542 = arith.cmpi slt, %add3A_540, %lt3A_541 : i32
      %convert_element_type3A_543 = arith.extui %lt3A_542 : i1 to i32
      %cond3A_544 = arith.constant 0 : i32
      %cond3A_545 = arith.cmpi ne, %convert_element_type3A_543, %cond3A_544 : i32
      scf.if %cond3A_545 {
        %add3A_638 = arith.constant 6 : i32
        %add3A_639 = arith.addi %add3A_524, %add3A_638 : i32
        %mul3A_640 = arith.constant 40 : i32
        %mul3A_641 = arith.muli %add3A_639, %mul3A_640 : i32
        %dma_start3A_642 = arith.constant 1 : i32
        %dma_start3A_643 = arith.constant 1 : i32
        %dma_start3A_644 = arith.constant 0 : i32
        %dma_start3A_645 = arith.constant 0 : i32
        %dma_start3A_646 = tpu.memref_slice %arg8[%dma_start3A_642, %dma_start3A_644, %dma_start3A_645] : memref<6x40x128xf32, #tpu.memory_space<vmem>> -> memref<1x40x128xf32, #tpu.memory_space<vmem>>
        %dma_start3A_647 = tpu.memref_squeeze %dma_start3A_646 : memref<1x40x128xf32, #tpu.memory_space<vmem>> -> memref<40x128xf32, #tpu.memory_space<vmem>>
        %dma_start3A_648 = tpu.memref_slice %arg6[%mul3A_641] : memref<10000xi32, #tpu.memory_space<vmem>> -> memref<40xi32, #tpu.memory_space<vmem>>
        %dma_start3A_649 = arith.constant 0 : i32
        %dma_start3A_650 = arith.constant 0 : i32
        %dma_start3A_651 = tpu.memref_slice %arg2[%dma_start3A_649, %dma_start3A_650] : memref<10000x128xf32, #tpu.memory_space<hbm>> -> memref<10000x128xf32, #tpu.memory_space<hbm>>
        %dma_start3A_652 = tpu.memref_slice %arg9[%dma_start3A_643] : memref<6x!tpu.dma_semaphore, #tpu.memory_space<semaphore_mem>> -> memref<1x!tpu.dma_semaphore, #tpu.memory_space<semaphore_mem>>
        %dma_start3A_653 = tpu.memref_squeeze %dma_start3A_652 : memref<1x!tpu.dma_semaphore, #tpu.memory_space<semaphore_mem>> -> memref<!tpu.dma_semaphore, #tpu.memory_space<semaphore_mem>>
        tpu.enqueue_indirect_dma source(%dma_start3A_651 : memref<10000x128xf32, #tpu.memory_space<hbm>>) target(%dma_start3A_647 : memref<40x128xf32, #tpu.memory_space<vmem>>) offsets(%dma_start3A_648 : memref<40xi32, #tpu.memory_space<vmem>>) semaphore(%dma_start3A_653 : memref<!tpu.dma_semaphore, #tpu.memory_space<semaphore_mem>>)
      } else {
      }
      %add3A_546 = arith.constant 2 : i32
      %add3A_547 = arith.addi %mul3A_320, %add3A_546 : i32
      %mul3A_548 = arith.constant 40 : i32
      %mul3A_549 = arith.muli %add3A_547, %mul3A_548 : i32
      %dma_wait3A_550 = arith.constant 2 : i32
      %dma_wait3A_551 = arith.constant 2 : i32
      %dma_wait3A_552 = arith.constant 0 : i32
      %dma_wait3A_553 = arith.constant 0 : i32
      %dma_wait3A_554 = tpu.memref_slice %arg8[%dma_wait3A_550, %dma_wait3A_552, %dma_wait3A_553] : memref<6x40x128xf32, #tpu.memory_space<vmem>> -> memref<1x40x128xf32, #tpu.memory_space<vmem>>
      %dma_wait3A_555 = tpu.memref_squeeze %dma_wait3A_554 : memref<1x40x128xf32, #tpu.memory_space<vmem>> -> memref<40x128xf32, #tpu.memory_space<vmem>>
      %dma_wait3A_556 = tpu.memref_slice %arg7[%mul3A_549] : memref<10000xi32, #tpu.memory_space<vmem>> -> memref<40xi32, #tpu.memory_space<vmem>>
      %dma_wait3A_557 = arith.constant 0 : i32
      %dma_wait3A_558 = arith.constant 0 : i32
      %dma_wait3A_559 = tpu.memref_slice %arg5[%dma_wait3A_557, %dma_wait3A_558] : memref<10000x128xf32, #tpu.memory_space<vmem_shared>> -> memref<10000x128xf32, #tpu.memory_space<vmem_shared>>
      %dma_wait3A_560 = tpu.memref_slice %arg10[%dma_wait3A_551] : memref<6x!tpu.dma_semaphore, #tpu.memory_space<semaphore_mem>> -> memref<1x!tpu.dma_semaphore, #tpu.memory_space<semaphore_mem>>
      %dma_wait3A_561 = tpu.memref_squeeze %dma_wait3A_560 : memref<1x!tpu.dma_semaphore, #tpu.memory_space<semaphore_mem>> -> memref<!tpu.dma_semaphore, #tpu.memory_space<semaphore_mem>>
      tpu.wait_indirect_dma semaphore(%dma_wait3A_561 : memref<!tpu.dma_semaphore, #tpu.memory_space<semaphore_mem>>) src(%dma_wait3A_555 : memref<40x128xf32, #tpu.memory_space<vmem>>) dst(%dma_wait3A_559 : memref<10000x128xf32, #tpu.memory_space<vmem_shared>>)
      %add3A_562 = arith.constant 6 : i32
      %add3A_563 = arith.addi %add3A_547, %add3A_562 : i32
      %lt3A_564 = arith.constant 250 : i32
      %lt3A_565 = arith.cmpi slt, %add3A_563, %lt3A_564 : i32
      %convert_element_type3A_566 = arith.extui %lt3A_565 : i1 to i32
      %cond3A_567 = arith.constant 0 : i32
      %cond3A_568 = arith.cmpi ne, %convert_element_type3A_566, %cond3A_567 : i32
      scf.if %cond3A_568 {
        %add3A_638 = arith.constant 6 : i32
        %add3A_639 = arith.addi %add3A_547, %add3A_638 : i32
        %mul3A_640 = arith.constant 40 : i32
        %mul3A_641 = arith.muli %add3A_639, %mul3A_640 : i32
        %dma_start3A_642 = arith.constant 2 : i32
        %dma_start3A_643 = arith.constant 2 : i32
        %dma_start3A_644 = arith.constant 0 : i32
        %dma_start3A_645 = arith.constant 0 : i32
        %dma_start3A_646 = tpu.memref_slice %arg8[%dma_start3A_642, %dma_start3A_644, %dma_start3A_645] : memref<6x40x128xf32, #tpu.memory_space<vmem>> -> memref<1x40x128xf32, #tpu.memory_space<vmem>>
        %dma_start3A_647 = tpu.memref_squeeze %dma_start3A_646 : memref<1x40x128xf32, #tpu.memory_space<vmem>> -> memref<40x128xf32, #tpu.memory_space<vmem>>
        %dma_start3A_648 = tpu.memref_slice %arg6[%mul3A_641] : memref<10000xi32, #tpu.memory_space<vmem>> -> memref<40xi32, #tpu.memory_space<vmem>>
        %dma_start3A_649 = arith.constant 0 : i32
        %dma_start3A_650 = arith.constant 0 : i32
        %dma_start3A_651 = tpu.memref_slice %arg2[%dma_start3A_649, %dma_start3A_650] : memref<10000x128xf32, #tpu.memory_space<hbm>> -> memref<10000x128xf32, #tpu.memory_space<hbm>>
        %dma_start3A_652 = tpu.memref_slice %arg9[%dma_start3A_643] : memref<6x!tpu.dma_semaphore, #tpu.memory_space<semaphore_mem>> -> memref<1x!tpu.dma_semaphore, #tpu.memory_space<semaphore_mem>>
        %dma_start3A_653 = tpu.memref_squeeze %dma_start3A_652 : memref<1x!tpu.dma_semaphore, #tpu.memory_space<semaphore_mem>> -> memref<!tpu.dma_semaphore, #tpu.memory_space<semaphore_mem>>
        tpu.enqueue_indirect_dma source(%dma_start3A_651 : memref<10000x128xf32, #tpu.memory_space<hbm>>) target(%dma_start3A_647 : memref<40x128xf32, #tpu.memory_space<vmem>>) offsets(%dma_start3A_648 : memref<40xi32, #tpu.memory_space<vmem>>) semaphore(%dma_start3A_653 : memref<!tpu.dma_semaphore, #tpu.memory_space<semaphore_mem>>)
      } else {
      }
      %add3A_569 = arith.constant 3 : i32
      %add3A_570 = arith.addi %mul3A_320, %add3A_569 : i32
      %mul3A_571 = arith.constant 40 : i32
      %mul3A_572 = arith.muli %add3A_570, %mul3A_571 : i32
      %dma_wait3A_573 = arith.constant 3 : i32
      %dma_wait3A_574 = arith.constant 3 : i32
      %dma_wait3A_575 = arith.constant 0 : i32
      %dma_wait3A_576 = arith.constant 0 : i32
      %dma_wait3A_577 = tpu.memref_slice %arg8[%dma_wait3A_573, %dma_wait3A_575, %dma_wait3A_576] : memref<6x40x128xf32, #tpu.memory_space<vmem>> -> memref<1x40x128xf32, #tpu.memory_space<vmem>>
      %dma_wait3A_578 = tpu.memref_squeeze %dma_wait3A_577 : memref<1x40x128xf32, #tpu.memory_space<vmem>> -> memref<40x128xf32, #tpu.memory_space<vmem>>
      %dma_wait3A_579 = tpu.memref_slice %arg7[%mul3A_572] : memref<10000xi32, #tpu.memory_space<vmem>> -> memref<40xi32, #tpu.memory_space<vmem>>
      %dma_wait3A_580 = arith.constant 0 : i32
      %dma_wait3A_581 = arith.constant 0 : i32
      %dma_wait3A_582 = tpu.memref_slice %arg5[%dma_wait3A_580, %dma_wait3A_581] : memref<10000x128xf32, #tpu.memory_space<vmem_shared>> -> memref<10000x128xf32, #tpu.memory_space<vmem_shared>>
      %dma_wait3A_583 = tpu.memref_slice %arg10[%dma_wait3A_574] : memref<6x!tpu.dma_semaphore, #tpu.memory_space<semaphore_mem>> -> memref<1x!tpu.dma_semaphore, #tpu.memory_space<semaphore_mem>>
      %dma_wait3A_584 = tpu.memref_squeeze %dma_wait3A_583 : memref<1x!tpu.dma_semaphore, #tpu.memory_space<semaphore_mem>> -> memref<!tpu.dma_semaphore, #tpu.memory_space<semaphore_mem>>
      tpu.wait_indirect_dma semaphore(%dma_wait3A_584 : memref<!tpu.dma_semaphore, #tpu.memory_space<semaphore_mem>>) src(%dma_wait3A_578 : memref<40x128xf32, #tpu.memory_space<vmem>>) dst(%dma_wait3A_582 : memref<10000x128xf32, #tpu.memory_space<vmem_shared>>)
      %add3A_585 = arith.constant 6 : i32
      %add3A_586 = arith.addi %add3A_570, %add3A_585 : i32
      %lt3A_587 = arith.constant 250 : i32
      %lt3A_588 = arith.cmpi slt, %add3A_586, %lt3A_587 : i32
      %convert_element_type3A_589 = arith.extui %lt3A_588 : i1 to i32
      %cond3A_590 = arith.constant 0 : i32
      %cond3A_591 = arith.cmpi ne, %convert_element_type3A_589, %cond3A_590 : i32
      scf.if %cond3A_591 {
        %add3A_638 = arith.constant 6 : i32
        %add3A_639 = arith.addi %add3A_570, %add3A_638 : i32
        %mul3A_640 = arith.constant 40 : i32
        %mul3A_641 = arith.muli %add3A_639, %mul3A_640 : i32
        %dma_start3A_642 = arith.constant 3 : i32
        %dma_start3A_643 = arith.constant 3 : i32
        %dma_start3A_644 = arith.constant 0 : i32
        %dma_start3A_645 = arith.constant 0 : i32
        %dma_start3A_646 = tpu.memref_slice %arg8[%dma_start3A_642, %dma_start3A_644, %dma_start3A_645] : memref<6x40x128xf32, #tpu.memory_space<vmem>> -> memref<1x40x128xf32, #tpu.memory_space<vmem>>
        %dma_start3A_647 = tpu.memref_squeeze %dma_start3A_646 : memref<1x40x128xf32, #tpu.memory_space<vmem>> -> memref<40x128xf32, #tpu.memory_space<vmem>>
        %dma_start3A_648 = tpu.memref_slice %arg6[%mul3A_641] : memref<10000xi32, #tpu.memory_space<vmem>> -> memref<40xi32, #tpu.memory_space<vmem>>
        %dma_start3A_649 = arith.constant 0 : i32
        %dma_start3A_650 = arith.constant 0 : i32
        %dma_start3A_651 = tpu.memref_slice %arg2[%dma_start3A_649, %dma_start3A_650] : memref<10000x128xf32, #tpu.memory_space<hbm>> -> memref<10000x128xf32, #tpu.memory_space<hbm>>
        %dma_start3A_652 = tpu.memref_slice %arg9[%dma_start3A_643] : memref<6x!tpu.dma_semaphore, #tpu.memory_space<semaphore_mem>> -> memref<1x!tpu.dma_semaphore, #tpu.memory_space<semaphore_mem>>
        %dma_start3A_653 = tpu.memref_squeeze %dma_start3A_652 : memref<1x!tpu.dma_semaphore, #tpu.memory_space<semaphore_mem>> -> memref<!tpu.dma_semaphore, #tpu.memory_space<semaphore_mem>>
        tpu.enqueue_indirect_dma source(%dma_start3A_651 : memref<10000x128xf32, #tpu.memory_space<hbm>>) target(%dma_start3A_647 : memref<40x128xf32, #tpu.memory_space<vmem>>) offsets(%dma_start3A_648 : memref<40xi32, #tpu.memory_space<vmem>>) semaphore(%dma_start3A_653 : memref<!tpu.dma_semaphore, #tpu.memory_space<semaphore_mem>>)
      } else {
      }
      %add3A_592 = arith.constant 4 : i32
      %add3A_593 = arith.addi %mul3A_320, %add3A_592 : i32
      %mul3A_594 = arith.constant 40 : i32
      %mul3A_595 = arith.muli %add3A_593, %mul3A_594 : i32
      %dma_wait3A_596 = arith.constant 4 : i32
      %dma_wait3A_597 = arith.constant 4 : i32
      %dma_wait3A_598 = arith.constant 0 : i32
      %dma_wait3A_599 = arith.constant 0 : i32
      %dma_wait3A_600 = tpu.memref_slice %arg8[%dma_wait3A_596, %dma_wait3A_598, %dma_wait3A_599] : memref<6x40x128xf32, #tpu.memory_space<vmem>> -> memref<1x40x128xf32, #tpu.memory_space<vmem>>
      %dma_wait3A_601 = tpu.memref_squeeze %dma_wait3A_600 : memref<1x40x128xf32, #tpu.memory_space<vmem>> -> memref<40x128xf32, #tpu.memory_space<vmem>>
      %dma_wait3A_602 = tpu.memref_slice %arg7[%mul3A_595] : memref<10000xi32, #tpu.memory_space<vmem>> -> memref<40xi32, #tpu.memory_space<vmem>>
      %dma_wait3A_603 = arith.constant 0 : i32
      %dma_wait3A_604 = arith.constant 0 : i32
      %dma_wait3A_605 = tpu.memref_slice %arg5[%dma_wait3A_603, %dma_wait3A_604] : memref<10000x128xf32, #tpu.memory_space<vmem_shared>> -> memref<10000x128xf32, #tpu.memory_space<vmem_shared>>
      %dma_wait3A_606 = tpu.memref_slice %arg10[%dma_wait3A_597] : memref<6x!tpu.dma_semaphore, #tpu.memory_space<semaphore_mem>> -> memref<1x!tpu.dma_semaphore, #tpu.memory_space<semaphore_mem>>
      %dma_wait3A_607 = tpu.memref_squeeze %dma_wait3A_606 : memref<1x!tpu.dma_semaphore, #tpu.memory_space<semaphore_mem>> -> memref<!tpu.dma_semaphore, #tpu.memory_space<semaphore_mem>>
      tpu.wait_indirect_dma semaphore(%dma_wait3A_607 : memref<!tpu.dma_semaphore, #tpu.memory_space<semaphore_mem>>) src(%dma_wait3A_601 : memref<40x128xf32, #tpu.memory_space<vmem>>) dst(%dma_wait3A_605 : memref<10000x128xf32, #tpu.memory_space<vmem_shared>>)
      %add3A_608 = arith.constant 6 : i32
      %add3A_609 = arith.addi %add3A_593, %add3A_608 : i32
      %lt3A_610 = arith.constant 250 : i32
      %lt3A_611 = arith.cmpi slt, %add3A_609, %lt3A_610 : i32
      %convert_element_type3A_612 = arith.extui %lt3A_611 : i1 to i32
      %cond3A_613 = arith.constant 0 : i32
      %cond3A_614 = arith.cmpi ne, %convert_element_type3A_612, %cond3A_613 : i32
      scf.if %cond3A_614 {
        %add3A_638 = arith.constant 6 : i32
        %add3A_639 = arith.addi %add3A_593, %add3A_638 : i32
        %mul3A_640 = arith.constant 40 : i32
        %mul3A_641 = arith.muli %add3A_639, %mul3A_640 : i32
        %dma_start3A_642 = arith.constant 4 : i32
        %dma_start3A_643 = arith.constant 4 : i32
        %dma_start3A_644 = arith.constant 0 : i32
        %dma_start3A_645 = arith.constant 0 : i32
        %dma_start3A_646 = tpu.memref_slice %arg8[%dma_start3A_642, %dma_start3A_644, %dma_start3A_645] : memref<6x40x128xf32, #tpu.memory_space<vmem>> -> memref<1x40x128xf32, #tpu.memory_space<vmem>>
        %dma_start3A_647 = tpu.memref_squeeze %dma_start3A_646 : memref<1x40x128xf32, #tpu.memory_space<vmem>> -> memref<40x128xf32, #tpu.memory_space<vmem>>
        %dma_start3A_648 = tpu.memref_slice %arg6[%mul3A_641] : memref<10000xi32, #tpu.memory_space<vmem>> -> memref<40xi32, #tpu.memory_space<vmem>>
        %dma_start3A_649 = arith.constant 0 : i32
        %dma_start3A_650 = arith.constant 0 : i32
        %dma_start3A_651 = tpu.memref_slice %arg2[%dma_start3A_649, %dma_start3A_650] : memref<10000x128xf32, #tpu.memory_space<hbm>> -> memref<10000x128xf32, #tpu.memory_space<hbm>>
        %dma_start3A_652 = tpu.memref_slice %arg9[%dma_start3A_643] : memref<6x!tpu.dma_semaphore, #tpu.memory_space<semaphore_mem>> -> memref<1x!tpu.dma_semaphore, #tpu.memory_space<semaphore_mem>>
        %dma_start3A_653 = tpu.memref_squeeze %dma_start3A_652 : memref<1x!tpu.dma_semaphore, #tpu.memory_space<semaphore_mem>> -> memref<!tpu.dma_semaphore, #tpu.memory_space<semaphore_mem>>
        tpu.enqueue_indirect_dma source(%dma_start3A_651 : memref<10000x128xf32, #tpu.memory_space<hbm>>) target(%dma_start3A_647 : memref<40x128xf32, #tpu.memory_space<vmem>>) offsets(%dma_start3A_648 : memref<40xi32, #tpu.memory_space<vmem>>) semaphore(%dma_start3A_653 : memref<!tpu.dma_semaphore, #tpu.memory_space<semaphore_mem>>)
      } else {
      }
      %add3A_615 = arith.constant 5 : i32
      %add3A_616 = arith.addi %mul3A_320, %add3A_615 : i32
      %mul3A_617 = arith.constant 40 : i32
      %mul3A_618 = arith.muli %add3A_616, %mul3A_617 : i32
      %dma_wait3A_619 = arith.constant 5 : i32
      %dma_wait3A_620 = arith.constant 5 : i32
      %dma_wait3A_621 = arith.constant 0 : i32
      %dma_wait3A_622 = arith.constant 0 : i32
      %dma_wait3A_623 = tpu.memref_slice %arg8[%dma_wait3A_619, %dma_wait3A_621, %dma_wait3A_622] : memref<6x40x128xf32, #tpu.memory_space<vmem>> -> memref<1x40x128xf32, #tpu.memory_space<vmem>>
      %dma_wait3A_624 = tpu.memref_squeeze %dma_wait3A_623 : memref<1x40x128xf32, #tpu.memory_space<vmem>> -> memref<40x128xf32, #tpu.memory_space<vmem>>
      %dma_wait3A_625 = tpu.memref_slice %arg7[%mul3A_618] : memref<10000xi32, #tpu.memory_space<vmem>> -> memref<40xi32, #tpu.memory_space<vmem>>
      %dma_wait3A_626 = arith.constant 0 : i32
      %dma_wait3A_627 = arith.constant 0 : i32
      %dma_wait3A_628 = tpu.memref_slice %arg5[%dma_wait3A_626, %dma_wait3A_627] : memref<10000x128xf32, #tpu.memory_space<vmem_shared>> -> memref<10000x128xf32, #tpu.memory_space<vmem_shared>>
      %dma_wait3A_629 = tpu.memref_slice %arg10[%dma_wait3A_620] : memref<6x!tpu.dma_semaphore, #tpu.memory_space<semaphore_mem>> -> memref<1x!tpu.dma_semaphore, #tpu.memory_space<semaphore_mem>>
      %dma_wait3A_630 = tpu.memref_squeeze %dma_wait3A_629 : memref<1x!tpu.dma_semaphore, #tpu.memory_space<semaphore_mem>> -> memref<!tpu.dma_semaphore, #tpu.memory_space<semaphore_mem>>
      tpu.wait_indirect_dma semaphore(%dma_wait3A_630 : memref<!tpu.dma_semaphore, #tpu.memory_space<semaphore_mem>>) src(%dma_wait3A_624 : memref<40x128xf32, #tpu.memory_space<vmem>>) dst(%dma_wait3A_628 : memref<10000x128xf32, #tpu.memory_space<vmem_shared>>)
      %add3A_631 = arith.constant 6 : i32
      %add3A_632 = arith.addi %add3A_616, %add3A_631 : i32
      %lt3A_633 = arith.constant 250 : i32
      %lt3A_634 = arith.cmpi slt, %add3A_632, %lt3A_633 : i32
      %convert_element_type3A_635 = arith.extui %lt3A_634 : i1 to i32
      %cond3A_636 = arith.constant 0 : i32
      %cond3A_637 = arith.cmpi ne, %convert_element_type3A_635, %cond3A_636 : i32
      scf.if %cond3A_637 {
        %add3A_638 = arith.constant 6 : i32
        %add3A_639 = arith.addi %add3A_616, %add3A_638 : i32
        %mul3A_640 = arith.constant 40 : i32
        %mul3A_641 = arith.muli %add3A_639, %mul3A_640 : i32
        %dma_start3A_642 = arith.constant 5 : i32
        %dma_start3A_643 = arith.constant 5 : i32
        %dma_start3A_644 = arith.constant 0 : i32
        %dma_start3A_645 = arith.constant 0 : i32
        %dma_start3A_646 = tpu.memref_slice %arg8[%dma_start3A_642, %dma_start3A_644, %dma_start3A_645] : memref<6x40x128xf32, #tpu.memory_space<vmem>> -> memref<1x40x128xf32, #tpu.memory_space<vmem>>
        %dma_start3A_647 = tpu.memref_squeeze %dma_start3A_646 : memref<1x40x128xf32, #tpu.memory_space<vmem>> -> memref<40x128xf32, #tpu.memory_space<vmem>>
        %dma_start3A_648 = tpu.memref_slice %arg6[%mul3A_641] : memref<10000xi32, #tpu.memory_space<vmem>> -> memref<40xi32, #tpu.memory_space<vmem>>
        %dma_start3A_649 = arith.constant 0 : i32
        %dma_start3A_650 = arith.constant 0 : i32
        %dma_start3A_651 = tpu.memref_slice %arg2[%dma_start3A_649, %dma_start3A_650] : memref<10000x128xf32, #tpu.memory_space<hbm>> -> memref<10000x128xf32, #tpu.memory_space<hbm>>
        %dma_start3A_652 = tpu.memref_slice %arg9[%dma_start3A_643] : memref<6x!tpu.dma_semaphore, #tpu.memory_space<semaphore_mem>> -> memref<1x!tpu.dma_semaphore, #tpu.memory_space<semaphore_mem>>
        %dma_start3A_653 = tpu.memref_squeeze %dma_start3A_652 : memref<1x!tpu.dma_semaphore, #tpu.memory_space<semaphore_mem>> -> memref<!tpu.dma_semaphore, #tpu.memory_space<semaphore_mem>>
        tpu.enqueue_indirect_dma source(%dma_start3A_651 : memref<10000x128xf32, #tpu.memory_space<hbm>>) target(%dma_start3A_647 : memref<40x128xf32, #tpu.memory_space<vmem>>) offsets(%dma_start3A_648 : memref<40xi32, #tpu.memory_space<vmem>>) semaphore(%dma_start3A_653 : memref<!tpu.dma_semaphore, #tpu.memory_space<semaphore_mem>>)
      } else {
      }
    }
    %scan3A_151 = arith.constant 41 : i32
    %dma_wait3A_152 = arith.constant 0 : i32
    %dma_wait3A_153 = arith.constant 0 : i32
    %dma_wait3A_154 = arith.constant 0 : i32
    %dma_wait3A_155 = arith.constant 0 : i32
    %dma_wait3A_156 = tpu.memref_slice %arg8[%dma_wait3A_152, %dma_wait3A_154, %dma_wait3A_155] : memref<6x40x128xf32, #tpu.memory_space<vmem>> -> memref<1x40x128xf32, #tpu.memory_space<vmem>>
    %dma_wait3A_157 = tpu.memref_squeeze %dma_wait3A_156 : memref<1x40x128xf32, #tpu.memory_space<vmem>> -> memref<40x128xf32, #tpu.memory_space<vmem>>
    %dma_wait3A_158 = arith.constant 9840 : i32
    %dma_wait3A_159 = tpu.memref_slice %arg6[%dma_wait3A_158] : memref<10000xi32, #tpu.memory_space<vmem>> -> memref<40xi32, #tpu.memory_space<vmem>>
    %dma_wait3A_160 = arith.constant 0 : i32
    %dma_wait3A_161 = arith.constant 0 : i32
    %dma_wait3A_162 = tpu.memref_slice %arg2[%dma_wait3A_160, %dma_wait3A_161] : memref<10000x128xf32, #tpu.memory_space<hbm>> -> memref<10000x128xf32, #tpu.memory_space<hbm>>
    %dma_wait3A_163 = tpu.memref_slice %arg9[%dma_wait3A_153] : memref<6x!tpu.dma_semaphore, #tpu.memory_space<semaphore_mem>> -> memref<1x!tpu.dma_semaphore, #tpu.memory_space<semaphore_mem>>
    %dma_wait3A_164 = tpu.memref_squeeze %dma_wait3A_163 : memref<1x!tpu.dma_semaphore, #tpu.memory_space<semaphore_mem>> -> memref<!tpu.dma_semaphore, #tpu.memory_space<semaphore_mem>>
    tpu.wait_indirect_dma semaphore(%dma_wait3A_164 : memref<!tpu.dma_semaphore, #tpu.memory_space<semaphore_mem>>) src(%dma_wait3A_162 : memref<10000x128xf32, #tpu.memory_space<hbm>>) dst(%dma_wait3A_157 : memref<40x128xf32, #tpu.memory_space<vmem>>)
    %dma_start3A_165 = arith.constant 0 : i32
    %dma_start3A_166 = arith.constant 0 : i32
    %dma_start3A_167 = arith.constant 0 : i32
    %dma_start3A_168 = arith.constant 0 : i32
    %dma_start3A_169 = tpu.memref_slice %arg8[%dma_start3A_165, %dma_start3A_167, %dma_start3A_168] : memref<6x40x128xf32, #tpu.memory_space<vmem>> -> memref<1x40x128xf32, #tpu.memory_space<vmem>>
    %dma_start3A_170 = tpu.memref_squeeze %dma_start3A_169 : memref<1x40x128xf32, #tpu.memory_space<vmem>> -> memref<40x128xf32, #tpu.memory_space<vmem>>
    %dma_start3A_171 = arith.constant 9840 : i32
    %dma_start3A_172 = tpu.memref_slice %arg7[%dma_start3A_171] : memref<10000xi32, #tpu.memory_space<vmem>> -> memref<40xi32, #tpu.memory_space<vmem>>
    %dma_start3A_173 = arith.constant 0 : i32
    %dma_start3A_174 = arith.constant 0 : i32
    %dma_start3A_175 = tpu.memref_slice %arg5[%dma_start3A_173, %dma_start3A_174] : memref<10000x128xf32, #tpu.memory_space<vmem_shared>> -> memref<10000x128xf32, #tpu.memory_space<vmem_shared>>
    %dma_start3A_176 = tpu.memref_slice %arg10[%dma_start3A_166] : memref<6x!tpu.dma_semaphore, #tpu.memory_space<semaphore_mem>> -> memref<1x!tpu.dma_semaphore, #tpu.memory_space<semaphore_mem>>
    %dma_start3A_177 = tpu.memref_squeeze %dma_start3A_176 : memref<1x!tpu.dma_semaphore, #tpu.memory_space<semaphore_mem>> -> memref<!tpu.dma_semaphore, #tpu.memory_space<semaphore_mem>>
    tpu.enqueue_indirect_dma source(%dma_start3A_170 : memref<40x128xf32, #tpu.memory_space<vmem>>) target(%dma_start3A_175 : memref<10000x128xf32, #tpu.memory_space<vmem_shared>>) offsets(%dma_start3A_172 : memref<40xi32, #tpu.memory_space<vmem>>) semaphore(%dma_start3A_177 : memref<!tpu.dma_semaphore, #tpu.memory_space<semaphore_mem>>) {add = true}
    %dma_wait3A_178 = arith.constant 0 : i32
    %dma_wait3A_179 = arith.constant 0 : i32
    %dma_wait3A_180 = arith.constant 0 : i32
    %dma_wait3A_181 = arith.constant 0 : i32
    %dma_wait3A_182 = tpu.memref_slice %arg8[%dma_wait3A_178, %dma_wait3A_180, %dma_wait3A_181] : memref<6x40x128xf32, #tpu.memory_space<vmem>> -> memref<1x40x128xf32, #tpu.memory_space<vmem>>
    %dma_wait3A_183 = tpu.memref_squeeze %dma_wait3A_182 : memref<1x40x128xf32, #tpu.memory_space<vmem>> -> memref<40x128xf32, #tpu.memory_space<vmem>>
    %dma_wait3A_184 = arith.constant 9840 : i32
    %dma_wait3A_185 = tpu.memref_slice %arg7[%dma_wait3A_184] : memref<10000xi32, #tpu.memory_space<vmem>> -> memref<40xi32, #tpu.memory_space<vmem>>
    %dma_wait3A_186 = arith.constant 0 : i32
    %dma_wait3A_187 = arith.constant 0 : i32
    %dma_wait3A_188 = tpu.memref_slice %arg5[%dma_wait3A_186, %dma_wait3A_187] : memref<10000x128xf32, #tpu.memory_space<vmem_shared>> -> memref<10000x128xf32, #tpu.memory_space<vmem_shared>>
    %dma_wait3A_189 = tpu.memref_slice %arg10[%dma_wait3A_179] : memref<6x!tpu.dma_semaphore, #tpu.memory_space<semaphore_mem>> -> memref<1x!tpu.dma_semaphore, #tpu.memory_space<semaphore_mem>>
    %dma_wait3A_190 = tpu.memref_squeeze %dma_wait3A_189 : memref<1x!tpu.dma_semaphore, #tpu.memory_space<semaphore_mem>> -> memref<!tpu.dma_semaphore, #tpu.memory_space<semaphore_mem>>
    tpu.wait_indirect_dma semaphore(%dma_wait3A_190 : memref<!tpu.dma_semaphore, #tpu.memory_space<semaphore_mem>>) src(%dma_wait3A_183 : memref<40x128xf32, #tpu.memory_space<vmem>>) dst(%dma_wait3A_188 : memref<10000x128xf32, #tpu.memory_space<vmem_shared>>)
    %dma_wait3A_191 = arith.constant 1 : i32
    %dma_wait3A_192 = arith.constant 1 : i32
    %dma_wait3A_193 = arith.constant 0 : i32
    %dma_wait3A_194 = arith.constant 0 : i32
    %dma_wait3A_195 = tpu.memref_slice %arg8[%dma_wait3A_191, %dma_wait3A_193, %dma_wait3A_194] : memref<6x40x128xf32, #tpu.memory_space<vmem>> -> memref<1x40x128xf32, #tpu.memory_space<vmem>>
    %dma_wait3A_196 = tpu.memref_squeeze %dma_wait3A_195 : memref<1x40x128xf32, #tpu.memory_space<vmem>> -> memref<40x128xf32, #tpu.memory_space<vmem>>
    %dma_wait3A_197 = arith.constant 9880 : i32
    %dma_wait3A_198 = tpu.memref_slice %arg6[%dma_wait3A_197] : memref<10000xi32, #tpu.memory_space<vmem>> -> memref<40xi32, #tpu.memory_space<vmem>>
    %dma_wait3A_199 = arith.constant 0 : i32
    %dma_wait3A_200 = arith.constant 0 : i32
    %dma_wait3A_201 = tpu.memref_slice %arg2[%dma_wait3A_199, %dma_wait3A_200] : memref<10000x128xf32, #tpu.memory_space<hbm>> -> memref<10000x128xf32, #tpu.memory_space<hbm>>
    %dma_wait3A_202 = tpu.memref_slice %arg9[%dma_wait3A_192] : memref<6x!tpu.dma_semaphore, #tpu.memory_space<semaphore_mem>> -> memref<1x!tpu.dma_semaphore, #tpu.memory_space<semaphore_mem>>
    %dma_wait3A_203 = tpu.memref_squeeze %dma_wait3A_202 : memref<1x!tpu.dma_semaphore, #tpu.memory_space<semaphore_mem>> -> memref<!tpu.dma_semaphore, #tpu.memory_space<semaphore_mem>>
    tpu.wait_indirect_dma semaphore(%dma_wait3A_203 : memref<!tpu.dma_semaphore, #tpu.memory_space<semaphore_mem>>) src(%dma_wait3A_201 : memref<10000x128xf32, #tpu.memory_space<hbm>>) dst(%dma_wait3A_196 : memref<40x128xf32, #tpu.memory_space<vmem>>)
    %dma_start3A_204 = arith.constant 1 : i32
    %dma_start3A_205 = arith.constant 1 : i32
    %dma_start3A_206 = arith.constant 0 : i32
    %dma_start3A_207 = arith.constant 0 : i32
    %dma_start3A_208 = tpu.memref_slice %arg8[%dma_start3A_204, %dma_start3A_206, %dma_start3A_207] : memref<6x40x128xf32, #tpu.memory_space<vmem>> -> memref<1x40x128xf32, #tpu.memory_space<vmem>>
    %dma_start3A_209 = tpu.memref_squeeze %dma_start3A_208 : memref<1x40x128xf32, #tpu.memory_space<vmem>> -> memref<40x128xf32, #tpu.memory_space<vmem>>
    %dma_start3A_210 = arith.constant 9880 : i32
    %dma_start3A_211 = tpu.memref_slice %arg7[%dma_start3A_210] : memref<10000xi32, #tpu.memory_space<vmem>> -> memref<40xi32, #tpu.memory_space<vmem>>
    %dma_start3A_212 = arith.constant 0 : i32
    %dma_start3A_213 = arith.constant 0 : i32
    %dma_start3A_214 = tpu.memref_slice %arg5[%dma_start3A_212, %dma_start3A_213] : memref<10000x128xf32, #tpu.memory_space<vmem_shared>> -> memref<10000x128xf32, #tpu.memory_space<vmem_shared>>
    %dma_start3A_215 = tpu.memref_slice %arg10[%dma_start3A_205] : memref<6x!tpu.dma_semaphore, #tpu.memory_space<semaphore_mem>> -> memref<1x!tpu.dma_semaphore, #tpu.memory_space<semaphore_mem>>
    %dma_start3A_216 = tpu.memref_squeeze %dma_start3A_215 : memref<1x!tpu.dma_semaphore, #tpu.memory_space<semaphore_mem>> -> memref<!tpu.dma_semaphore, #tpu.memory_space<semaphore_mem>>
    tpu.enqueue_indirect_dma source(%dma_start3A_209 : memref<40x128xf32, #tpu.memory_space<vmem>>) target(%dma_start3A_214 : memref<10000x128xf32, #tpu.memory_space<vmem_shared>>) offsets(%dma_start3A_211 : memref<40xi32, #tpu.memory_space<vmem>>) semaphore(%dma_start3A_216 : memref<!tpu.dma_semaphore, #tpu.memory_space<semaphore_mem>>) {add = true}
    %dma_wait3A_217 = arith.constant 1 : i32
    %dma_wait3A_218 = arith.constant 1 : i32
    %dma_wait3A_219 = arith.constant 0 : i32
    %dma_wait3A_220 = arith.constant 0 : i32
    %dma_wait3A_221 = tpu.memref_slice %arg8[%dma_wait3A_217, %dma_wait3A_219, %dma_wait3A_220] : memref<6x40x128xf32, #tpu.memory_space<vmem>> -> memref<1x40x128xf32, #tpu.memory_space<vmem>>
    %dma_wait3A_222 = tpu.memref_squeeze %dma_wait3A_221 : memref<1x40x128xf32, #tpu.memory_space<vmem>> -> memref<40x128xf32, #tpu.memory_space<vmem>>
    %dma_wait3A_223 = arith.constant 9880 : i32
    %dma_wait3A_224 = tpu.memref_slice %arg7[%dma_wait3A_223] : memref<10000xi32, #tpu.memory_space<vmem>> -> memref<40xi32, #tpu.memory_space<vmem>>
    %dma_wait3A_225 = arith.constant 0 : i32
    %dma_wait3A_226 = arith.constant 0 : i32
    %dma_wait3A_227 = tpu.memref_slice %arg5[%dma_wait3A_225, %dma_wait3A_226] : memref<10000x128xf32, #tpu.memory_space<vmem_shared>> -> memref<10000x128xf32, #tpu.memory_space<vmem_shared>>
    %dma_wait3A_228 = tpu.memref_slice %arg10[%dma_wait3A_218] : memref<6x!tpu.dma_semaphore, #tpu.memory_space<semaphore_mem>> -> memref<1x!tpu.dma_semaphore, #tpu.memory_space<semaphore_mem>>
    %dma_wait3A_229 = tpu.memref_squeeze %dma_wait3A_228 : memref<1x!tpu.dma_semaphore, #tpu.memory_space<semaphore_mem>> -> memref<!tpu.dma_semaphore, #tpu.memory_space<semaphore_mem>>
    tpu.wait_indirect_dma semaphore(%dma_wait3A_229 : memref<!tpu.dma_semaphore, #tpu.memory_space<semaphore_mem>>) src(%dma_wait3A_222 : memref<40x128xf32, #tpu.memory_space<vmem>>) dst(%dma_wait3A_227 : memref<10000x128xf32, #tpu.memory_space<vmem_shared>>)
    %dma_wait3A_230 = arith.constant 2 : i32
    %dma_wait3A_231 = arith.constant 2 : i32
    %dma_wait3A_232 = arith.constant 0 : i32
    %dma_wait3A_233 = arith.constant 0 : i32
    %dma_wait3A_234 = tpu.memref_slice %arg8[%dma_wait3A_230, %dma_wait3A_232, %dma_wait3A_233] : memref<6x40x128xf32, #tpu.memory_space<vmem>> -> memref<1x40x128xf32, #tpu.memory_space<vmem>>
    %dma_wait3A_235 = tpu.memref_squeeze %dma_wait3A_234 : memref<1x40x128xf32, #tpu.memory_space<vmem>> -> memref<40x128xf32, #tpu.memory_space<vmem>>
    %dma_wait3A_236 = arith.constant 9920 : i32
    %dma_wait3A_237 = tpu.memref_slice %arg6[%dma_wait3A_236] : memref<10000xi32, #tpu.memory_space<vmem>> -> memref<40xi32, #tpu.memory_space<vmem>>
    %dma_wait3A_238 = arith.constant 0 : i32
    %dma_wait3A_239 = arith.constant 0 : i32
    %dma_wait3A_240 = tpu.memref_slice %arg2[%dma_wait3A_238, %dma_wait3A_239] : memref<10000x128xf32, #tpu.memory_space<hbm>> -> memref<10000x128xf32, #tpu.memory_space<hbm>>
    %dma_wait3A_241 = tpu.memref_slice %arg9[%dma_wait3A_231] : memref<6x!tpu.dma_semaphore, #tpu.memory_space<semaphore_mem>> -> memref<1x!tpu.dma_semaphore, #tpu.memory_space<semaphore_mem>>
    %dma_wait3A_242 = tpu.memref_squeeze %dma_wait3A_241 : memref<1x!tpu.dma_semaphore, #tpu.memory_space<semaphore_mem>> -> memref<!tpu.dma_semaphore, #tpu.memory_space<semaphore_mem>>
    tpu.wait_indirect_dma semaphore(%dma_wait3A_242 : memref<!tpu.dma_semaphore, #tpu.memory_space<semaphore_mem>>) src(%dma_wait3A_240 : memref<10000x128xf32, #tpu.memory_space<hbm>>) dst(%dma_wait3A_235 : memref<40x128xf32, #tpu.memory_space<vmem>>)
    %dma_start3A_243 = arith.constant 2 : i32
    %dma_start3A_244 = arith.constant 2 : i32
    %dma_start3A_245 = arith.constant 0 : i32
    %dma_start3A_246 = arith.constant 0 : i32
    %dma_start3A_247 = tpu.memref_slice %arg8[%dma_start3A_243, %dma_start3A_245, %dma_start3A_246] : memref<6x40x128xf32, #tpu.memory_space<vmem>> -> memref<1x40x128xf32, #tpu.memory_space<vmem>>
    %dma_start3A_248 = tpu.memref_squeeze %dma_start3A_247 : memref<1x40x128xf32, #tpu.memory_space<vmem>> -> memref<40x128xf32, #tpu.memory_space<vmem>>
    %dma_start3A_249 = arith.constant 9920 : i32
    %dma_start3A_250 = tpu.memref_slice %arg7[%dma_start3A_249] : memref<10000xi32, #tpu.memory_space<vmem>> -> memref<40xi32, #tpu.memory_space<vmem>>
    %dma_start3A_251 = arith.constant 0 : i32
    %dma_start3A_252 = arith.constant 0 : i32
    %dma_start3A_253 = tpu.memref_slice %arg5[%dma_start3A_251, %dma_start3A_252] : memref<10000x128xf32, #tpu.memory_space<vmem_shared>> -> memref<10000x128xf32, #tpu.memory_space<vmem_shared>>
    %dma_start3A_254 = tpu.memref_slice %arg10[%dma_start3A_244] : memref<6x!tpu.dma_semaphore, #tpu.memory_space<semaphore_mem>> -> memref<1x!tpu.dma_semaphore, #tpu.memory_space<semaphore_mem>>
    %dma_start3A_255 = tpu.memref_squeeze %dma_start3A_254 : memref<1x!tpu.dma_semaphore, #tpu.memory_space<semaphore_mem>> -> memref<!tpu.dma_semaphore, #tpu.memory_space<semaphore_mem>>
    tpu.enqueue_indirect_dma source(%dma_start3A_248 : memref<40x128xf32, #tpu.memory_space<vmem>>) target(%dma_start3A_253 : memref<10000x128xf32, #tpu.memory_space<vmem_shared>>) offsets(%dma_start3A_250 : memref<40xi32, #tpu.memory_space<vmem>>) semaphore(%dma_start3A_255 : memref<!tpu.dma_semaphore, #tpu.memory_space<semaphore_mem>>) {add = true}
    %dma_wait3A_256 = arith.constant 2 : i32
    %dma_wait3A_257 = arith.constant 2 : i32
    %dma_wait3A_258 = arith.constant 0 : i32
    %dma_wait3A_259 = arith.constant 0 : i32
    %dma_wait3A_260 = tpu.memref_slice %arg8[%dma_wait3A_256, %dma_wait3A_258, %dma_wait3A_259] : memref<6x40x128xf32, #tpu.memory_space<vmem>> -> memref<1x40x128xf32, #tpu.memory_space<vmem>>
    %dma_wait3A_261 = tpu.memref_squeeze %dma_wait3A_260 : memref<1x40x128xf32, #tpu.memory_space<vmem>> -> memref<40x128xf32, #tpu.memory_space<vmem>>
    %dma_wait3A_262 = arith.constant 9920 : i32
    %dma_wait3A_263 = tpu.memref_slice %arg7[%dma_wait3A_262] : memref<10000xi32, #tpu.memory_space<vmem>> -> memref<40xi32, #tpu.memory_space<vmem>>
    %dma_wait3A_264 = arith.constant 0 : i32
    %dma_wait3A_265 = arith.constant 0 : i32
    %dma_wait3A_266 = tpu.memref_slice %arg5[%dma_wait3A_264, %dma_wait3A_265] : memref<10000x128xf32, #tpu.memory_space<vmem_shared>> -> memref<10000x128xf32, #tpu.memory_space<vmem_shared>>
    %dma_wait3A_267 = tpu.memref_slice %arg10[%dma_wait3A_257] : memref<6x!tpu.dma_semaphore, #tpu.memory_space<semaphore_mem>> -> memref<1x!tpu.dma_semaphore, #tpu.memory_space<semaphore_mem>>
    %dma_wait3A_268 = tpu.memref_squeeze %dma_wait3A_267 : memref<1x!tpu.dma_semaphore, #tpu.memory_space<semaphore_mem>> -> memref<!tpu.dma_semaphore, #tpu.memory_space<semaphore_mem>>
    tpu.wait_indirect_dma semaphore(%dma_wait3A_268 : memref<!tpu.dma_semaphore, #tpu.memory_space<semaphore_mem>>) src(%dma_wait3A_261 : memref<40x128xf32, #tpu.memory_space<vmem>>) dst(%dma_wait3A_266 : memref<10000x128xf32, #tpu.memory_space<vmem_shared>>)
    %dma_wait3A_269 = arith.constant 3 : i32
    %dma_wait3A_270 = arith.constant 3 : i32
    %dma_wait3A_271 = arith.constant 0 : i32
    %dma_wait3A_272 = arith.constant 0 : i32
    %dma_wait3A_273 = tpu.memref_slice %arg8[%dma_wait3A_269, %dma_wait3A_271, %dma_wait3A_272] : memref<6x40x128xf32, #tpu.memory_space<vmem>> -> memref<1x40x128xf32, #tpu.memory_space<vmem>>
    %dma_wait3A_274 = tpu.memref_squeeze %dma_wait3A_273 : memref<1x40x128xf32, #tpu.memory_space<vmem>> -> memref<40x128xf32, #tpu.memory_space<vmem>>
    %dma_wait3A_275 = arith.constant 9960 : i32
    %dma_wait3A_276 = tpu.memref_slice %arg6[%dma_wait3A_275] : memref<10000xi32, #tpu.memory_space<vmem>> -> memref<40xi32, #tpu.memory_space<vmem>>
    %dma_wait3A_277 = arith.constant 0 : i32
    %dma_wait3A_278 = arith.constant 0 : i32
    %dma_wait3A_279 = tpu.memref_slice %arg2[%dma_wait3A_277, %dma_wait3A_278] : memref<10000x128xf32, #tpu.memory_space<hbm>> -> memref<10000x128xf32, #tpu.memory_space<hbm>>
    %dma_wait3A_280 = tpu.memref_slice %arg9[%dma_wait3A_270] : memref<6x!tpu.dma_semaphore, #tpu.memory_space<semaphore_mem>> -> memref<1x!tpu.dma_semaphore, #tpu.memory_space<semaphore_mem>>
    %dma_wait3A_281 = tpu.memref_squeeze %dma_wait3A_280 : memref<1x!tpu.dma_semaphore, #tpu.memory_space<semaphore_mem>> -> memref<!tpu.dma_semaphore, #tpu.memory_space<semaphore_mem>>
    tpu.wait_indirect_dma semaphore(%dma_wait3A_281 : memref<!tpu.dma_semaphore, #tpu.memory_space<semaphore_mem>>) src(%dma_wait3A_279 : memref<10000x128xf32, #tpu.memory_space<hbm>>) dst(%dma_wait3A_274 : memref<40x128xf32, #tpu.memory_space<vmem>>)
    %dma_start3A_282 = arith.constant 3 : i32
    %dma_start3A_283 = arith.constant 3 : i32
    %dma_start3A_284 = arith.constant 0 : i32
    %dma_start3A_285 = arith.constant 0 : i32
    %dma_start3A_286 = tpu.memref_slice %arg8[%dma_start3A_282, %dma_start3A_284, %dma_start3A_285] : memref<6x40x128xf32, #tpu.memory_space<vmem>> -> memref<1x40x128xf32, #tpu.memory_space<vmem>>
    %dma_start3A_287 = tpu.memref_squeeze %dma_start3A_286 : memref<1x40x128xf32, #tpu.memory_space<vmem>> -> memref<40x128xf32, #tpu.memory_space<vmem>>
    %dma_start3A_288 = arith.constant 9960 : i32
    %dma_start3A_289 = tpu.memref_slice %arg7[%dma_start3A_288] : memref<10000xi32, #tpu.memory_space<vmem>> -> memref<40xi32, #tpu.memory_space<vmem>>
    %dma_start3A_290 = arith.constant 0 : i32
    %dma_start3A_291 = arith.constant 0 : i32
    %dma_start3A_292 = tpu.memref_slice %arg5[%dma_start3A_290, %dma_start3A_291] : memref<10000x128xf32, #tpu.memory_space<vmem_shared>> -> memref<10000x128xf32, #tpu.memory_space<vmem_shared>>
    %dma_start3A_293 = tpu.memref_slice %arg10[%dma_start3A_283] : memref<6x!tpu.dma_semaphore, #tpu.memory_space<semaphore_mem>> -> memref<1x!tpu.dma_semaphore, #tpu.memory_space<semaphore_mem>>
    %dma_start3A_294 = tpu.memref_squeeze %dma_start3A_293 : memref<1x!tpu.dma_semaphore, #tpu.memory_space<semaphore_mem>> -> memref<!tpu.dma_semaphore, #tpu.memory_space<semaphore_mem>>
    tpu.enqueue_indirect_dma source(%dma_start3A_287 : memref<40x128xf32, #tpu.memory_space<vmem>>) target(%dma_start3A_292 : memref<10000x128xf32, #tpu.memory_space<vmem_shared>>) offsets(%dma_start3A_289 : memref<40xi32, #tpu.memory_space<vmem>>) semaphore(%dma_start3A_294 : memref<!tpu.dma_semaphore, #tpu.memory_space<semaphore_mem>>) {add = true}
    %dma_wait3A_295 = arith.constant 3 : i32
    %dma_wait3A_296 = arith.constant 3 : i32
    %dma_wait3A_297 = arith.constant 0 : i32
    %dma_wait3A_298 = arith.constant 0 : i32
    %dma_wait3A_299 = tpu.memref_slice %arg8[%dma_wait3A_295, %dma_wait3A_297, %dma_wait3A_298] : memref<6x40x128xf32, #tpu.memory_space<vmem>> -> memref<1x40x128xf32, #tpu.memory_space<vmem>>
    %dma_wait3A_300 = tpu.memref_squeeze %dma_wait3A_299 : memref<1x40x128xf32, #tpu.memory_space<vmem>> -> memref<40x128xf32, #tpu.memory_space<vmem>>
    %dma_wait3A_301 = arith.constant 9960 : i32
    %dma_wait3A_302 = tpu.memref_slice %arg7[%dma_wait3A_301] : memref<10000xi32, #tpu.memory_space<vmem>> -> memref<40xi32, #tpu.memory_space<vmem>>
    %dma_wait3A_303 = arith.constant 0 : i32
    %dma_wait3A_304 = arith.constant 0 : i32
    %dma_wait3A_305 = tpu.memref_slice %arg5[%dma_wait3A_303, %dma_wait3A_304] : memref<10000x128xf32, #tpu.memory_space<vmem_shared>> -> memref<10000x128xf32, #tpu.memory_space<vmem_shared>>
    %dma_wait3A_306 = tpu.memref_slice %arg10[%dma_wait3A_296] : memref<6x!tpu.dma_semaphore, #tpu.memory_space<semaphore_mem>> -> memref<1x!tpu.dma_semaphore, #tpu.memory_space<semaphore_mem>>
    %dma_wait3A_307 = tpu.memref_squeeze %dma_wait3A_306 : memref<1x!tpu.dma_semaphore, #tpu.memory_space<semaphore_mem>> -> memref<!tpu.dma_semaphore, #tpu.memory_space<semaphore_mem>>
    tpu.wait_indirect_dma semaphore(%dma_wait3A_307 : memref<!tpu.dma_semaphore, #tpu.memory_space<semaphore_mem>>) src(%dma_wait3A_300 : memref<40x128xf32, #tpu.memory_space<vmem>>) dst(%dma_wait3A_305 : memref<10000x128xf32, #tpu.memory_space<vmem_shared>>)
    %barrier3A_308 = arith.constant 0 : index
    tpu.barrier barrier_id(%barrier3A_308)
    %not3A = arith.constant true
    %not3A_309 = arith.xori %eq3A_1, %not3A : i1
    %convert_element_type3A = arith.extui %not3A_309 : i1 to i32
    %cond3A = arith.constant 0 : i32
    %cond3A_310 = arith.cmpi ne, %convert_element_type3A, %cond3A : i32
    scf.if %cond3A_310 {
      "tpu.region"() ({
        %run_scoped3A = tpu.sem_alloc : memref<!tpu.dma_semaphore, #tpu.memory_space<semaphore_mem>>
        %dma_start3A_314 = arith.constant 0 : i32
        %dma_start3A_315 = tpu.memref_slice %arg4[%arg0, %mul3A_3, %dma_start3A_314] : memref<2x10000x128xf32, #tpu.memory_space<hbm>> -> memref<1x632x128xf32, #tpu.memory_space<hbm>>
        %dma_start3A_316 = tpu.memref_squeeze %dma_start3A_315 : memref<1x632x128xf32, #tpu.memory_space<hbm>> -> memref<632x128xf32, #tpu.memory_space<hbm>>
        %dma_start3A_317 = arith.constant 0 : i32
        %dma_start3A_318 = tpu.memref_slice %arg5[%mul3A_3, %dma_start3A_317] : memref<10000x128xf32, #tpu.memory_space<vmem_shared>> -> memref<632x128xf32, #tpu.memory_space<vmem_shared>>
        tpu.enqueue_dma source(%dma_start3A_318 : memref<632x128xf32, #tpu.memory_space<vmem_shared>>) target(%dma_start3A_316 : memref<632x128xf32, #tpu.memory_space<hbm>>) target_semaphore(%run_scoped3A : memref<!tpu.dma_semaphore, #tpu.memory_space<semaphore_mem>>)
        %dma_wait3A_319 = arith.constant 0 : i32
        %dma_wait3A_320 = tpu.memref_slice %arg4[%arg0, %mul3A_3, %dma_wait3A_319] : memref<2x10000x128xf32, #tpu.memory_space<hbm>> -> memref<1x632x128xf32, #tpu.memory_space<hbm>>
        %dma_wait3A_321 = tpu.memref_squeeze %dma_wait3A_320 : memref<1x632x128xf32, #tpu.memory_space<hbm>> -> memref<632x128xf32, #tpu.memory_space<hbm>>
        %dma_wait3A_322 = arith.constant 0 : i32
        %dma_wait3A_323 = tpu.memref_slice %arg5[%mul3A_3, %dma_wait3A_322] : memref<10000x128xf32, #tpu.memory_space<vmem_shared>> -> memref<632x128xf32, #tpu.memory_space<vmem_shared>>
        tpu.wait_dma2 semaphore(%run_scoped3A : memref<!tpu.dma_semaphore, #tpu.memory_space<semaphore_mem>>) src(%dma_wait3A_323 : memref<632x128xf32, #tpu.memory_space<vmem_shared>>) dst(%dma_wait3A_321 : memref<632x128xf32, #tpu.memory_space<hbm>>)
        tpu.yield
      }) : () -> ()
    } else {
    }
    %convert_element_type3A_311 = arith.extui %eq3A_1 : i1 to i32
    %cond3A_312 = arith.constant 0 : i32
    %cond3A_313 = arith.cmpi ne, %convert_element_type3A_311, %cond3A_312 : i32
    scf.if %cond3A_313 {
      "tpu.region"() ({
        %run_scoped3A = tpu.sem_alloc : memref<!tpu.dma_semaphore, #tpu.memory_space<semaphore_mem>>
        %dma_start3A_314 = arith.constant 9480 : i32
        %dma_start3A_315 = arith.constant 0 : i32
        %dma_start3A_316 = tpu.memref_slice %arg4[%arg0, %dma_start3A_314, %dma_start3A_315] : memref<2x10000x128xf32, #tpu.memory_space<hbm>> -> memref<1x520x128xf32, #tpu.memory_space<hbm>>
        %dma_start3A_317 = tpu.memref_squeeze %dma_start3A_316 : memref<1x520x128xf32, #tpu.memory_space<hbm>> -> memref<520x128xf32, #tpu.memory_space<hbm>>
        %dma_start3A_318 = arith.constant 9480 : i32
        %dma_start3A_319 = arith.constant 0 : i32
        %dma_start3A_320 = tpu.memref_slice %arg5[%dma_start3A_318, %dma_start3A_319] : memref<10000x128xf32, #tpu.memory_space<vmem_shared>> -> memref<520x128xf32, #tpu.memory_space<vmem_shared>>
        tpu.enqueue_dma source(%dma_start3A_320 : memref<520x128xf32, #tpu.memory_space<vmem_shared>>) target(%dma_start3A_317 : memref<520x128xf32, #tpu.memory_space<hbm>>) target_semaphore(%run_scoped3A : memref<!tpu.dma_semaphore, #tpu.memory_space<semaphore_mem>>)
        %dma_wait3A_321 = arith.constant 9480 : i32
        %dma_wait3A_322 = arith.constant 0 : i32
        %dma_wait3A_323 = tpu.memref_slice %arg4[%arg0, %dma_wait3A_321, %dma_wait3A_322] : memref<2x10000x128xf32, #tpu.memory_space<hbm>> -> memref<1x520x128xf32, #tpu.memory_space<hbm>>
        %dma_wait3A_324 = tpu.memref_squeeze %dma_wait3A_323 : memref<1x520x128xf32, #tpu.memory_space<hbm>> -> memref<520x128xf32, #tpu.memory_space<hbm>>
        %dma_wait3A_325 = arith.constant 9480 : i32
        %dma_wait3A_326 = arith.constant 0 : i32
        %dma_wait3A_327 = tpu.memref_slice %arg5[%dma_wait3A_325, %dma_wait3A_326] : memref<10000x128xf32, #tpu.memory_space<vmem_shared>> -> memref<520x128xf32, #tpu.memory_space<vmem_shared>>
        tpu.wait_dma2 semaphore(%run_scoped3A : memref<!tpu.dma_semaphore, #tpu.memory_space<semaphore_mem>>) src(%dma_wait3A_327 : memref<520x128xf32, #tpu.memory_space<vmem_shared>>) dst(%dma_wait3A_324 : memref<520x128xf32, #tpu.memory_space<hbm>>)
        tpu.yield
      }) : () -> ()
    } else {
    }
    return
  }
}

#map = affine_map<(d0, d1) -> (0, 0)>
#map1 = affine_map<(d0, d1) -> (0)>
#map2 = affine_map<(d0, d1) -> (0, 0, 0)>
module attributes {stable_mosaic.version = 14 : i64} {
  func.func @hop_kernel(%arg0: i32, %arg1: i32, %arg2: memref<10000x128xf32, #tpu.memory_space<hbm>>, %arg3: memref<640000xi32, #tpu.memory_space<hbm>>, %arg4: memref<2x10000x128xf32, #tpu.memory_space<hbm>>, %arg5: memref<10000x128xf32, #tpu.memory_space<vmem_shared>>, %arg6: memref<10000xi32, #tpu.memory_space<vmem>>, %arg7: memref<10000xi32, #tpu.memory_space<vmem>>, %arg8: memref<6x40x128xf32, #tpu.memory_space<vmem>>, %arg9: memref<6x!tpu.dma_semaphore, #tpu.memory_space<semaphore_mem>>, %arg10: memref<6x!tpu.dma_semaphore, #tpu.memory_space<semaphore_mem>>) attributes {dimension_semantics = [#tpu.dimension_semantics<core_parallel>, #tpu.dimension_semantics<subcore_parallel>], iteration_bounds = array<i64: 2, 16>, scalar_prefetch = 0 : i64, scratch_operands = 6 : i64, tpu.core_type = #tpu.core_type<sc_vector_subcore>, window_params = [{transform_indices = #map}, {transform_indices = #map1}, {transform_indices = #map2}]} {
    %mul3A = arith.constant 2 : i32
    %mul3A_0 = arith.muli %arg1, %mul3A : i32
    %add3A = arith.addi %mul3A_0, %arg0 : i32
    %eq3A = arith.constant 15 : i32
    %eq3A_1 = arith.cmpi eq, %arg1, %eq3A : i32
    %mul3A_2 = arith.constant 632 : i32
    %mul3A_3 = arith.muli %arg1, %mul3A_2 : i32
    %broadcast_in_dim3A = arith.constant 0.000000e+00 : f32
    %broadcast_in_dim3A_4 = vector.broadcast %broadcast_in_dim3A : f32 to vector<16xf32>
    %scan3A = arith.constant 0 : i32
    %scan3A_5 = arith.constant 8 : i32
    %scan3A_6 = arith.addi %scan3A, %scan3A_5 : i32
    %scan3A_7 = arith.constant 1 : i32
    scf.for %scan3A_314 = %scan3A to %scan3A_6 step %scan3A_7  : i32 {
      %mul3A_315 = arith.constant 1 : i32
      %mul3A_316 = arith.muli %scan3A_314, %mul3A_315 : i32
      %add3A_317 = arith.constant 0 : i32
      %add3A_318 = arith.addi %add3A_317, %mul3A_316 : i32
      %scan3A_319 = arith.constant 0 : i32
      %scan3A_320 = arith.constant 8 : i32
      %scan3A_321 = arith.addi %scan3A_319, %scan3A_320 : i32
      %scan3A_322 = arith.constant 1 : i32
      scf.for %scan3A_324 = %scan3A_319 to %scan3A_321 step %scan3A_322  : i32 {
        %mul3A_325 = arith.constant 1 : i32
        %mul3A_326 = arith.muli %scan3A_324, %mul3A_325 : i32
        %add3A_327 = arith.constant 0 : i32
        %add3A_328 = arith.addi %add3A_327, %mul3A_326 : i32
        %mul3A_329 = arith.constant 16 : i32
        %mul3A_330 = arith.muli %add3A_328, %mul3A_329 : i32
        %swap3A = arith.constant 0 : i32
        %swap3A_331 = arith.index_cast %swap3A : i32 to index
        %swap3A_332 = arith.index_cast %add3A_318 : i32 to index
        %swap3A_333 = arith.index_cast %mul3A_330 : i32 to index
        %swap3A_334 = tpu.vector_load %arg8[%swap3A_331, %swap3A_332, %swap3A_333] {strides = array<i32>} : memref<6x40x128xf32, #tpu.memory_space<vmem>>, vector<1x1x16xf32>,
        %swap3A_335 = vector.shape_cast %swap3A_334 : vector<1x1x16xf32> to vector<16xf32>
        %swap3A_336 = vector.shape_cast %broadcast_in_dim3A_4 : vector<16xf32> to vector<1x1x16xf32>
        tpu.vector_store %arg8[%swap3A_331, %swap3A_332, %swap3A_333], %swap3A_336 {strides = array<i32>} : memref<6x40x128xf32, #tpu.memory_space<vmem>>, vector<1x1x16xf32>,
      }
      %scan3A_323 = arith.constant 8 : i32
    }
    %scan3A_8 = arith.constant 8 : i32
    %mul3A_9 = arith.constant 10000 : i32
    %mul3A_10 = arith.muli %add3A, %mul3A_9 : i32
    %dma_start3A = arith.constant 0 : i32
    %dma_start3A_11 = tpu.memref_slice %arg3[%mul3A_10] : memref<640000xi32, #tpu.memory_space<hbm>> -> memref<10000xi32, #tpu.memory_space<hbm>>
    %dma_start3A_12 = tpu.memref_slice %arg9[%dma_start3A] : memref<6x!tpu.dma_semaphore, #tpu.memory_space<semaphore_mem>> -> memref<1x!tpu.dma_semaphore, #tpu.memory_space<semaphore_mem>>
    %dma_start3A_13 = tpu.memref_squeeze %dma_start3A_12 : memref<1x!tpu.dma_semaphore, #tpu.memory_space<semaphore_mem>> -> memref<!tpu.dma_semaphore, #tpu.memory_space<semaphore_mem>>
    %dma_start3A_14 = tpu.memref_slice %arg3[%mul3A_10] : memref<640000xi32, #tpu.memory_space<hbm>> -> memref<10000xi32, #tpu.memory_space<hbm>>
    tpu.enqueue_dma source(%dma_start3A_14 : memref<10000xi32, #tpu.memory_space<hbm>>) target(%arg6 : memref<10000xi32, #tpu.memory_space<vmem>>) target_semaphore(%dma_start3A_13 : memref<!tpu.dma_semaphore, #tpu.memory_space<semaphore_mem>>)
    %add3A_15 = arith.constant 320000 : i32
    %add3A_16 = arith.addi %add3A_15, %mul3A_10 : i32
    %dma_start3A_17 = arith.constant 1 : i32
    %dma_start3A_18 = tpu.memref_slice %arg3[%add3A_16] : memref<640000xi32, #tpu.memory_space<hbm>> -> memref<10000xi32, #tpu.memory_space<hbm>>
    %dma_start3A_19 = tpu.memref_slice %arg9[%dma_start3A_17] : memref<6x!tpu.dma_semaphore, #tpu.memory_space<semaphore_mem>> -> memref<1x!tpu.dma_semaphore, #tpu.memory_space<semaphore_mem>>
    %dma_start3A_20 = tpu.memref_squeeze %dma_start3A_19 : memref<1x!tpu.dma_semaphore, #tpu.memory_space<semaphore_mem>> -> memref<!tpu.dma_semaphore, #tpu.memory_space<semaphore_mem>>
    %dma_start3A_21 = tpu.memref_slice %arg3[%add3A_16] : memref<640000xi32, #tpu.memory_space<hbm>> -> memref<10000xi32, #tpu.memory_space<hbm>>
    tpu.enqueue_dma source(%dma_start3A_21 : memref<10000xi32, #tpu.memory_space<hbm>>) target(%arg7 : memref<10000xi32, #tpu.memory_space<vmem>>) target_semaphore(%dma_start3A_20 : memref<!tpu.dma_semaphore, #tpu.memory_space<semaphore_mem>>)
    %jit3A = arith.constant 65 : i32
    %jit3A_22 = arith.constant 79 : i32
    %select_n3A = arith.select %eq3A_1, %jit3A, %jit3A_22 : i32
    %sub3A = arith.constant 0 : i32
    %sub3A_23 = arith.subi %select_n3A, %sub3A : i32
    %sub3A_24 = arith.constant 1 : i32
    %sub3A_25 = arith.constant 1 : i32
    %sub3A_26 = arith.subi %sub3A_24, %sub3A_25 : i32
    %add3A_27 = arith.addi %sub3A_23, %sub3A_26 : i32
    %div3A = arith.constant 1 : i32
    %div3A_28 = arith.divsi %add3A_27, %div3A : i32
    %while3A = arith.constant 1 : i32
    %while3A_29 = arith.constant 0 : i32
    %while3A_30 = arith.constant 0 : i32
    %while3A_31 = arith.subi %div3A_28, %while3A_30 : i32
    %while3A_32 = arith.addi %while3A_30, %while3A_31 : i32
    %while3A_33 = arith.constant 1 : i32
    %while3A_34 = arith.divsi %while3A_31, %while3A_33 : i32
    %while3A_35 = arith.muli %while3A_34, %while3A_33 : i32
    %while3A_36 = arith.addi %while3A_30, %while3A_35 : i32
    %while3A_37 = arith.constant 1 : i32
    scf.for %while3A_314 = %while3A_30 to %while3A_36 step %while3A_37  : i32 {
      %mul3A_315 = arith.muli %while3A_314, %while3A : i32
      %add3A_316 = arith.addi %while3A_29, %mul3A_315 : i32
      %mul3A_317 = arith.constant 8 : i32
      %mul3A_318 = arith.muli %add3A_316, %mul3A_317 : i32
      %add3A_319 = arith.addi %mul3A_3, %mul3A_318 : i32
      %dma_start3A_320 = arith.constant 0 : i32
      %dma_start3A_321 = arith.constant 0 : i32
      %dma_start3A_322 = arith.constant 0 : i32
      %dma_start3A_323 = arith.constant 0 : i32
      %dma_start3A_324 = tpu.memref_slice %arg8[%dma_start3A_320, %dma_start3A_322, %dma_start3A_323] : memref<6x40x128xf32, #tpu.memory_space<vmem>> -> memref<1x8x128xf32, #tpu.memory_space<vmem>>
      %dma_start3A_325 = tpu.memref_squeeze %dma_start3A_324 : memref<1x8x128xf32, #tpu.memory_space<vmem>> -> memref<8x128xf32, #tpu.memory_space<vmem>>
      %dma_start3A_326 = arith.constant 0 : i32
      %dma_start3A_327 = tpu.memref_slice %arg5[%add3A_319, %dma_start3A_326] : memref<10000x128xf32, #tpu.memory_space<vmem_shared>> -> memref<8x128xf32, #tpu.memory_space<vmem_shared>>
      %dma_start3A_328 = tpu.memref_slice %arg10[%dma_start3A_321] : memref<6x!tpu.dma_semaphore, #tpu.memory_space<semaphore_mem>> -> memref<1x!tpu.dma_semaphore, #tpu.memory_space<semaphore_mem>>
      %dma_start3A_329 = tpu.memref_squeeze %dma_start3A_328 : memref<1x!tpu.dma_semaphore, #tpu.memory_space<semaphore_mem>> -> memref<!tpu.dma_semaphore, #tpu.memory_space<semaphore_mem>>
      %dma_start3A_330 = arith.constant 0 : i32
      %dma_start3A_331 = tpu.memref_slice %arg5[%add3A_319, %dma_start3A_330] : memref<10000x128xf32, #tpu.memory_space<vmem_shared>> -> memref<8x128xf32, #tpu.memory_space<vmem_shared>>
      %dma_start3A_332 = arith.constant 0 : i32
      %dma_start3A_333 = arith.constant 0 : i32
      %dma_start3A_334 = tpu.memref_slice %arg8[%dma_start3A_320, %dma_start3A_332, %dma_start3A_333] : memref<6x40x128xf32, #tpu.memory_space<vmem>> -> memref<1x8x128xf32, #tpu.memory_space<vmem>>
      %dma_start3A_335 = tpu.memref_squeeze %dma_start3A_334 : memref<1x8x128xf32, #tpu.memory_space<vmem>> -> memref<8x128xf32, #tpu.memory_space<vmem>>
      tpu.enqueue_dma source(%dma_start3A_335 : memref<8x128xf32, #tpu.memory_space<vmem>>) target(%dma_start3A_331 : memref<8x128xf32, #tpu.memory_space<vmem_shared>>) target_semaphore(%dma_start3A_329 : memref<!tpu.dma_semaphore, #tpu.memory_space<semaphore_mem>>)
    }
    %while3A_38 = arith.constant 1 : i32
    scf.for %while3A_314 = %while3A_36 to %while3A_32 step %while3A_38  : i32 {
      %mul3A_315 = arith.muli %while3A_314, %while3A : i32
      %add3A_316 = arith.addi %while3A_29, %mul3A_315 : i32
      %mul3A_317 = arith.constant 8 : i32
      %mul3A_318 = arith.muli %add3A_316, %mul3A_317 : i32
      %add3A_319 = arith.addi %mul3A_3, %mul3A_318 : i32
      %dma_start3A_320 = arith.constant 0 : i32
      %dma_start3A_321 = arith.constant 0 : i32
      %dma_start3A_322 = arith.constant 0 : i32
      %dma_start3A_323 = arith.constant 0 : i32
      %dma_start3A_324 = tpu.memref_slice %arg8[%dma_start3A_320, %dma_start3A_322, %dma_start3A_323] : memref<6x40x128xf32, #tpu.memory_space<vmem>> -> memref<1x8x128xf32, #tpu.memory_space<vmem>>
      %dma_start3A_325 = tpu.memref_squeeze %dma_start3A_324 : memref<1x8x128xf32, #tpu.memory_space<vmem>> -> memref<8x128xf32, #tpu.memory_space<vmem>>
      %dma_start3A_326 = arith.constant 0 : i32
      %dma_start3A_327 = tpu.memref_slice %arg5[%add3A_319, %dma_start3A_326] : memref<10000x128xf32, #tpu.memory_space<vmem_shared>> -> memref<8x128xf32, #tpu.memory_space<vmem_shared>>
      %dma_start3A_328 = tpu.memref_slice %arg10[%dma_start3A_321] : memref<6x!tpu.dma_semaphore, #tpu.memory_space<semaphore_mem>> -> memref<1x!tpu.dma_semaphore, #tpu.memory_space<semaphore_mem>>
      %dma_start3A_329 = tpu.memref_squeeze %dma_start3A_328 : memref<1x!tpu.dma_semaphore, #tpu.memory_space<semaphore_mem>> -> memref<!tpu.dma_semaphore, #tpu.memory_space<semaphore_mem>>
      %dma_start3A_330 = arith.constant 0 : i32
      %dma_start3A_331 = tpu.memref_slice %arg5[%add3A_319, %dma_start3A_330] : memref<10000x128xf32, #tpu.memory_space<vmem_shared>> -> memref<8x128xf32, #tpu.memory_space<vmem_shared>>
      %dma_start3A_332 = arith.constant 0 : i32
      %dma_start3A_333 = arith.constant 0 : i32
      %dma_start3A_334 = tpu.memref_slice %arg8[%dma_start3A_320, %dma_start3A_332, %dma_start3A_333] : memref<6x40x128xf32, #tpu.memory_space<vmem>> -> memref<1x8x128xf32, #tpu.memory_space<vmem>>
      %dma_start3A_335 = tpu.memref_squeeze %dma_start3A_334 : memref<1x8x128xf32, #tpu.memory_space<vmem>> -> memref<8x128xf32, #tpu.memory_space<vmem>>
      tpu.enqueue_dma source(%dma_start3A_335 : memref<8x128xf32, #tpu.memory_space<vmem>>) target(%dma_start3A_331 : memref<8x128xf32, #tpu.memory_space<vmem_shared>>) target_semaphore(%dma_start3A_329 : memref<!tpu.dma_semaphore, #tpu.memory_space<semaphore_mem>>)
    }
    %sub3A_39 = arith.constant 0 : i32
    %sub3A_40 = arith.subi %select_n3A, %sub3A_39 : i32
    %sub3A_41 = arith.constant 1 : i32
    %sub3A_42 = arith.constant 1 : i32
    %sub3A_43 = arith.subi %sub3A_41, %sub3A_42 : i32
    %add3A_44 = arith.addi %sub3A_40, %sub3A_43 : i32
    %div3A_45 = arith.constant 1 : i32
    %div3A_46 = arith.divsi %add3A_44, %div3A_45 : i32
    %while3A_47 = arith.constant 1 : i32
    %while3A_48 = arith.constant 0 : i32
    %while3A_49 = arith.constant 0 : i32
    %while3A_50 = arith.subi %div3A_46, %while3A_49 : i32
    %while3A_51 = arith.addi %while3A_49, %while3A_50 : i32
    %while3A_52 = arith.constant 1 : i32
    %while3A_53 = arith.divsi %while3A_50, %while3A_52 : i32
    %while3A_54 = arith.muli %while3A_53, %while3A_52 : i32
    %while3A_55 = arith.addi %while3A_49, %while3A_54 : i32
    %while3A_56 = arith.constant 1 : i32
    scf.for %while3A_314 = %while3A_49 to %while3A_55 step %while3A_56  : i32 {
      %mul3A_315 = arith.muli %while3A_314, %while3A_47 : i32
      %add3A_316 = arith.addi %while3A_48, %mul3A_315 : i32
      %dma_wait3A_317 = arith.constant 0 : i32
      %dma_wait3A_318 = arith.constant 0 : i32
      %dma_wait3A_319 = arith.constant 0 : i32
      %dma_wait3A_320 = arith.constant 0 : i32
      %dma_wait3A_321 = tpu.memref_slice %arg8[%dma_wait3A_317, %dma_wait3A_319, %dma_wait3A_320] : memref<6x40x128xf32, #tpu.memory_space<vmem>> -> memref<1x8x128xf32, #tpu.memory_space<vmem>>
      %dma_wait3A_322 = tpu.memref_squeeze %dma_wait3A_321 : memref<1x8x128xf32, #tpu.memory_space<vmem>> -> memref<8x128xf32, #tpu.memory_space<vmem>>
      %dma_wait3A_323 = arith.constant 0 : i32
      %dma_wait3A_324 = tpu.memref_slice %arg5[%mul3A_3, %dma_wait3A_323] : memref<10000x128xf32, #tpu.memory_space<vmem_shared>> -> memref<8x128xf32, #tpu.memory_space<vmem_shared>>
      %dma_wait3A_325 = tpu.memref_slice %arg10[%dma_wait3A_318] : memref<6x!tpu.dma_semaphore, #tpu.memory_space<semaphore_mem>> -> memref<1x!tpu.dma_semaphore, #tpu.memory_space<semaphore_mem>>
      %dma_wait3A_326 = tpu.memref_squeeze %dma_wait3A_325 : memref<1x!tpu.dma_semaphore, #tpu.memory_space<semaphore_mem>> -> memref<!tpu.dma_semaphore, #tpu.memory_space<semaphore_mem>>
      %dma_wait3A_327 = arith.constant 0 : i32
      %dma_wait3A_328 = tpu.memref_slice %arg5[%mul3A_3, %dma_wait3A_327] : memref<10000x128xf32, #tpu.memory_space<vmem_shared>> -> memref<8x128xf32, #tpu.memory_space<vmem_shared>>
      %dma_wait3A_329 = arith.constant 0 : i32
      %dma_wait3A_330 = arith.constant 0 : i32
      %dma_wait3A_331 = tpu.memref_slice %arg8[%dma_wait3A_317, %dma_wait3A_329, %dma_wait3A_330] : memref<6x40x128xf32, #tpu.memory_space<vmem>> -> memref<1x8x128xf32, #tpu.memory_space<vmem>>
      %dma_wait3A_332 = tpu.memref_squeeze %dma_wait3A_331 : memref<1x8x128xf32, #tpu.memory_space<vmem>> -> memref<8x128xf32, #tpu.memory_space<vmem>>
      tpu.wait_dma2 semaphore(%dma_wait3A_326 : memref<!tpu.dma_semaphore, #tpu.memory_space<semaphore_mem>>) src(%dma_wait3A_332 : memref<8x128xf32, #tpu.memory_space<vmem>>) dst(%dma_wait3A_328 : memref<8x128xf32, #tpu.memory_space<vmem_shared>>)
    }
    %while3A_57 = arith.constant 1 : i32
    scf.for %while3A_314 = %while3A_55 to %while3A_51 step %while3A_57  : i32 {
      %mul3A_315 = arith.muli %while3A_314, %while3A_47 : i32
      %add3A_316 = arith.addi %while3A_48, %mul3A_315 : i32
      %dma_wait3A_317 = arith.constant 0 : i32
      %dma_wait3A_318 = arith.constant 0 : i32
      %dma_wait3A_319 = arith.constant 0 : i32
      %dma_wait3A_320 = arith.constant 0 : i32
      %dma_wait3A_321 = tpu.memref_slice %arg8[%dma_wait3A_317, %dma_wait3A_319, %dma_wait3A_320] : memref<6x40x128xf32, #tpu.memory_space<vmem>> -> memref<1x8x128xf32, #tpu.memory_space<vmem>>
      %dma_wait3A_322 = tpu.memref_squeeze %dma_wait3A_321 : memref<1x8x128xf32, #tpu.memory_space<vmem>> -> memref<8x128xf32, #tpu.memory_space<vmem>>
      %dma_wait3A_323 = arith.constant 0 : i32
      %dma_wait3A_324 = tpu.memref_slice %arg5[%mul3A_3, %dma_wait3A_323] : memref<10000x128xf32, #tpu.memory_space<vmem_shared>> -> memref<8x128xf32, #tpu.memory_space<vmem_shared>>
      %dma_wait3A_325 = tpu.memref_slice %arg10[%dma_wait3A_318] : memref<6x!tpu.dma_semaphore, #tpu.memory_space<semaphore_mem>> -> memref<1x!tpu.dma_semaphore, #tpu.memory_space<semaphore_mem>>
      %dma_wait3A_326 = tpu.memref_squeeze %dma_wait3A_325 : memref<1x!tpu.dma_semaphore, #tpu.memory_space<semaphore_mem>> -> memref<!tpu.dma_semaphore, #tpu.memory_space<semaphore_mem>>
      %dma_wait3A_327 = arith.constant 0 : i32
      %dma_wait3A_328 = tpu.memref_slice %arg5[%mul3A_3, %dma_wait3A_327] : memref<10000x128xf32, #tpu.memory_space<vmem_shared>> -> memref<8x128xf32, #tpu.memory_space<vmem_shared>>
      %dma_wait3A_329 = arith.constant 0 : i32
      %dma_wait3A_330 = arith.constant 0 : i32
      %dma_wait3A_331 = tpu.memref_slice %arg8[%dma_wait3A_317, %dma_wait3A_329, %dma_wait3A_330] : memref<6x40x128xf32, #tpu.memory_space<vmem>> -> memref<1x8x128xf32, #tpu.memory_space<vmem>>
      %dma_wait3A_332 = tpu.memref_squeeze %dma_wait3A_331 : memref<1x8x128xf32, #tpu.memory_space<vmem>> -> memref<8x128xf32, #tpu.memory_space<vmem>>
      tpu.wait_dma2 semaphore(%dma_wait3A_326 : memref<!tpu.dma_semaphore, #tpu.memory_space<semaphore_mem>>) src(%dma_wait3A_332 : memref<8x128xf32, #tpu.memory_space<vmem>>) dst(%dma_wait3A_328 : memref<8x128xf32, #tpu.memory_space<vmem_shared>>)
    }
    %dma_wait3A = arith.constant 0 : i32
    %dma_wait3A_58 = tpu.memref_slice %arg3[%mul3A_10] : memref<640000xi32, #tpu.memory_space<hbm>> -> memref<10000xi32, #tpu.memory_space<hbm>>
    %dma_wait3A_59 = tpu.memref_slice %arg9[%dma_wait3A] : memref<6x!tpu.dma_semaphore, #tpu.memory_space<semaphore_mem>> -> memref<1x!tpu.dma_semaphore, #tpu.memory_space<semaphore_mem>>
    %dma_wait3A_60 = tpu.memref_squeeze %dma_wait3A_59 : memref<1x!tpu.dma_semaphore, #tpu.memory_space<semaphore_mem>> -> memref<!tpu.dma_semaphore, #tpu.memory_space<semaphore_mem>>
    %dma_wait3A_61 = tpu.memref_slice %arg3[%mul3A_10] : memref<640000xi32, #tpu.memory_space<hbm>> -> memref<10000xi32, #tpu.memory_space<hbm>>
    tpu.wait_dma2 semaphore(%dma_wait3A_60 : memref<!tpu.dma_semaphore, #tpu.memory_space<semaphore_mem>>) src(%dma_wait3A_61 : memref<10000xi32, #tpu.memory_space<hbm>>) dst(%arg6 : memref<10000xi32, #tpu.memory_space<vmem>>)
    %add3A_62 = arith.constant 320000 : i32
    %add3A_63 = arith.addi %add3A_62, %mul3A_10 : i32
    %dma_wait3A_64 = arith.constant 1 : i32
    %dma_wait3A_65 = tpu.memref_slice %arg3[%add3A_63] : memref<640000xi32, #tpu.memory_space<hbm>> -> memref<10000xi32, #tpu.memory_space<hbm>>
    %dma_wait3A_66 = tpu.memref_slice %arg9[%dma_wait3A_64] : memref<6x!tpu.dma_semaphore, #tpu.memory_space<semaphore_mem>> -> memref<1x!tpu.dma_semaphore, #tpu.memory_space<semaphore_mem>>
    %dma_wait3A_67 = tpu.memref_squeeze %dma_wait3A_66 : memref<1x!tpu.dma_semaphore, #tpu.memory_space<semaphore_mem>> -> memref<!tpu.dma_semaphore, #tpu.memory_space<semaphore_mem>>
    %dma_wait3A_68 = tpu.memref_slice %arg3[%add3A_63] : memref<640000xi32, #tpu.memory_space<hbm>> -> memref<10000xi32, #tpu.memory_space<hbm>>
    tpu.wait_dma2 semaphore(%dma_wait3A_67 : memref<!tpu.dma_semaphore, #tpu.memory_space<semaphore_mem>>) src(%dma_wait3A_68 : memref<10000xi32, #tpu.memory_space<hbm>>) dst(%arg7 : memref<10000xi32, #tpu.memory_space<vmem>>)
    %barrier3A = arith.constant 0 : index
    tpu.barrier barrier_id(%barrier3A)
    %dma_start3A_69 = arith.constant 0 : i32
    %dma_start3A_70 = arith.constant 0 : i32
    %dma_start3A_71 = arith.constant 0 : i32
    %dma_start3A_72 = arith.constant 0 : i32
    %dma_start3A_73 = tpu.memref_slice %arg8[%dma_start3A_69, %dma_start3A_71, %dma_start3A_72] : memref<6x40x128xf32, #tpu.memory_space<vmem>> -> memref<1x40x128xf32, #tpu.memory_space<vmem>>
    %dma_start3A_74 = tpu.memref_squeeze %dma_start3A_73 : memref<1x40x128xf32, #tpu.memory_space<vmem>> -> memref<40x128xf32, #tpu.memory_space<vmem>>
    %dma_start3A_75 = arith.constant 0 : i32
    %dma_start3A_76 = tpu.memref_slice %arg6[%dma_start3A_75] : memref<10000xi32, #tpu.memory_space<vmem>> -> memref<40xi32, #tpu.memory_space<vmem>>
    %dma_start3A_77 = arith.constant 0 : i32
    %dma_start3A_78 = arith.constant 0 : i32
    %dma_start3A_79 = tpu.memref_slice %arg2[%dma_start3A_77, %dma_start3A_78] : memref<10000x128xf32, #tpu.memory_space<hbm>> -> memref<10000x128xf32, #tpu.memory_space<hbm>>
    %dma_start3A_80 = tpu.memref_slice %arg9[%dma_start3A_70] : memref<6x!tpu.dma_semaphore, #tpu.memory_space<semaphore_mem>> -> memref<1x!tpu.dma_semaphore, #tpu.memory_space<semaphore_mem>>
    %dma_start3A_81 = tpu.memref_squeeze %dma_start3A_80 : memref<1x!tpu.dma_semaphore, #tpu.memory_space<semaphore_mem>> -> memref<!tpu.dma_semaphore, #tpu.memory_space<semaphore_mem>>
    tpu.enqueue_indirect_dma source(%dma_start3A_79 : memref<10000x128xf32, #tpu.memory_space<hbm>>) target(%dma_start3A_74 : memref<40x128xf32, #tpu.memory_space<vmem>>) offsets(%dma_start3A_76 : memref<40xi32, #tpu.memory_space<vmem>>) semaphore(%dma_start3A_81 : memref<!tpu.dma_semaphore, #tpu.memory_space<semaphore_mem>>)
    %dma_start3A_82 = arith.constant 1 : i32
    %dma_start3A_83 = arith.constant 1 : i32
    %dma_start3A_84 = arith.constant 0 : i32
    %dma_start3A_85 = arith.constant 0 : i32
    %dma_start3A_86 = tpu.memref_slice %arg8[%dma_start3A_82, %dma_start3A_84, %dma_start3A_85] : memref<6x40x128xf32, #tpu.memory_space<vmem>> -> memref<1x40x128xf32, #tpu.memory_space<vmem>>
    %dma_start3A_87 = tpu.memref_squeeze %dma_start3A_86 : memref<1x40x128xf32, #tpu.memory_space<vmem>> -> memref<40x128xf32, #tpu.memory_space<vmem>>
    %dma_start3A_88 = arith.constant 40 : i32
    %dma_start3A_89 = tpu.memref_slice %arg6[%dma_start3A_88] : memref<10000xi32, #tpu.memory_space<vmem>> -> memref<40xi32, #tpu.memory_space<vmem>>
    %dma_start3A_90 = arith.constant 0 : i32
    %dma_start3A_91 = arith.constant 0 : i32
    %dma_start3A_92 = tpu.memref_slice %arg2[%dma_start3A_90, %dma_start3A_91] : memref<10000x128xf32, #tpu.memory_space<hbm>> -> memref<10000x128xf32, #tpu.memory_space<hbm>>
    %dma_start3A_93 = tpu.memref_slice %arg9[%dma_start3A_83] : memref<6x!tpu.dma_semaphore, #tpu.memory_space<semaphore_mem>> -> memref<1x!tpu.dma_semaphore, #tpu.memory_space<semaphore_mem>>
    %dma_start3A_94 = tpu.memref_squeeze %dma_start3A_93 : memref<1x!tpu.dma_semaphore, #tpu.memory_space<semaphore_mem>> -> memref<!tpu.dma_semaphore, #tpu.memory_space<semaphore_mem>>
    tpu.enqueue_indirect_dma source(%dma_start3A_92 : memref<10000x128xf32, #tpu.memory_space<hbm>>) target(%dma_start3A_87 : memref<40x128xf32, #tpu.memory_space<vmem>>) offsets(%dma_start3A_89 : memref<40xi32, #tpu.memory_space<vmem>>) semaphore(%dma_start3A_94 : memref<!tpu.dma_semaphore, #tpu.memory_space<semaphore_mem>>)
    %dma_start3A_95 = arith.constant 2 : i32
    %dma_start3A_96 = arith.constant 2 : i32
    %dma_start3A_97 = arith.constant 0 : i32
    %dma_start3A_98 = arith.constant 0 : i32
    %dma_start3A_99 = tpu.memref_slice %arg8[%dma_start3A_95, %dma_start3A_97, %dma_start3A_98] : memref<6x40x128xf32, #tpu.memory_space<vmem>> -> memref<1x40x128xf32, #tpu.memory_space<vmem>>
    %dma_start3A_100 = tpu.memref_squeeze %dma_start3A_99 : memref<1x40x128xf32, #tpu.memory_space<vmem>> -> memref<40x128xf32, #tpu.memory_space<vmem>>
    %dma_start3A_101 = arith.constant 80 : i32
    %dma_start3A_102 = tpu.memref_slice %arg6[%dma_start3A_101] : memref<10000xi32, #tpu.memory_space<vmem>> -> memref<40xi32, #tpu.memory_space<vmem>>
    %dma_start3A_103 = arith.constant 0 : i32
    %dma_start3A_104 = arith.constant 0 : i32
    %dma_start3A_105 = tpu.memref_slice %arg2[%dma_start3A_103, %dma_start3A_104] : memref<10000x128xf32, #tpu.memory_space<hbm>> -> memref<10000x128xf32, #tpu.memory_space<hbm>>
    %dma_start3A_106 = tpu.memref_slice %arg9[%dma_start3A_96] : memref<6x!tpu.dma_semaphore, #tpu.memory_space<semaphore_mem>> -> memref<1x!tpu.dma_semaphore, #tpu.memory_space<semaphore_mem>>
    %dma_start3A_107 = tpu.memref_squeeze %dma_start3A_106 : memref<1x!tpu.dma_semaphore, #tpu.memory_space<semaphore_mem>> -> memref<!tpu.dma_semaphore, #tpu.memory_space<semaphore_mem>>
    tpu.enqueue_indirect_dma source(%dma_start3A_105 : memref<10000x128xf32, #tpu.memory_space<hbm>>) target(%dma_start3A_100 : memref<40x128xf32, #tpu.memory_space<vmem>>) offsets(%dma_start3A_102 : memref<40xi32, #tpu.memory_space<vmem>>) semaphore(%dma_start3A_107 : memref<!tpu.dma_semaphore, #tpu.memory_space<semaphore_mem>>)
    %dma_start3A_108 = arith.constant 3 : i32
    %dma_start3A_109 = arith.constant 3 : i32
    %dma_start3A_110 = arith.constant 0 : i32
    %dma_start3A_111 = arith.constant 0 : i32
    %dma_start3A_112 = tpu.memref_slice %arg8[%dma_start3A_108, %dma_start3A_110, %dma_start3A_111] : memref<6x40x128xf32, #tpu.memory_space<vmem>> -> memref<1x40x128xf32, #tpu.memory_space<vmem>>
    %dma_start3A_113 = tpu.memref_squeeze %dma_start3A_112 : memref<1x40x128xf32, #tpu.memory_space<vmem>> -> memref<40x128xf32, #tpu.memory_space<vmem>>
    %dma_start3A_114 = arith.constant 120 : i32
    %dma_start3A_115 = tpu.memref_slice %arg6[%dma_start3A_114] : memref<10000xi32, #tpu.memory_space<vmem>> -> memref<40xi32, #tpu.memory_space<vmem>>
    %dma_start3A_116 = arith.constant 0 : i32
    %dma_start3A_117 = arith.constant 0 : i32
    %dma_start3A_118 = tpu.memref_slice %arg2[%dma_start3A_116, %dma_start3A_117] : memref<10000x128xf32, #tpu.memory_space<hbm>> -> memref<10000x128xf32, #tpu.memory_space<hbm>>
    %dma_start3A_119 = tpu.memref_slice %arg9[%dma_start3A_109] : memref<6x!tpu.dma_semaphore, #tpu.memory_space<semaphore_mem>> -> memref<1x!tpu.dma_semaphore, #tpu.memory_space<semaphore_mem>>
    %dma_start3A_120 = tpu.memref_squeeze %dma_start3A_119 : memref<1x!tpu.dma_semaphore, #tpu.memory_space<semaphore_mem>> -> memref<!tpu.dma_semaphore, #tpu.memory_space<semaphore_mem>>
    tpu.enqueue_indirect_dma source(%dma_start3A_118 : memref<10000x128xf32, #tpu.memory_space<hbm>>) target(%dma_start3A_113 : memref<40x128xf32, #tpu.memory_space<vmem>>) offsets(%dma_start3A_115 : memref<40xi32, #tpu.memory_space<vmem>>) semaphore(%dma_start3A_120 : memref<!tpu.dma_semaphore, #tpu.memory_space<semaphore_mem>>)
    %dma_start3A_121 = arith.constant 4 : i32
    %dma_start3A_122 = arith.constant 4 : i32
    %dma_start3A_123 = arith.constant 0 : i32
    %dma_start3A_124 = arith.constant 0 : i32
    %dma_start3A_125 = tpu.memref_slice %arg8[%dma_start3A_121, %dma_start3A_123, %dma_start3A_124] : memref<6x40x128xf32, #tpu.memory_space<vmem>> -> memref<1x40x128xf32, #tpu.memory_space<vmem>>
    %dma_start3A_126 = tpu.memref_squeeze %dma_start3A_125 : memref<1x40x128xf32, #tpu.memory_space<vmem>> -> memref<40x128xf32, #tpu.memory_space<vmem>>
    %dma_start3A_127 = arith.constant 160 : i32
    %dma_start3A_128 = tpu.memref_slice %arg6[%dma_start3A_127] : memref<10000xi32, #tpu.memory_space<vmem>> -> memref<40xi32, #tpu.memory_space<vmem>>
    %dma_start3A_129 = arith.constant 0 : i32
    %dma_start3A_130 = arith.constant 0 : i32
    %dma_start3A_131 = tpu.memref_slice %arg2[%dma_start3A_129, %dma_start3A_130] : memref<10000x128xf32, #tpu.memory_space<hbm>> -> memref<10000x128xf32, #tpu.memory_space<hbm>>
    %dma_start3A_132 = tpu.memref_slice %arg9[%dma_start3A_122] : memref<6x!tpu.dma_semaphore, #tpu.memory_space<semaphore_mem>> -> memref<1x!tpu.dma_semaphore, #tpu.memory_space<semaphore_mem>>
    %dma_start3A_133 = tpu.memref_squeeze %dma_start3A_132 : memref<1x!tpu.dma_semaphore, #tpu.memory_space<semaphore_mem>> -> memref<!tpu.dma_semaphore, #tpu.memory_space<semaphore_mem>>
    tpu.enqueue_indirect_dma source(%dma_start3A_131 : memref<10000x128xf32, #tpu.memory_space<hbm>>) target(%dma_start3A_126 : memref<40x128xf32, #tpu.memory_space<vmem>>) offsets(%dma_start3A_128 : memref<40xi32, #tpu.memory_space<vmem>>) semaphore(%dma_start3A_133 : memref<!tpu.dma_semaphore, #tpu.memory_space<semaphore_mem>>)
    %dma_start3A_134 = arith.constant 5 : i32
    %dma_start3A_135 = arith.constant 5 : i32
    %dma_start3A_136 = arith.constant 0 : i32
    %dma_start3A_137 = arith.constant 0 : i32
    %dma_start3A_138 = tpu.memref_slice %arg8[%dma_start3A_134, %dma_start3A_136, %dma_start3A_137] : memref<6x40x128xf32, #tpu.memory_space<vmem>> -> memref<1x40x128xf32, #tpu.memory_space<vmem>>
    %dma_start3A_139 = tpu.memref_squeeze %dma_start3A_138 : memref<1x40x128xf32, #tpu.memory_space<vmem>> -> memref<40x128xf32, #tpu.memory_space<vmem>>
    %dma_start3A_140 = arith.constant 200 : i32
    %dma_start3A_141 = tpu.memref_slice %arg6[%dma_start3A_140] : memref<10000xi32, #tpu.memory_space<vmem>> -> memref<40xi32, #tpu.memory_space<vmem>>
    %dma_start3A_142 = arith.constant 0 : i32
    %dma_start3A_143 = arith.constant 0 : i32
    %dma_start3A_144 = tpu.memref_slice %arg2[%dma_start3A_142, %dma_start3A_143] : memref<10000x128xf32, #tpu.memory_space<hbm>> -> memref<10000x128xf32, #tpu.memory_space<hbm>>
    %dma_start3A_145 = tpu.memref_slice %arg9[%dma_start3A_135] : memref<6x!tpu.dma_semaphore, #tpu.memory_space<semaphore_mem>> -> memref<1x!tpu.dma_semaphore, #tpu.memory_space<semaphore_mem>>
    %dma_start3A_146 = tpu.memref_squeeze %dma_start3A_145 : memref<1x!tpu.dma_semaphore, #tpu.memory_space<semaphore_mem>> -> memref<!tpu.dma_semaphore, #tpu.memory_space<semaphore_mem>>
    tpu.enqueue_indirect_dma source(%dma_start3A_144 : memref<10000x128xf32, #tpu.memory_space<hbm>>) target(%dma_start3A_139 : memref<40x128xf32, #tpu.memory_space<vmem>>) offsets(%dma_start3A_141 : memref<40xi32, #tpu.memory_space<vmem>>) semaphore(%dma_start3A_146 : memref<!tpu.dma_semaphore, #tpu.memory_space<semaphore_mem>>)
    %scan3A_147 = arith.constant 0 : i32
    %scan3A_148 = arith.constant 41 : i32
    %scan3A_149 = arith.addi %scan3A_147, %scan3A_148 : i32
    %scan3A_150 = arith.constant 1 : i32
    scf.for %scan3A_314 = %scan3A_147 to %scan3A_149 step %scan3A_150  : i32 {
      %mul3A_315 = arith.constant 1 : i32
      %mul3A_316 = arith.muli %scan3A_314, %mul3A_315 : i32
      %add3A_317 = arith.constant 0 : i32
      %add3A_318 = arith.addi %add3A_317, %mul3A_316 : i32
      %mul3A_319 = arith.constant 6 : i32
      %mul3A_320 = arith.muli %add3A_318, %mul3A_319 : i32
      %add3A_321 = arith.constant 0 : i32
      %add3A_322 = arith.addi %mul3A_320, %add3A_321 : i32
      %mul3A_323 = arith.constant 40 : i32
      %mul3A_324 = arith.muli %add3A_322, %mul3A_323 : i32
      %dma_wait3A_325 = arith.constant 0 : i32
      %dma_wait3A_326 = arith.constant 0 : i32
      %dma_wait3A_327 = arith.constant 0 : i32
      %dma_wait3A_328 = arith.constant 0 : i32
      %dma_wait3A_329 = tpu.memref_slice %arg8[%dma_wait3A_325, %dma_wait3A_327, %dma_wait3A_328] : memref<6x40x128xf32, #tpu.memory_space<vmem>> -> memref<1x40x128xf32, #tpu.memory_space<vmem>>
      %dma_wait3A_330 = tpu.memref_squeeze %dma_wait3A_329 : memref<1x40x128xf32, #tpu.memory_space<vmem>> -> memref<40x128xf32, #tpu.memory_space<vmem>>
      %dma_wait3A_331 = tpu.memref_slice %arg6[%mul3A_324] : memref<10000xi32, #tpu.memory_space<vmem>> -> memref<40xi32, #tpu.memory_space<vmem>>
      %dma_wait3A_332 = arith.constant 0 : i32
      %dma_wait3A_333 = arith.constant 0 : i32
      %dma_wait3A_334 = tpu.memref_slice %arg2[%dma_wait3A_332, %dma_wait3A_333] : memref<10000x128xf32, #tpu.memory_space<hbm>> -> memref<10000x128xf32, #tpu.memory_space<hbm>>
      %dma_wait3A_335 = tpu.memref_slice %arg9[%dma_wait3A_326] : memref<6x!tpu.dma_semaphore, #tpu.memory_space<semaphore_mem>> -> memref<1x!tpu.dma_semaphore, #tpu.memory_space<semaphore_mem>>
      %dma_wait3A_336 = tpu.memref_squeeze %dma_wait3A_335 : memref<1x!tpu.dma_semaphore, #tpu.memory_space<semaphore_mem>> -> memref<!tpu.dma_semaphore, #tpu.memory_space<semaphore_mem>>
      tpu.wait_indirect_dma semaphore(%dma_wait3A_336 : memref<!tpu.dma_semaphore, #tpu.memory_space<semaphore_mem>>) src(%dma_wait3A_334 : memref<10000x128xf32, #tpu.memory_space<hbm>>) dst(%dma_wait3A_330 : memref<40x128xf32, #tpu.memory_space<vmem>>)
      %mul3A_337 = arith.constant 40 : i32
      %mul3A_338 = arith.muli %add3A_322, %mul3A_337 : i32
      %dma_start3A_339 = arith.constant 0 : i32
      %dma_start3A_340 = arith.constant 0 : i32
      %dma_start3A_341 = arith.constant 0 : i32
      %dma_start3A_342 = arith.constant 0 : i32
      %dma_start3A_343 = tpu.memref_slice %arg8[%dma_start3A_339, %dma_start3A_341, %dma_start3A_342] : memref<6x40x128xf32, #tpu.memory_space<vmem>> -> memref<1x40x128xf32, #tpu.memory_space<vmem>>
      %dma_start3A_344 = tpu.memref_squeeze %dma_start3A_343 : memref<1x40x128xf32, #tpu.memory_space<vmem>> -> memref<40x128xf32, #tpu.memory_space<vmem>>
      %dma_start3A_345 = tpu.memref_slice %arg7[%mul3A_338] : memref<10000xi32, #tpu.memory_space<vmem>> -> memref<40xi32, #tpu.memory_space<vmem>>
      %dma_start3A_346 = arith.constant 0 : i32
      %dma_start3A_347 = arith.constant 0 : i32
      %dma_start3A_348 = tpu.memref_slice %arg5[%dma_start3A_346, %dma_start3A_347] : memref<10000x128xf32, #tpu.memory_space<vmem_shared>> -> memref<10000x128xf32, #tpu.memory_space<vmem_shared>>
      %dma_start3A_349 = tpu.memref_slice %arg10[%dma_start3A_340] : memref<6x!tpu.dma_semaphore, #tpu.memory_space<semaphore_mem>> -> memref<1x!tpu.dma_semaphore, #tpu.memory_space<semaphore_mem>>
      %dma_start3A_350 = tpu.memref_squeeze %dma_start3A_349 : memref<1x!tpu.dma_semaphore, #tpu.memory_space<semaphore_mem>> -> memref<!tpu.dma_semaphore, #tpu.memory_space<semaphore_mem>>
      tpu.enqueue_indirect_dma source(%dma_start3A_344 : memref<40x128xf32, #tpu.memory_space<vmem>>) target(%dma_start3A_348 : memref<10000x128xf32, #tpu.memory_space<vmem_shared>>) offsets(%dma_start3A_345 : memref<40xi32, #tpu.memory_space<vmem>>) semaphore(%dma_start3A_350 : memref<!tpu.dma_semaphore, #tpu.memory_space<semaphore_mem>>) {add = true}
      %add3A_351 = arith.constant 1 : i32
      %add3A_352 = arith.addi %mul3A_320, %add3A_351 : i32
      %mul3A_353 = arith.constant 40 : i32
      %mul3A_354 = arith.muli %add3A_352, %mul3A_353 : i32
      %dma_wait3A_355 = arith.constant 1 : i32
      %dma_wait3A_356 = arith.constant 1 : i32
      %dma_wait3A_357 = arith.constant 0 : i32
      %dma_wait3A_358 = arith.constant 0 : i32
      %dma_wait3A_359 = tpu.memref_slice %arg8[%dma_wait3A_355, %dma_wait3A_357, %dma_wait3A_358] : memref<6x40x128xf32, #tpu.memory_space<vmem>> -> memref<1x40x128xf32, #tpu.memory_space<vmem>>
      %dma_wait3A_360 = tpu.memref_squeeze %dma_wait3A_359 : memref<1x40x128xf32, #tpu.memory_space<vmem>> -> memref<40x128xf32, #tpu.memory_space<vmem>>
      %dma_wait3A_361 = tpu.memref_slice %arg6[%mul3A_354] : memref<10000xi32, #tpu.memory_space<vmem>> -> memref<40xi32, #tpu.memory_space<vmem>>
      %dma_wait3A_362 = arith.constant 0 : i32
      %dma_wait3A_363 = arith.constant 0 : i32
      %dma_wait3A_364 = tpu.memref_slice %arg2[%dma_wait3A_362, %dma_wait3A_363] : memref<10000x128xf32, #tpu.memory_space<hbm>> -> memref<10000x128xf32, #tpu.memory_space<hbm>>
      %dma_wait3A_365 = tpu.memref_slice %arg9[%dma_wait3A_356] : memref<6x!tpu.dma_semaphore, #tpu.memory_space<semaphore_mem>> -> memref<1x!tpu.dma_semaphore, #tpu.memory_space<semaphore_mem>>
      %dma_wait3A_366 = tpu.memref_squeeze %dma_wait3A_365 : memref<1x!tpu.dma_semaphore, #tpu.memory_space<semaphore_mem>> -> memref<!tpu.dma_semaphore, #tpu.memory_space<semaphore_mem>>
      tpu.wait_indirect_dma semaphore(%dma_wait3A_366 : memref<!tpu.dma_semaphore, #tpu.memory_space<semaphore_mem>>) src(%dma_wait3A_364 : memref<10000x128xf32, #tpu.memory_space<hbm>>) dst(%dma_wait3A_360 : memref<40x128xf32, #tpu.memory_space<vmem>>)
      %mul3A_367 = arith.constant 40 : i32
      %mul3A_368 = arith.muli %add3A_352, %mul3A_367 : i32
      %dma_start3A_369 = arith.constant 1 : i32
      %dma_start3A_370 = arith.constant 1 : i32
      %dma_start3A_371 = arith.constant 0 : i32
      %dma_start3A_372 = arith.constant 0 : i32
      %dma_start3A_373 = tpu.memref_slice %arg8[%dma_start3A_369, %dma_start3A_371, %dma_start3A_372] : memref<6x40x128xf32, #tpu.memory_space<vmem>> -> memref<1x40x128xf32, #tpu.memory_space<vmem>>
      %dma_start3A_374 = tpu.memref_squeeze %dma_start3A_373 : memref<1x40x128xf32, #tpu.memory_space<vmem>> -> memref<40x128xf32, #tpu.memory_space<vmem>>
      %dma_start3A_375 = tpu.memref_slice %arg7[%mul3A_368] : memref<10000xi32, #tpu.memory_space<vmem>> -> memref<40xi32, #tpu.memory_space<vmem>>
      %dma_start3A_376 = arith.constant 0 : i32
      %dma_start3A_377 = arith.constant 0 : i32
      %dma_start3A_378 = tpu.memref_slice %arg5[%dma_start3A_376, %dma_start3A_377] : memref<10000x128xf32, #tpu.memory_space<vmem_shared>> -> memref<10000x128xf32, #tpu.memory_space<vmem_shared>>
      %dma_start3A_379 = tpu.memref_slice %arg10[%dma_start3A_370] : memref<6x!tpu.dma_semaphore, #tpu.memory_space<semaphore_mem>> -> memref<1x!tpu.dma_semaphore, #tpu.memory_space<semaphore_mem>>
      %dma_start3A_380 = tpu.memref_squeeze %dma_start3A_379 : memref<1x!tpu.dma_semaphore, #tpu.memory_space<semaphore_mem>> -> memref<!tpu.dma_semaphore, #tpu.memory_space<semaphore_mem>>
      tpu.enqueue_indirect_dma source(%dma_start3A_374 : memref<40x128xf32, #tpu.memory_space<vmem>>) target(%dma_start3A_378 : memref<10000x128xf32, #tpu.memory_space<vmem_shared>>) offsets(%dma_start3A_375 : memref<40xi32, #tpu.memory_space<vmem>>) semaphore(%dma_start3A_380 : memref<!tpu.dma_semaphore, #tpu.memory_space<semaphore_mem>>) {add = true}
      %add3A_381 = arith.constant 2 : i32
      %add3A_382 = arith.addi %mul3A_320, %add3A_381 : i32
      %mul3A_383 = arith.constant 40 : i32
      %mul3A_384 = arith.muli %add3A_382, %mul3A_383 : i32
      %dma_wait3A_385 = arith.constant 2 : i32
      %dma_wait3A_386 = arith.constant 2 : i32
      %dma_wait3A_387 = arith.constant 0 : i32
      %dma_wait3A_388 = arith.constant 0 : i32
      %dma_wait3A_389 = tpu.memref_slice %arg8[%dma_wait3A_385, %dma_wait3A_387, %dma_wait3A_388] : memref<6x40x128xf32, #tpu.memory_space<vmem>> -> memref<1x40x128xf32, #tpu.memory_space<vmem>>
      %dma_wait3A_390 = tpu.memref_squeeze %dma_wait3A_389 : memref<1x40x128xf32, #tpu.memory_space<vmem>> -> memref<40x128xf32, #tpu.memory_space<vmem>>
      %dma_wait3A_391 = tpu.memref_slice %arg6[%mul3A_384] : memref<10000xi32, #tpu.memory_space<vmem>> -> memref<40xi32, #tpu.memory_space<vmem>>
      %dma_wait3A_392 = arith.constant 0 : i32
      %dma_wait3A_393 = arith.constant 0 : i32
      %dma_wait3A_394 = tpu.memref_slice %arg2[%dma_wait3A_392, %dma_wait3A_393] : memref<10000x128xf32, #tpu.memory_space<hbm>> -> memref<10000x128xf32, #tpu.memory_space<hbm>>
      %dma_wait3A_395 = tpu.memref_slice %arg9[%dma_wait3A_386] : memref<6x!tpu.dma_semaphore, #tpu.memory_space<semaphore_mem>> -> memref<1x!tpu.dma_semaphore, #tpu.memory_space<semaphore_mem>>
      %dma_wait3A_396 = tpu.memref_squeeze %dma_wait3A_395 : memref<1x!tpu.dma_semaphore, #tpu.memory_space<semaphore_mem>> -> memref<!tpu.dma_semaphore, #tpu.memory_space<semaphore_mem>>
      tpu.wait_indirect_dma semaphore(%dma_wait3A_396 : memref<!tpu.dma_semaphore, #tpu.memory_space<semaphore_mem>>) src(%dma_wait3A_394 : memref<10000x128xf32, #tpu.memory_space<hbm>>) dst(%dma_wait3A_390 : memref<40x128xf32, #tpu.memory_space<vmem>>)
      %mul3A_397 = arith.constant 40 : i32
      %mul3A_398 = arith.muli %add3A_382, %mul3A_397 : i32
      %dma_start3A_399 = arith.constant 2 : i32
      %dma_start3A_400 = arith.constant 2 : i32
      %dma_start3A_401 = arith.constant 0 : i32
      %dma_start3A_402 = arith.constant 0 : i32
      %dma_start3A_403 = tpu.memref_slice %arg8[%dma_start3A_399, %dma_start3A_401, %dma_start3A_402] : memref<6x40x128xf32, #tpu.memory_space<vmem>> -> memref<1x40x128xf32, #tpu.memory_space<vmem>>
      %dma_start3A_404 = tpu.memref_squeeze %dma_start3A_403 : memref<1x40x128xf32, #tpu.memory_space<vmem>> -> memref<40x128xf32, #tpu.memory_space<vmem>>
      %dma_start3A_405 = tpu.memref_slice %arg7[%mul3A_398] : memref<10000xi32, #tpu.memory_space<vmem>> -> memref<40xi32, #tpu.memory_space<vmem>>
      %dma_start3A_406 = arith.constant 0 : i32
      %dma_start3A_407 = arith.constant 0 : i32
      %dma_start3A_408 = tpu.memref_slice %arg5[%dma_start3A_406, %dma_start3A_407] : memref<10000x128xf32, #tpu.memory_space<vmem_shared>> -> memref<10000x128xf32, #tpu.memory_space<vmem_shared>>
      %dma_start3A_409 = tpu.memref_slice %arg10[%dma_start3A_400] : memref<6x!tpu.dma_semaphore, #tpu.memory_space<semaphore_mem>> -> memref<1x!tpu.dma_semaphore, #tpu.memory_space<semaphore_mem>>
      %dma_start3A_410 = tpu.memref_squeeze %dma_start3A_409 : memref<1x!tpu.dma_semaphore, #tpu.memory_space<semaphore_mem>> -> memref<!tpu.dma_semaphore, #tpu.memory_space<semaphore_mem>>
      tpu.enqueue_indirect_dma source(%dma_start3A_404 : memref<40x128xf32, #tpu.memory_space<vmem>>) target(%dma_start3A_408 : memref<10000x128xf32, #tpu.memory_space<vmem_shared>>) offsets(%dma_start3A_405 : memref<40xi32, #tpu.memory_space<vmem>>) semaphore(%dma_start3A_410 : memref<!tpu.dma_semaphore, #tpu.memory_space<semaphore_mem>>) {add = true}
      %add3A_411 = arith.constant 3 : i32
      %add3A_412 = arith.addi %mul3A_320, %add3A_411 : i32
      %mul3A_413 = arith.constant 40 : i32
      %mul3A_414 = arith.muli %add3A_412, %mul3A_413 : i32
      %dma_wait3A_415 = arith.constant 3 : i32
      %dma_wait3A_416 = arith.constant 3 : i32
      %dma_wait3A_417 = arith.constant 0 : i32
      %dma_wait3A_418 = arith.constant 0 : i32
      %dma_wait3A_419 = tpu.memref_slice %arg8[%dma_wait3A_415, %dma_wait3A_417, %dma_wait3A_418] : memref<6x40x128xf32, #tpu.memory_space<vmem>> -> memref<1x40x128xf32, #tpu.memory_space<vmem>>
      %dma_wait3A_420 = tpu.memref_squeeze %dma_wait3A_419 : memref<1x40x128xf32, #tpu.memory_space<vmem>> -> memref<40x128xf32, #tpu.memory_space<vmem>>
      %dma_wait3A_421 = tpu.memref_slice %arg6[%mul3A_414] : memref<10000xi32, #tpu.memory_space<vmem>> -> memref<40xi32, #tpu.memory_space<vmem>>
      %dma_wait3A_422 = arith.constant 0 : i32
      %dma_wait3A_423 = arith.constant 0 : i32
      %dma_wait3A_424 = tpu.memref_slice %arg2[%dma_wait3A_422, %dma_wait3A_423] : memref<10000x128xf32, #tpu.memory_space<hbm>> -> memref<10000x128xf32, #tpu.memory_space<hbm>>
      %dma_wait3A_425 = tpu.memref_slice %arg9[%dma_wait3A_416] : memref<6x!tpu.dma_semaphore, #tpu.memory_space<semaphore_mem>> -> memref<1x!tpu.dma_semaphore, #tpu.memory_space<semaphore_mem>>
      %dma_wait3A_426 = tpu.memref_squeeze %dma_wait3A_425 : memref<1x!tpu.dma_semaphore, #tpu.memory_space<semaphore_mem>> -> memref<!tpu.dma_semaphore, #tpu.memory_space<semaphore_mem>>
      tpu.wait_indirect_dma semaphore(%dma_wait3A_426 : memref<!tpu.dma_semaphore, #tpu.memory_space<semaphore_mem>>) src(%dma_wait3A_424 : memref<10000x128xf32, #tpu.memory_space<hbm>>) dst(%dma_wait3A_420 : memref<40x128xf32, #tpu.memory_space<vmem>>)
      %mul3A_427 = arith.constant 40 : i32
      %mul3A_428 = arith.muli %add3A_412, %mul3A_427 : i32
      %dma_start3A_429 = arith.constant 3 : i32
      %dma_start3A_430 = arith.constant 3 : i32
      %dma_start3A_431 = arith.constant 0 : i32
      %dma_start3A_432 = arith.constant 0 : i32
      %dma_start3A_433 = tpu.memref_slice %arg8[%dma_start3A_429, %dma_start3A_431, %dma_start3A_432] : memref<6x40x128xf32, #tpu.memory_space<vmem>> -> memref<1x40x128xf32, #tpu.memory_space<vmem>>
      %dma_start3A_434 = tpu.memref_squeeze %dma_start3A_433 : memref<1x40x128xf32, #tpu.memory_space<vmem>> -> memref<40x128xf32, #tpu.memory_space<vmem>>
      %dma_start3A_435 = tpu.memref_slice %arg7[%mul3A_428] : memref<10000xi32, #tpu.memory_space<vmem>> -> memref<40xi32, #tpu.memory_space<vmem>>
      %dma_start3A_436 = arith.constant 0 : i32
      %dma_start3A_437 = arith.constant 0 : i32
      %dma_start3A_438 = tpu.memref_slice %arg5[%dma_start3A_436, %dma_start3A_437] : memref<10000x128xf32, #tpu.memory_space<vmem_shared>> -> memref<10000x128xf32, #tpu.memory_space<vmem_shared>>
      %dma_start3A_439 = tpu.memref_slice %arg10[%dma_start3A_430] : memref<6x!tpu.dma_semaphore, #tpu.memory_space<semaphore_mem>> -> memref<1x!tpu.dma_semaphore, #tpu.memory_space<semaphore_mem>>
      %dma_start3A_440 = tpu.memref_squeeze %dma_start3A_439 : memref<1x!tpu.dma_semaphore, #tpu.memory_space<semaphore_mem>> -> memref<!tpu.dma_semaphore, #tpu.memory_space<semaphore_mem>>
      tpu.enqueue_indirect_dma source(%dma_start3A_434 : memref<40x128xf32, #tpu.memory_space<vmem>>) target(%dma_start3A_438 : memref<10000x128xf32, #tpu.memory_space<vmem_shared>>) offsets(%dma_start3A_435 : memref<40xi32, #tpu.memory_space<vmem>>) semaphore(%dma_start3A_440 : memref<!tpu.dma_semaphore, #tpu.memory_space<semaphore_mem>>) {add = true}
      %add3A_441 = arith.constant 4 : i32
      %add3A_442 = arith.addi %mul3A_320, %add3A_441 : i32
      %mul3A_443 = arith.constant 40 : i32
      %mul3A_444 = arith.muli %add3A_442, %mul3A_443 : i32
      %dma_wait3A_445 = arith.constant 4 : i32
      %dma_wait3A_446 = arith.constant 4 : i32
      %dma_wait3A_447 = arith.constant 0 : i32
      %dma_wait3A_448 = arith.constant 0 : i32
      %dma_wait3A_449 = tpu.memref_slice %arg8[%dma_wait3A_445, %dma_wait3A_447, %dma_wait3A_448] : memref<6x40x128xf32, #tpu.memory_space<vmem>> -> memref<1x40x128xf32, #tpu.memory_space<vmem>>
      %dma_wait3A_450 = tpu.memref_squeeze %dma_wait3A_449 : memref<1x40x128xf32, #tpu.memory_space<vmem>> -> memref<40x128xf32, #tpu.memory_space<vmem>>
      %dma_wait3A_451 = tpu.memref_slice %arg6[%mul3A_444] : memref<10000xi32, #tpu.memory_space<vmem>> -> memref<40xi32, #tpu.memory_space<vmem>>
      %dma_wait3A_452 = arith.constant 0 : i32
      %dma_wait3A_453 = arith.constant 0 : i32
      %dma_wait3A_454 = tpu.memref_slice %arg2[%dma_wait3A_452, %dma_wait3A_453] : memref<10000x128xf32, #tpu.memory_space<hbm>> -> memref<10000x128xf32, #tpu.memory_space<hbm>>
      %dma_wait3A_455 = tpu.memref_slice %arg9[%dma_wait3A_446] : memref<6x!tpu.dma_semaphore, #tpu.memory_space<semaphore_mem>> -> memref<1x!tpu.dma_semaphore, #tpu.memory_space<semaphore_mem>>
      %dma_wait3A_456 = tpu.memref_squeeze %dma_wait3A_455 : memref<1x!tpu.dma_semaphore, #tpu.memory_space<semaphore_mem>> -> memref<!tpu.dma_semaphore, #tpu.memory_space<semaphore_mem>>
      tpu.wait_indirect_dma semaphore(%dma_wait3A_456 : memref<!tpu.dma_semaphore, #tpu.memory_space<semaphore_mem>>) src(%dma_wait3A_454 : memref<10000x128xf32, #tpu.memory_space<hbm>>) dst(%dma_wait3A_450 : memref<40x128xf32, #tpu.memory_space<vmem>>)
      %mul3A_457 = arith.constant 40 : i32
      %mul3A_458 = arith.muli %add3A_442, %mul3A_457 : i32
      %dma_start3A_459 = arith.constant 4 : i32
      %dma_start3A_460 = arith.constant 4 : i32
      %dma_start3A_461 = arith.constant 0 : i32
      %dma_start3A_462 = arith.constant 0 : i32
      %dma_start3A_463 = tpu.memref_slice %arg8[%dma_start3A_459, %dma_start3A_461, %dma_start3A_462] : memref<6x40x128xf32, #tpu.memory_space<vmem>> -> memref<1x40x128xf32, #tpu.memory_space<vmem>>
      %dma_start3A_464 = tpu.memref_squeeze %dma_start3A_463 : memref<1x40x128xf32, #tpu.memory_space<vmem>> -> memref<40x128xf32, #tpu.memory_space<vmem>>
      %dma_start3A_465 = tpu.memref_slice %arg7[%mul3A_458] : memref<10000xi32, #tpu.memory_space<vmem>> -> memref<40xi32, #tpu.memory_space<vmem>>
      %dma_start3A_466 = arith.constant 0 : i32
      %dma_start3A_467 = arith.constant 0 : i32
      %dma_start3A_468 = tpu.memref_slice %arg5[%dma_start3A_466, %dma_start3A_467] : memref<10000x128xf32, #tpu.memory_space<vmem_shared>> -> memref<10000x128xf32, #tpu.memory_space<vmem_shared>>
      %dma_start3A_469 = tpu.memref_slice %arg10[%dma_start3A_460] : memref<6x!tpu.dma_semaphore, #tpu.memory_space<semaphore_mem>> -> memref<1x!tpu.dma_semaphore, #tpu.memory_space<semaphore_mem>>
      %dma_start3A_470 = tpu.memref_squeeze %dma_start3A_469 : memref<1x!tpu.dma_semaphore, #tpu.memory_space<semaphore_mem>> -> memref<!tpu.dma_semaphore, #tpu.memory_space<semaphore_mem>>
      tpu.enqueue_indirect_dma source(%dma_start3A_464 : memref<40x128xf32, #tpu.memory_space<vmem>>) target(%dma_start3A_468 : memref<10000x128xf32, #tpu.memory_space<vmem_shared>>) offsets(%dma_start3A_465 : memref<40xi32, #tpu.memory_space<vmem>>) semaphore(%dma_start3A_470 : memref<!tpu.dma_semaphore, #tpu.memory_space<semaphore_mem>>) {add = true}
      %add3A_471 = arith.constant 5 : i32
      %add3A_472 = arith.addi %mul3A_320, %add3A_471 : i32
      %mul3A_473 = arith.constant 40 : i32
      %mul3A_474 = arith.muli %add3A_472, %mul3A_473 : i32
      %dma_wait3A_475 = arith.constant 5 : i32
      %dma_wait3A_476 = arith.constant 5 : i32
      %dma_wait3A_477 = arith.constant 0 : i32
      %dma_wait3A_478 = arith.constant 0 : i32
      %dma_wait3A_479 = tpu.memref_slice %arg8[%dma_wait3A_475, %dma_wait3A_477, %dma_wait3A_478] : memref<6x40x128xf32, #tpu.memory_space<vmem>> -> memref<1x40x128xf32, #tpu.memory_space<vmem>>
      %dma_wait3A_480 = tpu.memref_squeeze %dma_wait3A_479 : memref<1x40x128xf32, #tpu.memory_space<vmem>> -> memref<40x128xf32, #tpu.memory_space<vmem>>
      %dma_wait3A_481 = tpu.memref_slice %arg6[%mul3A_474] : memref<10000xi32, #tpu.memory_space<vmem>> -> memref<40xi32, #tpu.memory_space<vmem>>
      %dma_wait3A_482 = arith.constant 0 : i32
      %dma_wait3A_483 = arith.constant 0 : i32
      %dma_wait3A_484 = tpu.memref_slice %arg2[%dma_wait3A_482, %dma_wait3A_483] : memref<10000x128xf32, #tpu.memory_space<hbm>> -> memref<10000x128xf32, #tpu.memory_space<hbm>>
      %dma_wait3A_485 = tpu.memref_slice %arg9[%dma_wait3A_476] : memref<6x!tpu.dma_semaphore, #tpu.memory_space<semaphore_mem>> -> memref<1x!tpu.dma_semaphore, #tpu.memory_space<semaphore_mem>>
      %dma_wait3A_486 = tpu.memref_squeeze %dma_wait3A_485 : memref<1x!tpu.dma_semaphore, #tpu.memory_space<semaphore_mem>> -> memref<!tpu.dma_semaphore, #tpu.memory_space<semaphore_mem>>
      tpu.wait_indirect_dma semaphore(%dma_wait3A_486 : memref<!tpu.dma_semaphore, #tpu.memory_space<semaphore_mem>>) src(%dma_wait3A_484 : memref<10000x128xf32, #tpu.memory_space<hbm>>) dst(%dma_wait3A_480 : memref<40x128xf32, #tpu.memory_space<vmem>>)
      %mul3A_487 = arith.constant 40 : i32
      %mul3A_488 = arith.muli %add3A_472, %mul3A_487 : i32
      %dma_start3A_489 = arith.constant 5 : i32
      %dma_start3A_490 = arith.constant 5 : i32
      %dma_start3A_491 = arith.constant 0 : i32
      %dma_start3A_492 = arith.constant 0 : i32
      %dma_start3A_493 = tpu.memref_slice %arg8[%dma_start3A_489, %dma_start3A_491, %dma_start3A_492] : memref<6x40x128xf32, #tpu.memory_space<vmem>> -> memref<1x40x128xf32, #tpu.memory_space<vmem>>
      %dma_start3A_494 = tpu.memref_squeeze %dma_start3A_493 : memref<1x40x128xf32, #tpu.memory_space<vmem>> -> memref<40x128xf32, #tpu.memory_space<vmem>>
      %dma_start3A_495 = tpu.memref_slice %arg7[%mul3A_488] : memref<10000xi32, #tpu.memory_space<vmem>> -> memref<40xi32, #tpu.memory_space<vmem>>
      %dma_start3A_496 = arith.constant 0 : i32
      %dma_start3A_497 = arith.constant 0 : i32
      %dma_start3A_498 = tpu.memref_slice %arg5[%dma_start3A_496, %dma_start3A_497] : memref<10000x128xf32, #tpu.memory_space<vmem_shared>> -> memref<10000x128xf32, #tpu.memory_space<vmem_shared>>
      %dma_start3A_499 = tpu.memref_slice %arg10[%dma_start3A_490] : memref<6x!tpu.dma_semaphore, #tpu.memory_space<semaphore_mem>> -> memref<1x!tpu.dma_semaphore, #tpu.memory_space<semaphore_mem>>
      %dma_start3A_500 = tpu.memref_squeeze %dma_start3A_499 : memref<1x!tpu.dma_semaphore, #tpu.memory_space<semaphore_mem>> -> memref<!tpu.dma_semaphore, #tpu.memory_space<semaphore_mem>>
      tpu.enqueue_indirect_dma source(%dma_start3A_494 : memref<40x128xf32, #tpu.memory_space<vmem>>) target(%dma_start3A_498 : memref<10000x128xf32, #tpu.memory_space<vmem_shared>>) offsets(%dma_start3A_495 : memref<40xi32, #tpu.memory_space<vmem>>) semaphore(%dma_start3A_500 : memref<!tpu.dma_semaphore, #tpu.memory_space<semaphore_mem>>) {add = true}
      %add3A_501 = arith.constant 0 : i32
      %add3A_502 = arith.addi %mul3A_320, %add3A_501 : i32
      %mul3A_503 = arith.constant 40 : i32
      %mul3A_504 = arith.muli %add3A_502, %mul3A_503 : i32
      %dma_wait3A_505 = arith.constant 0 : i32
      %dma_wait3A_506 = arith.constant 0 : i32
      %dma_wait3A_507 = arith.constant 0 : i32
      %dma_wait3A_508 = arith.constant 0 : i32
      %dma_wait3A_509 = tpu.memref_slice %arg8[%dma_wait3A_505, %dma_wait3A_507, %dma_wait3A_508] : memref<6x40x128xf32, #tpu.memory_space<vmem>> -> memref<1x40x128xf32, #tpu.memory_space<vmem>>
      %dma_wait3A_510 = tpu.memref_squeeze %dma_wait3A_509 : memref<1x40x128xf32, #tpu.memory_space<vmem>> -> memref<40x128xf32, #tpu.memory_space<vmem>>
      %dma_wait3A_511 = tpu.memref_slice %arg7[%mul3A_504] : memref<10000xi32, #tpu.memory_space<vmem>> -> memref<40xi32, #tpu.memory_space<vmem>>
      %dma_wait3A_512 = arith.constant 0 : i32
      %dma_wait3A_513 = arith.constant 0 : i32
      %dma_wait3A_514 = tpu.memref_slice %arg5[%dma_wait3A_512, %dma_wait3A_513] : memref<10000x128xf32, #tpu.memory_space<vmem_shared>> -> memref<10000x128xf32, #tpu.memory_space<vmem_shared>>
      %dma_wait3A_515 = tpu.memref_slice %arg10[%dma_wait3A_506] : memref<6x!tpu.dma_semaphore, #tpu.memory_space<semaphore_mem>> -> memref<1x!tpu.dma_semaphore, #tpu.memory_space<semaphore_mem>>
      %dma_wait3A_516 = tpu.memref_squeeze %dma_wait3A_515 : memref<1x!tpu.dma_semaphore, #tpu.memory_space<semaphore_mem>> -> memref<!tpu.dma_semaphore, #tpu.memory_space<semaphore_mem>>
      tpu.wait_indirect_dma semaphore(%dma_wait3A_516 : memref<!tpu.dma_semaphore, #tpu.memory_space<semaphore_mem>>) src(%dma_wait3A_510 : memref<40x128xf32, #tpu.memory_space<vmem>>) dst(%dma_wait3A_514 : memref<10000x128xf32, #tpu.memory_space<vmem_shared>>)
      %add3A_517 = arith.constant 6 : i32
      %add3A_518 = arith.addi %add3A_502, %add3A_517 : i32
      %lt3A = arith.constant 250 : i32
      %lt3A_519 = arith.cmpi slt, %add3A_518, %lt3A : i32
      %convert_element_type3A_520 = arith.extui %lt3A_519 : i1 to i32
      %cond3A_521 = arith.constant 0 : i32
      %cond3A_522 = arith.cmpi ne, %convert_element_type3A_520, %cond3A_521 : i32
      scf.if %cond3A_522 {
        %add3A_638 = arith.constant 6 : i32
        %add3A_639 = arith.addi %add3A_502, %add3A_638 : i32
        %mul3A_640 = arith.constant 40 : i32
        %mul3A_641 = arith.muli %add3A_639, %mul3A_640 : i32
        %dma_start3A_642 = arith.constant 0 : i32
        %dma_start3A_643 = arith.constant 0 : i32
        %dma_start3A_644 = arith.constant 0 : i32
        %dma_start3A_645 = arith.constant 0 : i32
        %dma_start3A_646 = tpu.memref_slice %arg8[%dma_start3A_642, %dma_start3A_644, %dma_start3A_645] : memref<6x40x128xf32, #tpu.memory_space<vmem>> -> memref<1x40x128xf32, #tpu.memory_space<vmem>>
        %dma_start3A_647 = tpu.memref_squeeze %dma_start3A_646 : memref<1x40x128xf32, #tpu.memory_space<vmem>> -> memref<40x128xf32, #tpu.memory_space<vmem>>
        %dma_start3A_648 = tpu.memref_slice %arg6[%mul3A_641] : memref<10000xi32, #tpu.memory_space<vmem>> -> memref<40xi32, #tpu.memory_space<vmem>>
        %dma_start3A_649 = arith.constant 0 : i32
        %dma_start3A_650 = arith.constant 0 : i32
        %dma_start3A_651 = tpu.memref_slice %arg2[%dma_start3A_649, %dma_start3A_650] : memref<10000x128xf32, #tpu.memory_space<hbm>> -> memref<10000x128xf32, #tpu.memory_space<hbm>>
        %dma_start3A_652 = tpu.memref_slice %arg9[%dma_start3A_643] : memref<6x!tpu.dma_semaphore, #tpu.memory_space<semaphore_mem>> -> memref<1x!tpu.dma_semaphore, #tpu.memory_space<semaphore_mem>>
        %dma_start3A_653 = tpu.memref_squeeze %dma_start3A_652 : memref<1x!tpu.dma_semaphore, #tpu.memory_space<semaphore_mem>> -> memref<!tpu.dma_semaphore, #tpu.memory_space<semaphore_mem>>
        tpu.enqueue_indirect_dma source(%dma_start3A_651 : memref<10000x128xf32, #tpu.memory_space<hbm>>) target(%dma_start3A_647 : memref<40x128xf32, #tpu.memory_space<vmem>>) offsets(%dma_start3A_648 : memref<40xi32, #tpu.memory_space<vmem>>) semaphore(%dma_start3A_653 : memref<!tpu.dma_semaphore, #tpu.memory_space<semaphore_mem>>)
      } else {
      }
      %add3A_523 = arith.constant 1 : i32
      %add3A_524 = arith.addi %mul3A_320, %add3A_523 : i32
      %mul3A_525 = arith.constant 40 : i32
      %mul3A_526 = arith.muli %add3A_524, %mul3A_525 : i32
      %dma_wait3A_527 = arith.constant 1 : i32
      %dma_wait3A_528 = arith.constant 1 : i32
      %dma_wait3A_529 = arith.constant 0 : i32
      %dma_wait3A_530 = arith.constant 0 : i32
      %dma_wait3A_531 = tpu.memref_slice %arg8[%dma_wait3A_527, %dma_wait3A_529, %dma_wait3A_530] : memref<6x40x128xf32, #tpu.memory_space<vmem>> -> memref<1x40x128xf32, #tpu.memory_space<vmem>>
      %dma_wait3A_532 = tpu.memref_squeeze %dma_wait3A_531 : memref<1x40x128xf32, #tpu.memory_space<vmem>> -> memref<40x128xf32, #tpu.memory_space<vmem>>
      %dma_wait3A_533 = tpu.memref_slice %arg7[%mul3A_526] : memref<10000xi32, #tpu.memory_space<vmem>> -> memref<40xi32, #tpu.memory_space<vmem>>
      %dma_wait3A_534 = arith.constant 0 : i32
      %dma_wait3A_535 = arith.constant 0 : i32
      %dma_wait3A_536 = tpu.memref_slice %arg5[%dma_wait3A_534, %dma_wait3A_535] : memref<10000x128xf32, #tpu.memory_space<vmem_shared>> -> memref<10000x128xf32, #tpu.memory_space<vmem_shared>>
      %dma_wait3A_537 = tpu.memref_slice %arg10[%dma_wait3A_528] : memref<6x!tpu.dma_semaphore, #tpu.memory_space<semaphore_mem>> -> memref<1x!tpu.dma_semaphore, #tpu.memory_space<semaphore_mem>>
      %dma_wait3A_538 = tpu.memref_squeeze %dma_wait3A_537 : memref<1x!tpu.dma_semaphore, #tpu.memory_space<semaphore_mem>> -> memref<!tpu.dma_semaphore, #tpu.memory_space<semaphore_mem>>
      tpu.wait_indirect_dma semaphore(%dma_wait3A_538 : memref<!tpu.dma_semaphore, #tpu.memory_space<semaphore_mem>>) src(%dma_wait3A_532 : memref<40x128xf32, #tpu.memory_space<vmem>>) dst(%dma_wait3A_536 : memref<10000x128xf32, #tpu.memory_space<vmem_shared>>)
      %add3A_539 = arith.constant 6 : i32
      %add3A_540 = arith.addi %add3A_524, %add3A_539 : i32
      %lt3A_541 = arith.constant 250 : i32
      %lt3A_542 = arith.cmpi slt, %add3A_540, %lt3A_541 : i32
      %convert_element_type3A_543 = arith.extui %lt3A_542 : i1 to i32
      %cond3A_544 = arith.constant 0 : i32
      %cond3A_545 = arith.cmpi ne, %convert_element_type3A_543, %cond3A_544 : i32
      scf.if %cond3A_545 {
        %add3A_638 = arith.constant 6 : i32
        %add3A_639 = arith.addi %add3A_524, %add3A_638 : i32
        %mul3A_640 = arith.constant 40 : i32
        %mul3A_641 = arith.muli %add3A_639, %mul3A_640 : i32
        %dma_start3A_642 = arith.constant 1 : i32
        %dma_start3A_643 = arith.constant 1 : i32
        %dma_start3A_644 = arith.constant 0 : i32
        %dma_start3A_645 = arith.constant 0 : i32
        %dma_start3A_646 = tpu.memref_slice %arg8[%dma_start3A_642, %dma_start3A_644, %dma_start3A_645] : memref<6x40x128xf32, #tpu.memory_space<vmem>> -> memref<1x40x128xf32, #tpu.memory_space<vmem>>
        %dma_start3A_647 = tpu.memref_squeeze %dma_start3A_646 : memref<1x40x128xf32, #tpu.memory_space<vmem>> -> memref<40x128xf32, #tpu.memory_space<vmem>>
        %dma_start3A_648 = tpu.memref_slice %arg6[%mul3A_641] : memref<10000xi32, #tpu.memory_space<vmem>> -> memref<40xi32, #tpu.memory_space<vmem>>
        %dma_start3A_649 = arith.constant 0 : i32
        %dma_start3A_650 = arith.constant 0 : i32
        %dma_start3A_651 = tpu.memref_slice %arg2[%dma_start3A_649, %dma_start3A_650] : memref<10000x128xf32, #tpu.memory_space<hbm>> -> memref<10000x128xf32, #tpu.memory_space<hbm>>
        %dma_start3A_652 = tpu.memref_slice %arg9[%dma_start3A_643] : memref<6x!tpu.dma_semaphore, #tpu.memory_space<semaphore_mem>> -> memref<1x!tpu.dma_semaphore, #tpu.memory_space<semaphore_mem>>
        %dma_start3A_653 = tpu.memref_squeeze %dma_start3A_652 : memref<1x!tpu.dma_semaphore, #tpu.memory_space<semaphore_mem>> -> memref<!tpu.dma_semaphore, #tpu.memory_space<semaphore_mem>>
        tpu.enqueue_indirect_dma source(%dma_start3A_651 : memref<10000x128xf32, #tpu.memory_space<hbm>>) target(%dma_start3A_647 : memref<40x128xf32, #tpu.memory_space<vmem>>) offsets(%dma_start3A_648 : memref<40xi32, #tpu.memory_space<vmem>>) semaphore(%dma_start3A_653 : memref<!tpu.dma_semaphore, #tpu.memory_space<semaphore_mem>>)
      } else {
      }
      %add3A_546 = arith.constant 2 : i32
      %add3A_547 = arith.addi %mul3A_320, %add3A_546 : i32
      %mul3A_548 = arith.constant 40 : i32
      %mul3A_549 = arith.muli %add3A_547, %mul3A_548 : i32
      %dma_wait3A_550 = arith.constant 2 : i32
      %dma_wait3A_551 = arith.constant 2 : i32
      %dma_wait3A_552 = arith.constant 0 : i32
      %dma_wait3A_553 = arith.constant 0 : i32
      %dma_wait3A_554 = tpu.memref_slice %arg8[%dma_wait3A_550, %dma_wait3A_552, %dma_wait3A_553] : memref<6x40x128xf32, #tpu.memory_space<vmem>> -> memref<1x40x128xf32, #tpu.memory_space<vmem>>
      %dma_wait3A_555 = tpu.memref_squeeze %dma_wait3A_554 : memref<1x40x128xf32, #tpu.memory_space<vmem>> -> memref<40x128xf32, #tpu.memory_space<vmem>>
      %dma_wait3A_556 = tpu.memref_slice %arg7[%mul3A_549] : memref<10000xi32, #tpu.memory_space<vmem>> -> memref<40xi32, #tpu.memory_space<vmem>>
      %dma_wait3A_557 = arith.constant 0 : i32
      %dma_wait3A_558 = arith.constant 0 : i32
      %dma_wait3A_559 = tpu.memref_slice %arg5[%dma_wait3A_557, %dma_wait3A_558] : memref<10000x128xf32, #tpu.memory_space<vmem_shared>> -> memref<10000x128xf32, #tpu.memory_space<vmem_shared>>
      %dma_wait3A_560 = tpu.memref_slice %arg10[%dma_wait3A_551] : memref<6x!tpu.dma_semaphore, #tpu.memory_space<semaphore_mem>> -> memref<1x!tpu.dma_semaphore, #tpu.memory_space<semaphore_mem>>
      %dma_wait3A_561 = tpu.memref_squeeze %dma_wait3A_560 : memref<1x!tpu.dma_semaphore, #tpu.memory_space<semaphore_mem>> -> memref<!tpu.dma_semaphore, #tpu.memory_space<semaphore_mem>>
      tpu.wait_indirect_dma semaphore(%dma_wait3A_561 : memref<!tpu.dma_semaphore, #tpu.memory_space<semaphore_mem>>) src(%dma_wait3A_555 : memref<40x128xf32, #tpu.memory_space<vmem>>) dst(%dma_wait3A_559 : memref<10000x128xf32, #tpu.memory_space<vmem_shared>>)
      %add3A_562 = arith.constant 6 : i32
      %add3A_563 = arith.addi %add3A_547, %add3A_562 : i32
      %lt3A_564 = arith.constant 250 : i32
      %lt3A_565 = arith.cmpi slt, %add3A_563, %lt3A_564 : i32
      %convert_element_type3A_566 = arith.extui %lt3A_565 : i1 to i32
      %cond3A_567 = arith.constant 0 : i32
      %cond3A_568 = arith.cmpi ne, %convert_element_type3A_566, %cond3A_567 : i32
      scf.if %cond3A_568 {
        %add3A_638 = arith.constant 6 : i32
        %add3A_639 = arith.addi %add3A_547, %add3A_638 : i32
        %mul3A_640 = arith.constant 40 : i32
        %mul3A_641 = arith.muli %add3A_639, %mul3A_640 : i32
        %dma_start3A_642 = arith.constant 2 : i32
        %dma_start3A_643 = arith.constant 2 : i32
        %dma_start3A_644 = arith.constant 0 : i32
        %dma_start3A_645 = arith.constant 0 : i32
        %dma_start3A_646 = tpu.memref_slice %arg8[%dma_start3A_642, %dma_start3A_644, %dma_start3A_645] : memref<6x40x128xf32, #tpu.memory_space<vmem>> -> memref<1x40x128xf32, #tpu.memory_space<vmem>>
        %dma_start3A_647 = tpu.memref_squeeze %dma_start3A_646 : memref<1x40x128xf32, #tpu.memory_space<vmem>> -> memref<40x128xf32, #tpu.memory_space<vmem>>
        %dma_start3A_648 = tpu.memref_slice %arg6[%mul3A_641] : memref<10000xi32, #tpu.memory_space<vmem>> -> memref<40xi32, #tpu.memory_space<vmem>>
        %dma_start3A_649 = arith.constant 0 : i32
        %dma_start3A_650 = arith.constant 0 : i32
        %dma_start3A_651 = tpu.memref_slice %arg2[%dma_start3A_649, %dma_start3A_650] : memref<10000x128xf32, #tpu.memory_space<hbm>> -> memref<10000x128xf32, #tpu.memory_space<hbm>>
        %dma_start3A_652 = tpu.memref_slice %arg9[%dma_start3A_643] : memref<6x!tpu.dma_semaphore, #tpu.memory_space<semaphore_mem>> -> memref<1x!tpu.dma_semaphore, #tpu.memory_space<semaphore_mem>>
        %dma_start3A_653 = tpu.memref_squeeze %dma_start3A_652 : memref<1x!tpu.dma_semaphore, #tpu.memory_space<semaphore_mem>> -> memref<!tpu.dma_semaphore, #tpu.memory_space<semaphore_mem>>
        tpu.enqueue_indirect_dma source(%dma_start3A_651 : memref<10000x128xf32, #tpu.memory_space<hbm>>) target(%dma_start3A_647 : memref<40x128xf32, #tpu.memory_space<vmem>>) offsets(%dma_start3A_648 : memref<40xi32, #tpu.memory_space<vmem>>) semaphore(%dma_start3A_653 : memref<!tpu.dma_semaphore, #tpu.memory_space<semaphore_mem>>)
      } else {
      }
      %add3A_569 = arith.constant 3 : i32
      %add3A_570 = arith.addi %mul3A_320, %add3A_569 : i32
      %mul3A_571 = arith.constant 40 : i32
      %mul3A_572 = arith.muli %add3A_570, %mul3A_571 : i32
      %dma_wait3A_573 = arith.constant 3 : i32
      %dma_wait3A_574 = arith.constant 3 : i32
      %dma_wait3A_575 = arith.constant 0 : i32
      %dma_wait3A_576 = arith.constant 0 : i32
      %dma_wait3A_577 = tpu.memref_slice %arg8[%dma_wait3A_573, %dma_wait3A_575, %dma_wait3A_576] : memref<6x40x128xf32, #tpu.memory_space<vmem>> -> memref<1x40x128xf32, #tpu.memory_space<vmem>>
      %dma_wait3A_578 = tpu.memref_squeeze %dma_wait3A_577 : memref<1x40x128xf32, #tpu.memory_space<vmem>> -> memref<40x128xf32, #tpu.memory_space<vmem>>
      %dma_wait3A_579 = tpu.memref_slice %arg7[%mul3A_572] : memref<10000xi32, #tpu.memory_space<vmem>> -> memref<40xi32, #tpu.memory_space<vmem>>
      %dma_wait3A_580 = arith.constant 0 : i32
      %dma_wait3A_581 = arith.constant 0 : i32
      %dma_wait3A_582 = tpu.memref_slice %arg5[%dma_wait3A_580, %dma_wait3A_581] : memref<10000x128xf32, #tpu.memory_space<vmem_shared>> -> memref<10000x128xf32, #tpu.memory_space<vmem_shared>>
      %dma_wait3A_583 = tpu.memref_slice %arg10[%dma_wait3A_574] : memref<6x!tpu.dma_semaphore, #tpu.memory_space<semaphore_mem>> -> memref<1x!tpu.dma_semaphore, #tpu.memory_space<semaphore_mem>>
      %dma_wait3A_584 = tpu.memref_squeeze %dma_wait3A_583 : memref<1x!tpu.dma_semaphore, #tpu.memory_space<semaphore_mem>> -> memref<!tpu.dma_semaphore, #tpu.memory_space<semaphore_mem>>
      tpu.wait_indirect_dma semaphore(%dma_wait3A_584 : memref<!tpu.dma_semaphore, #tpu.memory_space<semaphore_mem>>) src(%dma_wait3A_578 : memref<40x128xf32, #tpu.memory_space<vmem>>) dst(%dma_wait3A_582 : memref<10000x128xf32, #tpu.memory_space<vmem_shared>>)
      %add3A_585 = arith.constant 6 : i32
      %add3A_586 = arith.addi %add3A_570, %add3A_585 : i32
      %lt3A_587 = arith.constant 250 : i32
      %lt3A_588 = arith.cmpi slt, %add3A_586, %lt3A_587 : i32
      %convert_element_type3A_589 = arith.extui %lt3A_588 : i1 to i32
      %cond3A_590 = arith.constant 0 : i32
      %cond3A_591 = arith.cmpi ne, %convert_element_type3A_589, %cond3A_590 : i32
      scf.if %cond3A_591 {
        %add3A_638 = arith.constant 6 : i32
        %add3A_639 = arith.addi %add3A_570, %add3A_638 : i32
        %mul3A_640 = arith.constant 40 : i32
        %mul3A_641 = arith.muli %add3A_639, %mul3A_640 : i32
        %dma_start3A_642 = arith.constant 3 : i32
        %dma_start3A_643 = arith.constant 3 : i32
        %dma_start3A_644 = arith.constant 0 : i32
        %dma_start3A_645 = arith.constant 0 : i32
        %dma_start3A_646 = tpu.memref_slice %arg8[%dma_start3A_642, %dma_start3A_644, %dma_start3A_645] : memref<6x40x128xf32, #tpu.memory_space<vmem>> -> memref<1x40x128xf32, #tpu.memory_space<vmem>>
        %dma_start3A_647 = tpu.memref_squeeze %dma_start3A_646 : memref<1x40x128xf32, #tpu.memory_space<vmem>> -> memref<40x128xf32, #tpu.memory_space<vmem>>
        %dma_start3A_648 = tpu.memref_slice %arg6[%mul3A_641] : memref<10000xi32, #tpu.memory_space<vmem>> -> memref<40xi32, #tpu.memory_space<vmem>>
        %dma_start3A_649 = arith.constant 0 : i32
        %dma_start3A_650 = arith.constant 0 : i32
        %dma_start3A_651 = tpu.memref_slice %arg2[%dma_start3A_649, %dma_start3A_650] : memref<10000x128xf32, #tpu.memory_space<hbm>> -> memref<10000x128xf32, #tpu.memory_space<hbm>>
        %dma_start3A_652 = tpu.memref_slice %arg9[%dma_start3A_643] : memref<6x!tpu.dma_semaphore, #tpu.memory_space<semaphore_mem>> -> memref<1x!tpu.dma_semaphore, #tpu.memory_space<semaphore_mem>>
        %dma_start3A_653 = tpu.memref_squeeze %dma_start3A_652 : memref<1x!tpu.dma_semaphore, #tpu.memory_space<semaphore_mem>> -> memref<!tpu.dma_semaphore, #tpu.memory_space<semaphore_mem>>
        tpu.enqueue_indirect_dma source(%dma_start3A_651 : memref<10000x128xf32, #tpu.memory_space<hbm>>) target(%dma_start3A_647 : memref<40x128xf32, #tpu.memory_space<vmem>>) offsets(%dma_start3A_648 : memref<40xi32, #tpu.memory_space<vmem>>) semaphore(%dma_start3A_653 : memref<!tpu.dma_semaphore, #tpu.memory_space<semaphore_mem>>)
      } else {
      }
      %add3A_592 = arith.constant 4 : i32
      %add3A_593 = arith.addi %mul3A_320, %add3A_592 : i32
      %mul3A_594 = arith.constant 40 : i32
      %mul3A_595 = arith.muli %add3A_593, %mul3A_594 : i32
      %dma_wait3A_596 = arith.constant 4 : i32
      %dma_wait3A_597 = arith.constant 4 : i32
      %dma_wait3A_598 = arith.constant 0 : i32
      %dma_wait3A_599 = arith.constant 0 : i32
      %dma_wait3A_600 = tpu.memref_slice %arg8[%dma_wait3A_596, %dma_wait3A_598, %dma_wait3A_599] : memref<6x40x128xf32, #tpu.memory_space<vmem>> -> memref<1x40x128xf32, #tpu.memory_space<vmem>>
      %dma_wait3A_601 = tpu.memref_squeeze %dma_wait3A_600 : memref<1x40x128xf32, #tpu.memory_space<vmem>> -> memref<40x128xf32, #tpu.memory_space<vmem>>
      %dma_wait3A_602 = tpu.memref_slice %arg7[%mul3A_595] : memref<10000xi32, #tpu.memory_space<vmem>> -> memref<40xi32, #tpu.memory_space<vmem>>
      %dma_wait3A_603 = arith.constant 0 : i32
      %dma_wait3A_604 = arith.constant 0 : i32
      %dma_wait3A_605 = tpu.memref_slice %arg5[%dma_wait3A_603, %dma_wait3A_604] : memref<10000x128xf32, #tpu.memory_space<vmem_shared>> -> memref<10000x128xf32, #tpu.memory_space<vmem_shared>>
      %dma_wait3A_606 = tpu.memref_slice %arg10[%dma_wait3A_597] : memref<6x!tpu.dma_semaphore, #tpu.memory_space<semaphore_mem>> -> memref<1x!tpu.dma_semaphore, #tpu.memory_space<semaphore_mem>>
      %dma_wait3A_607 = tpu.memref_squeeze %dma_wait3A_606 : memref<1x!tpu.dma_semaphore, #tpu.memory_space<semaphore_mem>> -> memref<!tpu.dma_semaphore, #tpu.memory_space<semaphore_mem>>
      tpu.wait_indirect_dma semaphore(%dma_wait3A_607 : memref<!tpu.dma_semaphore, #tpu.memory_space<semaphore_mem>>) src(%dma_wait3A_601 : memref<40x128xf32, #tpu.memory_space<vmem>>) dst(%dma_wait3A_605 : memref<10000x128xf32, #tpu.memory_space<vmem_shared>>)
      %add3A_608 = arith.constant 6 : i32
      %add3A_609 = arith.addi %add3A_593, %add3A_608 : i32
      %lt3A_610 = arith.constant 250 : i32
      %lt3A_611 = arith.cmpi slt, %add3A_609, %lt3A_610 : i32
      %convert_element_type3A_612 = arith.extui %lt3A_611 : i1 to i32
      %cond3A_613 = arith.constant 0 : i32
      %cond3A_614 = arith.cmpi ne, %convert_element_type3A_612, %cond3A_613 : i32
      scf.if %cond3A_614 {
        %add3A_638 = arith.constant 6 : i32
        %add3A_639 = arith.addi %add3A_593, %add3A_638 : i32
        %mul3A_640 = arith.constant 40 : i32
        %mul3A_641 = arith.muli %add3A_639, %mul3A_640 : i32
        %dma_start3A_642 = arith.constant 4 : i32
        %dma_start3A_643 = arith.constant 4 : i32
        %dma_start3A_644 = arith.constant 0 : i32
        %dma_start3A_645 = arith.constant 0 : i32
        %dma_start3A_646 = tpu.memref_slice %arg8[%dma_start3A_642, %dma_start3A_644, %dma_start3A_645] : memref<6x40x128xf32, #tpu.memory_space<vmem>> -> memref<1x40x128xf32, #tpu.memory_space<vmem>>
        %dma_start3A_647 = tpu.memref_squeeze %dma_start3A_646 : memref<1x40x128xf32, #tpu.memory_space<vmem>> -> memref<40x128xf32, #tpu.memory_space<vmem>>
        %dma_start3A_648 = tpu.memref_slice %arg6[%mul3A_641] : memref<10000xi32, #tpu.memory_space<vmem>> -> memref<40xi32, #tpu.memory_space<vmem>>
        %dma_start3A_649 = arith.constant 0 : i32
        %dma_start3A_650 = arith.constant 0 : i32
        %dma_start3A_651 = tpu.memref_slice %arg2[%dma_start3A_649, %dma_start3A_650] : memref<10000x128xf32, #tpu.memory_space<hbm>> -> memref<10000x128xf32, #tpu.memory_space<hbm>>
        %dma_start3A_652 = tpu.memref_slice %arg9[%dma_start3A_643] : memref<6x!tpu.dma_semaphore, #tpu.memory_space<semaphore_mem>> -> memref<1x!tpu.dma_semaphore, #tpu.memory_space<semaphore_mem>>
        %dma_start3A_653 = tpu.memref_squeeze %dma_start3A_652 : memref<1x!tpu.dma_semaphore, #tpu.memory_space<semaphore_mem>> -> memref<!tpu.dma_semaphore, #tpu.memory_space<semaphore_mem>>
        tpu.enqueue_indirect_dma source(%dma_start3A_651 : memref<10000x128xf32, #tpu.memory_space<hbm>>) target(%dma_start3A_647 : memref<40x128xf32, #tpu.memory_space<vmem>>) offsets(%dma_start3A_648 : memref<40xi32, #tpu.memory_space<vmem>>) semaphore(%dma_start3A_653 : memref<!tpu.dma_semaphore, #tpu.memory_space<semaphore_mem>>)
      } else {
      }
      %add3A_615 = arith.constant 5 : i32
      %add3A_616 = arith.addi %mul3A_320, %add3A_615 : i32
      %mul3A_617 = arith.constant 40 : i32
      %mul3A_618 = arith.muli %add3A_616, %mul3A_617 : i32
      %dma_wait3A_619 = arith.constant 5 : i32
      %dma_wait3A_620 = arith.constant 5 : i32
      %dma_wait3A_621 = arith.constant 0 : i32
      %dma_wait3A_622 = arith.constant 0 : i32
      %dma_wait3A_623 = tpu.memref_slice %arg8[%dma_wait3A_619, %dma_wait3A_621, %dma_wait3A_622] : memref<6x40x128xf32, #tpu.memory_space<vmem>> -> memref<1x40x128xf32, #tpu.memory_space<vmem>>
      %dma_wait3A_624 = tpu.memref_squeeze %dma_wait3A_623 : memref<1x40x128xf32, #tpu.memory_space<vmem>> -> memref<40x128xf32, #tpu.memory_space<vmem>>
      %dma_wait3A_625 = tpu.memref_slice %arg7[%mul3A_618] : memref<10000xi32, #tpu.memory_space<vmem>> -> memref<40xi32, #tpu.memory_space<vmem>>
      %dma_wait3A_626 = arith.constant 0 : i32
      %dma_wait3A_627 = arith.constant 0 : i32
      %dma_wait3A_628 = tpu.memref_slice %arg5[%dma_wait3A_626, %dma_wait3A_627] : memref<10000x128xf32, #tpu.memory_space<vmem_shared>> -> memref<10000x128xf32, #tpu.memory_space<vmem_shared>>
      %dma_wait3A_629 = tpu.memref_slice %arg10[%dma_wait3A_620] : memref<6x!tpu.dma_semaphore, #tpu.memory_space<semaphore_mem>> -> memref<1x!tpu.dma_semaphore, #tpu.memory_space<semaphore_mem>>
      %dma_wait3A_630 = tpu.memref_squeeze %dma_wait3A_629 : memref<1x!tpu.dma_semaphore, #tpu.memory_space<semaphore_mem>> -> memref<!tpu.dma_semaphore, #tpu.memory_space<semaphore_mem>>
      tpu.wait_indirect_dma semaphore(%dma_wait3A_630 : memref<!tpu.dma_semaphore, #tpu.memory_space<semaphore_mem>>) src(%dma_wait3A_624 : memref<40x128xf32, #tpu.memory_space<vmem>>) dst(%dma_wait3A_628 : memref<10000x128xf32, #tpu.memory_space<vmem_shared>>)
      %add3A_631 = arith.constant 6 : i32
      %add3A_632 = arith.addi %add3A_616, %add3A_631 : i32
      %lt3A_633 = arith.constant 250 : i32
      %lt3A_634 = arith.cmpi slt, %add3A_632, %lt3A_633 : i32
      %convert_element_type3A_635 = arith.extui %lt3A_634 : i1 to i32
      %cond3A_636 = arith.constant 0 : i32
      %cond3A_637 = arith.cmpi ne, %convert_element_type3A_635, %cond3A_636 : i32
      scf.if %cond3A_637 {
        %add3A_638 = arith.constant 6 : i32
        %add3A_639 = arith.addi %add3A_616, %add3A_638 : i32
        %mul3A_640 = arith.constant 40 : i32
        %mul3A_641 = arith.muli %add3A_639, %mul3A_640 : i32
        %dma_start3A_642 = arith.constant 5 : i32
        %dma_start3A_643 = arith.constant 5 : i32
        %dma_start3A_644 = arith.constant 0 : i32
        %dma_start3A_645 = arith.constant 0 : i32
        %dma_start3A_646 = tpu.memref_slice %arg8[%dma_start3A_642, %dma_start3A_644, %dma_start3A_645] : memref<6x40x128xf32, #tpu.memory_space<vmem>> -> memref<1x40x128xf32, #tpu.memory_space<vmem>>
        %dma_start3A_647 = tpu.memref_squeeze %dma_start3A_646 : memref<1x40x128xf32, #tpu.memory_space<vmem>> -> memref<40x128xf32, #tpu.memory_space<vmem>>
        %dma_start3A_648 = tpu.memref_slice %arg6[%mul3A_641] : memref<10000xi32, #tpu.memory_space<vmem>> -> memref<40xi32, #tpu.memory_space<vmem>>
        %dma_start3A_649 = arith.constant 0 : i32
        %dma_start3A_650 = arith.constant 0 : i32
        %dma_start3A_651 = tpu.memref_slice %arg2[%dma_start3A_649, %dma_start3A_650] : memref<10000x128xf32, #tpu.memory_space<hbm>> -> memref<10000x128xf32, #tpu.memory_space<hbm>>
        %dma_start3A_652 = tpu.memref_slice %arg9[%dma_start3A_643] : memref<6x!tpu.dma_semaphore, #tpu.memory_space<semaphore_mem>> -> memref<1x!tpu.dma_semaphore, #tpu.memory_space<semaphore_mem>>
        %dma_start3A_653 = tpu.memref_squeeze %dma_start3A_652 : memref<1x!tpu.dma_semaphore, #tpu.memory_space<semaphore_mem>> -> memref<!tpu.dma_semaphore, #tpu.memory_space<semaphore_mem>>
        tpu.enqueue_indirect_dma source(%dma_start3A_651 : memref<10000x128xf32, #tpu.memory_space<hbm>>) target(%dma_start3A_647 : memref<40x128xf32, #tpu.memory_space<vmem>>) offsets(%dma_start3A_648 : memref<40xi32, #tpu.memory_space<vmem>>) semaphore(%dma_start3A_653 : memref<!tpu.dma_semaphore, #tpu.memory_space<semaphore_mem>>)
      } else {
      }
    }
    %scan3A_151 = arith.constant 41 : i32
    %dma_wait3A_152 = arith.constant 0 : i32
    %dma_wait3A_153 = arith.constant 0 : i32
    %dma_wait3A_154 = arith.constant 0 : i32
    %dma_wait3A_155 = arith.constant 0 : i32
    %dma_wait3A_156 = tpu.memref_slice %arg8[%dma_wait3A_152, %dma_wait3A_154, %dma_wait3A_155] : memref<6x40x128xf32, #tpu.memory_space<vmem>> -> memref<1x40x128xf32, #tpu.memory_space<vmem>>
    %dma_wait3A_157 = tpu.memref_squeeze %dma_wait3A_156 : memref<1x40x128xf32, #tpu.memory_space<vmem>> -> memref<40x128xf32, #tpu.memory_space<vmem>>
    %dma_wait3A_158 = arith.constant 9840 : i32
    %dma_wait3A_159 = tpu.memref_slice %arg6[%dma_wait3A_158] : memref<10000xi32, #tpu.memory_space<vmem>> -> memref<40xi32, #tpu.memory_space<vmem>>
    %dma_wait3A_160 = arith.constant 0 : i32
    %dma_wait3A_161 = arith.constant 0 : i32
    %dma_wait3A_162 = tpu.memref_slice %arg2[%dma_wait3A_160, %dma_wait3A_161] : memref<10000x128xf32, #tpu.memory_space<hbm>> -> memref<10000x128xf32, #tpu.memory_space<hbm>>
    %dma_wait3A_163 = tpu.memref_slice %arg9[%dma_wait3A_153] : memref<6x!tpu.dma_semaphore, #tpu.memory_space<semaphore_mem>> -> memref<1x!tpu.dma_semaphore, #tpu.memory_space<semaphore_mem>>
    %dma_wait3A_164 = tpu.memref_squeeze %dma_wait3A_163 : memref<1x!tpu.dma_semaphore, #tpu.memory_space<semaphore_mem>> -> memref<!tpu.dma_semaphore, #tpu.memory_space<semaphore_mem>>
    tpu.wait_indirect_dma semaphore(%dma_wait3A_164 : memref<!tpu.dma_semaphore, #tpu.memory_space<semaphore_mem>>) src(%dma_wait3A_162 : memref<10000x128xf32, #tpu.memory_space<hbm>>) dst(%dma_wait3A_157 : memref<40x128xf32, #tpu.memory_space<vmem>>)
    %dma_start3A_165 = arith.constant 0 : i32
    %dma_start3A_166 = arith.constant 0 : i32
    %dma_start3A_167 = arith.constant 0 : i32
    %dma_start3A_168 = arith.constant 0 : i32
    %dma_start3A_169 = tpu.memref_slice %arg8[%dma_start3A_165, %dma_start3A_167, %dma_start3A_168] : memref<6x40x128xf32, #tpu.memory_space<vmem>> -> memref<1x40x128xf32, #tpu.memory_space<vmem>>
    %dma_start3A_170 = tpu.memref_squeeze %dma_start3A_169 : memref<1x40x128xf32, #tpu.memory_space<vmem>> -> memref<40x128xf32, #tpu.memory_space<vmem>>
    %dma_start3A_171 = arith.constant 9840 : i32
    %dma_start3A_172 = tpu.memref_slice %arg7[%dma_start3A_171] : memref<10000xi32, #tpu.memory_space<vmem>> -> memref<40xi32, #tpu.memory_space<vmem>>
    %dma_start3A_173 = arith.constant 0 : i32
    %dma_start3A_174 = arith.constant 0 : i32
    %dma_start3A_175 = tpu.memref_slice %arg5[%dma_start3A_173, %dma_start3A_174] : memref<10000x128xf32, #tpu.memory_space<vmem_shared>> -> memref<10000x128xf32, #tpu.memory_space<vmem_shared>>
    %dma_start3A_176 = tpu.memref_slice %arg10[%dma_start3A_166] : memref<6x!tpu.dma_semaphore, #tpu.memory_space<semaphore_mem>> -> memref<1x!tpu.dma_semaphore, #tpu.memory_space<semaphore_mem>>
    %dma_start3A_177 = tpu.memref_squeeze %dma_start3A_176 : memref<1x!tpu.dma_semaphore, #tpu.memory_space<semaphore_mem>> -> memref<!tpu.dma_semaphore, #tpu.memory_space<semaphore_mem>>
    tpu.enqueue_indirect_dma source(%dma_start3A_170 : memref<40x128xf32, #tpu.memory_space<vmem>>) target(%dma_start3A_175 : memref<10000x128xf32, #tpu.memory_space<vmem_shared>>) offsets(%dma_start3A_172 : memref<40xi32, #tpu.memory_space<vmem>>) semaphore(%dma_start3A_177 : memref<!tpu.dma_semaphore, #tpu.memory_space<semaphore_mem>>) {add = true}
    %dma_wait3A_178 = arith.constant 0 : i32
    %dma_wait3A_179 = arith.constant 0 : i32
    %dma_wait3A_180 = arith.constant 0 : i32
    %dma_wait3A_181 = arith.constant 0 : i32
    %dma_wait3A_182 = tpu.memref_slice %arg8[%dma_wait3A_178, %dma_wait3A_180, %dma_wait3A_181] : memref<6x40x128xf32, #tpu.memory_space<vmem>> -> memref<1x40x128xf32, #tpu.memory_space<vmem>>
    %dma_wait3A_183 = tpu.memref_squeeze %dma_wait3A_182 : memref<1x40x128xf32, #tpu.memory_space<vmem>> -> memref<40x128xf32, #tpu.memory_space<vmem>>
    %dma_wait3A_184 = arith.constant 9840 : i32
    %dma_wait3A_185 = tpu.memref_slice %arg7[%dma_wait3A_184] : memref<10000xi32, #tpu.memory_space<vmem>> -> memref<40xi32, #tpu.memory_space<vmem>>
    %dma_wait3A_186 = arith.constant 0 : i32
    %dma_wait3A_187 = arith.constant 0 : i32
    %dma_wait3A_188 = tpu.memref_slice %arg5[%dma_wait3A_186, %dma_wait3A_187] : memref<10000x128xf32, #tpu.memory_space<vmem_shared>> -> memref<10000x128xf32, #tpu.memory_space<vmem_shared>>
    %dma_wait3A_189 = tpu.memref_slice %arg10[%dma_wait3A_179] : memref<6x!tpu.dma_semaphore, #tpu.memory_space<semaphore_mem>> -> memref<1x!tpu.dma_semaphore, #tpu.memory_space<semaphore_mem>>
    %dma_wait3A_190 = tpu.memref_squeeze %dma_wait3A_189 : memref<1x!tpu.dma_semaphore, #tpu.memory_space<semaphore_mem>> -> memref<!tpu.dma_semaphore, #tpu.memory_space<semaphore_mem>>
    tpu.wait_indirect_dma semaphore(%dma_wait3A_190 : memref<!tpu.dma_semaphore, #tpu.memory_space<semaphore_mem>>) src(%dma_wait3A_183 : memref<40x128xf32, #tpu.memory_space<vmem>>) dst(%dma_wait3A_188 : memref<10000x128xf32, #tpu.memory_space<vmem_shared>>)
    %dma_wait3A_191 = arith.constant 1 : i32
    %dma_wait3A_192 = arith.constant 1 : i32
    %dma_wait3A_193 = arith.constant 0 : i32
    %dma_wait3A_194 = arith.constant 0 : i32
    %dma_wait3A_195 = tpu.memref_slice %arg8[%dma_wait3A_191, %dma_wait3A_193, %dma_wait3A_194] : memref<6x40x128xf32, #tpu.memory_space<vmem>> -> memref<1x40x128xf32, #tpu.memory_space<vmem>>
    %dma_wait3A_196 = tpu.memref_squeeze %dma_wait3A_195 : memref<1x40x128xf32, #tpu.memory_space<vmem>> -> memref<40x128xf32, #tpu.memory_space<vmem>>
    %dma_wait3A_197 = arith.constant 9880 : i32
    %dma_wait3A_198 = tpu.memref_slice %arg6[%dma_wait3A_197] : memref<10000xi32, #tpu.memory_space<vmem>> -> memref<40xi32, #tpu.memory_space<vmem>>
    %dma_wait3A_199 = arith.constant 0 : i32
    %dma_wait3A_200 = arith.constant 0 : i32
    %dma_wait3A_201 = tpu.memref_slice %arg2[%dma_wait3A_199, %dma_wait3A_200] : memref<10000x128xf32, #tpu.memory_space<hbm>> -> memref<10000x128xf32, #tpu.memory_space<hbm>>
    %dma_wait3A_202 = tpu.memref_slice %arg9[%dma_wait3A_192] : memref<6x!tpu.dma_semaphore, #tpu.memory_space<semaphore_mem>> -> memref<1x!tpu.dma_semaphore, #tpu.memory_space<semaphore_mem>>
    %dma_wait3A_203 = tpu.memref_squeeze %dma_wait3A_202 : memref<1x!tpu.dma_semaphore, #tpu.memory_space<semaphore_mem>> -> memref<!tpu.dma_semaphore, #tpu.memory_space<semaphore_mem>>
    tpu.wait_indirect_dma semaphore(%dma_wait3A_203 : memref<!tpu.dma_semaphore, #tpu.memory_space<semaphore_mem>>) src(%dma_wait3A_201 : memref<10000x128xf32, #tpu.memory_space<hbm>>) dst(%dma_wait3A_196 : memref<40x128xf32, #tpu.memory_space<vmem>>)
    %dma_start3A_204 = arith.constant 1 : i32
    %dma_start3A_205 = arith.constant 1 : i32
    %dma_start3A_206 = arith.constant 0 : i32
    %dma_start3A_207 = arith.constant 0 : i32
    %dma_start3A_208 = tpu.memref_slice %arg8[%dma_start3A_204, %dma_start3A_206, %dma_start3A_207] : memref<6x40x128xf32, #tpu.memory_space<vmem>> -> memref<1x40x128xf32, #tpu.memory_space<vmem>>
    %dma_start3A_209 = tpu.memref_squeeze %dma_start3A_208 : memref<1x40x128xf32, #tpu.memory_space<vmem>> -> memref<40x128xf32, #tpu.memory_space<vmem>>
    %dma_start3A_210 = arith.constant 9880 : i32
    %dma_start3A_211 = tpu.memref_slice %arg7[%dma_start3A_210] : memref<10000xi32, #tpu.memory_space<vmem>> -> memref<40xi32, #tpu.memory_space<vmem>>
    %dma_start3A_212 = arith.constant 0 : i32
    %dma_start3A_213 = arith.constant 0 : i32
    %dma_start3A_214 = tpu.memref_slice %arg5[%dma_start3A_212, %dma_start3A_213] : memref<10000x128xf32, #tpu.memory_space<vmem_shared>> -> memref<10000x128xf32, #tpu.memory_space<vmem_shared>>
    %dma_start3A_215 = tpu.memref_slice %arg10[%dma_start3A_205] : memref<6x!tpu.dma_semaphore, #tpu.memory_space<semaphore_mem>> -> memref<1x!tpu.dma_semaphore, #tpu.memory_space<semaphore_mem>>
    %dma_start3A_216 = tpu.memref_squeeze %dma_start3A_215 : memref<1x!tpu.dma_semaphore, #tpu.memory_space<semaphore_mem>> -> memref<!tpu.dma_semaphore, #tpu.memory_space<semaphore_mem>>
    tpu.enqueue_indirect_dma source(%dma_start3A_209 : memref<40x128xf32, #tpu.memory_space<vmem>>) target(%dma_start3A_214 : memref<10000x128xf32, #tpu.memory_space<vmem_shared>>) offsets(%dma_start3A_211 : memref<40xi32, #tpu.memory_space<vmem>>) semaphore(%dma_start3A_216 : memref<!tpu.dma_semaphore, #tpu.memory_space<semaphore_mem>>) {add = true}
    %dma_wait3A_217 = arith.constant 1 : i32
    %dma_wait3A_218 = arith.constant 1 : i32
    %dma_wait3A_219 = arith.constant 0 : i32
    %dma_wait3A_220 = arith.constant 0 : i32
    %dma_wait3A_221 = tpu.memref_slice %arg8[%dma_wait3A_217, %dma_wait3A_219, %dma_wait3A_220] : memref<6x40x128xf32, #tpu.memory_space<vmem>> -> memref<1x40x128xf32, #tpu.memory_space<vmem>>
    %dma_wait3A_222 = tpu.memref_squeeze %dma_wait3A_221 : memref<1x40x128xf32, #tpu.memory_space<vmem>> -> memref<40x128xf32, #tpu.memory_space<vmem>>
    %dma_wait3A_223 = arith.constant 9880 : i32
    %dma_wait3A_224 = tpu.memref_slice %arg7[%dma_wait3A_223] : memref<10000xi32, #tpu.memory_space<vmem>> -> memref<40xi32, #tpu.memory_space<vmem>>
    %dma_wait3A_225 = arith.constant 0 : i32
    %dma_wait3A_226 = arith.constant 0 : i32
    %dma_wait3A_227 = tpu.memref_slice %arg5[%dma_wait3A_225, %dma_wait3A_226] : memref<10000x128xf32, #tpu.memory_space<vmem_shared>> -> memref<10000x128xf32, #tpu.memory_space<vmem_shared>>
    %dma_wait3A_228 = tpu.memref_slice %arg10[%dma_wait3A_218] : memref<6x!tpu.dma_semaphore, #tpu.memory_space<semaphore_mem>> -> memref<1x!tpu.dma_semaphore, #tpu.memory_space<semaphore_mem>>
    %dma_wait3A_229 = tpu.memref_squeeze %dma_wait3A_228 : memref<1x!tpu.dma_semaphore, #tpu.memory_space<semaphore_mem>> -> memref<!tpu.dma_semaphore, #tpu.memory_space<semaphore_mem>>
    tpu.wait_indirect_dma semaphore(%dma_wait3A_229 : memref<!tpu.dma_semaphore, #tpu.memory_space<semaphore_mem>>) src(%dma_wait3A_222 : memref<40x128xf32, #tpu.memory_space<vmem>>) dst(%dma_wait3A_227 : memref<10000x128xf32, #tpu.memory_space<vmem_shared>>)
    %dma_wait3A_230 = arith.constant 2 : i32
    %dma_wait3A_231 = arith.constant 2 : i32
    %dma_wait3A_232 = arith.constant 0 : i32
    %dma_wait3A_233 = arith.constant 0 : i32
    %dma_wait3A_234 = tpu.memref_slice %arg8[%dma_wait3A_230, %dma_wait3A_232, %dma_wait3A_233] : memref<6x40x128xf32, #tpu.memory_space<vmem>> -> memref<1x40x128xf32, #tpu.memory_space<vmem>>
    %dma_wait3A_235 = tpu.memref_squeeze %dma_wait3A_234 : memref<1x40x128xf32, #tpu.memory_space<vmem>> -> memref<40x128xf32, #tpu.memory_space<vmem>>
    %dma_wait3A_236 = arith.constant 9920 : i32
    %dma_wait3A_237 = tpu.memref_slice %arg6[%dma_wait3A_236] : memref<10000xi32, #tpu.memory_space<vmem>> -> memref<40xi32, #tpu.memory_space<vmem>>
    %dma_wait3A_238 = arith.constant 0 : i32
    %dma_wait3A_239 = arith.constant 0 : i32
    %dma_wait3A_240 = tpu.memref_slice %arg2[%dma_wait3A_238, %dma_wait3A_239] : memref<10000x128xf32, #tpu.memory_space<hbm>> -> memref<10000x128xf32, #tpu.memory_space<hbm>>
    %dma_wait3A_241 = tpu.memref_slice %arg9[%dma_wait3A_231] : memref<6x!tpu.dma_semaphore, #tpu.memory_space<semaphore_mem>> -> memref<1x!tpu.dma_semaphore, #tpu.memory_space<semaphore_mem>>
    %dma_wait3A_242 = tpu.memref_squeeze %dma_wait3A_241 : memref<1x!tpu.dma_semaphore, #tpu.memory_space<semaphore_mem>> -> memref<!tpu.dma_semaphore, #tpu.memory_space<semaphore_mem>>
    tpu.wait_indirect_dma semaphore(%dma_wait3A_242 : memref<!tpu.dma_semaphore, #tpu.memory_space<semaphore_mem>>) src(%dma_wait3A_240 : memref<10000x128xf32, #tpu.memory_space<hbm>>) dst(%dma_wait3A_235 : memref<40x128xf32, #tpu.memory_space<vmem>>)
    %dma_start3A_243 = arith.constant 2 : i32
    %dma_start3A_244 = arith.constant 2 : i32
    %dma_start3A_245 = arith.constant 0 : i32
    %dma_start3A_246 = arith.constant 0 : i32
    %dma_start3A_247 = tpu.memref_slice %arg8[%dma_start3A_243, %dma_start3A_245, %dma_start3A_246] : memref<6x40x128xf32, #tpu.memory_space<vmem>> -> memref<1x40x128xf32, #tpu.memory_space<vmem>>
    %dma_start3A_248 = tpu.memref_squeeze %dma_start3A_247 : memref<1x40x128xf32, #tpu.memory_space<vmem>> -> memref<40x128xf32, #tpu.memory_space<vmem>>
    %dma_start3A_249 = arith.constant 9920 : i32
    %dma_start3A_250 = tpu.memref_slice %arg7[%dma_start3A_249] : memref<10000xi32, #tpu.memory_space<vmem>> -> memref<40xi32, #tpu.memory_space<vmem>>
    %dma_start3A_251 = arith.constant 0 : i32
    %dma_start3A_252 = arith.constant 0 : i32
    %dma_start3A_253 = tpu.memref_slice %arg5[%dma_start3A_251, %dma_start3A_252] : memref<10000x128xf32, #tpu.memory_space<vmem_shared>> -> memref<10000x128xf32, #tpu.memory_space<vmem_shared>>
    %dma_start3A_254 = tpu.memref_slice %arg10[%dma_start3A_244] : memref<6x!tpu.dma_semaphore, #tpu.memory_space<semaphore_mem>> -> memref<1x!tpu.dma_semaphore, #tpu.memory_space<semaphore_mem>>
    %dma_start3A_255 = tpu.memref_squeeze %dma_start3A_254 : memref<1x!tpu.dma_semaphore, #tpu.memory_space<semaphore_mem>> -> memref<!tpu.dma_semaphore, #tpu.memory_space<semaphore_mem>>
    tpu.enqueue_indirect_dma source(%dma_start3A_248 : memref<40x128xf32, #tpu.memory_space<vmem>>) target(%dma_start3A_253 : memref<10000x128xf32, #tpu.memory_space<vmem_shared>>) offsets(%dma_start3A_250 : memref<40xi32, #tpu.memory_space<vmem>>) semaphore(%dma_start3A_255 : memref<!tpu.dma_semaphore, #tpu.memory_space<semaphore_mem>>) {add = true}
    %dma_wait3A_256 = arith.constant 2 : i32
    %dma_wait3A_257 = arith.constant 2 : i32
    %dma_wait3A_258 = arith.constant 0 : i32
    %dma_wait3A_259 = arith.constant 0 : i32
    %dma_wait3A_260 = tpu.memref_slice %arg8[%dma_wait3A_256, %dma_wait3A_258, %dma_wait3A_259] : memref<6x40x128xf32, #tpu.memory_space<vmem>> -> memref<1x40x128xf32, #tpu.memory_space<vmem>>
    %dma_wait3A_261 = tpu.memref_squeeze %dma_wait3A_260 : memref<1x40x128xf32, #tpu.memory_space<vmem>> -> memref<40x128xf32, #tpu.memory_space<vmem>>
    %dma_wait3A_262 = arith.constant 9920 : i32
    %dma_wait3A_263 = tpu.memref_slice %arg7[%dma_wait3A_262] : memref<10000xi32, #tpu.memory_space<vmem>> -> memref<40xi32, #tpu.memory_space<vmem>>
    %dma_wait3A_264 = arith.constant 0 : i32
    %dma_wait3A_265 = arith.constant 0 : i32
    %dma_wait3A_266 = tpu.memref_slice %arg5[%dma_wait3A_264, %dma_wait3A_265] : memref<10000x128xf32, #tpu.memory_space<vmem_shared>> -> memref<10000x128xf32, #tpu.memory_space<vmem_shared>>
    %dma_wait3A_267 = tpu.memref_slice %arg10[%dma_wait3A_257] : memref<6x!tpu.dma_semaphore, #tpu.memory_space<semaphore_mem>> -> memref<1x!tpu.dma_semaphore, #tpu.memory_space<semaphore_mem>>
    %dma_wait3A_268 = tpu.memref_squeeze %dma_wait3A_267 : memref<1x!tpu.dma_semaphore, #tpu.memory_space<semaphore_mem>> -> memref<!tpu.dma_semaphore, #tpu.memory_space<semaphore_mem>>
    tpu.wait_indirect_dma semaphore(%dma_wait3A_268 : memref<!tpu.dma_semaphore, #tpu.memory_space<semaphore_mem>>) src(%dma_wait3A_261 : memref<40x128xf32, #tpu.memory_space<vmem>>) dst(%dma_wait3A_266 : memref<10000x128xf32, #tpu.memory_space<vmem_shared>>)
    %dma_wait3A_269 = arith.constant 3 : i32
    %dma_wait3A_270 = arith.constant 3 : i32
    %dma_wait3A_271 = arith.constant 0 : i32
    %dma_wait3A_272 = arith.constant 0 : i32
    %dma_wait3A_273 = tpu.memref_slice %arg8[%dma_wait3A_269, %dma_wait3A_271, %dma_wait3A_272] : memref<6x40x128xf32, #tpu.memory_space<vmem>> -> memref<1x40x128xf32, #tpu.memory_space<vmem>>
    %dma_wait3A_274 = tpu.memref_squeeze %dma_wait3A_273 : memref<1x40x128xf32, #tpu.memory_space<vmem>> -> memref<40x128xf32, #tpu.memory_space<vmem>>
    %dma_wait3A_275 = arith.constant 9960 : i32
    %dma_wait3A_276 = tpu.memref_slice %arg6[%dma_wait3A_275] : memref<10000xi32, #tpu.memory_space<vmem>> -> memref<40xi32, #tpu.memory_space<vmem>>
    %dma_wait3A_277 = arith.constant 0 : i32
    %dma_wait3A_278 = arith.constant 0 : i32
    %dma_wait3A_279 = tpu.memref_slice %arg2[%dma_wait3A_277, %dma_wait3A_278] : memref<10000x128xf32, #tpu.memory_space<hbm>> -> memref<10000x128xf32, #tpu.memory_space<hbm>>
    %dma_wait3A_280 = tpu.memref_slice %arg9[%dma_wait3A_270] : memref<6x!tpu.dma_semaphore, #tpu.memory_space<semaphore_mem>> -> memref<1x!tpu.dma_semaphore, #tpu.memory_space<semaphore_mem>>
    %dma_wait3A_281 = tpu.memref_squeeze %dma_wait3A_280 : memref<1x!tpu.dma_semaphore, #tpu.memory_space<semaphore_mem>> -> memref<!tpu.dma_semaphore, #tpu.memory_space<semaphore_mem>>
    tpu.wait_indirect_dma semaphore(%dma_wait3A_281 : memref<!tpu.dma_semaphore, #tpu.memory_space<semaphore_mem>>) src(%dma_wait3A_279 : memref<10000x128xf32, #tpu.memory_space<hbm>>) dst(%dma_wait3A_274 : memref<40x128xf32, #tpu.memory_space<vmem>>)
    %dma_start3A_282 = arith.constant 3 : i32
    %dma_start3A_283 = arith.constant 3 : i32
    %dma_start3A_284 = arith.constant 0 : i32
    %dma_start3A_285 = arith.constant 0 : i32
    %dma_start3A_286 = tpu.memref_slice %arg8[%dma_start3A_282, %dma_start3A_284, %dma_start3A_285] : memref<6x40x128xf32, #tpu.memory_space<vmem>> -> memref<1x40x128xf32, #tpu.memory_space<vmem>>
    %dma_start3A_287 = tpu.memref_squeeze %dma_start3A_286 : memref<1x40x128xf32, #tpu.memory_space<vmem>> -> memref<40x128xf32, #tpu.memory_space<vmem>>
    %dma_start3A_288 = arith.constant 9960 : i32
    %dma_start3A_289 = tpu.memref_slice %arg7[%dma_start3A_288] : memref<10000xi32, #tpu.memory_space<vmem>> -> memref<40xi32, #tpu.memory_space<vmem>>
    %dma_start3A_290 = arith.constant 0 : i32
    %dma_start3A_291 = arith.constant 0 : i32
    %dma_start3A_292 = tpu.memref_slice %arg5[%dma_start3A_290, %dma_start3A_291] : memref<10000x128xf32, #tpu.memory_space<vmem_shared>> -> memref<10000x128xf32, #tpu.memory_space<vmem_shared>>
    %dma_start3A_293 = tpu.memref_slice %arg10[%dma_start3A_283] : memref<6x!tpu.dma_semaphore, #tpu.memory_space<semaphore_mem>> -> memref<1x!tpu.dma_semaphore, #tpu.memory_space<semaphore_mem>>
    %dma_start3A_294 = tpu.memref_squeeze %dma_start3A_293 : memref<1x!tpu.dma_semaphore, #tpu.memory_space<semaphore_mem>> -> memref<!tpu.dma_semaphore, #tpu.memory_space<semaphore_mem>>
    tpu.enqueue_indirect_dma source(%dma_start3A_287 : memref<40x128xf32, #tpu.memory_space<vmem>>) target(%dma_start3A_292 : memref<10000x128xf32, #tpu.memory_space<vmem_shared>>) offsets(%dma_start3A_289 : memref<40xi32, #tpu.memory_space<vmem>>) semaphore(%dma_start3A_294 : memref<!tpu.dma_semaphore, #tpu.memory_space<semaphore_mem>>) {add = true}
    %dma_wait3A_295 = arith.constant 3 : i32
    %dma_wait3A_296 = arith.constant 3 : i32
    %dma_wait3A_297 = arith.constant 0 : i32
    %dma_wait3A_298 = arith.constant 0 : i32
    %dma_wait3A_299 = tpu.memref_slice %arg8[%dma_wait3A_295, %dma_wait3A_297, %dma_wait3A_298] : memref<6x40x128xf32, #tpu.memory_space<vmem>> -> memref<1x40x128xf32, #tpu.memory_space<vmem>>
    %dma_wait3A_300 = tpu.memref_squeeze %dma_wait3A_299 : memref<1x40x128xf32, #tpu.memory_space<vmem>> -> memref<40x128xf32, #tpu.memory_space<vmem>>
    %dma_wait3A_301 = arith.constant 9960 : i32
    %dma_wait3A_302 = tpu.memref_slice %arg7[%dma_wait3A_301] : memref<10000xi32, #tpu.memory_space<vmem>> -> memref<40xi32, #tpu.memory_space<vmem>>
    %dma_wait3A_303 = arith.constant 0 : i32
    %dma_wait3A_304 = arith.constant 0 : i32
    %dma_wait3A_305 = tpu.memref_slice %arg5[%dma_wait3A_303, %dma_wait3A_304] : memref<10000x128xf32, #tpu.memory_space<vmem_shared>> -> memref<10000x128xf32, #tpu.memory_space<vmem_shared>>
    %dma_wait3A_306 = tpu.memref_slice %arg10[%dma_wait3A_296] : memref<6x!tpu.dma_semaphore, #tpu.memory_space<semaphore_mem>> -> memref<1x!tpu.dma_semaphore, #tpu.memory_space<semaphore_mem>>
    %dma_wait3A_307 = tpu.memref_squeeze %dma_wait3A_306 : memref<1x!tpu.dma_semaphore, #tpu.memory_space<semaphore_mem>> -> memref<!tpu.dma_semaphore, #tpu.memory_space<semaphore_mem>>
    tpu.wait_indirect_dma semaphore(%dma_wait3A_307 : memref<!tpu.dma_semaphore, #tpu.memory_space<semaphore_mem>>) src(%dma_wait3A_300 : memref<40x128xf32, #tpu.memory_space<vmem>>) dst(%dma_wait3A_305 : memref<10000x128xf32, #tpu.memory_space<vmem_shared>>)
    %barrier3A_308 = arith.constant 0 : index
    tpu.barrier barrier_id(%barrier3A_308)
    %not3A = arith.constant true
    %not3A_309 = arith.xori %eq3A_1, %not3A : i1
    %convert_element_type3A = arith.extui %not3A_309 : i1 to i32
    %cond3A = arith.constant 0 : i32
    %cond3A_310 = arith.cmpi ne, %convert_element_type3A, %cond3A : i32
    scf.if %cond3A_310 {
      "tpu.region"() ({
        %run_scoped3A = tpu.sem_alloc : memref<!tpu.dma_semaphore, #tpu.memory_space<semaphore_mem>>
        %dma_start3A_314 = arith.constant 0 : i32
        %dma_start3A_315 = tpu.memref_slice %arg4[%arg0, %mul3A_3, %dma_start3A_314] : memref<2x10000x128xf32, #tpu.memory_space<hbm>> -> memref<1x632x128xf32, #tpu.memory_space<hbm>>
        %dma_start3A_316 = tpu.memref_squeeze %dma_start3A_315 : memref<1x632x128xf32, #tpu.memory_space<hbm>> -> memref<632x128xf32, #tpu.memory_space<hbm>>
        %dma_start3A_317 = arith.constant 0 : i32
        %dma_start3A_318 = tpu.memref_slice %arg5[%mul3A_3, %dma_start3A_317] : memref<10000x128xf32, #tpu.memory_space<vmem_shared>> -> memref<632x128xf32, #tpu.memory_space<vmem_shared>>
        tpu.enqueue_dma source(%dma_start3A_318 : memref<632x128xf32, #tpu.memory_space<vmem_shared>>) target(%dma_start3A_316 : memref<632x128xf32, #tpu.memory_space<hbm>>) target_semaphore(%run_scoped3A : memref<!tpu.dma_semaphore, #tpu.memory_space<semaphore_mem>>)
        %dma_wait3A_319 = arith.constant 0 : i32
        %dma_wait3A_320 = tpu.memref_slice %arg4[%arg0, %mul3A_3, %dma_wait3A_319] : memref<2x10000x128xf32, #tpu.memory_space<hbm>> -> memref<1x632x128xf32, #tpu.memory_space<hbm>>
        %dma_wait3A_321 = tpu.memref_squeeze %dma_wait3A_320 : memref<1x632x128xf32, #tpu.memory_space<hbm>> -> memref<632x128xf32, #tpu.memory_space<hbm>>
        %dma_wait3A_322 = arith.constant 0 : i32
        %dma_wait3A_323 = tpu.memref_slice %arg5[%mul3A_3, %dma_wait3A_322] : memref<10000x128xf32, #tpu.memory_space<vmem_shared>> -> memref<632x128xf32, #tpu.memory_space<vmem_shared>>
        tpu.wait_dma2 semaphore(%run_scoped3A : memref<!tpu.dma_semaphore, #tpu.memory_space<semaphore_mem>>) src(%dma_wait3A_323 : memref<632x128xf32, #tpu.memory_space<vmem_shared>>) dst(%dma_wait3A_321 : memref<632x128xf32, #tpu.memory_space<hbm>>)
        tpu.yield
      }) : () -> ()
    } else {
    }
    %convert_element_type3A_311 = arith.extui %eq3A_1 : i1 to i32
    %cond3A_312 = arith.constant 0 : i32
    %cond3A_313 = arith.cmpi ne, %convert_element_type3A_311, %cond3A_312 : i32
    scf.if %cond3A_313 {
      "tpu.region"() ({
        %run_scoped3A = tpu.sem_alloc : memref<!tpu.dma_semaphore, #tpu.memory_space<semaphore_mem>>
        %dma_start3A_314 = arith.constant 9480 : i32
        %dma_start3A_315 = arith.constant 0 : i32
        %dma_start3A_316 = tpu.memref_slice %arg4[%arg0, %dma_start3A_314, %dma_start3A_315] : memref<2x10000x128xf32, #tpu.memory_space<hbm>> -> memref<1x520x128xf32, #tpu.memory_space<hbm>>
        %dma_start3A_317 = tpu.memref_squeeze %dma_start3A_316 : memref<1x520x128xf32, #tpu.memory_space<hbm>> -> memref<520x128xf32, #tpu.memory_space<hbm>>
        %dma_start3A_318 = arith.constant 9480 : i32
        %dma_start3A_319 = arith.constant 0 : i32
        %dma_start3A_320 = tpu.memref_slice %arg5[%dma_start3A_318, %dma_start3A_319] : memref<10000x128xf32, #tpu.memory_space<vmem_shared>> -> memref<520x128xf32, #tpu.memory_space<vmem_shared>>
        tpu.enqueue_dma source(%dma_start3A_320 : memref<520x128xf32, #tpu.memory_space<vmem_shared>>) target(%dma_start3A_317 : memref<520x128xf32, #tpu.memory_space<hbm>>) target_semaphore(%run_scoped3A : memref<!tpu.dma_semaphore, #tpu.memory_space<semaphore_mem>>)
        %dma_wait3A_321 = arith.constant 9480 : i32
        %dma_wait3A_322 = arith.constant 0 : i32
        %dma_wait3A_323 = tpu.memref_slice %arg4[%arg0, %dma_wait3A_321, %dma_wait3A_322] : memref<2x10000x128xf32, #tpu.memory_space<hbm>> -> memref<1x520x128xf32, #tpu.memory_space<hbm>>
        %dma_wait3A_324 = tpu.memref_squeeze %dma_wait3A_323 : memref<1x520x128xf32, #tpu.memory_space<hbm>> -> memref<520x128xf32, #tpu.memory_space<hbm>>
        %dma_wait3A_325 = arith.constant 9480 : i32
        %dma_wait3A_326 = arith.constant 0 : i32
        %dma_wait3A_327 = tpu.memref_slice %arg5[%dma_wait3A_325, %dma_wait3A_326] : memref<10000x128xf32, #tpu.memory_space<vmem_shared>> -> memref<520x128xf32, #tpu.memory_space<vmem_shared>>
        tpu.wait_dma2 semaphore(%run_scoped3A : memref<!tpu.dma_semaphore, #tpu.memory_space<semaphore_mem>>) src(%dma_wait3A_327 : memref<520x128xf32, #tpu.memory_space<vmem_shared>>) dst(%dma_wait3A_324 : memref<520x128xf32, #tpu.memory_space<hbm>>)
        tpu.yield
      }) : () -> ()
    } else {
    }
    return
  }
}

module attributes {stable_mosaic.version = 14 : i64} {
  func.func @_tc_norm_scale(%arg0: memref<32x2x10000xf32, #tpu.memory_space<vmem>>, %arg1: memref<10000x128xf32, #tpu.memory_space<vmem>>, %arg2: memref<10000x2xf32, #tpu.memory_space<vmem>>, %arg3: memref<10000x128xf32, #tpu.memory_space<vmem>>) attributes {dimension_semantics = [], scalar_prefetch = 0 : i64, scratch_operands = 0 : i64, tpu.core_type = #tpu.core_type<tc>} {
    %get3A = arith.constant 0 : index
    %get3A_0 = arith.constant 0 : index
    %get3A_1 = arith.constant 0 : index
    %get3A_2 = vector.load %arg0[%get3A, %get3A_0, %get3A_1] : memref<32x2x10000xf32, #tpu.memory_space<vmem>>, vector<32x2x10000xf32>
    %reduce_sum3A = arith.constant dense<0.000000e+00> : vector<2x10000xf32>
    %reduce_sum3A_3 = vector.multi_reduction <add>, %get3A_2, %reduce_sum3A [0] : vector<32x2x10000xf32> to vector<2x10000xf32>
    %max3A = arith.constant 1.000000e+00 : f32
    %max3A_4 = vector.broadcast %max3A : f32 to vector<2x10000xf32>
    %max3A_5 = arith.maximumf %reduce_sum3A_3, %max3A_4 : vector<2x10000xf32>
    %rsqrt3A = math.rsqrt %max3A_5 : vector<2x10000xf32>
    %transpose3A = tpu.transpose %rsqrt3A, [1, 0] : vector<2x10000xf32> -> vector<10000x2xf32>
    %swap3A = arith.constant 0 : index
    %swap3A_6 = arith.constant 0 : index
    %swap3A_7 = vector.load %arg2[%swap3A, %swap3A_6] : memref<10000x2xf32, #tpu.memory_space<vmem>>, vector<10000x2xf32>
    tpu.vector_store %arg2[%swap3A, %swap3A_6], %transpose3A {strides = array<i32>} : memref<10000x2xf32, #tpu.memory_space<vmem>>, vector<10000x2xf32>,
    %get3A_8 = arith.constant 0 : index
    %get3A_9 = arith.constant 0 : index
    %get3A_10 = vector.load %arg1[%get3A_8, %get3A_9] : memref<10000x128xf32, #tpu.memory_space<vmem>>, vector<10000x128xf32>
    %slice3A = vector.extract_strided_slice %transpose3A {offsets = [0, 0], sizes = [10000, 1], strides = [1, 1]} : vector<10000x2xf32> to vector<10000x1xf32>
    %mul3A = vector.broadcast %slice3A : vector<10000x1xf32> to vector<10000x128xf32>
    %mul3A_11 = arith.mulf %get3A_10, %mul3A : vector<10000x128xf32>
    %swap3A_12 = arith.constant 0 : index
    %swap3A_13 = arith.constant 0 : index
    %swap3A_14 = vector.load %arg3[%swap3A_12, %swap3A_13] : memref<10000x128xf32, #tpu.memory_space<vmem>>, vector<10000x128xf32>
    tpu.vector_store %arg3[%swap3A_12, %swap3A_13], %mul3A_11 {strides = array<i32>} : memref<10000x128xf32, #tpu.memory_space<vmem>>, vector<10000x128xf32>,
    return
  }
}

module attributes {stable_mosaic.version = 14 : i64} {
  func.func @_tc_final(%arg0: i32, %arg1: memref<2x2000x128xf32, #tpu.memory_space<vmem>>, %arg2: memref<2000x128xf32, #tpu.memory_space<vmem>>, %arg3: memref<2000x2xf32, #tpu.memory_space<vmem>>, %arg4: memref<128x128xf32, #tpu.memory_space<vmem>>, %arg5: memref<1x128xf32, #tpu.memory_space<vmem>>, %arg6: memref<128x64xf32, #tpu.memory_space<vmem>>, %arg7: memref<1x64xf32, #tpu.memory_space<vmem>>, %arg8: memref<2000x64xf32, #tpu.memory_space<vmem>>) attributes {dimension_semantics = [#tpu.dimension_semantics<arbitrary>], iteration_bounds = array<i64: 5>, scalar_prefetch = 0 : i64, scratch_operands = 0 : i64, tpu.core_type = #tpu.core_type<tc>, window_params = [{transform_indices = @transform_0, window_bounds = array<i64: 2, 2000, 128>}, {transform_indices = @transform_1, window_bounds = array<i64: 2000, 128>}, {transform_indices = @transform_2, window_bounds = array<i64: 2000, 2>}, {pipeline_mode = #tpu.pipeline_mode<synchronous>, transform_indices = @transform_3, window_bounds = array<i64: 128, 128>}, {pipeline_mode = #tpu.pipeline_mode<synchronous>, transform_indices = @transform_4, window_bounds = array<i64: 1, 128>}, {pipeline_mode = #tpu.pipeline_mode<synchronous>, transform_indices = @transform_5, window_bounds = array<i64: 128, 64>}, {pipeline_mode = #tpu.pipeline_mode<synchronous>, transform_indices = @transform_6, window_bounds = array<i64: 1, 64>}, {transform_indices = @transform_7, window_bounds = array<i64: 2000, 64>}]} {
    %get3A = arith.constant 0 : index
    %get3A_0 = arith.constant 0 : index
    %get3A_1 = arith.constant 0 : index
    %get3A_2 = vector.load %arg1[%get3A, %get3A_0, %get3A_1] : memref<2x2000x128xf32, #tpu.memory_space<vmem>>, vector<1x2000x128xf32>
    %get3A_3 = vector.shape_cast %get3A_2 : vector<1x2000x128xf32> to vector<2000x128xf32>
    %get3A_4 = arith.constant 1 : index
    %get3A_5 = arith.constant 0 : index
    %get3A_6 = arith.constant 0 : index
    %get3A_7 = vector.load %arg1[%get3A_4, %get3A_5, %get3A_6] : memref<2x2000x128xf32, #tpu.memory_space<vmem>>, vector<1x2000x128xf32>
    %get3A_8 = vector.shape_cast %get3A_7 : vector<1x2000x128xf32> to vector<2000x128xf32>
    %add3A = arith.addf %get3A_3, %get3A_8 : vector<2000x128xf32>
    %get3A_9 = arith.constant 0 : index
    %get3A_10 = arith.constant 1 : index
    %get3A_11 = vector.load %arg3[%get3A_9, %get3A_10] : memref<2000x2xf32, #tpu.memory_space<vmem>>, vector<2000x1xf32>
    %mul3A = vector.broadcast %get3A_11 : vector<2000x1xf32> to vector<2000x128xf32>
    %mul3A_12 = arith.mulf %add3A, %mul3A : vector<2000x128xf32>
    %mul3A_13 = arith.constant 5.000000e-01 : f32
    %mul3A_14 = vector.broadcast %mul3A_13 : f32 to vector<2000x128xf32>
    %mul3A_15 = arith.mulf %mul3A_14, %mul3A_12 : vector<2000x128xf32>
    %get3A_16 = arith.constant 0 : index
    %get3A_17 = arith.constant 0 : index
    %get3A_18 = vector.load %arg2[%get3A_16, %get3A_17] : memref<2000x128xf32, #tpu.memory_space<vmem>>, vector<2000x128xf32>
    %mul3A_19 = arith.constant 5.000000e-01 : f32
    %mul3A_20 = vector.broadcast %mul3A_19 : f32 to vector<2000x128xf32>
    %mul3A_21 = arith.mulf %mul3A_20, %get3A_18 : vector<2000x128xf32>
    %add3A_22 = arith.addf %mul3A_15, %mul3A_21 : vector<2000x128xf32>
    %get3A_23 = arith.constant 0 : index
    %get3A_24 = arith.constant 0 : index
    %get3A_25 = vector.load %arg4[%get3A_23, %get3A_24] : memref<128x128xf32, #tpu.memory_space<vmem>>, vector<128x128xf32>
    %dot_general3A = arith.constant dense<0.000000e+00> : vector<2000x128xf32>
    %dot_general3A_26 = tpu.matmul %add3A_22, %get3A_25, %dot_general3A {dimension_numbers = #tpu.dot_dimension_numbers<[1], [0], [0], [1], [0, 0, 1, 1], [], []>, transpose_lhs_hint = false} : vector<2000x128xf32>, vector<128x128xf32>, vector<2000x128xf32> -> vector<2000x128xf32>
    %get3A_27 = arith.constant 0 : index
    %get3A_28 = arith.constant 0 : index
    %get3A_29 = vector.load %arg5[%get3A_27, %get3A_28] : memref<1x128xf32, #tpu.memory_space<vmem>>, vector<1x128xf32>
    %add3A_30 = vector.broadcast %get3A_29 : vector<1x128xf32> to vector<2000x128xf32>
    %add3A_31 = arith.addf %dot_general3A_26, %add3A_30 : vector<2000x128xf32>
    %max3A = arith.constant 0.000000e+00 : f32
    %max3A_32 = vector.broadcast %max3A : f32 to vector<2000x128xf32>
    %max3A_33 = arith.maximumf %add3A_31, %max3A_32 : vector<2000x128xf32>
    %get3A_34 = arith.constant 0 : index
    %get3A_35 = arith.constant 0 : index
    %get3A_36 = vector.load %arg6[%get3A_34, %get3A_35] : memref<128x64xf32, #tpu.memory_space<vmem>>, vector<128x64xf32>
    %dot_general3A_37 = arith.constant dense<0.000000e+00> : vector<2000x64xf32>
    %dot_general3A_38 = tpu.matmul %max3A_33, %get3A_36, %dot_general3A_37 {dimension_numbers = #tpu.dot_dimension_numbers<[1], [0], [0], [1], [0, 0, 1, 1], [], []>, transpose_lhs_hint = false} : vector<2000x128xf32>, vector<128x64xf32>, vector<2000x64xf32> -> vector<2000x64xf32>
    %get3A_39 = arith.constant 0 : index
    %get3A_40 = arith.constant 0 : index
    %get3A_41 = vector.load %arg7[%get3A_39, %get3A_40] : memref<1x64xf32, #tpu.memory_space<vmem>>, vector<1x64xf32>
    %add3A_42 = vector.broadcast %get3A_41 : vector<1x64xf32> to vector<2000x64xf32>
    %add3A_43 = arith.addf %dot_general3A_38, %add3A_42 : vector<2000x64xf32>
    %logistic3A = arith.negf %add3A_43 : vector<2000x64xf32>
    %logistic3A_44 = math.exp %logistic3A : vector<2000x64xf32>
    %logistic3A_45 = arith.constant 1.000000e+00 : f32
    %logistic3A_46 = vector.broadcast %logistic3A_45 : f32 to vector<2000x64xf32>
    %logistic3A_47 = arith.addf %logistic3A_46, %logistic3A_44 : vector<2000x64xf32>
    %logistic3A_48 = arith.divf %logistic3A_46, %logistic3A_47 : vector<2000x64xf32>
    %swap3A = arith.constant 0 : index
    %swap3A_49 = arith.constant 0 : index
    %swap3A_50 = vector.load %arg8[%swap3A, %swap3A_49] : memref<2000x64xf32, #tpu.memory_space<vmem>>, vector<2000x64xf32>
    tpu.vector_store %arg8[%swap3A, %swap3A_49], %logistic3A_48 {strides = array<i32>} : memref<2000x64xf32, #tpu.memory_space<vmem>>, vector<2000x64xf32>,
    return
  }
  func.func @transform_0(%arg0: i32) -> (i32, i32, i32) {
    %c0_i32 = arith.constant 0 : i32
    %c0_i32_0 = arith.constant 0 : i32
    %c0_i32_1 = arith.constant 0 : i32
    return %c0_i32, %arg0, %c0_i32_0 : i32, i32, i32
  }
  func.func @transform_1(%arg0: i32) -> (i32, i32) {
    %c0_i32 = arith.constant 0 : i32
    %c0_i32_0 = arith.constant 0 : i32
    return %arg0, %c0_i32 : i32, i32
  }
  func.func @transform_2(%arg0: i32) -> (i32, i32) {
    %c0_i32 = arith.constant 0 : i32
    %c0_i32_0 = arith.constant 0 : i32
    return %arg0, %c0_i32 : i32, i32
  }
  func.func @transform_3(%arg0: i32) -> (i32, i32) {
    %c0_i32 = arith.constant 0 : i32
    %c0_i32_0 = arith.constant 0 : i32
    %c0_i32_1 = arith.constant 0 : i32
    return %c0_i32, %c0_i32_0 : i32, i32
  }
  func.func @transform_4(%arg0: i32) -> (i32, i32) {
    %c0_i32 = arith.constant 0 : i32
    %c0_i32_0 = arith.constant 0 : i32
    %c0_i32_1 = arith.constant 0 : i32
    return %c0_i32, %c0_i32_0 : i32, i32
  }
  func.func @transform_5(%arg0: i32) -> (i32, i32) {
    %c0_i32 = arith.constant 0 : i32
    %c0_i32_0 = arith.constant 0 : i32
    %c0_i32_1 = arith.constant 0 : i32
    return %c0_i32, %c0_i32_0 : i32, i32
  }
  func.func @transform_6(%arg0: i32) -> (i32, i32) {
    %c0_i32 = arith.constant 0 : i32
    %c0_i32_0 = arith.constant 0 : i32
    %c0_i32_1 = arith.constant 0 : i32
    return %c0_i32, %c0_i32_0 : i32, i32
  }
  func.func @transform_7(%arg0: i32) -> (i32, i32) {
    %c0_i32 = arith.constant 0 : i32
    %c0_i32_0 = arith.constant 0 : i32
    return %arg0, %c0_i32 : i32, i32
  }
}

module attributes {stable_mosaic.version = 14 : i64} {
  func.func @_tc_blend_scale(%arg0: i32, %arg1: memref<2x2000x128xf32, #tpu.memory_space<vmem>>, %arg2: memref<2000x128xf32, #tpu.memory_space<vmem>>, %arg3: memref<2000x2xf32, #tpu.memory_space<vmem>>, %arg4: memref<2000x128xf32, #tpu.memory_space<vmem>>) attributes {dimension_semantics = [#tpu.dimension_semantics<arbitrary>], iteration_bounds = array<i64: 5>, scalar_prefetch = 0 : i64, scratch_operands = 0 : i64, tpu.core_type = #tpu.core_type<tc>, window_params = [{transform_indices = @transform_0, window_bounds = array<i64: 2, 2000, 128>}, {transform_indices = @transform_1, window_bounds = array<i64: 2000, 128>}, {transform_indices = @transform_2, window_bounds = array<i64: 2000, 2>}, {transform_indices = @transform_3, window_bounds = array<i64: 2000, 128>}]} {
    %get3A = arith.constant 0 : index
    %get3A_0 = arith.constant 0 : index
    %get3A_1 = arith.constant 0 : index
    %get3A_2 = vector.load %arg1[%get3A, %get3A_0, %get3A_1] : memref<2x2000x128xf32, #tpu.memory_space<vmem>>, vector<1x2000x128xf32>
    %get3A_3 = vector.shape_cast %get3A_2 : vector<1x2000x128xf32> to vector<2000x128xf32>
    %get3A_4 = arith.constant 1 : index
    %get3A_5 = arith.constant 0 : index
    %get3A_6 = arith.constant 0 : index
    %get3A_7 = vector.load %arg1[%get3A_4, %get3A_5, %get3A_6] : memref<2x2000x128xf32, #tpu.memory_space<vmem>>, vector<1x2000x128xf32>
    %get3A_8 = vector.shape_cast %get3A_7 : vector<1x2000x128xf32> to vector<2000x128xf32>
    %add3A = arith.addf %get3A_3, %get3A_8 : vector<2000x128xf32>
    %get3A_9 = arith.constant 0 : index
    %get3A_10 = arith.constant 1 : index
    %get3A_11 = vector.load %arg3[%get3A_9, %get3A_10] : memref<2000x2xf32, #tpu.memory_space<vmem>>, vector<2000x1xf32>
    %mul3A = vector.broadcast %get3A_11 : vector<2000x1xf32> to vector<2000x128xf32>
    %mul3A_12 = arith.mulf %add3A, %mul3A : vector<2000x128xf32>
    %mul3A_13 = arith.constant 5.000000e-01 : f32
    %mul3A_14 = vector.broadcast %mul3A_13 : f32 to vector<2000x128xf32>
    %mul3A_15 = arith.mulf %mul3A_14, %mul3A_12 : vector<2000x128xf32>
    %get3A_16 = arith.constant 0 : index
    %get3A_17 = arith.constant 0 : index
    %get3A_18 = vector.load %arg2[%get3A_16, %get3A_17] : memref<2000x128xf32, #tpu.memory_space<vmem>>, vector<2000x128xf32>
    %mul3A_19 = arith.constant 5.000000e-01 : f32
    %mul3A_20 = vector.broadcast %mul3A_19 : f32 to vector<2000x128xf32>
    %mul3A_21 = arith.mulf %mul3A_20, %get3A_18 : vector<2000x128xf32>
    %add3A_22 = arith.addf %mul3A_15, %mul3A_21 : vector<2000x128xf32>
    %get3A_23 = arith.constant 0 : index
    %get3A_24 = arith.constant 0 : index
    %get3A_25 = vector.load %arg3[%get3A_23, %get3A_24] : memref<2000x2xf32, #tpu.memory_space<vmem>>, vector<2000x1xf32>
    %mul3A_26 = vector.broadcast %get3A_25 : vector<2000x1xf32> to vector<2000x128xf32>
    %mul3A_27 = arith.mulf %add3A_22, %mul3A_26 : vector<2000x128xf32>
    %swap3A = arith.constant 0 : index
    %swap3A_28 = arith.constant 0 : index
    %swap3A_29 = vector.load %arg4[%swap3A, %swap3A_28] : memref<2000x128xf32, #tpu.memory_space<vmem>>, vector<2000x128xf32>
    tpu.vector_store %arg4[%swap3A, %swap3A_28], %mul3A_27 {strides = array<i32>} : memref<2000x128xf32, #tpu.memory_space<vmem>>, vector<2000x128xf32>,
    return
  }
  func.func @transform_0(%arg0: i32) -> (i32, i32, i32) {
    %c0_i32 = arith.constant 0 : i32
    %c0_i32_0 = arith.constant 0 : i32
    %c0_i32_1 = arith.constant 0 : i32
    return %c0_i32, %arg0, %c0_i32_0 : i32, i32, i32
  }
  func.func @transform_1(%arg0: i32) -> (i32, i32) {
    %c0_i32 = arith.constant 0 : i32
    %c0_i32_0 = arith.constant 0 : i32
    return %arg0, %c0_i32 : i32, i32
  }
  func.func @transform_2(%arg0: i32) -> (i32, i32) {
    %c0_i32 = arith.constant 0 : i32
    %c0_i32_0 = arith.constant 0 : i32
    return %arg0, %c0_i32 : i32, i32
  }
  func.func @transform_3(%arg0: i32) -> (i32, i32) {
    %c0_i32 = arith.constant 0 : i32
    %c0_i32_0 = arith.constant 0 : i32
    return %arg0, %c0_i32 : i32, i32
  }
}

</mosaic_0001>

<sc_bundles>
// kernel: kernel.11.cloned.1.call-start
scs
__scs_entry_jumppad:
0x0: {  	(pc) =	sbr.rel $0x88, $3  }
0x1: {  	(tag) =	ssettag $0x0;
	lr =	simm.s32 $0x1  }
0x2: {  	[smem:$0x3F9B] =	sst lr;
	_ =	strace $0xD0000000  }
0x3: {  	_ = 	snop  }
0x4: {  	_ = 	snop  }
0x5: {  	_ = 	snop  }
0x6: {  	_ = 	snop  }
0x7: {  	_ = 	snop  }
__scs_overlays_trampoline_lowered:
0x8: {  	[smem:$0x3FAA] =	sst s0  }
0x9: {  	[smem:$0x3FAB] =	sst s1  }
0xa: {  	[smem:$0x3FAC] =	sst s2  }
0xb: {  	[smem:$0x3FAD] =	sst s3  }
0xc: {  	[smem:$0x3FAE] =	sst s4  }
0xd: {  	[smem:$0x3FAF] =	sst s5  }
0xe: {  	[smem:$0x3FB0] =	sst s6  }
0xf: {  	[smem:$0x3FB1] =	sst s7  }
0x10: {  	[smem:$0x3FB2] =	sst s8  }
0x11: {  	[smem:$0x3FB3] =	sst s9;
	s0 =	simm.s32 @!p0 $0x0  }
0x12: {  	s1 =	sld [smem:$0x3F99];
	s0 =	simm.s32 @p0 $0x1  }
0x13: {  	[smem:$0x3FB4] =	sst s0;
	s0 =	simm.s32 @!p1 $0x0  }
0x14: {  	s2 =	sld [smem:$0x3F98];
	s0 =	simm.s32 @p1 $0x1  }
0x15: {  	[smem:$0x3FB5] =	sst s0;
	s0 =	simm.s32 @!p2 $0x0  }
0x16: {  	s3 =	sld [smem:$0x3FDB];
	s0 =	simm.s32 @p2 $0x1  }
0x17: {  	s4 =	simm.s32 $0x1BF5;
	[smem:$0x3FB7] =	sst s0  }
0x18: {  	s0 =	sld [smem:$0x3F9A];
	_ =	swait.ge [sflag:s4], $0x0  }
0x19: {  	s7 =	sld [smem:$0x3F9B]  }
0x1a: {  	s8 =	sadd.s32 $0xFFFFE003, lr  }
0x1b: {  	s9 =	sadd.s32 $0xFFFFFEF7, lr;
	s5 =	simm.s32 $0xFFFFFFFF;
	p2 =	slt.u32 s8, $0xFFFFF086  }
0x1c: {  	p1 =	slt.u32 s9, $0xF7A;
	s5 =	simm.s32 @!p2 $0x0  }
0x1d: {  	s5 =	simm.s32 @p1 $0x1;
	p0 =	seq.s32 s7, s2  }
0x1e: {  	s7 =	smul.u32 @!p0 $0xF7A, s2;
	p2 =	seq.s32 @!p0 s5, $0x0  }
0x1f: {  	s9 =	smul.u32 $0xF7A, s1;
	s8 =	simm.s32 @!p0 $0x1BF5;
	p2 =	por !p2, p0  }
0x20: {  	[sflag:s8] =	ssyncset.s32 @!p0 $0xFFFFF086;
	s6 =	sadd.s32 @!p0 s3, s7;
	s7 =	simm.s32 @!p0 $0x108  }
0x21: {  	s3 =	sadd.s32 s3, s9;
	s6 =	sadd.s32 @!p0 $0x88, s6;
	s7 =	simm.s32 @p2 $0x1082  }
0x22: {  	[simem:s7], [sflag:s8] =	dma.local @!p0 [hbm:s6], $0xF7A  }
0x23: {  	s9 =	sor.u32 $0xD0000000, s2;
	s6 =	simm.s32 $0x108;
	_ =	swait.ge @!p0 [sflag:s8], $0x0  }
0x24: {  	s3 =	sadd.s32 $0x88, s3;
	s6 =	simm.s32 @!p1 $0x1082;
	[sflag:s4] =	ssyncset.s32 $0xFFFFF086  }
0x25: {  	[simem:s6], [sflag:s4] =	dma.local [hbm:s3], $0xF7A  }
0x26: {  	[smem:$0x3F9B] =	sst s1;
	(tag) =	ssettag s2;
	_ =	strace s9  }
0x27: {  	s1 =	sld [smem:$0x3FAB]  }
0x28: {  	s2 =	sld [smem:$0x3FAC]  }
0x29: {  	s4 =	sld [smem:$0x3FAE]  }
0x2a: {  	p0 =	seq.s32 s5, $0x0;
	s5 =	sld [smem:$0x3FAF]  }
0x2b: {  	s6 =	sld [smem:$0x3FB0]  }
0x2c: {  	s7 =	sld [smem:$0x3FB1]  }
0x2d: {  	s3 =	simm.s32 $0x108;
	s8 =	sld [smem:$0x3FB2]  }
0x2e: {  	s3 =	simm.s32 @!p0 $0x1082;
	s9 =	sld [smem:$0x3FB3]  }
0x2f: {  	lr =	sadd.s32 s0, s3;
	s0 =	sld [smem:$0x3FAA]  }
0x30: {  	s3 =	sld [smem:$0x3FAD]  }
0x31: {  	[smem:$0x3FB6] =	sst s10  }
0x32: {  	s10 =	sld [smem:$0x3FB4];
	_ =	sdelay $0x3  }
0x33: {  	p0 =	seq.s32 s10, $0x1;
	s10 =	sld [smem:$0x3FB6];
	_ =	sdelay $0x3  }
0x34: {  	[smem:$0x3FB6] =	sst s10  }
0x35: {  	s10 =	sld [smem:$0x3FB5];
	_ =	sdelay $0x3  }
0x36: {  	p1 =	seq.s32 s10, $0x1;
	s10 =	sld [smem:$0x3FB6];
	_ =	sdelay $0x3  }
0x37: {  	[smem:$0x3FB6] =	sst s10  }
0x38: {  	s10 =	sld [smem:$0x3FB7]  }
0x39: {  	_ = 	snop;
	(pc) =	sbr.ind lr, $3  }
0x3a: {  	_ = 	snop  }
0x3b: {  	_ = 	snop  }
0x3c: {  	p2 =	seq.s32 s10, $0x1;
	s10 =	sld [smem:$0x3FB6]  }
0x3d: {  	_ =	shalt  }
0x3e: {  	_ =	shalt  }
0x3f: {  	_ =	shalt  }
0x40: {  	_ =	shalt  }
0x41: {  	_ =	shalt  }
0x42: {  	_ =	shalt  }
0x43: {  	_ =	shalt  }
0x44: {  	_ =	shalt  }
0x45: {  	_ =	shalt  }
0x46: {  	_ =	shalt  }
0x47: {  	_ =	shalt  }
0x48: {  	_ =	shalt  }
0x49: {  	_ =	shalt  }
0x4a: {  	_ =	shalt  }
0x4b: {  	_ =	shalt  }
0x4c: {  	_ =	shalt  }
0x4d: {  	_ =	shalt  }
0x4e: {  	_ =	shalt  }
0x4f: {  	_ =	shalt  }
0x50: {  	_ =	shalt  }
0x51: {  	_ =	shalt  }
0x52: {  	_ =	shalt  }
0x53: {  	_ =	shalt  }
0x54: {  	_ =	shalt  }
0x55: {  	_ =	shalt  }
0x56: {  	_ =	shalt  }
0x57: {  	_ =	shalt  }
0x58: {  	_ =	shalt  }
0x59: {  	_ =	shalt  }
0x5a: {  	_ =	shalt  }
0x5b: {  	_ =	shalt  }
0x5c: {  	_ =	shalt  }
0x5d: {  	_ =	shalt  }
0x5e: {  	_ =	shalt  }
0x5f: {  	_ =	shalt  }
0x60: {  	_ =	shalt  }
0x61: {  	_ =	shalt  }
0x62: {  	_ =	shalt  }
0x63: {  	_ =	shalt  }
0x64: {  	_ =	shalt  }
0x65: {  	_ =	shalt  }
0x66: {  	_ =	shalt  }
0x67: {  	_ =	shalt  }
0x68: {  	_ =	shalt  }
0x69: {  	_ =	shalt  }
0x6a: {  	_ =	shalt  }
0x6b: {  	_ =	shalt  }
0x6c: {  	_ =	shalt  }
0x6d: {  	_ =	shalt  }
0x6e: {  	_ =	shalt  }
0x6f: {  	_ =	shalt  }
0x70: {  	_ =	shalt  }
0x71: {  	_ =	shalt  }
0x72: {  	_ =	shalt  }
0x73: {  	_ =	shalt  }
0x74: {  	_ =	shalt  }
0x75: {  	_ =	shalt  }
0x76: {  	_ =	shalt  }
0x77: {  	_ =	shalt  }
0x78: {  	_ =	shalt  }
0x79: {  	_ =	shalt  }
0x7a: {  	_ =	shalt  }
0x7b: {  	_ =	shalt  }
0x7c: {  	_ =	shalt  }
0x7d: {  	_ =	shalt  }
0x7e: {  	_ =	shalt  }
0x7f: {  	_ =	shalt  }
0x80: {  	_ =	shalt  }
0x81: {  	_ =	shalt  }
0x82: {  	_ =	shalt  }
0x83: {  	_ =	shalt  }
0x84: {  	_ =	shalt  }
0x85: {  	_ =	shalt  }
0x86: {  	_ =	shalt  }
0x87: {  	_ =	shalt  }
.Lfunc_end0:
.L_simem_size_0:
called_computation.1_lowered:
.L_overlay_start_0:
0x88: {  	s2 =	sld [smem:$0x3FD9]  }
0x89: {  	s3 =	sld [smem:$0x3FFE];
	_ =	sdelay $0x1  }
0x8a: {  	s1 =	srdreg.scid  }
0x8b: {  	s0 =	sand.u32 $0x1, s1  }
0x8c: {  	s16 =	sshll.u32 s0, $0xA;
	s2 =	sadd.s32 s3, s2  }
0x8d: {  	s2 =	sadd.s32 s2, s16  }
0x8e: {  	[smem:$0x3FC2] =	sst s2  }
0x8f: {  	_ = 	snop  }
0x90: {  	(tm) =	ssettm $0x1  }
0x91: {  	s17 =	sld [smem:$0x3FFB];
	_ =	sdelay $0x3  }
0x92: {  	_ =	strace s17  }
0x93: {  	s2 =	sld [smem:$0x3FFC];
	_ =	sdelay $0x3  }
0x94: {  	_ =	strace s2  }
0x95: {  	s2 =	sld [smem:$0x3FFD];
	_ =	sdelay $0x3  }
0x96: {  	_ =	strace s2  }
0x97: {  	_ =	strace $0x8FFFFFFF  }
0x98: {  	s18 =	sld [smem:$0x3FDB];
	_ =	sdelay $0x1  }
0x99: {  	s19 =	simm.s32 $_scs_section_size  }
0x9a: {  	s4 =	simm.s32 $_size__tile_overlayer_lowered;
	s5 =	simm.s32 $_tile_overlayer_lowered  }
0x9b: {  	s22 =	simm.s32 $0x1BFF;
	s21 =	sshll.u32 s5, $0x1;
	s2 =	sadd.s32 s19, s18  }
0x9c: {  	s6 =	simm.s32 $0x0;
	s20 =	sshll.u32 s4, $0x1;
	s4 =	sadd.s32 s21, s2  }
0x9d: {  	[timem:s6], [sflag:s22] =	dma.local [hbm:s4], s20  }
0x9e: {  	_ =	swait.ge [sflag:s22], s20  }
0x9f: {  	s3 =	ssub.s32 $0x0, s20;
	[sflag:s22] =	ssyncset.done $0x0  }
0xa0: {  	[sflag:s22] =	ssyncadd.s32 s3;
	_ =	sdelay $0x1  }
0xa1: {  	s23 =	simm.s32 $0x1B8B  }
0xa2: {  	_ =	swait.ge [sflag:s23], $0x1  }
0xa3: {  	[sflag:s23] =	ssyncset.done $0x0  }
0xa4: {  	s25 =	simm.s32 $0x1B8E;
	s24 =	sld [smem:$0x3FFE];
	[sflag:s23] =	ssyncadd.s32 $0xFFFFFFFF  }
0xa5: {  	s26 =	simm.s32 $execute0_lowered;
	[smem:$0x3FD2] =	sst s25  }
0xa6: {  	s4 =	sshll.u32 s26, $0x1;
	_ =	strace $0x80000049;
	[dreg:$0x1] =	wrdreg $0xFFFFFFFF  }
0xa7: {  	s28 =	simm.s32 $_size_execute0_lowered;
	s2 =	sadd.s32 s2, s4;
	[dreg:$0x0] =	wrdreg $0x0  }
0xa8: {  	s4 =	sshll.u32 s28, $0x1;
	[dreg:$0x2] =	wrdreg s2  }
0xa9: {  	[dreg:$0x3] =	wrdreg s4  }
0xaa: {  	[dreg:$0x4] =	wrdreg $0xC0  }
0xab: {  	_ =	task [dreg:s6], $0x5FFFF  }
0xac: {  	[dreg:$0x1] =	wrdreg $0xFFFFFFFF  }
0xad: {  	[dreg:$0x0] =	wrdreg $0x60  }
0xae: {  	[dreg:$0x2] =	wrdreg s24  }
0xaf: {  	[dreg:$0x3] =	wrdreg $0x0  }
0xb0: {  	[dreg:$0x4] =	wrdreg $0x9  }
0xb1: {  	_ =	task.clear_ibuf [dreg:s6], $0x5FFFF;
	_ =	strace $0x90000049  }
0xb2: {  	s29 =	simm.s32 $0x9;
	_ =	strace $0x8000004B  }
0xb3: {  	_ =	swait.ge [sflag:s29], $0x1  }
0xb4: {  	[sflag:s29] =	ssyncadd.s32 $0xFFFFFFFF  }
0xb5: {  	_ =	strace $0x9000004B  }
0xb6: {  	_ =	sfence  }
0xb7: {  	s30 =	sld [smem:$0x0];
	_ =	sdelay $0x2  }
0xb8: {  	s31 =	sshll.u32 s1, $0xD;
	s1 =	sshrl.u32 s1, $0x2  }
0xb9: {  	s3 =	sand.u32 $0x4000, s31;
	s1 =	sadd.s32 s1, s30  }
0xba: {  	s0 =	sor.u32 s3, s0;
	s1 =	sshll.u32 s1, $0x11  }
0xbb: {  	s0 =	sor.u32 s1, s0  }
0xbc: {  	s0 =	sadd.s32 $0x8F2B, s0  }
0xbd: {  	[sflag:s0] =	ssyncadd.remote.s32 $0x1  }
0xbe: {  	_ =	sfence.sel $0xFFFF  }
0xbf: {  	[dreg:$0x0] =	wrdreg $0xFFFFFFFF;
	(pc) =	sbr.abs _section_cstart, $3  }
0xc0: {  	[dreg:$0x1] =	wrdreg $0xFFFFFFFF  }
0xc1: {  	_ =	task.clear_ibuf [dreg:s6], $0x2FFFF;
	_ =	strace $0x9FFFFFFF  }
0xc2: {  	(tm) =	ssettm $0x7FFFFFFF  }
0xc3: {  	_ =	shalt  }
tec
execute0_lowered:
.L_overlay_start_1:
0x0: {  	(tag) =	ssettag $0x1  }
0x1: {  	s0 =	srdreg.scid;
	s1 =	rddreg [dreg:$0x0]  }
0x2: {  	s8 =	stileid.u32;
	s2 =	rddreg [dreg:$0x1]  }
0x3: {  	s4 =	simm.s32 $0x0;
	s12 =	simm.s32 $0x13880;
	s14 =	simm.s32 $0x18780  }
0x4: {  	s15 =	simm.s32 $0x7;
	s16 =	simm.s32 $0x1;
	s17 =	simm.s32 $0x2  }
0x5: {  	s18 =	simm.s32 $0x28;
	s20 =	simm.s32 $0x19B80;
	s22 =	simm.s32 $0x1AF80  }
0x6: {  	s28 =	simm.s32 $0x1D780;
	s30 =	simm.s32 $0x1EB80;
	s31 =	simm.s32 $0x3  }
0x7: {  	s13 =	simm.s32 $0x5;
	s19 =	simm.s32 $0x6;
	s21 =	simm.s32 $0x8  }
0x8: {  	s23 =	simm.s32 $0x9;
	s29 =	simm.s32 $0xB;
	s0 =	sand.u32 $0x1, s0  }
0x9: {  	s3 =	sshll.u32 s8, $0x1;
	[smem:$0x7FF] =	sst s4;
	s7 =	smul.u32 $0x13C00, s8  }
0xa: {  	s4 =	sadd.s32 $0x15E00, s1;
	p0 =	seq.s32 s8, $0xF;
	s8 =	smul.u32 $0x4F000, s8  }
0xb: {  	s3 =	sor.u32 s0, s3;
	s5 =	ssub.s32 $0x2, s0;
	s0 =	smul.u32 $0x138800, s0  }
0xc: {  	_ =	strace $0x8000004A;
	s3 =	smul.u32 $0x2710, s3;
	s6 =	sshrl.u32 s5, $0x1  }
0xd: {  	s26 =	sshrl.u32 s8, $0x2;
	s5 =	ssub.s32 s5, s6;
	s6 =	simm.s32 $0x41  }
0xe: {  	s25 =	sadd.s32 s7, s0;
	s0 =	sshrl.u32 s0, $0x3;
	s3 =	sshrl.u32 s3, $0x3  }
0xf: {  	s8 =	sadd.s32 s26, s2;
	s26 =	simm.s32 $0xA;
	s3 =	sadd.s32 s3, s1  }
0x10: {  	s6 =	simm.s32 @!p0 $0x4F;
	s11 =	smax.u32 s5, $0x1;
	s24 =	sadd.s32 $0x2400, s3  }
0x11: {  	s1 =	sadd.s32 $0x3D000, s1;
	s3 =	sadd.s32 $0xC040, s3;
	[dreg:$0x3] =	wrdreg s24  }
0x12: {  	s0 =	sadd.s32 s1, s0;
	[dreg:$0x4] =	wrdreg s3;
	s3 =	sshrl.u32 s25, $0x3  }
0x13: {  	s10 =	sadd.s32 $0x25080, s0;
	s0 =	sadd.s32 $0x128400, s2;
	s24 =	simm.s32 $0x1C380  }
0x14: {  	s3 =	sadd.s32 s1, s3;
	s25 =	sshrl.u32 @p0 s0, $0x3;
	s1 =	simm.s32 $0x4  }
0x15: {  	v0 =	vimm.f32 $0.0e+00;
	s0 =	simm.s32 $0xC;
	[dreg:$0x5] =	wrdreg s3;
	s3 =	simm.s32 $0x0  }
.LBB2_1:
0x16: {  	[tilespmem:$0x18780] =	vst v0  }
0x17: {  	[tilespmem:$0x18790] =	vst v0  }
0x18: {  	[tilespmem:$0x187A0] =	vst v0  }
0x19: {  	[tilespmem:$0x187B0] =	vst v0  }
0x1a: {  	[tilespmem:$0x187C0] =	vst v0  }
0x1b: {  	[tilespmem:$0x187D0] =	vst v0  }
0x1c: {  	[tilespmem:$0x187E0] =	vst v0  }
0x1d: {  	[tilespmem:$0x187F0] =	vst v0  }
0x1e: {  	[tilespmem:$0x18800] =	vst v0  }
0x1f: {  	[tilespmem:$0x18810] =	vst v0  }
0x20: {  	[tilespmem:$0x18820] =	vst v0  }
0x21: {  	[tilespmem:$0x18830] =	vst v0  }
0x22: {  	[tilespmem:$0x18840] =	vst v0  }
0x23: {  	[tilespmem:$0x18850] =	vst v0  }
0x24: {  	[tilespmem:$0x18860] =	vst v0  }
0x25: {  	[tilespmem:$0x18870] =	vst v0  }
0x26: {  	[tilespmem:$0x18880] =	vst v0  }
0x27: {  	[tilespmem:$0x18890] =	vst v0  }
0x28: {  	[tilespmem:$0x188A0] =	vst v0  }
0x29: {  	[tilespmem:$0x188B0] =	vst v0  }
0x2a: {  	[tilespmem:$0x188C0] =	vst v0  }
0x2b: {  	[tilespmem:$0x188D0] =	vst v0  }
0x2c: {  	[tilespmem:$0x188E0] =	vst v0  }
0x2d: {  	[tilespmem:$0x188F0] =	vst v0  }
0x2e: {  	[tilespmem:$0x18900] =	vst v0  }
0x2f: {  	[tilespmem:$0x18910] =	vst v0  }
0x30: {  	[tilespmem:$0x18920] =	vst v0  }
0x31: {  	[tilespmem:$0x18930] =	vst v0  }
0x32: {  	[tilespmem:$0x18940] =	vst v0  }
0x33: {  	[tilespmem:$0x18950] =	vst v0  }
0x34: {  	[tilespmem:$0x18960] =	vst v0  }
0x35: {  	[tilespmem:$0x18970] =	vst v0  }
0x36: {  	[tilespmem:$0x18980] =	vst v0  }
0x37: {  	[tilespmem:$0x18990] =	vst v0  }
0x38: {  	[tilespmem:$0x189A0] =	vst v0  }
0x39: {  	[tilespmem:$0x189B0] =	vst v0  }
0x3a: {  	[tilespmem:$0x189C0] =	vst v0  }
0x3b: {  	[tilespmem:$0x189D0] =	vst v0  }
0x3c: {  	[tilespmem:$0x189E0] =	vst v0  }
0x3d: {  	[tilespmem:$0x189F0] =	vst v0  }
0x3e: {  	[tilespmem:$0x18A00] =	vst v0  }
0x3f: {  	[tilespmem:$0x18A10] =	vst v0  }
0x40: {  	[tilespmem:$0x18A20] =	vst v0  }
0x41: {  	[tilespmem:$0x18A30] =	vst v0  }
0x42: {  	[tilespmem:$0x18A40] =	vst v0  }
0x43: {  	[tilespmem:$0x18A50] =	vst v0  }
0x44: {  	[tilespmem:$0x18A60] =	vst v0  }
0x45: {  	[tilespmem:$0x18A70] =	vst v0  }
0x46: {  	[tilespmem:$0x18A80] =	vst v0  }
0x47: {  	[tilespmem:$0x18A90] =	vst v0  }
0x48: {  	[tilespmem:$0x18AA0] =	vst v0  }
0x49: {  	[tilespmem:$0x18AB0] =	vst v0  }
0x4a: {  	[tilespmem:$0x18AC0] =	vst v0  }
0x4b: {  	[tilespmem:$0x18AD0] =	vst v0  }
0x4c: {  	[tilespmem:$0x18AE0] =	vst v0  }
0x4d: {  	[tilespmem:$0x18AF0] =	vst v0  }
0x4e: {  	[tilespmem:$0x18B00] =	vst v0  }
0x4f: {  	[tilespmem:$0x18B10] =	vst v0  }
0x50: {  	[tilespmem:$0x18B20] =	vst v0  }
0x51: {  	[tilespmem:$0x18B30] =	vst v0  }
0x52: {  	[tilespmem:$0x18B40] =	vst v0  }
0x53: {  	[tilespmem:$0x18B50] =	vst v0  }
0x54: {  	[tilespmem:$0x18B60] =	vst v0  }
0x55: {  	[tilespmem:$0x18B70] =	vst v0;
	s5 =	simm.s32 $0x0;
	s7 =	rddreg [dreg:$0x3];
	p1 =	sne.s32 s6, $0x1  }
0x56: {  	[tilespmem:s12], [sflag:$0x1] =	stream.linear.gather [hbm4b:s7+s5], $0x2710, $0x38;
	[tilespmem:$0x1FF80] =	vst v63  }
.Ltmp0:
0x57: {  	_ = 	snop;
	(pc) =	sbr.rel @!p1 .LBB2_3-.Ltmp0, $4  }
0x58: {  	s9 =	simm.s32 $0x16000;
	s7 =	rddreg [dreg:$0x4]  }
0x59: {  	[tilespmem:s9], [sflag:$0x2] =	stream.linear.gather [hbm4b:s7+s5], $0x2710, $0x38;
	[tilespmem:$0x1FF80] =	vst v63  }
0x5a: {  	s5 =	sadd.s32 $0xFFFFFFFF, s6;
	s7 =	smov.u32 s8  }
0x5b: {  	[spmem:s8] =	stream.linear.scatter [tilespmem:s14], [sflag:$0x7], $0x400, $0x38;
	[tilespmem:$0x1FF80] =	vst v63  }
.LBB2_2:
0x5c: {  	p2 =	sne.s32 s5, $0x1  }
.Ltmp1:
0x5d: {  	_ = 	snop;
	(pc) =	sbr.rel @p2 .LBB2_2-.Ltmp1, $3  }
0x5e: {  	_ = 	snop  }
0x5f: {  	s5 =	sadd.s32 $0xFFFFFFFF, s5;
	s7 =	sadd.s32 $0x400, s7;
	_ =	sdelay $0x1  }
0x60: {  	[spmem:s7] =	stream.linear.scatter [tilespmem:s14], [sflag:$0x7], $0x400, $0x38;
	[tilespmem:$0x1FF80] =	vst v63  }
.LBB2_3:
.Ltmp2:
0x61: {  	(pc) =	sbr.rel @!p1 .LBB2_5-.Ltmp2, $3  }
0x62: {  	_ =	sdelay $0x1  }
0x63: {  	_ =	swait.ge [sflag:s15], $0x400  }
0x64: {  	s5 =	sadd.s32 $0xFFFFFFFF, s6;
	[sflag:s15] =	ssyncset.done $0x0  }
.LBB2_4:
0x65: {  	p1 =	sne.s32 s5, $0x1;
	s5 =	sadd.s32 $0xFFFFFFFF, s5;
	[sflag:s15] =	ssyncadd.s32 $0xFFFFFC00  }
.Ltmp3:
0x66: {  	(pc) =	sbr.rel @p1 .LBB2_4-.Ltmp3, $3  }
0x67: {  	_ =	sdelay $0x1  }
0x68: {  	_ =	swait.ge [sflag:s15], $0x400  }
0x69: {  	[sflag:s15] =	ssyncset.done $0x0  }
.LBB2_5:
0x6a: {  	[sflag:s15] =	ssyncadd.s32 $0xFFFFFC00  }
0x6b: {  	_ =	swait.ge [sflag:s16], $0x2710  }
0x6c: {  	[sflag:s16] =	ssyncset.done $0x0  }
0x6d: {  	[sflag:s16] =	ssyncadd.s32 $0xFFFFD8F0  }
0x6e: {  	_ =	swait.ge [sflag:s17], $0x2710  }
0x6f: {  	[sflag:s17] =	ssyncset.done $0x0  }
0x70: {  	[sflag:s17] =	ssyncadd.s32 $0xFFFFD8F0  }
0x71: {  	[bflag:$0x0] =	sbarrier.arrive $0xFFFF  }
0x72: {  	[tilespmem:s14], [sflag:$0x1] =	stream.indirect.gather [hbm4b:s4+s18], $0x80, s12, s18, $0xb8;
	[tilespmem:$0x1FF80] =	vst v63  }
0x73: {  	s5 =	simm.s32 $0x138A8  }
0x74: {  	[tilespmem:s20], [sflag:$0x2] =	stream.indirect.gather [hbm4b:s4+s18], $0x80, s5, s18, $0xb8;
	[tilespmem:$0x1FF80] =	vst v63  }
0x75: {  	s7 =	simm.s32 $0x138D0  }
0x76: {  	[tilespmem:s22], [sflag:$0x3] =	stream.indirect.gather [hbm4b:s4+s18], $0x80, s7, s18, $0xb8;
	[tilespmem:$0x1FF80] =	vst v63  }
0x77: {  	s9 =	simm.s32 $0x138F8  }
0x78: {  	[tilespmem:s24], [sflag:$0x4] =	stream.indirect.gather [hbm4b:s4+s18], $0x80, s9, s18, $0xb8;
	[tilespmem:$0x1FF80] =	vst v63  }
0x79: {  	s12 =	simm.s32 $0x13920  }
0x7a: {  	[tilespmem:s28], [sflag:$0x5] =	stream.indirect.gather [hbm4b:s4+s18], $0x80, s12, s18, $0xb8;
	[tilespmem:$0x1FF80] =	vst v63  }
0x7b: {  	s7 =	simm.s32 $0x13948  }
0x7c: {  	[tilespmem:s30], [sflag:$0x6] =	stream.indirect.gather [hbm4b:s4+s18], $0x80, s7, s18, $0xb8;
	[tilespmem:$0x1FF80] =	vst v63  }
0x7d: {  	_ =	swait.ge [sflag:s16], $0x1400  }
0x7e: {  	[sflag:s16] =	ssyncset.done $0x0  }
0x7f: {  	s9 =	simm.s32 $0x16000;
	[sflag:s16] =	ssyncadd.s32 $0xFFFFEC00  }
0x80: {  	[spmem:s2] =	stream.indirect.scatter.add.f32 [tilespmem:s14], [sflag:$0x7], $0x80, s9, s18, $0xb8;
	[tilespmem:$0x1FF80] =	vst v63  }
0x81: {  	_ =	swait.ge [sflag:s17], $0x1400  }
0x82: {  	[sflag:s17] =	ssyncset.done $0x0  }
0x83: {  	s12 =	simm.s32 $0x16028;
	[sflag:s17] =	ssyncadd.s32 $0xFFFFEC00  }
0x84: {  	[spmem:s2] =	stream.indirect.scatter.add.f32 [tilespmem:s20], [sflag:$0x8], $0x80, s12, s18, $0xb8;
	[tilespmem:$0x1FF80] =	vst v63  }
0x85: {  	_ =	swait.ge [sflag:s31], $0x1400  }
0x86: {  	[sflag:s31] =	ssyncset.done $0x0  }
0x87: {  	s7 =	simm.s32 $0x16050;
	[sflag:s31] =	ssyncadd.s32 $0xFFFFEC00  }
0x88: {  	[spmem:s2] =	stream.indirect.scatter.add.f32 [tilespmem:s22], [sflag:$0x9], $0x80, s7, s18, $0xb8;
	[tilespmem:$0x1FF80] =	vst v63  }
0x89: {  	_ =	swait.ge [sflag:s1], $0x1400  }
0x8a: {  	[sflag:s1] =	ssyncset.done $0x0  }
0x8b: {  	s9 =	simm.s32 $0x16078;
	[sflag:s1] =	ssyncadd.s32 $0xFFFFEC00  }
0x8c: {  	[spmem:s2] =	stream.indirect.scatter.add.f32 [tilespmem:s24], [sflag:$0xA], $0x80, s9, s18, $0xb8;
	[tilespmem:$0x1FF80] =	vst v63  }
0x8d: {  	_ =	swait.ge [sflag:s13], $0x1400  }
0x8e: {  	[sflag:s13] =	ssyncset.done $0x0  }
0x8f: {  	s12 =	simm.s32 $0x160A0;
	[sflag:s13] =	ssyncadd.s32 $0xFFFFEC00  }
0x90: {  	[spmem:s2] =	stream.indirect.scatter.add.f32 [tilespmem:s28], [sflag:$0xB], $0x80, s12, s18, $0xb8;
	[tilespmem:$0x1FF80] =	vst v63  }
0x91: {  	_ =	swait.ge [sflag:s19], $0x1400  }
0x92: {  	[sflag:s19] =	ssyncset.done $0x0  }
0x93: {  	s7 =	simm.s32 $0x160C8;
	[sflag:s19] =	ssyncadd.s32 $0xFFFFEC00  }
0x94: {  	[spmem:s2] =	stream.indirect.scatter.add.f32 [tilespmem:s30], [sflag:$0xC], $0x80, s7, s18, $0xb8;
	[tilespmem:$0x1FF80] =	vst v63  }
0x95: {  	_ =	swait.ge [sflag:s15], $0x1400  }
0x96: {  	[sflag:s15] =	ssyncset.done $0x0  }
0x97: {  	s9 =	simm.s32 $0x13970;
	[sflag:s15] =	ssyncadd.s32 $0xFFFFEC00  }
0x98: {  	[tilespmem:s14], [sflag:$0x1] =	stream.indirect.gather [hbm4b:s4+s18], $0x80, s9, s18, $0xb8;
	[tilespmem:$0x1FF80] =	vst v63  }
0x99: {  	_ =	swait.ge [sflag:s21], $0x1400  }
0x9a: {  	[sflag:s21] =	ssyncset.done $0x0  }
0x9b: {  	s12 =	simm.s32 $0x13998;
	[sflag:s21] =	ssyncadd.s32 $0xFFFFEC00  }
0x9c: {  	[tilespmem:s20], [sflag:$0x2] =	stream.indirect.gather [hbm4b:s4+s18], $0x80, s12, s18, $0xb8;
	[tilespmem:$0x1FF80] =	vst v63  }
0x9d: {  	_ =	swait.ge [sflag:s23], $0x1400  }
0x9e: {  	[sflag:s23] =	ssyncset.done $0x0  }
0x9f: {  	s7 =	simm.s32 $0x139C0;
	[sflag:s23] =	ssyncadd.s32 $0xFFFFEC00  }
0xa0: {  	[tilespmem:s22], [sflag:$0x3] =	stream.indirect.gather [hbm4b:s4+s18], $0x80, s7, s18, $0xb8;
	[tilespmem:$0x1FF80] =	vst v63  }
0xa1: {  	_ =	swait.ge [sflag:s26], $0x1400  }
0xa2: {  	[sflag:s26] =	ssyncset.done $0x0  }
0xa3: {  	s9 =	simm.s32 $0x139E8;
	[sflag:s26] =	ssyncadd.s32 $0xFFFFEC00  }
0xa4: {  	[tilespmem:s24], [sflag:$0x4] =	stream.indirect.gather [hbm4b:s4+s18], $0x80, s9, s18, $0xb8;
	[tilespmem:$0x1FF80] =	vst v63  }
0xa5: {  	_ =	swait.ge [sflag:s29], $0x1400  }
0xa6: {  	[sflag:s29] =	ssyncset.done $0x0  }
0xa7: {  	s12 =	simm.s32 $0x13A10;
	[sflag:s29] =	ssyncadd.s32 $0xFFFFEC00  }
0xa8: {  	[tilespmem:s28], [sflag:$0x5] =	stream.indirect.gather [hbm4b:s4+s18], $0x80, s12, s18, $0xb8;
	[tilespmem:$0x1FF80] =	vst v63  }
0xa9: {  	_ =	swait.ge [sflag:s0], $0x1400  }
0xaa: {  	[sflag:s0] =	ssyncset.done $0x0  }
0xab: {  	s5 =	simm.s32 $0x3C0;
	s7 =	simm.s32 $0x13A38;
	[sflag:s0] =	ssyncadd.s32 $0xFFFFEC00  }
.LBB2_6:
0xac: {  	[tilespmem:s30], [sflag:$0x6] =	stream.indirect.gather [hbm4b:s4+s18], $0x80, s7, s18, $0xb8;
	[tilespmem:$0x1FF80] =	vst v63  }
0xad: {  	s7 =	smov.u32 s5  }
0xae: {  	p1 =	sne.s32 s5, $0x9240;
	s5 =	sadd.s32 $0x3C0, s5;
	_ =	swait.ge [sflag:s16], $0x1400  }
0xaf: {  	s7 =	sshra.s32 s7, $0x2;
	[sflag:s16] =	ssyncset.done $0x0  }
0xb0: {  	s12 =	sadd.s32 $0x16000, s7;
	[sflag:s16] =	ssyncadd.s32 $0xFFFFEC00  }
0xb1: {  	[spmem:s2] =	stream.indirect.scatter.add.f32 [tilespmem:s14], [sflag:$0x7], $0x80, s12, s18, $0xb8;
	[tilespmem:$0x1FF80] =	vst v63  }
0xb2: {  	_ =	swait.ge [sflag:s17], $0x1400  }
0xb3: {  	[sflag:s17] =	ssyncset.done $0x0  }
0xb4: {  	s12 =	sadd.s32 $0x16028, s7;
	[sflag:s17] =	ssyncadd.s32 $0xFFFFEC00  }
0xb5: {  	[spmem:s2] =	stream.indirect.scatter.add.f32 [tilespmem:s20], [sflag:$0x8], $0x80, s12, s18, $0xb8;
	[tilespmem:$0x1FF80] =	vst v63  }
0xb6: {  	_ =	swait.ge [sflag:s31], $0x1400  }
0xb7: {  	[sflag:s31] =	ssyncset.done $0x0  }
0xb8: {  	s12 =	sadd.s32 $0x16050, s7;
	[sflag:s31] =	ssyncadd.s32 $0xFFFFEC00  }
0xb9: {  	[spmem:s2] =	stream.indirect.scatter.add.f32 [tilespmem:s22], [sflag:$0x9], $0x80, s12, s18, $0xb8;
	[tilespmem:$0x1FF80] =	vst v63  }
0xba: {  	_ =	swait.ge [sflag:s1], $0x1400  }
0xbb: {  	[sflag:s1] =	ssyncset.done $0x0  }
0xbc: {  	s12 =	sadd.s32 $0x16078, s7;
	[sflag:s1] =	ssyncadd.s32 $0xFFFFEC00  }
0xbd: {  	[spmem:s2] =	stream.indirect.scatter.add.f32 [tilespmem:s24], [sflag:$0xA], $0x80, s12, s18, $0xb8;
	[tilespmem:$0x1FF80] =	vst v63  }
0xbe: {  	_ =	swait.ge [sflag:s13], $0x1400  }
0xbf: {  	[sflag:s13] =	ssyncset.done $0x0  }
0xc0: {  	s12 =	sadd.s32 $0x160A0, s7;
	[sflag:s13] =	ssyncadd.s32 $0xFFFFEC00  }
0xc1: {  	[spmem:s2] =	stream.indirect.scatter.add.f32 [tilespmem:s28], [sflag:$0xB], $0x80, s12, s18, $0xb8;
	[tilespmem:$0x1FF80] =	vst v63  }
0xc2: {  	_ =	swait.ge [sflag:s19], $0x1400  }
0xc3: {  	[sflag:s19] =	ssyncset.done $0x0  }
0xc4: {  	s12 =	sadd.s32 $0x160C8, s7;
	[sflag:s19] =	ssyncadd.s32 $0xFFFFEC00  }
0xc5: {  	[spmem:s2] =	stream.indirect.scatter.add.f32 [tilespmem:s30], [sflag:$0xC], $0x80, s12, s18, $0xb8;
	[tilespmem:$0x1FF80] =	vst v63  }
0xc6: {  	_ =	swait.ge [sflag:s15], $0x1400  }
0xc7: {  	[sflag:s15] =	ssyncset.done $0x0  }
0xc8: {  	s12 =	sadd.s32 $0x13970, s7;
	[sflag:s15] =	ssyncadd.s32 $0xFFFFEC00  }
0xc9: {  	[tilespmem:s14], [sflag:$0x1] =	stream.indirect.gather [hbm4b:s4+s18], $0x80, s12, s18, $0xb8;
	[tilespmem:$0x1FF80] =	vst v63  }
0xca: {  	_ =	swait.ge [sflag:s21], $0x1400  }
0xcb: {  	[sflag:s21] =	ssyncset.done $0x0  }
0xcc: {  	s12 =	sadd.s32 $0x13998, s7;
	[sflag:s21] =	ssyncadd.s32 $0xFFFFEC00  }
0xcd: {  	[tilespmem:s20], [sflag:$0x2] =	stream.indirect.gather [hbm4b:s4+s18], $0x80, s12, s18, $0xb8;
	[tilespmem:$0x1FF80] =	vst v63  }
0xce: {  	_ =	swait.ge [sflag:s23], $0x1400  }
0xcf: {  	[sflag:s23] =	ssyncset.done $0x0  }
0xd0: {  	s12 =	sadd.s32 $0x139C0, s7;
	[sflag:s23] =	ssyncadd.s32 $0xFFFFEC00  }
0xd1: {  	[tilespmem:s22], [sflag:$0x3] =	stream.indirect.gather [hbm4b:s4+s18], $0x80, s12, s18, $0xb8;
	[tilespmem:$0x1FF80] =	vst v63  }
0xd2: {  	_ =	swait.ge [sflag:s26], $0x1400  }
0xd3: {  	[sflag:s26] =	ssyncset.done $0x0  }
0xd4: {  	s12 =	sadd.s32 $0x139E8, s7;
	[sflag:s26] =	ssyncadd.s32 $0xFFFFEC00  }
0xd5: {  	[tilespmem:s24], [sflag:$0x4] =	stream.indirect.gather [hbm4b:s4+s18], $0x80, s12, s18, $0xb8;
	[tilespmem:$0x1FF80] =	vst v63  }
0xd6: {  	_ =	swait.ge [sflag:s29], $0x1400  }
0xd7: {  	[sflag:s29] =	ssyncset.done $0x0  }
.Ltmp4:
0xd8: {  	s12 =	sadd.s32 $0x13A10, s7;
	[sflag:s29] =	ssyncadd.s32 $0xFFFFEC00;
	(pc) =	sbr.rel @p1 .LBB2_6-.Ltmp4, $4  }
0xd9: {  	[tilespmem:s28], [sflag:$0x5] =	stream.indirect.gather [hbm4b:s4+s18], $0x80, s12, s18, $0xb8;
	[tilespmem:$0x1FF80] =	vst v63  }
0xda: {  	_ =	swait.ge [sflag:s0], $0x1400  }
0xdb: {  	[sflag:s0] =	ssyncset.done $0x0  }
0xdc: {  	s7 =	sadd.s32 $0x13A38, s7;
	[sflag:s0] =	ssyncadd.s32 $0xFFFFEC00  }
0xdd: {  	[tilespmem:s30], [sflag:$0x6] =	stream.indirect.gather [hbm4b:s4+s18], $0x80, s7, s18, $0xb8;
	[tilespmem:$0x1FF80] =	vst v63  }
0xde: {  	_ =	swait.ge [sflag:s16], $0x1400  }
0xdf: {  	[sflag:s16] =	ssyncset.done $0x0  }
0xe0: {  	s5 =	simm.s32 $0x18580;
	[sflag:s16] =	ssyncadd.s32 $0xFFFFEC00  }
0xe1: {  	[spmem:s2] =	stream.indirect.scatter.add.f32 [tilespmem:s14], [sflag:$0x7], $0x80, s5, s18, $0xb8;
	[tilespmem:$0x1FF80] =	vst v63  }
0xe2: {  	_ =	swait.ge [sflag:s17], $0x1400  }
0xe3: {  	[sflag:s17] =	ssyncset.done $0x0  }
0xe4: {  	s12 =	simm.s32 $0x185A8;
	[sflag:s17] =	ssyncadd.s32 $0xFFFFEC00  }
0xe5: {  	[spmem:s2] =	stream.indirect.scatter.add.f32 [tilespmem:s20], [sflag:$0x8], $0x80, s12, s18, $0xb8;
	[tilespmem:$0x1FF80] =	vst v63  }
0xe6: {  	_ =	swait.ge [sflag:s31], $0x1400  }
0xe7: {  	[sflag:s31] =	ssyncset.done $0x0  }
0xe8: {  	s7 =	simm.s32 $0x185D0;
	[sflag:s31] =	ssyncadd.s32 $0xFFFFEC00  }
0xe9: {  	[spmem:s2] =	stream.indirect.scatter.add.f32 [tilespmem:s22], [sflag:$0x9], $0x80, s7, s18, $0xb8;
	[tilespmem:$0x1FF80] =	vst v63  }
0xea: {  	_ =	swait.ge [sflag:s1], $0x1400  }
0xeb: {  	[sflag:s1] =	ssyncset.done $0x0  }
0xec: {  	s9 =	simm.s32 $0x185F8;
	[sflag:s1] =	ssyncadd.s32 $0xFFFFEC00  }
0xed: {  	[spmem:s2] =	stream.indirect.scatter.add.f32 [tilespmem:s24], [sflag:$0xA], $0x80, s9, s18, $0xb8;
	[tilespmem:$0x1FF80] =	vst v63  }
0xee: {  	_ =	swait.ge [sflag:s13], $0x1400  }
0xef: {  	[sflag:s13] =	ssyncset.done $0x0  }
0xf0: {  	s12 =	simm.s32 $0x18620;
	[sflag:s13] =	ssyncadd.s32 $0xFFFFEC00  }
0xf1: {  	[spmem:s2] =	stream.indirect.scatter.add.f32 [tilespmem:s28], [sflag:$0xB], $0x80, s12, s18, $0xb8;
	[tilespmem:$0x1FF80] =	vst v63  }
0xf2: {  	_ =	swait.ge [sflag:s19], $0x1400  }
0xf3: {  	[sflag:s19] =	ssyncset.done $0x0  }
0xf4: {  	s7 =	simm.s32 $0x18648;
	[sflag:s19] =	ssyncadd.s32 $0xFFFFEC00  }
0xf5: {  	[spmem:s2] =	stream.indirect.scatter.add.f32 [tilespmem:s30], [sflag:$0xC], $0x80, s7, s18, $0xb8;
	[tilespmem:$0x1FF80] =	vst v63  }
0xf6: {  	_ =	swait.ge [sflag:s15], $0x1400  }
0xf7: {  	[sflag:s15] =	ssyncset.done $0x0  }
0xf8: {  	s9 =	simm.s32 $0x15EF0;
	[sflag:s15] =	ssyncadd.s32 $0xFFFFEC00  }
0xf9: {  	[tilespmem:s14], [sflag:$0x1] =	stream.indirect.gather [hbm4b:s4+s18], $0x80, s9, s18, $0xb8;
	[tilespmem:$0x1FF80] =	vst v63  }
0xfa: {  	_ =	swait.ge [sflag:s21], $0x1400  }
0xfb: {  	[sflag:s21] =	ssyncset.done $0x0  }
0xfc: {  	s12 =	simm.s32 $0x15F18;
	[sflag:s21] =	ssyncadd.s32 $0xFFFFEC00  }
0xfd: {  	[tilespmem:s20], [sflag:$0x2] =	stream.indirect.gather [hbm4b:s4+s18], $0x80, s12, s18, $0xb8;
	[tilespmem:$0x1FF80] =	vst v63  }
0xfe: {  	_ =	swait.ge [sflag:s23], $0x1400  }
0xff: {  	[sflag:s23] =	ssyncset.done $0x0  }
0x100: {  	s7 =	simm.s32 $0x15F40;
	[sflag:s23] =	ssyncadd.s32 $0xFFFFEC00  }
0x101: {  	[tilespmem:s22], [sflag:$0x3] =	stream.indirect.gather [hbm4b:s4+s18], $0x80, s7, s18, $0xb8;
	[tilespmem:$0x1FF80] =	vst v63  }
0x102: {  	_ =	swait.ge [sflag:s26], $0x1400  }
0x103: {  	[sflag:s26] =	ssyncset.done $0x0  }
0x104: {  	s9 =	simm.s32 $0x15F68;
	[sflag:s26] =	ssyncadd.s32 $0xFFFFEC00  }
0x105: {  	[tilespmem:s24], [sflag:$0x4] =	stream.indirect.gather [hbm4b:s4+s18], $0x80, s9, s18, $0xb8;
	[tilespmem:$0x1FF80] =	vst v63  }
0x106: {  	_ =	swait.ge [sflag:s29], $0x1400  }
0x107: {  	[sflag:s29] =	ssyncset.done $0x0  }
0x108: {  	[sflag:s29] =	ssyncadd.s32 $0xFFFFEC00  }
0x109: {  	_ =	swait.ge [sflag:s0], $0x1400  }
0x10a: {  	[sflag:s0] =	ssyncset.done $0x0  }
0x10b: {  	[sflag:s0] =	ssyncadd.s32 $0xFFFFEC00  }
0x10c: {  	_ =	swait.ge [sflag:s16], $0x1400  }
0x10d: {  	[sflag:s16] =	ssyncset.done $0x0  }
0x10e: {  	s12 =	simm.s32 $0x18670;
	[sflag:s16] =	ssyncadd.s32 $0xFFFFEC00  }
0x10f: {  	[spmem:s2] =	stream.indirect.scatter.add.f32 [tilespmem:s14], [sflag:$0x7], $0x80, s12, s18, $0xb8;
	[tilespmem:$0x1FF80] =	vst v63  }
0x110: {  	_ =	swait.ge [sflag:s15], $0x1400  }
0x111: {  	[sflag:s15] =	ssyncset.done $0x0  }
0x112: {  	[sflag:s15] =	ssyncadd.s32 $0xFFFFEC00  }
0x113: {  	_ =	swait.ge [sflag:s17], $0x1400  }
0x114: {  	[sflag:s17] =	ssyncset.done $0x0  }
0x115: {  	s7 =	simm.s32 $0x18698;
	[sflag:s17] =	ssyncadd.s32 $0xFFFFEC00  }
0x116: {  	[spmem:s2] =	stream.indirect.scatter.add.f32 [tilespmem:s20], [sflag:$0x8], $0x80, s7, s18, $0xb8;
	[tilespmem:$0x1FF80] =	vst v63  }
0x117: {  	_ =	swait.ge [sflag:s21], $0x1400  }
0x118: {  	[sflag:s21] =	ssyncset.done $0x0  }
0x119: {  	[sflag:s21] =	ssyncadd.s32 $0xFFFFEC00  }
0x11a: {  	_ =	swait.ge [sflag:s31], $0x1400  }
0x11b: {  	[sflag:s31] =	ssyncset.done $0x0  }
0x11c: {  	s9 =	simm.s32 $0x186C0;
	[sflag:s31] =	ssyncadd.s32 $0xFFFFEC00  }
0x11d: {  	[spmem:s2] =	stream.indirect.scatter.add.f32 [tilespmem:s22], [sflag:$0x9], $0x80, s9, s18, $0xb8;
	[tilespmem:$0x1FF80] =	vst v63  }
0x11e: {  	_ =	swait.ge [sflag:s23], $0x1400  }
0x11f: {  	[sflag:s23] =	ssyncset.done $0x0  }
0x120: {  	[sflag:s23] =	ssyncadd.s32 $0xFFFFEC00  }
0x121: {  	_ =	swait.ge [sflag:s1], $0x1400  }
0x122: {  	[sflag:s1] =	ssyncset.done $0x0  }
0x123: {  	s12 =	simm.s32 $0x186E8;
	[sflag:s1] =	ssyncadd.s32 $0xFFFFEC00  }
0x124: {  	[spmem:s2] =	stream.indirect.scatter.add.f32 [tilespmem:s24], [sflag:$0xA], $0x80, s12, s18, $0xb8;
	[tilespmem:$0x1FF80] =	vst v63  }
0x125: {  	_ =	swait.ge [sflag:s26], $0x1400  }
0x126: {  	[sflag:s26] =	ssyncset.done $0x0  }
0x127: {  	[sflag:s26] =	ssyncadd.s32 $0xFFFFEC00  }
0x128: {  	s5 =	simm.s32 @p0 $0x1FCD;
	[bflag:$0x0] =	sbarrier.arrive $0xFFFF  }
0x129: {  	[hbm:s10], [sflag:s5] =	dma.local @p0 [spmem:s25], $0x2080  }
0x12a: {  	s3 =	sadd.s32 $0x1, s3;
	s5 =	simm.s32 @p0 $0xD  }
0x12b: {  	p1 =	sne.s32 s3, s11;
	s7 =	stileid.u32;
	_ =	swait.ge @p0 [sflag:s5], $0x2080  }
0x12c: {  	s7 =	sshll.u32 @!p0 s7, $0x6;
	[sflag:s5] =	ssyncset.done @p0 $0x0;
	s9 =	rddreg [dreg:$0x5]  }
0x12d: {  	[sflag:s5] =	ssyncadd.s32 @p0 $0xFFFFDF80;
	s5 =	sor.u32 @!p0 $0x1C0D, s7;
	s7 =	sshrl.u32 @!p0 s8, $0x3  }
0x12e: {  	[hbm:s9], [sflag:s5] =	dma.local @!p0 [spmem:s7], $0x2780  }
.Ltmp5:
0x12f: {  	_ = 	snop;
	(pc) =	sbr.rel @p1 .LBB2_1-.Ltmp5, $4  }
0x130: {  	s5 =	simm.s32 @!p0 $0xD  }
0x131: {  	_ =	swait.ge @!p0 [sflag:s5], $0x2780  }
0x132: {  	[sflag:s5] =	ssyncset.done @!p0 $0x0  }
0x133: {  	s12 =	simm.s32 $0x13880;
	[sflag:s5] =	ssyncadd.s32 @!p0 $0xFFFFD880  }
0x134: {  	_ =	sfence.sel $0x180000  }
0x135: {  	[bflag:$0x0] =	sbarrier.arrive $0xFFFF  }
0x136: {  	_ =	strace $0x9000004A  }
0x137: {  	s0 =	stileid.u32;
	[bflag:$0x2] =	sbarrier.arrive $0xFFFF  }
0x138: {  	p0 =	sne.s32 s0, $0x0;
	s0 =	rddreg [dreg:$0x2]  }
0x139: {  	s0 =	sadd.s32 @!p0 $0x100000, s0  }
0x13a: {  	[sflag:s0] =	ssyncadd.tile.s32 @!p0 $0x1;
	_ =	shalt  }
.Lfunc_end2:
_tile_overlayer_lowered:
.L_overlay_start_2:
0x13b: {  	(tag) =	ssettag $0x2  }
0x13c: {  	s0 =	rddreg [dreg:$0x0];
	s2 =	stileid.u32  }
0x13d: {  	s1 =	rddreg [dreg:$0x1];
	p0 =	sne.s32 s2, $0x0  }
0x13e: {  	s3 =	rddreg [dreg:$0x2];
	[bflag:$0x3] =	sbarrier.arrive $0xFFFF;
	s2 =	simm.s32 @!p0 $0x1C0D  }
0x13f: {  	[timem:s3], [sflag:s2] =	dma.local @!p0 [hbm:s0], s1  }
0x140: {  	s0 =	simm.s32 @!p0 $0xD  }
0x141: {  	_ =	swait.ge @!p0 [sflag:s0], s1  }
0x142: {  	s1 =	ssub.s32 @!p0 $0x0, s1;
	[sflag:s0] =	ssyncset.done @!p0 $0x0  }
0x143: {  	[sflag:s0] =	ssyncadd.s32 @!p0 s1  }
0x144: {  	[bflag:$0x3] =	sbarrier.arrive $0xFFFF  }
0x145: {  	_ =	shalt  }

// kernel: kernel.14.cloned.1.call-start
scs
__scs_entry_jumppad:
0x0: {  	(pc) =	sbr.rel $0x88, $3  }
0x1: {  	(tag) =	ssettag $0x0;
	lr =	simm.s32 $0x1  }
0x2: {  	[smem:$0x3F9B] =	sst lr;
	_ =	strace $0xD0000000  }
0x3: {  	_ = 	snop  }
0x4: {  	_ = 	snop  }
0x5: {  	_ = 	snop  }
0x6: {  	_ = 	snop  }
0x7: {  	_ = 	snop  }
__scs_overlays_trampoline_lowered:
0x8: {  	[smem:$0x3FAA] =	sst s0  }
0x9: {  	[smem:$0x3FAB] =	sst s1  }
0xa: {  	[smem:$0x3FAC] =	sst s2  }
0xb: {  	[smem:$0x3FAD] =	sst s3  }
0xc: {  	[smem:$0x3FAE] =	sst s4  }
0xd: {  	[smem:$0x3FAF] =	sst s5  }
0xe: {  	[smem:$0x3FB0] =	sst s6  }
0xf: {  	[smem:$0x3FB1] =	sst s7  }
0x10: {  	[smem:$0x3FB2] =	sst s8  }
0x11: {  	[smem:$0x3FB3] =	sst s9;
	s0 =	simm.s32 @!p0 $0x0  }
0x12: {  	s1 =	sld [smem:$0x3F99];
	s0 =	simm.s32 @p0 $0x1  }
0x13: {  	[smem:$0x3FB4] =	sst s0;
	s0 =	simm.s32 @!p1 $0x0  }
0x14: {  	s2 =	sld [smem:$0x3F98];
	s0 =	simm.s32 @p1 $0x1  }
0x15: {  	[smem:$0x3FB5] =	sst s0;
	s0 =	simm.s32 @!p2 $0x0  }
0x16: {  	s3 =	sld [smem:$0x3FDB];
	s0 =	simm.s32 @p2 $0x1  }
0x17: {  	s4 =	simm.s32 $0x1BF5;
	[smem:$0x3FB7] =	sst s0  }
0x18: {  	s0 =	sld [smem:$0x3F9A];
	_ =	swait.ge [sflag:s4], $0x0  }
0x19: {  	s7 =	sld [smem:$0x3F9B]  }
0x1a: {  	s8 =	sadd.s32 $0xFFFFE003, lr  }
0x1b: {  	s9 =	sadd.s32 $0xFFFFFEF7, lr;
	s5 =	simm.s32 $0xFFFFFFFF;
	p2 =	slt.u32 s8, $0xFFFFF086  }
0x1c: {  	p1 =	slt.u32 s9, $0xF7A;
	s5 =	simm.s32 @!p2 $0x0  }
0x1d: {  	s5 =	simm.s32 @p1 $0x1;
	p0 =	seq.s32 s7, s2  }
0x1e: {  	s7 =	smul.u32 @!p0 $0xF7A, s2;
	p2 =	seq.s32 @!p0 s5, $0x0  }
0x1f: {  	s9 =	smul.u32 $0xF7A, s1;
	s8 =	simm.s32 @!p0 $0x1BF5;
	p2 =	por !p2, p0  }
0x20: {  	[sflag:s8] =	ssyncset.s32 @!p0 $0xFFFFF086;
	s6 =	sadd.s32 @!p0 s3, s7;
	s7 =	simm.s32 @!p0 $0x108  }
0x21: {  	s3 =	sadd.s32 s3, s9;
	s6 =	sadd.s32 @!p0 $0x88, s6;
	s7 =	simm.s32 @p2 $0x1082  }
0x22: {  	[simem:s7], [sflag:s8] =	dma.local @!p0 [hbm:s6], $0xF7A  }
0x23: {  	s9 =	sor.u32 $0xD0000000, s2;
	s6 =	simm.s32 $0x108;
	_ =	swait.ge @!p0 [sflag:s8], $0x0  }
0x24: {  	s3 =	sadd.s32 $0x88, s3;
	s6 =	simm.s32 @!p1 $0x1082;
	[sflag:s4] =	ssyncset.s32 $0xFFFFF086  }
0x25: {  	[simem:s6], [sflag:s4] =	dma.local [hbm:s3], $0xF7A  }
0x26: {  	[smem:$0x3F9B] =	sst s1;
	(tag) =	ssettag s2;
	_ =	strace s9  }
0x27: {  	s1 =	sld [smem:$0x3FAB]  }
0x28: {  	s2 =	sld [smem:$0x3FAC]  }
0x29: {  	s4 =	sld [smem:$0x3FAE]  }
0x2a: {  	p0 =	seq.s32 s5, $0x0;
	s5 =	sld [smem:$0x3FAF]  }
0x2b: {  	s6 =	sld [smem:$0x3FB0]  }
0x2c: {  	s7 =	sld [smem:$0x3FB1]  }
0x2d: {  	s3 =	simm.s32 $0x108;
	s8 =	sld [smem:$0x3FB2]  }
0x2e: {  	s3 =	simm.s32 @!p0 $0x1082;
	s9 =	sld [smem:$0x3FB3]  }
0x2f: {  	lr =	sadd.s32 s0, s3;
	s0 =	sld [smem:$0x3FAA]  }
0x30: {  	s3 =	sld [smem:$0x3FAD]  }
0x31: {  	[smem:$0x3FB6] =	sst s10  }
0x32: {  	s10 =	sld [smem:$0x3FB4];
	_ =	sdelay $0x3  }
0x33: {  	p0 =	seq.s32 s10, $0x1;
	s10 =	sld [smem:$0x3FB6];
	_ =	sdelay $0x3  }
0x34: {  	[smem:$0x3FB6] =	sst s10  }
0x35: {  	s10 =	sld [smem:$0x3FB5];
	_ =	sdelay $0x3  }
0x36: {  	p1 =	seq.s32 s10, $0x1;
	s10 =	sld [smem:$0x3FB6];
	_ =	sdelay $0x3  }
0x37: {  	[smem:$0x3FB6] =	sst s10  }
0x38: {  	s10 =	sld [smem:$0x3FB7]  }
0x39: {  	_ = 	snop;
	(pc) =	sbr.ind lr, $3  }
0x3a: {  	_ = 	snop  }
0x3b: {  	_ = 	snop  }
0x3c: {  	p2 =	seq.s32 s10, $0x1;
	s10 =	sld [smem:$0x3FB6]  }
0x3d: {  	_ =	shalt  }
0x3e: {  	_ =	shalt  }
0x3f: {  	_ =	shalt  }
0x40: {  	_ =	shalt  }
0x41: {  	_ =	shalt  }
0x42: {  	_ =	shalt  }
0x43: {  	_ =	shalt  }
0x44: {  	_ =	shalt  }
0x45: {  	_ =	shalt  }
0x46: {  	_ =	shalt  }
0x47: {  	_ =	shalt  }
0x48: {  	_ =	shalt  }
0x49: {  	_ =	shalt  }
0x4a: {  	_ =	shalt  }
0x4b: {  	_ =	shalt  }
0x4c: {  	_ =	shalt  }
0x4d: {  	_ =	shalt  }
0x4e: {  	_ =	shalt  }
0x4f: {  	_ =	shalt  }
0x50: {  	_ =	shalt  }
0x51: {  	_ =	shalt  }
0x52: {  	_ =	shalt  }
0x53: {  	_ =	shalt  }
0x54: {  	_ =	shalt  }
0x55: {  	_ =	shalt  }
0x56: {  	_ =	shalt  }
0x57: {  	_ =	shalt  }
0x58: {  	_ =	shalt  }
0x59: {  	_ =	shalt  }
0x5a: {  	_ =	shalt  }
0x5b: {  	_ =	shalt  }
0x5c: {  	_ =	shalt  }
0x5d: {  	_ =	shalt  }
0x5e: {  	_ =	shalt  }
0x5f: {  	_ =	shalt  }
0x60: {  	_ =	shalt  }
0x61: {  	_ =	shalt  }
0x62: {  	_ =	shalt  }
0x63: {  	_ =	shalt  }
0x64: {  	_ =	shalt  }
0x65: {  	_ =	shalt  }
0x66: {  	_ =	shalt  }
0x67: {  	_ =	shalt  }
0x68: {  	_ =	shalt  }
0x69: {  	_ =	shalt  }
0x6a: {  	_ =	shalt  }
0x6b: {  	_ =	shalt  }
0x6c: {  	_ =	shalt  }
0x6d: {  	_ =	shalt  }
0x6e: {  	_ =	shalt  }
0x6f: {  	_ =	shalt  }
0x70: {  	_ =	shalt  }
0x71: {  	_ =	shalt  }
0x72: {  	_ =	shalt  }
0x73: {  	_ =	shalt  }
0x74: {  	_ =	shalt  }
0x75: {  	_ =	shalt  }
0x76: {  	_ =	shalt  }
0x77: {  	_ =	shalt  }
0x78: {  	_ =	shalt  }
0x79: {  	_ =	shalt  }
0x7a: {  	_ =	shalt  }
0x7b: {  	_ =	shalt  }
0x7c: {  	_ =	shalt  }
0x7d: {  	_ =	shalt  }
0x7e: {  	_ =	shalt  }
0x7f: {  	_ =	shalt  }
0x80: {  	_ =	shalt  }
0x81: {  	_ =	shalt  }
0x82: {  	_ =	shalt  }
0x83: {  	_ =	shalt  }
0x84: {  	_ =	shalt  }
0x85: {  	_ =	shalt  }
0x86: {  	_ =	shalt  }
0x87: {  	_ =	shalt  }
.Lfunc_end0:
.L_simem_size_0:
called_computation.2_lowered:
.L_overlay_start_0:
0x88: {  	s2 =	sld [smem:$0x3FD9]  }
0x89: {  	s3 =	sld [smem:$0x3FFE];
	_ =	sdelay $0x1  }
0x8a: {  	s1 =	srdreg.scid  }
0x8b: {  	s0 =	sand.u32 $0x1, s1  }
0x8c: {  	s16 =	sshll.u32 s0, $0xA;
	s2 =	sadd.s32 s3, s2  }
0x8d: {  	s2 =	sadd.s32 s2, s16  }
0x8e: {  	[smem:$0x3FC2] =	sst s2  }
0x8f: {  	_ = 	snop  }
0x90: {  	(tm) =	ssettm $0x1  }
0x91: {  	s17 =	sld [smem:$0x3FFB];
	_ =	sdelay $0x3  }
0x92: {  	_ =	strace s17  }
0x93: {  	s2 =	sld [smem:$0x3FFC];
	_ =	sdelay $0x3  }
0x94: {  	_ =	strace s2  }
0x95: {  	s2 =	sld [smem:$0x3FFD];
	_ =	sdelay $0x3  }
0x96: {  	_ =	strace s2  }
0x97: {  	_ =	strace $0x8FFFFFFF  }
0x98: {  	s18 =	sld [smem:$0x3FDB];
	_ =	sdelay $0x1  }
0x99: {  	s19 =	simm.s32 $_scs_section_size  }
0x9a: {  	s4 =	simm.s32 $_size__tile_overlayer_lowered;
	s5 =	simm.s32 $_tile_overlayer_lowered  }
0x9b: {  	s22 =	simm.s32 $0x1BFF;
	s21 =	sshll.u32 s5, $0x1;
	s2 =	sadd.s32 s19, s18  }
0x9c: {  	s6 =	simm.s32 $0x0;
	s20 =	sshll.u32 s4, $0x1;
	s4 =	sadd.s32 s21, s2  }
0x9d: {  	[timem:s6], [sflag:s22] =	dma.local [hbm:s4], s20  }
0x9e: {  	_ =	swait.ge [sflag:s22], s20  }
0x9f: {  	s3 =	ssub.s32 $0x0, s20;
	[sflag:s22] =	ssyncset.done $0x0  }
0xa0: {  	[sflag:s22] =	ssyncadd.s32 s3;
	_ =	sdelay $0x1  }
0xa1: {  	s23 =	simm.s32 $0x1B8B  }
0xa2: {  	_ =	swait.ge [sflag:s23], $0x1  }
0xa3: {  	[sflag:s23] =	ssyncset.done $0x0  }
0xa4: {  	s25 =	simm.s32 $0x1B8E;
	s24 =	sld [smem:$0x3FFE];
	[sflag:s23] =	ssyncadd.s32 $0xFFFFFFFF  }
0xa5: {  	s26 =	simm.s32 $execute0_lowered;
	[smem:$0x3FD2] =	sst s25  }
0xa6: {  	s4 =	sshll.u32 s26, $0x1;
	_ =	strace $0x8000004C;
	[dreg:$0x1] =	wrdreg $0xFFFFFFFF  }
0xa7: {  	s28 =	simm.s32 $_size_execute0_lowered;
	s2 =	sadd.s32 s2, s4;
	[dreg:$0x0] =	wrdreg $0x0  }
0xa8: {  	s4 =	sshll.u32 s28, $0x1;
	[dreg:$0x2] =	wrdreg s2  }
0xa9: {  	[dreg:$0x3] =	wrdreg s4  }
0xaa: {  	[dreg:$0x4] =	wrdreg $0xC0  }
0xab: {  	_ =	task [dreg:s6], $0x5FFFF  }
0xac: {  	[dreg:$0x1] =	wrdreg $0xFFFFFFFF  }
0xad: {  	[dreg:$0x0] =	wrdreg $0x60  }
0xae: {  	[dreg:$0x2] =	wrdreg s24  }
0xaf: {  	[dreg:$0x3] =	wrdreg $0x0  }
0xb0: {  	[dreg:$0x4] =	wrdreg $0x9  }
0xb1: {  	_ =	task.clear_ibuf [dreg:s6], $0x5FFFF;
	_ =	strace $0x9000004C  }
0xb2: {  	s29 =	simm.s32 $0x9;
	_ =	strace $0x8000004E  }
0xb3: {  	_ =	swait.ge [sflag:s29], $0x1  }
0xb4: {  	[sflag:s29] =	ssyncadd.s32 $0xFFFFFFFF  }
0xb5: {  	_ =	strace $0x9000004E  }
0xb6: {  	_ =	sfence  }
0xb7: {  	s30 =	sld [smem:$0x0];
	_ =	sdelay $0x2  }
0xb8: {  	s31 =	sshll.u32 s1, $0xD;
	s1 =	sshrl.u32 s1, $0x2  }
0xb9: {  	s3 =	sand.u32 $0x4000, s31;
	s1 =	sadd.s32 s1, s30  }
0xba: {  	s0 =	sor.u32 s3, s0;
	s1 =	sshll.u32 s1, $0x11  }
0xbb: {  	s0 =	sor.u32 s1, s0  }
0xbc: {  	s0 =	sadd.s32 $0x8F2B, s0  }
0xbd: {  	[sflag:s0] =	ssyncadd.remote.s32 $0x1  }
0xbe: {  	_ =	sfence.sel $0xFFFF  }
0xbf: {  	[dreg:$0x0] =	wrdreg $0xFFFFFFFF;
	(pc) =	sbr.abs _section_cstart, $3  }
0xc0: {  	[dreg:$0x1] =	wrdreg $0xFFFFFFFF  }
0xc1: {  	_ =	task.clear_ibuf [dreg:s6], $0x2FFFF;
	_ =	strace $0x9FFFFFFF  }
0xc2: {  	(tm) =	ssettm $0x7FFFFFFF  }
0xc3: {  	_ =	shalt  }
tec
execute0_lowered:
.L_overlay_start_1:
0x0: {  	(tag) =	ssettag $0x1  }
0x1: {  	s0 =	srdreg.scid;
	s1 =	rddreg [dreg:$0x0]  }
0x2: {  	s8 =	stileid.u32;
	s2 =	rddreg [dreg:$0x1]  }
0x3: {  	s4 =	simm.s32 $0x0;
	s12 =	simm.s32 $0x13880;
	s14 =	simm.s32 $0x18780  }
0x4: {  	s15 =	simm.s32 $0x7;
	s16 =	simm.s32 $0x1;
	s17 =	simm.s32 $0x2  }
0x5: {  	s18 =	simm.s32 $0x28;
	s20 =	simm.s32 $0x19B80;
	s22 =	simm.s32 $0x1AF80  }
0x6: {  	s28 =	simm.s32 $0x1D780;
	s30 =	simm.s32 $0x1EB80;
	s31 =	simm.s32 $0x3  }
0x7: {  	s13 =	simm.s32 $0x5;
	s19 =	simm.s32 $0x6;
	s21 =	simm.s32 $0x8  }
0x8: {  	s23 =	simm.s32 $0x9;
	s29 =	simm.s32 $0xB;
	s0 =	sand.u32 $0x1, s0  }
0x9: {  	s3 =	sshll.u32 s8, $0x1;
	[smem:$0x7FF] =	sst s4;
	s7 =	smul.u32 $0x13C00, s8  }
0xa: {  	s4 =	sadd.s32 $0x15E00, s1;
	p0 =	seq.s32 s8, $0xF;
	s8 =	smul.u32 $0x4F000, s8  }
0xb: {  	s3 =	sor.u32 s0, s3;
	s5 =	ssub.s32 $0x2, s0;
	s0 =	smul.u32 $0x138800, s0  }
0xc: {  	_ =	strace $0x8000004D;
	s3 =	smul.u32 $0x2710, s3;
	s6 =	sshrl.u32 s5, $0x1  }
0xd: {  	s26 =	sshrl.u32 s8, $0x2;
	s5 =	ssub.s32 s5, s6;
	s6 =	simm.s32 $0x41  }
0xe: {  	s25 =	sadd.s32 s7, s0;
	s0 =	sshrl.u32 s0, $0x3;
	s3 =	sshrl.u32 s3, $0x3  }
0xf: {  	s8 =	sadd.s32 s26, s2;
	s26 =	simm.s32 $0xA;
	s3 =	sadd.s32 s3, s1  }
0x10: {  	s6 =	simm.s32 @!p0 $0x4F;
	s11 =	smax.u32 s5, $0x1;
	s24 =	sadd.s32 $0x2400, s3  }
0x11: {  	s1 =	sadd.s32 $0x3D000, s1;
	s3 =	sadd.s32 $0xC040, s3;
	[dreg:$0x3] =	wrdreg s24  }
0x12: {  	s0 =	sadd.s32 s1, s0;
	[dreg:$0x4] =	wrdreg s3;
	s3 =	sshrl.u32 s25, $0x3  }
0x13: {  	s10 =	sadd.s32 $0x25080, s0;
	s0 =	sadd.s32 $0x128400, s2;
	s24 =	simm.s32 $0x1C380  }
0x14: {  	s3 =	sadd.s32 s1, s3;
	s25 =	sshrl.u32 @p0 s0, $0x3;
	s1 =	simm.s32 $0x4  }
0x15: {  	v0 =	vimm.f32 $0.0e+00;
	s0 =	simm.s32 $0xC;
	[dreg:$0x5] =	wrdreg s3;
	s3 =	simm.s32 $0x0  }
.LBB2_1:
0x16: {  	[tilespmem:$0x18780] =	vst v0  }
0x17: {  	[tilespmem:$0x18790] =	vst v0  }
0x18: {  	[tilespmem:$0x187A0] =	vst v0  }
0x19: {  	[tilespmem:$0x187B0] =	vst v0  }
0x1a: {  	[tilespmem:$0x187C0] =	vst v0  }
0x1b: {  	[tilespmem:$0x187D0] =	vst v0  }
0x1c: {  	[tilespmem:$0x187E0] =	vst v0  }
0x1d: {  	[tilespmem:$0x187F0] =	vst v0  }
0x1e: {  	[tilespmem:$0x18800] =	vst v0  }
0x1f: {  	[tilespmem:$0x18810] =	vst v0  }
0x20: {  	[tilespmem:$0x18820] =	vst v0  }
0x21: {  	[tilespmem:$0x18830] =	vst v0  }
0x22: {  	[tilespmem:$0x18840] =	vst v0  }
0x23: {  	[tilespmem:$0x18850] =	vst v0  }
0x24: {  	[tilespmem:$0x18860] =	vst v0  }
0x25: {  	[tilespmem:$0x18870] =	vst v0  }
0x26: {  	[tilespmem:$0x18880] =	vst v0  }
0x27: {  	[tilespmem:$0x18890] =	vst v0  }
0x28: {  	[tilespmem:$0x188A0] =	vst v0  }
0x29: {  	[tilespmem:$0x188B0] =	vst v0  }
0x2a: {  	[tilespmem:$0x188C0] =	vst v0  }
0x2b: {  	[tilespmem:$0x188D0] =	vst v0  }
0x2c: {  	[tilespmem:$0x188E0] =	vst v0  }
0x2d: {  	[tilespmem:$0x188F0] =	vst v0  }
0x2e: {  	[tilespmem:$0x18900] =	vst v0  }
0x2f: {  	[tilespmem:$0x18910] =	vst v0  }
0x30: {  	[tilespmem:$0x18920] =	vst v0  }
0x31: {  	[tilespmem:$0x18930] =	vst v0  }
0x32: {  	[tilespmem:$0x18940] =	vst v0  }
0x33: {  	[tilespmem:$0x18950] =	vst v0  }
0x34: {  	[tilespmem:$0x18960] =	vst v0  }
0x35: {  	[tilespmem:$0x18970] =	vst v0  }
0x36: {  	[tilespmem:$0x18980] =	vst v0  }
0x37: {  	[tilespmem:$0x18990] =	vst v0  }
0x38: {  	[tilespmem:$0x189A0] =	vst v0  }
0x39: {  	[tilespmem:$0x189B0] =	vst v0  }
0x3a: {  	[tilespmem:$0x189C0] =	vst v0  }
0x3b: {  	[tilespmem:$0x189D0] =	vst v0  }
0x3c: {  	[tilespmem:$0x189E0] =	vst v0  }
0x3d: {  	[tilespmem:$0x189F0] =	vst v0  }
0x3e: {  	[tilespmem:$0x18A00] =	vst v0  }
0x3f: {  	[tilespmem:$0x18A10] =	vst v0  }
0x40: {  	[tilespmem:$0x18A20] =	vst v0  }
0x41: {  	[tilespmem:$0x18A30] =	vst v0  }
0x42: {  	[tilespmem:$0x18A40] =	vst v0  }
0x43: {  	[tilespmem:$0x18A50] =	vst v0  }
0x44: {  	[tilespmem:$0x18A60] =	vst v0  }
0x45: {  	[tilespmem:$0x18A70] =	vst v0  }
0x46: {  	[tilespmem:$0x18A80] =	vst v0  }
0x47: {  	[tilespmem:$0x18A90] =	vst v0  }
0x48: {  	[tilespmem:$0x18AA0] =	vst v0  }
0x49: {  	[tilespmem:$0x18AB0] =	vst v0  }
0x4a: {  	[tilespmem:$0x18AC0] =	vst v0  }
0x4b: {  	[tilespmem:$0x18AD0] =	vst v0  }
0x4c: {  	[tilespmem:$0x18AE0] =	vst v0  }
0x4d: {  	[tilespmem:$0x18AF0] =	vst v0  }
0x4e: {  	[tilespmem:$0x18B00] =	vst v0  }
0x4f: {  	[tilespmem:$0x18B10] =	vst v0  }
0x50: {  	[tilespmem:$0x18B20] =	vst v0  }
0x51: {  	[tilespmem:$0x18B30] =	vst v0  }
0x52: {  	[tilespmem:$0x18B40] =	vst v0  }
0x53: {  	[tilespmem:$0x18B50] =	vst v0  }
0x54: {  	[tilespmem:$0x18B60] =	vst v0  }
0x55: {  	[tilespmem:$0x18B70] =	vst v0;
	s5 =	simm.s32 $0x0;
	s7 =	rddreg [dreg:$0x3];
	p1 =	sne.s32 s6, $0x1  }
0x56: {  	[tilespmem:s12], [sflag:$0x1] =	stream.linear.gather [hbm4b:s7+s5], $0x2710, $0x38;
	[tilespmem:$0x1FF80] =	vst v63  }
.Ltmp0:
0x57: {  	_ = 	snop;
	(pc) =	sbr.rel @!p1 .LBB2_3-.Ltmp0, $4  }
0x58: {  	s9 =	simm.s32 $0x16000;
	s7 =	rddreg [dreg:$0x4]  }
0x59: {  	[tilespmem:s9], [sflag:$0x2] =	stream.linear.gather [hbm4b:s7+s5], $0x2710, $0x38;
	[tilespmem:$0x1FF80] =	vst v63  }
0x5a: {  	s5 =	sadd.s32 $0xFFFFFFFF, s6;
	s7 =	smov.u32 s8  }
0x5b: {  	[spmem:s8] =	stream.linear.scatter [tilespmem:s14], [sflag:$0x7], $0x400, $0x38;
	[tilespmem:$0x1FF80] =	vst v63  }
.LBB2_2:
0x5c: {  	p2 =	sne.s32 s5, $0x1  }
.Ltmp1:
0x5d: {  	_ = 	snop;
	(pc) =	sbr.rel @p2 .LBB2_2-.Ltmp1, $3  }
0x5e: {  	_ = 	snop  }
0x5f: {  	s5 =	sadd.s32 $0xFFFFFFFF, s5;
	s7 =	sadd.s32 $0x400, s7;
	_ =	sdelay $0x1  }
0x60: {  	[spmem:s7] =	stream.linear.scatter [tilespmem:s14], [sflag:$0x7], $0x400, $0x38;
	[tilespmem:$0x1FF80] =	vst v63  }
.LBB2_3:
.Ltmp2:
0x61: {  	(pc) =	sbr.rel @!p1 .LBB2_5-.Ltmp2, $3  }
0x62: {  	_ =	sdelay $0x1  }
0x63: {  	_ =	swait.ge [sflag:s15], $0x400  }
0x64: {  	s5 =	sadd.s32 $0xFFFFFFFF, s6;
	[sflag:s15] =	ssyncset.done $0x0  }
.LBB2_4:
0x65: {  	p1 =	sne.s32 s5, $0x1;
	s5 =	sadd.s32 $0xFFFFFFFF, s5;
	[sflag:s15] =	ssyncadd.s32 $0xFFFFFC00  }
.Ltmp3:
0x66: {  	(pc) =	sbr.rel @p1 .LBB2_4-.Ltmp3, $3  }
0x67: {  	_ =	sdelay $0x1  }
0x68: {  	_ =	swait.ge [sflag:s15], $0x400  }
0x69: {  	[sflag:s15] =	ssyncset.done $0x0  }
.LBB2_5:
0x6a: {  	[sflag:s15] =	ssyncadd.s32 $0xFFFFFC00  }
0x6b: {  	_ =	swait.ge [sflag:s16], $0x2710  }
0x6c: {  	[sflag:s16] =	ssyncset.done $0x0  }
0x6d: {  	[sflag:s16] =	ssyncadd.s32 $0xFFFFD8F0  }
0x6e: {  	_ =	swait.ge [sflag:s17], $0x2710  }
0x6f: {  	[sflag:s17] =	ssyncset.done $0x0  }
0x70: {  	[sflag:s17] =	ssyncadd.s32 $0xFFFFD8F0  }
0x71: {  	[bflag:$0x0] =	sbarrier.arrive $0xFFFF  }
0x72: {  	[tilespmem:s14], [sflag:$0x1] =	stream.indirect.gather [hbm4b:s4+s18], $0x80, s12, s18, $0xb8;
	[tilespmem:$0x1FF80] =	vst v63  }
0x73: {  	s5 =	simm.s32 $0x138A8  }
0x74: {  	[tilespmem:s20], [sflag:$0x2] =	stream.indirect.gather [hbm4b:s4+s18], $0x80, s5, s18, $0xb8;
	[tilespmem:$0x1FF80] =	vst v63  }
0x75: {  	s7 =	simm.s32 $0x138D0  }
0x76: {  	[tilespmem:s22], [sflag:$0x3] =	stream.indirect.gather [hbm4b:s4+s18], $0x80, s7, s18, $0xb8;
	[tilespmem:$0x1FF80] =	vst v63  }
0x77: {  	s9 =	simm.s32 $0x138F8  }
0x78: {  	[tilespmem:s24], [sflag:$0x4] =	stream.indirect.gather [hbm4b:s4+s18], $0x80, s9, s18, $0xb8;
	[tilespmem:$0x1FF80] =	vst v63  }
0x79: {  	s12 =	simm.s32 $0x13920  }
0x7a: {  	[tilespmem:s28], [sflag:$0x5] =	stream.indirect.gather [hbm4b:s4+s18], $0x80, s12, s18, $0xb8;
	[tilespmem:$0x1FF80] =	vst v63  }
0x7b: {  	s7 =	simm.s32 $0x13948  }
0x7c: {  	[tilespmem:s30], [sflag:$0x6] =	stream.indirect.gather [hbm4b:s4+s18], $0x80, s7, s18, $0xb8;
	[tilespmem:$0x1FF80] =	vst v63  }
0x7d: {  	_ =	swait.ge [sflag:s16], $0x1400  }
0x7e: {  	[sflag:s16] =	ssyncset.done $0x0  }
0x7f: {  	s9 =	simm.s32 $0x16000;
	[sflag:s16] =	ssyncadd.s32 $0xFFFFEC00  }
0x80: {  	[spmem:s2] =	stream.indirect.scatter.add.f32 [tilespmem:s14], [sflag:$0x7], $0x80, s9, s18, $0xb8;
	[tilespmem:$0x1FF80] =	vst v63  }
0x81: {  	_ =	swait.ge [sflag:s17], $0x1400  }
0x82: {  	[sflag:s17] =	ssyncset.done $0x0  }
0x83: {  	s12 =	simm.s32 $0x16028;
	[sflag:s17] =	ssyncadd.s32 $0xFFFFEC00  }
0x84: {  	[spmem:s2] =	stream.indirect.scatter.add.f32 [tilespmem:s20], [sflag:$0x8], $0x80, s12, s18, $0xb8;
	[tilespmem:$0x1FF80] =	vst v63  }
0x85: {  	_ =	swait.ge [sflag:s31], $0x1400  }
0x86: {  	[sflag:s31] =	ssyncset.done $0x0  }
0x87: {  	s7 =	simm.s32 $0x16050;
	[sflag:s31] =	ssyncadd.s32 $0xFFFFEC00  }
0x88: {  	[spmem:s2] =	stream.indirect.scatter.add.f32 [tilespmem:s22], [sflag:$0x9], $0x80, s7, s18, $0xb8;
	[tilespmem:$0x1FF80] =	vst v63  }
0x89: {  	_ =	swait.ge [sflag:s1], $0x1400  }
0x8a: {  	[sflag:s1] =	ssyncset.done $0x0  }
0x8b: {  	s9 =	simm.s32 $0x16078;
	[sflag:s1] =	ssyncadd.s32 $0xFFFFEC00  }
0x8c: {  	[spmem:s2] =	stream.indirect.scatter.add.f32 [tilespmem:s24], [sflag:$0xA], $0x80, s9, s18, $0xb8;
	[tilespmem:$0x1FF80] =	vst v63  }
0x8d: {  	_ =	swait.ge [sflag:s13], $0x1400  }
0x8e: {  	[sflag:s13] =	ssyncset.done $0x0  }
0x8f: {  	s12 =	simm.s32 $0x160A0;
	[sflag:s13] =	ssyncadd.s32 $0xFFFFEC00  }
0x90: {  	[spmem:s2] =	stream.indirect.scatter.add.f32 [tilespmem:s28], [sflag:$0xB], $0x80, s12, s18, $0xb8;
	[tilespmem:$0x1FF80] =	vst v63  }
0x91: {  	_ =	swait.ge [sflag:s19], $0x1400  }
0x92: {  	[sflag:s19] =	ssyncset.done $0x0  }
0x93: {  	s7 =	simm.s32 $0x160C8;
	[sflag:s19] =	ssyncadd.s32 $0xFFFFEC00  }
0x94: {  	[spmem:s2] =	stream.indirect.scatter.add.f32 [tilespmem:s30], [sflag:$0xC], $0x80, s7, s18, $0xb8;
	[tilespmem:$0x1FF80] =	vst v63  }
0x95: {  	_ =	swait.ge [sflag:s15], $0x1400  }
0x96: {  	[sflag:s15] =	ssyncset.done $0x0  }
0x97: {  	s9 =	simm.s32 $0x13970;
	[sflag:s15] =	ssyncadd.s32 $0xFFFFEC00  }
0x98: {  	[tilespmem:s14], [sflag:$0x1] =	stream.indirect.gather [hbm4b:s4+s18], $0x80, s9, s18, $0xb8;
	[tilespmem:$0x1FF80] =	vst v63  }
0x99: {  	_ =	swait.ge [sflag:s21], $0x1400  }
0x9a: {  	[sflag:s21] =	ssyncset.done $0x0  }
0x9b: {  	s12 =	simm.s32 $0x13998;
	[sflag:s21] =	ssyncadd.s32 $0xFFFFEC00  }
0x9c: {  	[tilespmem:s20], [sflag:$0x2] =	stream.indirect.gather [hbm4b:s4+s18], $0x80, s12, s18, $0xb8;
	[tilespmem:$0x1FF80] =	vst v63  }
0x9d: {  	_ =	swait.ge [sflag:s23], $0x1400  }
0x9e: {  	[sflag:s23] =	ssyncset.done $0x0  }
0x9f: {  	s7 =	simm.s32 $0x139C0;
	[sflag:s23] =	ssyncadd.s32 $0xFFFFEC00  }
0xa0: {  	[tilespmem:s22], [sflag:$0x3] =	stream.indirect.gather [hbm4b:s4+s18], $0x80, s7, s18, $0xb8;
	[tilespmem:$0x1FF80] =	vst v63  }
0xa1: {  	_ =	swait.ge [sflag:s26], $0x1400  }
0xa2: {  	[sflag:s26] =	ssyncset.done $0x0  }
0xa3: {  	s9 =	simm.s32 $0x139E8;
	[sflag:s26] =	ssyncadd.s32 $0xFFFFEC00  }
0xa4: {  	[tilespmem:s24], [sflag:$0x4] =	stream.indirect.gather [hbm4b:s4+s18], $0x80, s9, s18, $0xb8;
	[tilespmem:$0x1FF80] =	vst v63  }
0xa5: {  	_ =	swait.ge [sflag:s29], $0x1400  }
0xa6: {  	[sflag:s29] =	ssyncset.done $0x0  }
0xa7: {  	s12 =	simm.s32 $0x13A10;
	[sflag:s29] =	ssyncadd.s32 $0xFFFFEC00  }
0xa8: {  	[tilespmem:s28], [sflag:$0x5] =	stream.indirect.gather [hbm4b:s4+s18], $0x80, s12, s18, $0xb8;
	[tilespmem:$0x1FF80] =	vst v63  }
0xa9: {  	_ =	swait.ge [sflag:s0], $0x1400  }
0xaa: {  	[sflag:s0] =	ssyncset.done $0x0  }
0xab: {  	s5 =	simm.s32 $0x3C0;
	s7 =	simm.s32 $0x13A38;
	[sflag:s0] =	ssyncadd.s32 $0xFFFFEC00  }
.LBB2_6:
0xac: {  	[tilespmem:s30], [sflag:$0x6] =	stream.indirect.gather [hbm4b:s4+s18], $0x80, s7, s18, $0xb8;
	[tilespmem:$0x1FF80] =	vst v63  }
0xad: {  	s7 =	smov.u32 s5  }
0xae: {  	p1 =	sne.s32 s5, $0x9240;
	s5 =	sadd.s32 $0x3C0, s5;
	_ =	swait.ge [sflag:s16], $0x1400  }
0xaf: {  	s7 =	sshra.s32 s7, $0x2;
	[sflag:s16] =	ssyncset.done $0x0  }
0xb0: {  	s12 =	sadd.s32 $0x16000, s7;
	[sflag:s16] =	ssyncadd.s32 $0xFFFFEC00  }
0xb1: {  	[spmem:s2] =	stream.indirect.scatter.add.f32 [tilespmem:s14], [sflag:$0x7], $0x80, s12, s18, $0xb8;
	[tilespmem:$0x1FF80] =	vst v63  }
0xb2: {  	_ =	swait.ge [sflag:s17], $0x1400  }
0xb3: {  	[sflag:s17] =	ssyncset.done $0x0  }
0xb4: {  	s12 =	sadd.s32 $0x16028, s7;
	[sflag:s17] =	ssyncadd.s32 $0xFFFFEC00  }
0xb5: {  	[spmem:s2] =	stream.indirect.scatter.add.f32 [tilespmem:s20], [sflag:$0x8], $0x80, s12, s18, $0xb8;
	[tilespmem:$0x1FF80] =	vst v63  }
0xb6: {  	_ =	swait.ge [sflag:s31], $0x1400  }
0xb7: {  	[sflag:s31] =	ssyncset.done $0x0  }
0xb8: {  	s12 =	sadd.s32 $0x16050, s7;
	[sflag:s31] =	ssyncadd.s32 $0xFFFFEC00  }
0xb9: {  	[spmem:s2] =	stream.indirect.scatter.add.f32 [tilespmem:s22], [sflag:$0x9], $0x80, s12, s18, $0xb8;
	[tilespmem:$0x1FF80] =	vst v63  }
0xba: {  	_ =	swait.ge [sflag:s1], $0x1400  }
0xbb: {  	[sflag:s1] =	ssyncset.done $0x0  }
0xbc: {  	s12 =	sadd.s32 $0x16078, s7;
	[sflag:s1] =	ssyncadd.s32 $0xFFFFEC00  }
0xbd: {  	[spmem:s2] =	stream.indirect.scatter.add.f32 [tilespmem:s24], [sflag:$0xA], $0x80, s12, s18, $0xb8;
	[tilespmem:$0x1FF80] =	vst v63  }
0xbe: {  	_ =	swait.ge [sflag:s13], $0x1400  }
0xbf: {  	[sflag:s13] =	ssyncset.done $0x0  }
0xc0: {  	s12 =	sadd.s32 $0x160A0, s7;
	[sflag:s13] =	ssyncadd.s32 $0xFFFFEC00  }
0xc1: {  	[spmem:s2] =	stream.indirect.scatter.add.f32 [tilespmem:s28], [sflag:$0xB], $0x80, s12, s18, $0xb8;
	[tilespmem:$0x1FF80] =	vst v63  }
0xc2: {  	_ =	swait.ge [sflag:s19], $0x1400  }
0xc3: {  	[sflag:s19] =	ssyncset.done $0x0  }
0xc4: {  	s12 =	sadd.s32 $0x160C8, s7;
	[sflag:s19] =	ssyncadd.s32 $0xFFFFEC00  }
0xc5: {  	[spmem:s2] =	stream.indirect.scatter.add.f32 [tilespmem:s30], [sflag:$0xC], $0x80, s12, s18, $0xb8;
	[tilespmem:$0x1FF80] =	vst v63  }
0xc6: {  	_ =	swait.ge [sflag:s15], $0x1400  }
0xc7: {  	[sflag:s15] =	ssyncset.done $0x0  }
0xc8: {  	s12 =	sadd.s32 $0x13970, s7;
	[sflag:s15] =	ssyncadd.s32 $0xFFFFEC00  }
0xc9: {  	[tilespmem:s14], [sflag:$0x1] =	stream.indirect.gather [hbm4b:s4+s18], $0x80, s12, s18, $0xb8;
	[tilespmem:$0x1FF80] =	vst v63  }
0xca: {  	_ =	swait.ge [sflag:s21], $0x1400  }
0xcb: {  	[sflag:s21] =	ssyncset.done $0x0  }
0xcc: {  	s12 =	sadd.s32 $0x13998, s7;
	[sflag:s21] =	ssyncadd.s32 $0xFFFFEC00  }
0xcd: {  	[tilespmem:s20], [sflag:$0x2] =	stream.indirect.gather [hbm4b:s4+s18], $0x80, s12, s18, $0xb8;
	[tilespmem:$0x1FF80] =	vst v63  }
0xce: {  	_ =	swait.ge [sflag:s23], $0x1400  }
0xcf: {  	[sflag:s23] =	ssyncset.done $0x0  }
0xd0: {  	s12 =	sadd.s32 $0x139C0, s7;
	[sflag:s23] =	ssyncadd.s32 $0xFFFFEC00  }
0xd1: {  	[tilespmem:s22], [sflag:$0x3] =	stream.indirect.gather [hbm4b:s4+s18], $0x80, s12, s18, $0xb8;
	[tilespmem:$0x1FF80] =	vst v63  }
0xd2: {  	_ =	swait.ge [sflag:s26], $0x1400  }
0xd3: {  	[sflag:s26] =	ssyncset.done $0x0  }
0xd4: {  	s12 =	sadd.s32 $0x139E8, s7;
	[sflag:s26] =	ssyncadd.s32 $0xFFFFEC00  }
0xd5: {  	[tilespmem:s24], [sflag:$0x4] =	stream.indirect.gather [hbm4b:s4+s18], $0x80, s12, s18, $0xb8;
	[tilespmem:$0x1FF80] =	vst v63  }
0xd6: {  	_ =	swait.ge [sflag:s29], $0x1400  }
0xd7: {  	[sflag:s29] =	ssyncset.done $0x0  }
.Ltmp4:
0xd8: {  	s12 =	sadd.s32 $0x13A10, s7;
	[sflag:s29] =	ssyncadd.s32 $0xFFFFEC00;
	(pc) =	sbr.rel @p1 .LBB2_6-.Ltmp4, $4  }
0xd9: {  	[tilespmem:s28], [sflag:$0x5] =	stream.indirect.gather [hbm4b:s4+s18], $0x80, s12, s18, $0xb8;
	[tilespmem:$0x1FF80] =	vst v63  }
0xda: {  	_ =	swait.ge [sflag:s0], $0x1400  }
0xdb: {  	[sflag:s0] =	ssyncset.done $0x0  }
0xdc: {  	s7 =	sadd.s32 $0x13A38, s7;
	[sflag:s0] =	ssyncadd.s32 $0xFFFFEC00  }
0xdd: {  	[tilespmem:s30], [sflag:$0x6] =	stream.indirect.gather [hbm4b:s4+s18], $0x80, s7, s18, $0xb8;
	[tilespmem:$0x1FF80] =	vst v63  }
0xde: {  	_ =	swait.ge [sflag:s16], $0x1400  }
0xdf: {  	[sflag:s16] =	ssyncset.done $0x0  }
0xe0: {  	s5 =	simm.s32 $0x18580;
	[sflag:s16] =	ssyncadd.s32 $0xFFFFEC00  }
0xe1: {  	[spmem:s2] =	stream.indirect.scatter.add.f32 [tilespmem:s14], [sflag:$0x7], $0x80, s5, s18, $0xb8;
	[tilespmem:$0x1FF80] =	vst v63  }
0xe2: {  	_ =	swait.ge [sflag:s17], $0x1400  }
0xe3: {  	[sflag:s17] =	ssyncset.done $0x0  }
0xe4: {  	s12 =	simm.s32 $0x185A8;
	[sflag:s17] =	ssyncadd.s32 $0xFFFFEC00  }
0xe5: {  	[spmem:s2] =	stream.indirect.scatter.add.f32 [tilespmem:s20], [sflag:$0x8], $0x80, s12, s18, $0xb8;
	[tilespmem:$0x1FF80] =	vst v63  }
0xe6: {  	_ =	swait.ge [sflag:s31], $0x1400  }
0xe7: {  	[sflag:s31] =	ssyncset.done $0x0  }
0xe8: {  	s7 =	simm.s32 $0x185D0;
	[sflag:s31] =	ssyncadd.s32 $0xFFFFEC00  }
0xe9: {  	[spmem:s2] =	stream.indirect.scatter.add.f32 [tilespmem:s22], [sflag:$0x9], $0x80, s7, s18, $0xb8;
	[tilespmem:$0x1FF80] =	vst v63  }
0xea: {  	_ =	swait.ge [sflag:s1], $0x1400  }
0xeb: {  	[sflag:s1] =	ssyncset.done $0x0  }
0xec: {  	s9 =	simm.s32 $0x185F8;
	[sflag:s1] =	ssyncadd.s32 $0xFFFFEC00  }
0xed: {  	[spmem:s2] =	stream.indirect.scatter.add.f32 [tilespmem:s24], [sflag:$0xA], $0x80, s9, s18, $0xb8;
	[tilespmem:$0x1FF80] =	vst v63  }
0xee: {  	_ =	swait.ge [sflag:s13], $0x1400  }
0xef: {  	[sflag:s13] =	ssyncset.done $0x0  }
0xf0: {  	s12 =	simm.s32 $0x18620;
	[sflag:s13] =	ssyncadd.s32 $0xFFFFEC00  }
0xf1: {  	[spmem:s2] =	stream.indirect.scatter.add.f32 [tilespmem:s28], [sflag:$0xB], $0x80, s12, s18, $0xb8;
	[tilespmem:$0x1FF80] =	vst v63  }
0xf2: {  	_ =	swait.ge [sflag:s19], $0x1400  }
0xf3: {  	[sflag:s19] =	ssyncset.done $0x0  }
0xf4: {  	s7 =	simm.s32 $0x18648;
	[sflag:s19] =	ssyncadd.s32 $0xFFFFEC00  }
0xf5: {  	[spmem:s2] =	stream.indirect.scatter.add.f32 [tilespmem:s30], [sflag:$0xC], $0x80, s7, s18, $0xb8;
	[tilespmem:$0x1FF80] =	vst v63  }
0xf6: {  	_ =	swait.ge [sflag:s15], $0x1400  }
0xf7: {  	[sflag:s15] =	ssyncset.done $0x0  }
0xf8: {  	s9 =	simm.s32 $0x15EF0;
	[sflag:s15] =	ssyncadd.s32 $0xFFFFEC00  }
0xf9: {  	[tilespmem:s14], [sflag:$0x1] =	stream.indirect.gather [hbm4b:s4+s18], $0x80, s9, s18, $0xb8;
	[tilespmem:$0x1FF80] =	vst v63  }
0xfa: {  	_ =	swait.ge [sflag:s21], $0x1400  }
0xfb: {  	[sflag:s21] =	ssyncset.done $0x0  }
0xfc: {  	s12 =	simm.s32 $0x15F18;
	[sflag:s21] =	ssyncadd.s32 $0xFFFFEC00  }
0xfd: {  	[tilespmem:s20], [sflag:$0x2] =	stream.indirect.gather [hbm4b:s4+s18], $0x80, s12, s18, $0xb8;
	[tilespmem:$0x1FF80] =	vst v63  }
0xfe: {  	_ =	swait.ge [sflag:s23], $0x1400  }
0xff: {  	[sflag:s23] =	ssyncset.done $0x0  }
0x100: {  	s7 =	simm.s32 $0x15F40;
	[sflag:s23] =	ssyncadd.s32 $0xFFFFEC00  }
0x101: {  	[tilespmem:s22], [sflag:$0x3] =	stream.indirect.gather [hbm4b:s4+s18], $0x80, s7, s18, $0xb8;
	[tilespmem:$0x1FF80] =	vst v63  }
0x102: {  	_ =	swait.ge [sflag:s26], $0x1400  }
0x103: {  	[sflag:s26] =	ssyncset.done $0x0  }
0x104: {  	s9 =	simm.s32 $0x15F68;
	[sflag:s26] =	ssyncadd.s32 $0xFFFFEC00  }
0x105: {  	[tilespmem:s24], [sflag:$0x4] =	stream.indirect.gather [hbm4b:s4+s18], $0x80, s9, s18, $0xb8;
	[tilespmem:$0x1FF80] =	vst v63  }
0x106: {  	_ =	swait.ge [sflag:s29], $0x1400  }
0x107: {  	[sflag:s29] =	ssyncset.done $0x0  }
0x108: {  	[sflag:s29] =	ssyncadd.s32 $0xFFFFEC00  }
0x109: {  	_ =	swait.ge [sflag:s0], $0x1400  }
0x10a: {  	[sflag:s0] =	ssyncset.done $0x0  }
0x10b: {  	[sflag:s0] =	ssyncadd.s32 $0xFFFFEC00  }
0x10c: {  	_ =	swait.ge [sflag:s16], $0x1400  }
0x10d: {  	[sflag:s16] =	ssyncset.done $0x0  }
0x10e: {  	s12 =	simm.s32 $0x18670;
	[sflag:s16] =	ssyncadd.s32 $0xFFFFEC00  }
0x10f: {  	[spmem:s2] =	stream.indirect.scatter.add.f32 [tilespmem:s14], [sflag:$0x7], $0x80, s12, s18, $0xb8;
	[tilespmem:$0x1FF80] =	vst v63  }
0x110: {  	_ =	swait.ge [sflag:s15], $0x1400  }
0x111: {  	[sflag:s15] =	ssyncset.done $0x0  }
0x112: {  	[sflag:s15] =	ssyncadd.s32 $0xFFFFEC00  }
0x113: {  	_ =	swait.ge [sflag:s17], $0x1400  }
0x114: {  	[sflag:s17] =	ssyncset.done $0x0  }
0x115: {  	s7 =	simm.s32 $0x18698;
	[sflag:s17] =	ssyncadd.s32 $0xFFFFEC00  }
0x116: {  	[spmem:s2] =	stream.indirect.scatter.add.f32 [tilespmem:s20], [sflag:$0x8], $0x80, s7, s18, $0xb8;
	[tilespmem:$0x1FF80] =	vst v63  }
0x117: {  	_ =	swait.ge [sflag:s21], $0x1400  }
0x118: {  	[sflag:s21] =	ssyncset.done $0x0  }
0x119: {  	[sflag:s21] =	ssyncadd.s32 $0xFFFFEC00  }
0x11a: {  	_ =	swait.ge [sflag:s31], $0x1400  }
0x11b: {  	[sflag:s31] =	ssyncset.done $0x0  }
0x11c: {  	s9 =	simm.s32 $0x186C0;
	[sflag:s31] =	ssyncadd.s32 $0xFFFFEC00  }
0x11d: {  	[spmem:s2] =	stream.indirect.scatter.add.f32 [tilespmem:s22], [sflag:$0x9], $0x80, s9, s18, $0xb8;
	[tilespmem:$0x1FF80] =	vst v63  }
0x11e: {  	_ =	swait.ge [sflag:s23], $0x1400  }
0x11f: {  	[sflag:s23] =	ssyncset.done $0x0  }
0x120: {  	[sflag:s23] =	ssyncadd.s32 $0xFFFFEC00  }
0x121: {  	_ =	swait.ge [sflag:s1], $0x1400  }
0x122: {  	[sflag:s1] =	ssyncset.done $0x0  }
0x123: {  	s12 =	simm.s32 $0x186E8;
	[sflag:s1] =	ssyncadd.s32 $0xFFFFEC00  }
0x124: {  	[spmem:s2] =	stream.indirect.scatter.add.f32 [tilespmem:s24], [sflag:$0xA], $0x80, s12, s18, $0xb8;
	[tilespmem:$0x1FF80] =	vst v63  }
0x125: {  	_ =	swait.ge [sflag:s26], $0x1400  }
0x126: {  	[sflag:s26] =	ssyncset.done $0x0  }
0x127: {  	[sflag:s26] =	ssyncadd.s32 $0xFFFFEC00  }
0x128: {  	s5 =	simm.s32 @p0 $0x1FCD;
	[bflag:$0x0] =	sbarrier.arrive $0xFFFF  }
0x129: {  	[hbm:s10], [sflag:s5] =	dma.local @p0 [spmem:s25], $0x2080  }
0x12a: {  	s3 =	sadd.s32 $0x1, s3;
	s5 =	simm.s32 @p0 $0xD  }
0x12b: {  	p1 =	sne.s32 s3, s11;
	s7 =	stileid.u32;
	_ =	swait.ge @p0 [sflag:s5], $0x2080  }
0x12c: {  	s7 =	sshll.u32 @!p0 s7, $0x6;
	[sflag:s5] =	ssyncset.done @p0 $0x0;
	s9 =	rddreg [dreg:$0x5]  }
0x12d: {  	[sflag:s5] =	ssyncadd.s32 @p0 $0xFFFFDF80;
	s5 =	sor.u32 @!p0 $0x1C0D, s7;
	s7 =	sshrl.u32 @!p0 s8, $0x3  }
0x12e: {  	[hbm:s9], [sflag:s5] =	dma.local @!p0 [spmem:s7], $0x2780  }
.Ltmp5:
0x12f: {  	_ = 	snop;
	(pc) =	sbr.rel @p1 .LBB2_1-.Ltmp5, $4  }
0x130: {  	s5 =	simm.s32 @!p0 $0xD  }
0x131: {  	_ =	swait.ge @!p0 [sflag:s5], $0x2780  }
0x132: {  	[sflag:s5] =	ssyncset.done @!p0 $0x0  }
0x133: {  	s12 =	simm.s32 $0x13880;
	[sflag:s5] =	ssyncadd.s32 @!p0 $0xFFFFD880  }
0x134: {  	_ =	sfence.sel $0x180000  }
0x135: {  	[bflag:$0x0] =	sbarrier.arrive $0xFFFF  }
0x136: {  	_ =	strace $0x9000004D  }
0x137: {  	s0 =	stileid.u32;
	[bflag:$0x2] =	sbarrier.arrive $0xFFFF  }
0x138: {  	p0 =	sne.s32 s0, $0x0;
	s0 =	rddreg [dreg:$0x2]  }
0x139: {  	s0 =	sadd.s32 @!p0 $0x100000, s0  }
0x13a: {  	[sflag:s0] =	ssyncadd.tile.s32 @!p0 $0x1;
	_ =	shalt  }
.Lfunc_end2:
_tile_overlayer_lowered:
.L_overlay_start_2:
0x13b: {  	(tag) =	ssettag $0x2  }
0x13c: {  	s0 =	rddreg [dreg:$0x0];
	s2 =	stileid.u32  }
0x13d: {  	s1 =	rddreg [dreg:$0x1];
	p0 =	sne.s32 s2, $0x0  }
0x13e: {  	s3 =	rddreg [dreg:$0x2];
	[bflag:$0x3] =	sbarrier.arrive $0xFFFF;
	s2 =	simm.s32 @!p0 $0x1C0D  }
0x13f: {  	[timem:s3], [sflag:s2] =	dma.local @!p0 [hbm:s0], s1  }
0x140: {  	s0 =	simm.s32 @!p0 $0xD  }
0x141: {  	_ =	swait.ge @!p0 [sflag:s0], s1  }
0x142: {  	s1 =	ssub.s32 @!p0 $0x0, s1;
	[sflag:s0] =	ssyncset.done @!p0 $0x0  }
0x143: {  	[sflag:s0] =	ssyncadd.s32 @!p0 s1  }
0x144: {  	[bflag:$0x3] =	sbarrier.arrive $0xFFFF  }
0x145: {  	_ =	shalt  }

// kernel: kernel.8.cloned.1.call-start
scs
__scs_entry_jumppad:
0x0: {  	(pc) =	sbr.rel $0x88, $3  }
0x1: {  	(tag) =	ssettag $0x0;
	lr =	simm.s32 $0x1  }
0x2: {  	[smem:$0x3F9B] =	sst lr;
	_ =	strace $0xD0000000  }
0x3: {  	_ = 	snop  }
0x4: {  	_ = 	snop  }
0x5: {  	_ = 	snop  }
0x6: {  	_ = 	snop  }
0x7: {  	_ = 	snop  }
__scs_overlays_trampoline_lowered:
0x8: {  	[smem:$0x3FAA] =	sst s0  }
0x9: {  	[smem:$0x3FAB] =	sst s1  }
0xa: {  	[smem:$0x3FAC] =	sst s2  }
0xb: {  	[smem:$0x3FAD] =	sst s3  }
0xc: {  	[smem:$0x3FAE] =	sst s4  }
0xd: {  	[smem:$0x3FAF] =	sst s5  }
0xe: {  	[smem:$0x3FB0] =	sst s6  }
0xf: {  	[smem:$0x3FB1] =	sst s7  }
0x10: {  	[smem:$0x3FB2] =	sst s8  }
0x11: {  	[smem:$0x3FB3] =	sst s9;
	s0 =	simm.s32 @!p0 $0x0  }
0x12: {  	s1 =	sld [smem:$0x3F99];
	s0 =	simm.s32 @p0 $0x1  }
0x13: {  	[smem:$0x3FB4] =	sst s0;
	s0 =	simm.s32 @!p1 $0x0  }
0x14: {  	s2 =	sld [smem:$0x3F98];
	s0 =	simm.s32 @p1 $0x1  }
0x15: {  	[smem:$0x3FB5] =	sst s0;
	s0 =	simm.s32 @!p2 $0x0  }
0x16: {  	s3 =	sld [smem:$0x3FDB];
	s0 =	simm.s32 @p2 $0x1  }
0x17: {  	s4 =	simm.s32 $0x1BF5;
	[smem:$0x3FB7] =	sst s0  }
0x18: {  	s0 =	sld [smem:$0x3F9A];
	_ =	swait.ge [sflag:s4], $0x0  }
0x19: {  	s7 =	sld [smem:$0x3F9B]  }
0x1a: {  	s8 =	sadd.s32 $0xFFFFE003, lr  }
0x1b: {  	s9 =	sadd.s32 $0xFFFFFEF7, lr;
	s5 =	simm.s32 $0xFFFFFFFF;
	p2 =	slt.u32 s8, $0xFFFFF086  }
0x1c: {  	p1 =	slt.u32 s9, $0xF7A;
	s5 =	simm.s32 @!p2 $0x0  }
0x1d: {  	s5 =	simm.s32 @p1 $0x1;
	p0 =	seq.s32 s7, s2  }
0x1e: {  	s7 =	smul.u32 @!p0 $0xF7A, s2;
	p2 =	seq.s32 @!p0 s5, $0x0  }
0x1f: {  	s9 =	smul.u32 $0xF7A, s1;
	s8 =	simm.s32 @!p0 $0x1BF5;
	p2 =	por !p2, p0  }
0x20: {  	[sflag:s8] =	ssyncset.s32 @!p0 $0xFFFFF086;
	s6 =	sadd.s32 @!p0 s3, s7;
	s7 =	simm.s32 @!p0 $0x108  }
0x21: {  	s3 =	sadd.s32 s3, s9;
	s6 =	sadd.s32 @!p0 $0x88, s6;
	s7 =	simm.s32 @p2 $0x1082  }
0x22: {  	[simem:s7], [sflag:s8] =	dma.local @!p0 [hbm:s6], $0xF7A  }
0x23: {  	s9 =	sor.u32 $0xD0000000, s2;
	s6 =	simm.s32 $0x108;
	_ =	swait.ge @!p0 [sflag:s8], $0x0  }
0x24: {  	s3 =	sadd.s32 $0x88, s3;
	s6 =	simm.s32 @!p1 $0x1082;
	[sflag:s4] =	ssyncset.s32 $0xFFFFF086  }
0x25: {  	[simem:s6], [sflag:s4] =	dma.local [hbm:s3], $0xF7A  }
0x26: {  	[smem:$0x3F9B] =	sst s1;
	(tag) =	ssettag s2;
	_ =	strace s9  }
0x27: {  	s1 =	sld [smem:$0x3FAB]  }
0x28: {  	s2 =	sld [smem:$0x3FAC]  }
0x29: {  	s4 =	sld [smem:$0x3FAE]  }
0x2a: {  	p0 =	seq.s32 s5, $0x0;
	s5 =	sld [smem:$0x3FAF]  }
0x2b: {  	s6 =	sld [smem:$0x3FB0]  }
0x2c: {  	s7 =	sld [smem:$0x3FB1]  }
0x2d: {  	s3 =	simm.s32 $0x108;
	s8 =	sld [smem:$0x3FB2]  }
0x2e: {  	s3 =	simm.s32 @!p0 $0x1082;
	s9 =	sld [smem:$0x3FB3]  }
0x2f: {  	lr =	sadd.s32 s0, s3;
	s0 =	sld [smem:$0x3FAA]  }
0x30: {  	s3 =	sld [smem:$0x3FAD]  }
0x31: {  	[smem:$0x3FB6] =	sst s10  }
0x32: {  	s10 =	sld [smem:$0x3FB4];
	_ =	sdelay $0x3  }
0x33: {  	p0 =	seq.s32 s10, $0x1;
	s10 =	sld [smem:$0x3FB6];
	_ =	sdelay $0x3  }
0x34: {  	[smem:$0x3FB6] =	sst s10  }
0x35: {  	s10 =	sld [smem:$0x3FB5];
	_ =	sdelay $0x3  }
0x36: {  	p1 =	seq.s32 s10, $0x1;
	s10 =	sld [smem:$0x3FB6];
	_ =	sdelay $0x3  }
0x37: {  	[smem:$0x3FB6] =	sst s10  }
0x38: {  	s10 =	sld [smem:$0x3FB7]  }
0x39: {  	_ = 	snop;
	(pc) =	sbr.ind lr, $3  }
0x3a: {  	_ = 	snop  }
0x3b: {  	_ = 	snop  }
0x3c: {  	p2 =	seq.s32 s10, $0x1;
	s10 =	sld [smem:$0x3FB6]  }
0x3d: {  	_ =	shalt  }
0x3e: {  	_ =	shalt  }
0x3f: {  	_ =	shalt  }
0x40: {  	_ =	shalt  }
0x41: {  	_ =	shalt  }
0x42: {  	_ =	shalt  }
0x43: {  	_ =	shalt  }
0x44: {  	_ =	shalt  }
0x45: {  	_ =	shalt  }
0x46: {  	_ =	shalt  }
0x47: {  	_ =	shalt  }
0x48: {  	_ =	shalt  }
0x49: {  	_ =	shalt  }
0x4a: {  	_ =	shalt  }
0x4b: {  	_ =	shalt  }
0x4c: {  	_ =	shalt  }
0x4d: {  	_ =	shalt  }
0x4e: {  	_ =	shalt  }
0x4f: {  	_ =	shalt  }
0x50: {  	_ =	shalt  }
0x51: {  	_ =	shalt  }
0x52: {  	_ =	shalt  }
0x53: {  	_ =	shalt  }
0x54: {  	_ =	shalt  }
0x55: {  	_ =	shalt  }
0x56: {  	_ =	shalt  }
0x57: {  	_ =	shalt  }
0x58: {  	_ =	shalt  }
0x59: {  	_ =	shalt  }
0x5a: {  	_ =	shalt  }
0x5b: {  	_ =	shalt  }
0x5c: {  	_ =	shalt  }
0x5d: {  	_ =	shalt  }
0x5e: {  	_ =	shalt  }
0x5f: {  	_ =	shalt  }
0x60: {  	_ =	shalt  }
0x61: {  	_ =	shalt  }
0x62: {  	_ =	shalt  }
0x63: {  	_ =	shalt  }
0x64: {  	_ =	shalt  }
0x65: {  	_ =	shalt  }
0x66: {  	_ =	shalt  }
0x67: {  	_ =	shalt  }
0x68: {  	_ =	shalt  }
0x69: {  	_ =	shalt  }
0x6a: {  	_ =	shalt  }
0x6b: {  	_ =	shalt  }
0x6c: {  	_ =	shalt  }
0x6d: {  	_ =	shalt  }
0x6e: {  	_ =	shalt  }
0x6f: {  	_ =	shalt  }
0x70: {  	_ =	shalt  }
0x71: {  	_ =	shalt  }
0x72: {  	_ =	shalt  }
0x73: {  	_ =	shalt  }
0x74: {  	_ =	shalt  }
0x75: {  	_ =	shalt  }
0x76: {  	_ =	shalt  }
0x77: {  	_ =	shalt  }
0x78: {  	_ =	shalt  }
0x79: {  	_ =	shalt  }
0x7a: {  	_ =	shalt  }
0x7b: {  	_ =	shalt  }
0x7c: {  	_ =	shalt  }
0x7d: {  	_ =	shalt  }
0x7e: {  	_ =	shalt  }
0x7f: {  	_ =	shalt  }
0x80: {  	_ =	shalt  }
0x81: {  	_ =	shalt  }
0x82: {  	_ =	shalt  }
0x83: {  	_ =	shalt  }
0x84: {  	_ =	shalt  }
0x85: {  	_ =	shalt  }
0x86: {  	_ =	shalt  }
0x87: {  	_ =	shalt  }
.Lfunc_end0:
.L_simem_size_0:
called_computation_lowered:
.L_overlay_start_0:
0x88: {  	s2 =	sld [smem:$0x3FD9]  }
0x89: {  	s3 =	sld [smem:$0x3FFE];
	_ =	sdelay $0x1  }
0x8a: {  	s1 =	srdreg.scid  }
0x8b: {  	s0 =	sand.u32 $0x1, s1  }
0x8c: {  	s17 =	sshll.u32 s0, $0xA;
	s2 =	sadd.s32 s3, s2  }
0x8d: {  	s2 =	sadd.s32 s2, s17  }
0x8e: {  	[smem:$0x3FC2] =	sst s2  }
0x8f: {  	_ = 	snop  }
0x90: {  	s2 =	sld [smem:$0x3FD0];
	(tm) =	ssettm $0x1  }
0x91: {  	s18 =	sld [smem:$0x3FFB];
	_ =	sdelay $0x3  }
0x92: {  	_ =	strace s18  }
0x93: {  	s3 =	sld [smem:$0x3FFC];
	_ =	sdelay $0x3  }
0x94: {  	_ =	strace s3  }
0x95: {  	s3 =	sld [smem:$0x3FFD];
	_ =	sdelay $0x3  }
0x96: {  	_ =	strace s3  }
0x97: {  	_ =	strace $0x8FFFFFFF  }
0x98: {  	s19 =	sld [smem:$0x3FDB];
	_ =	sdelay $0x1  }
0x99: {  	s4 =	simm.s32 $_scs_section_size  }
0x9a: {  	s5 =	simm.s32 $_size__tile_overlayer_lowered;
	s6 =	simm.s32 $_tile_overlayer_lowered  }
0x9b: {  	s22 =	simm.s32 $0x1BFF;
	s21 =	sshll.u32 s6, $0x1;
	s3 =	sadd.s32 s4, s19  }
0x9c: {  	s7 =	simm.s32 $0x0;
	s20 =	sshll.u32 s5, $0x1;
	s5 =	sadd.s32 s21, s3  }
0x9d: {  	[timem:s7], [sflag:s22] =	dma.local [hbm:s5], s20  }
0x9e: {  	_ =	swait.ge [sflag:s22], s20  }
0x9f: {  	s4 =	ssub.s32 $0x0, s20;
	[sflag:s22] =	ssyncset.done $0x0  }
0xa0: {  	[sflag:s22] =	ssyncadd.s32 s4;
	_ =	sdelay $0x1  }
0xa1: {  	s23 =	simm.s32 $0x1B8B  }
0xa2: {  	_ =	swait.ge [sflag:s23], $0x1  }
0xa3: {  	[sflag:s23] =	ssyncset.done $0x0  }
0xa4: {  	s25 =	simm.s32 $0x1B8E;
	s24 =	sld [smem:$0x3FFE];
	[sflag:s23] =	ssyncadd.s32 $0xFFFFFFFF  }
0xa5: {  	s26 =	simm.s32 $execute0_lowered;
	[smem:$0x3FD2] =	sst s25  }
0xa6: {  	s5 =	sshll.u32 s26, $0x1;
	_ =	strace $0x80000046;
	[dreg:$0x1] =	wrdreg $0xFFFFFFFF  }
0xa7: {  	s28 =	simm.s32 $_size_execute0_lowered;
	s3 =	sadd.s32 s3, s5;
	[dreg:$0x0] =	wrdreg $0x0  }
0xa8: {  	s5 =	sshll.u32 s28, $0x1;
	[dreg:$0x2] =	wrdreg s3  }
0xa9: {  	[dreg:$0x3] =	wrdreg s5  }
0xaa: {  	[dreg:$0x4] =	wrdreg $0xC0  }
0xab: {  	_ =	task [dreg:s7], $0x5FFFF  }
0xac: {  	[dreg:$0x1] =	wrdreg $0xFFFFFFFF  }
0xad: {  	[dreg:$0x0] =	wrdreg $0x60  }
0xae: {  	[dreg:$0x2] =	wrdreg s24  }
0xaf: {  	[dreg:$0x3] =	wrdreg s2  }
0xb0: {  	[dreg:$0x4] =	wrdreg $0x9  }
0xb1: {  	_ =	task.clear_ibuf [dreg:s7], $0x5FFFF;
	_ =	strace $0x90000046  }
0xb2: {  	s29 =	simm.s32 $0x9;
	_ =	strace $0x80000048  }
0xb3: {  	_ =	swait.ge [sflag:s29], $0x1  }
0xb4: {  	[sflag:s29] =	ssyncadd.s32 $0xFFFFFFFF  }
0xb5: {  	_ =	strace $0x90000048  }
0xb6: {  	_ =	sfence  }
0xb7: {  	s30 =	sld [smem:$0x0];
	_ =	sdelay $0x2  }
0xb8: {  	s31 =	sshll.u32 s1, $0xD;
	s1 =	sshrl.u32 s1, $0x2  }
0xb9: {  	s3 =	sand.u32 $0x4000, s31;
	s1 =	sadd.s32 s1, s30  }
0xba: {  	s0 =	sor.u32 s3, s0;
	s1 =	sshll.u32 s1, $0x11  }
0xbb: {  	s0 =	sor.u32 s1, s0  }
0xbc: {  	s0 =	sadd.s32 $0x8F2B, s0  }
0xbd: {  	[sflag:s0] =	ssyncadd.remote.s32 $0x1  }
0xbe: {  	_ =	sfence.sel $0xFFFF  }
0xbf: {  	[dreg:$0x0] =	wrdreg $0xFFFFFFFF;
	(pc) =	sbr.abs _section_cstart, $3  }
0xc0: {  	[dreg:$0x1] =	wrdreg $0xFFFFFFFF  }
0xc1: {  	_ =	task.clear_ibuf [dreg:s7], $0x2FFFF;
	_ =	strace $0x9FFFFFFF  }
0xc2: {  	(tm) =	ssettm $0x7FFFFFFF  }
0xc3: {  	_ =	shalt  }
tec
execute0_lowered:
.L_overlay_start_1:
0x0: {  	(tag) =	ssettag $0x1  }
0x1: {  	s1 =	srdreg.scid  }
0x2: {  	s0 =	stileid.u32;
	s3 =	rddreg [dreg:$0x0]  }
0x3: {  	s5 =	rddreg [dreg:$0x1];
	s2 =	simm.s32 $0x0;
	s9 =	simm.s32 $0x2780  }
0x4: {  	s10 =	simm.s32 $0x4F00;
	s4 =	sand.u32 $0x1, s1;
	s31 =	sshll.u32 s0, $0x1  }
0x5: {  	s11 =	simm.s32 $0x7680;
	s12 =	simm.s32 $0x80;
	s6 =	sor.u32 s4, s31  }
0x6: {  	s13 =	simm.s32 $0x100;
	s1 =	rddreg [dreg:$0x2];
	s7 =	smul.u32 $0x2710, s6  }
0x7: {  	s14 =	simm.s32 $0x0;
	[smem:$0x7FF] =	sst s2;
	s6 =	smul.u32 $0x9E0, s6  }
0x8: {  	s4 =	ssub.s32 $0x2, s4;
	_ =	strace $0x80000047;
	s7 =	sshrl.u32 s7, $0x3  }
0x9: {  	s8 =	sshrl.u32 s4, $0x1;
	s5 =	sadd.s32 s5, s6;
	s7 =	sadd.s32 s7, s3  }
0xa: {  	s8 =	ssub.s32 s4, s8;
	s6 =	sadd.s32 $0x10, s5;
	s3 =	sadd.s32 $0x2400, s7  }
0xb: {  	v0 =	vimm.f32 $0.0e+00;
	v1 =	vimm.f32 $1.000000000e+00;
	s4 =	sadd.s32 $0xC040, s7;
	s7 =	smax.u32 s8, $0x1;
	s8 =	simm.s32 $0x1  }
.LBB2_1:
0xc: {  	[tilespmem:s2], [sflag:$0x1] =	stream.linear.gather [hbm4b:s3+s2], $0x2710, $0x38;
	[tilespmem:$0x9E00] =	vst v63  }
0xd: {  	_ =	swait.ge [sflag:s8], $0x2710  }
0xe: {  	[sflag:s8] =	ssyncset.done $0x0  }
0xf: {  	[sflag:s8] =	ssyncadd.s32 $0xFFFFD8F0  }
0x10: {  	[tilespmem:s9], [sflag:$0x1] =	stream.linear.gather [hbm4b:s4+s2], $0x2710, $0x38;
	[tilespmem:$0x9E00] =	vst v63  }
0x11: {  	_ =	swait.ge [sflag:s8], $0x2710  }
0x12: {  	[sflag:s8] =	ssyncset.done $0x0  }
0x13: {  	s15 =	simm.s32 $0x0;
	[sflag:s8] =	ssyncadd.s32 $0xFFFFD8F0  }
.LBB2_2:
0x14: {  	p0 =	sne.s32 s15, $0x9C00  }
.Ltmp0:
0x15: {  	_ = 	snop;
	(pc) =	sbr.rel @p0 .LBB2_2-.Ltmp0, $4  }
0x16: {  	_ = 	snop  }
0x17: {  	s16 =	sshra.s32 s15, $0x2  }
0x18: {  	[tilespmem:s16+$0x4F00] =	vst v0  }
0x19: {  	s15 =	sadd.s32 $0x40, s15;
	[tilespmem:s16+$0x7680] =	vst v0  }
0x1a: {  	s15 =	simm.s32 $0xFFFFFFF8;
	s16 =	simm.s32 $0x40;
	s17 =	simm.s32 $0x27C0  }
.LBB2_4:
0x1b: {  	v2 =	vld [tilespmem:s16+$0xFFFFFFC0]  }
0x1c: {  	v3 =	vld [tilespmem:s17+$0xFFFFFFC0];
	_ =	sdelay $0x6  }
0x1d: {  	[tilespmem:v2+s10+$0x0] =	vst.idx.add.f32.msk $0xffff, v1  }
0x1e: {  	[tilespmem:v3+s11+$0x0] =	vst.idx.add.f32.msk $0xffff, v1  }
0x1f: {  	v2 =	vld [tilespmem:s16+$0xFFFFFFD0]  }
0x20: {  	v3 =	vld [tilespmem:s17+$0xFFFFFFD0];
	_ =	sdelay $0x6  }
0x21: {  	[tilespmem:v2+s10+$0x0] =	vst.idx.add.f32.msk $0xffff, v1  }
0x22: {  	[tilespmem:v3+s11+$0x0] =	vst.idx.add.f32.msk $0xffff, v1  }
0x23: {  	v2 =	vld [tilespmem:s16+$0xFFFFFFE0]  }
0x24: {  	v3 =	vld [tilespmem:s17+$0xFFFFFFE0];
	_ =	sdelay $0x6  }
0x25: {  	[tilespmem:v2+s10+$0x0] =	vst.idx.add.f32.msk $0xffff, v1  }
0x26: {  	[tilespmem:v3+s11+$0x0] =	vst.idx.add.f32.msk $0xffff, v1  }
0x27: {  	v2 =	vld [tilespmem:s16+$0xFFFFFFF0]  }
0x28: {  	v3 =	vld [tilespmem:s17+$0xFFFFFFF0];
	_ =	sdelay $0x6  }
0x29: {  	[tilespmem:v2+s10+$0x0] =	vst.idx.add.f32.msk $0xffff, v1  }
0x2a: {  	[tilespmem:v3+s11+$0x0] =	vst.idx.add.f32.msk $0xffff, v1  }
0x2b: {  	v2 =	vld [tilespmem:s16+$0x0]  }
0x2c: {  	v3 =	vld [tilespmem:s17+$0x0];
	_ =	sdelay $0x6  }
0x2d: {  	[tilespmem:v2+s10+$0x0] =	vst.idx.add.f32.msk $0xffff, v1  }
0x2e: {  	[tilespmem:v3+s11+$0x0] =	vst.idx.add.f32.msk $0xffff, v1  }
0x2f: {  	v2 =	vld [tilespmem:s16+$0x10]  }
0x30: {  	v3 =	vld [tilespmem:s17+$0x10];
	_ =	sdelay $0x6  }
0x31: {  	[tilespmem:v2+s10+$0x0] =	vst.idx.add.f32.msk $0xffff, v1  }
0x32: {  	[tilespmem:v3+s11+$0x0] =	vst.idx.add.f32.msk $0xffff, v1  }
0x33: {  	v2 =	vld [tilespmem:s16+$0x20]  }
0x34: {  	v3 =	vld [tilespmem:s17+$0x20];
	_ =	sdelay $0x6  }
0x35: {  	[tilespmem:v2+s10+$0x0] =	vst.idx.add.f32.msk $0xffff, v1  }
0x36: {  	[tilespmem:v3+s11+$0x0] =	vst.idx.add.f32.msk $0xffff, v1  }
0x37: {  	v2 =	vld [tilespmem:s16+$0x30]  }
0x38: {  	v3 =	vld [tilespmem:s17+$0x30];
	_ =	sdelay $0x1  }
0x39: {  	s15 =	sadd.s32 $0x8, s15  }
0x3a: {  	p0 =	slt.u32 s15, $0x268  }
.Ltmp1:
0x3b: {  	_ = 	snop;
	(pc) =	sbr.rel @p0 .LBB2_4-.Ltmp1, $3  }
0x3c: {  	_ =	sdelay $0x1  }
0x3d: {  	[tilespmem:v2+s10+$0x0] =	vst.idx.add.f32.msk $0xffff, v1  }
0x3e: {  	s16 =	sadd.s32 $0x80, s16;
	s17 =	sadd.s32 $0x80, s17;
	[tilespmem:v3+s11+$0x0] =	vst.idx.add.f32.msk $0xffff, v1  }
0x3f: {  	v2 =	vld [tilespmem:$0x2700]  }
0x40: {  	v3 =	vld [tilespmem:$0x4E80];
	_ =	sdelay $0x6  }
0x41: {  	[tilespmem:v2+s10+$0x0] =	vst.idx.add.f32.msk $0xffff, v1  }
0x42: {  	[tilespmem:v3+s11+$0x0] =	vst.idx.add.f32.msk $0xffff, v1  }
0x43: {  	[hbm4b:s5+s12] =	stream.strided.scatter [tilespmem:s10], [sflag:$0x1], $0x2780, s13, s12, $0x38;
	[tilespmem:$0x9E00] =	vst v63  }
0x44: {  	s14 =	sadd.s32 $0x1, s14;
	_ =	swait.ge [sflag:s8], $0x2780  }
0x45: {  	p0 =	sne.s32 s14, s7;
	[sflag:s8] =	ssyncset.done $0x0  }
.Ltmp2:
0x46: {  	[sflag:s8] =	ssyncadd.s32 $0xFFFFD880;
	(pc) =	sbr.rel @p0 .LBB2_1-.Ltmp2, $4  }
0x47: {  	[hbm4b:s6+s12] =	stream.strided.scatter [tilespmem:s11], [sflag:$0x1], $0x2780, s13, s12, $0x38;
	[tilespmem:$0x9E00] =	vst v63  }
0x48: {  	_ =	swait.ge [sflag:s8], $0x2780  }
0x49: {  	[sflag:s8] =	ssyncset.done $0x0  }
0x4a: {  	[sflag:s8] =	ssyncadd.s32 $0xFFFFD880  }
0x4b: {  	_ =	sfence.sel $0x180000  }
0x4c: {  	[bflag:$0x0] =	sbarrier.arrive $0xFFFF  }
0x4d: {  	p0 =	sne.s32 s0, $0x0;
	_ =	strace $0x90000047  }
0x4e: {  	s0 =	sadd.s32 @!p0 $0x100000, s1;
	[bflag:$0x2] =	sbarrier.arrive $0xFFFF  }
0x4f: {  	[sflag:s0] =	ssyncadd.tile.s32 @!p0 $0x1;
	_ =	shalt  }
.Lfunc_end2:
_tile_overlayer_lowered:
.L_overlay_start_2:
0x50: {  	(tag) =	ssettag $0x2  }
0x51: {  	s0 =	rddreg [dreg:$0x0];
	s2 =	stileid.u32  }
0x52: {  	s1 =	rddreg [dreg:$0x1];
	p0 =	sne.s32 s2, $0x0  }
0x53: {  	s3 =	rddreg [dreg:$0x2];
	[bflag:$0x3] =	sbarrier.arrive $0xFFFF;
	s2 =	simm.s32 @!p0 $0x1C01  }
0x54: {  	[timem:s3], [sflag:s2] =	dma.local @!p0 [hbm:s0], s1  }
0x55: {  	s0 =	simm.s32 @!p0 $0x1  }
0x56: {  	_ =	swait.ge @!p0 [sflag:s0], s1  }
0x57: {  	s1 =	ssub.s32 @!p0 $0x0, s1;
	[sflag:s0] =	ssyncset.done @!p0 $0x0  }
0x58: {  	[sflag:s0] =	ssyncadd.s32 @!p0 s1  }
0x59: {  	[bflag:$0x3] =	sbarrier.arrive $0xFFFF  }
0x5a: {  	_ =	shalt  }

</sc_bundles>
